<compile_context>
chip_gen: v7x
topology: tpu7x:2x2x1
jax: 0.10.2.dev20260603
libtpu: 0.0.44.dev20260713+nightly
codegen_flags: <defaults>
</compile_context>

<pallas_src>
import functools

import jax
import jax.numpy as jnp
from jax import lax
from jax.experimental import pallas as pl
from jax.experimental.pallas import tpu as pltpu
from jax.experimental.pallas import tpu_sc as plsc

_N = 10000
_E = 320000
_D = 128

_NC = 2
_NS = 16
_NW = _NC * _NS
_EPW = _E // _NW
_CH = 80
_NCH = _EPW // _CH
_HCH = 64
_NP = 10240
_RPT = _NP // _NS

@functools.cache
def _make_sc_agg():
    mesh = plsc.VectorSubcoreMesh(core_axis_name="c", subcore_axis_name="s")

    @functools.partial(
        pl.kernel,
        out_type=jax.ShapeDtypeStruct((_NC * _NP, _D), jnp.float32),
        mesh=mesh,
        scratch_types=[
            pltpu.VMEM((_HCH, _CH), jnp.int32),
            pltpu.VMEM((_HCH, _CH), jnp.int32),
            pltpu.VMEM((_CH, _D), jnp.float32),
            pltpu.VMEM((_CH, _D), jnp.float32),
            pltpu.VMEM((_CH, _D), jnp.float32),
            pltpu.VMEM_SHARED((_NP, _D), jnp.float32),
            pltpu.SemaphoreType.DMA,
            pltpu.SemaphoreType.DMA,
            pltpu.SemaphoreType.DMA,
        ],
    )
    def sc_agg(x_hbm, src_hbm, dst_hbm, zeros_hbm, out_hbm,
               src_v, dst_v, rows_a, rows_b, rows_c, agg_sh,
               sem_a, sem_b, sem_c):
        cid = lax.axis_index("c")
        sid = lax.axis_index("s")
        wid = cid * _NS + sid
        row0 = sid * _RPT
        pltpu.sync_copy(zeros_hbm.at[pl.ds(row0, _RPT)],
                        agg_sh.at[pl.ds(row0, _RPT)])
        plsc.subcore_barrier()

        def gather(j, rv, sem):
            pltpu.async_copy(x_hbm.at[src_v.at[j]], rv, sem)

        def drain_scatter(j, rv, sem):
            pltpu.make_async_copy(x_hbm.at[src_v.at[j]], rv, sem).wait()
            pltpu.sync_copy(rv, agg_sh.at[dst_v.at[j]], add=True)

        def half(base, n):
            pltpu.sync_copy(src_hbm.at[wid, pl.ds(base, n)],
                            src_v.at[pl.ds(0, n)])
            pltpu.sync_copy(dst_hbm.at[wid, pl.ds(base, n)],
                            dst_v.at[pl.ds(0, n)])
            gather(0, rows_a, sem_a)
            gather(1, rows_b, sem_b)
            gather(2, rows_c, sem_c)
            ntr = (n - 4) // 3

            def body(i, carry):
                ja = 3 * i
                drain_scatter(ja, rows_a, sem_a)
                gather(ja + 3, rows_a, sem_a)
                drain_scatter(ja + 1, rows_b, sem_b)
                gather(ja + 4, rows_b, sem_b)
                drain_scatter(ja + 2, rows_c, sem_c)
                gather(ja + 5, rows_c, sem_c)
                return carry

            lax.fori_loop(0, ntr, body, 0)
            j0 = n - 4
            drain_scatter(j0, rows_a, sem_a)
            gather(n - 1, rows_a, sem_a)
            drain_scatter(j0 + 1, rows_b, sem_b)
            drain_scatter(j0 + 2, rows_c, sem_c)
            drain_scatter(n - 1, rows_a, sem_a)

        half(0, _HCH)
        half(_HCH, _NCH - _HCH)
        plsc.subcore_barrier()
        pltpu.sync_copy(agg_sh.at[pl.ds(row0, _RPT)],
                        out_hbm.at[pl.ds(cid * _NP + row0, _RPT)])

    return sc_agg


def _sc_agg(x, src3, dst3, zeros):
    return _make_sc_agg()(x, src3, dst3, zeros)


_BLK = 2000
_GRID = _N // _BLK


def _phase0(i, x_ref, a0_ref, a1_ref, w1_ref, b1_ref, hpre_ref, st_ref):
    s = x_ref[...] + a0_ref[...] + a1_ref[...]
    h = (jnp.dot(s, w1_ref[...], preferred_element_type=jnp.float32)
         + b1_ref[...])
    hpre_ref[pl.ds(i * _BLK, _BLK), :] = h

    @pl.when(i == 0)
    def _():
        st_ref[...] = jnp.zeros_like(st_ref)

    su = jnp.sum(h, axis=0, keepdims=True)
    sq = jnp.sum(h * h, axis=0, keepdims=True)
    st_ref[...] += jnp.concatenate([su, sq], axis=0)


def _normalize(i, g_ref, bt_ref, hpre_ref, st_ref):
    mean = st_ref[0:1, :] * (1.0 / _N)
    var = st_ref[1:2, :] * (1.0 / _N) - mean * mean
    scale = g_ref[...] * lax.rsqrt(var + 128.0)
    h = hpre_ref[pl.ds(i * _BLK, _BLK), :]
    return jnp.maximum((h - mean) * scale + bt_ref[...], 0.0)


def _conv_body(x_ref, a0_ref, a1_ref, w1_ref, b1_ref, g_ref, bt_ref,
               w2_ref, b2_ref, o_ref, hpre_ref, st_ref):
    p = pl.program_id(0)
    i = pl.program_id(1)

    @pl.when(p == 0)
    def _():
        _phase0(i, x_ref, a0_ref, a1_ref, w1_ref, b1_ref, hpre_ref, st_ref)

    @pl.when(p == 1)
    def _():
        hn = _normalize(i, g_ref, bt_ref, hpre_ref, st_ref)
        o_ref[...] = jnp.maximum(
            jnp.dot(hn, w2_ref[...], preferred_element_type=jnp.float32)
            + b2_ref[...], 0.0)


def _blk_map(p, i):
    return (i * (1 - p), 0)


def _blk_map2(p, i):
    return (i, 0)


def _full_map(p, i):
    return (0, 0)


_conv_tc = pl.pallas_call(
    _conv_body,
    grid=(2, _GRID),
    in_specs=[
        pl.BlockSpec((_BLK, _D), _blk_map),
        pl.BlockSpec((_BLK, _D), _blk_map),
        pl.BlockSpec((_BLK, _D), _blk_map),
        pl.BlockSpec((_D, _D), _full_map),
        pl.BlockSpec((1, _D), _full_map),
        pl.BlockSpec((1, _D), _full_map),
        pl.BlockSpec((1, _D), _full_map),
        pl.BlockSpec((_D, _D), _full_map),
        pl.BlockSpec((1, _D), _full_map),
    ],
    out_specs=pl.BlockSpec((_BLK, _D), _blk_map2),
    out_shape=jax.ShapeDtypeStruct((_N, _D), jnp.float32),
    scratch_shapes=[
        pltpu.VMEM((_N, _D), jnp.float32),
        pltpu.VMEM((2, _D), jnp.float32),
    ],
)


def _conv3_head_body(x_ref, a0_ref, a1_ref, w1_ref, b1_ref, g_ref, bt_ref,
                     w2_ref, b2_ref, h1_ref, h2_ref, l1w_ref, l1b_ref,
                     l2w_ref, l2b_ref, o1_ref, o2_ref, hpre_ref, st_ref):
    p = pl.program_id(0)
    i = pl.program_id(1)

    @pl.when(p == 0)
    def _():
        _phase0(i, x_ref, a0_ref, a1_ref, w1_ref, b1_ref, hpre_ref, st_ref)

    @pl.when(p == 1)
    def _():
        hn = _normalize(i, g_ref, bt_ref, hpre_ref, st_ref)
        h3 = jnp.maximum(
            jnp.dot(hn, w2_ref[...], preferred_element_type=jnp.float32)
            + b2_ref[...], 0.0)
        t = (jnp.dot(h1_ref[...], l1w_ref[0:_D, :],
                     preferred_element_type=jnp.float32)
             + jnp.dot(h2_ref[...], l1w_ref[_D:2 * _D, :],
                       preferred_element_type=jnp.float32)
             + jnp.dot(h3, l1w_ref[2 * _D:3 * _D, :],
                       preferred_element_type=jnp.float32)
             + l1b_ref[...])
        t = jnp.maximum(t, 0.0)
        z = (jnp.dot(t, l2w_ref[...], preferred_element_type=jnp.float32)
             + l2b_ref[...])
        o1_ref[...] = z
        m = jnp.max(z, axis=1, keepdims=True)
        e = jnp.exp(z - m)
        o2_ref[...] = e / jnp.sum(e, axis=1, keepdims=True)


_conv3_head_tc = pl.pallas_call(
    _conv3_head_body,
    grid=(2, _GRID),
    in_specs=[
        pl.BlockSpec((_BLK, _D), _blk_map),
        pl.BlockSpec((_BLK, _D), _blk_map),
        pl.BlockSpec((_BLK, _D), _blk_map),
        pl.BlockSpec((_D, _D), _full_map),
        pl.BlockSpec((1, _D), _full_map),
        pl.BlockSpec((1, _D), _full_map),
        pl.BlockSpec((1, _D), _full_map),
        pl.BlockSpec((_D, _D), _full_map),
        pl.BlockSpec((1, _D), _full_map),
        pl.BlockSpec((_BLK, _D), _blk_map2),
        pl.BlockSpec((_BLK, _D), _blk_map2),
        pl.BlockSpec((3 * _D, 3 * _D), _full_map),
        pl.BlockSpec((1, 3 * _D), _full_map),
        pl.BlockSpec((3 * _D, _D), _full_map),
        pl.BlockSpec((1, _D), _full_map),
    ],
    out_specs=[
        pl.BlockSpec((_BLK, _D), _blk_map2),
        pl.BlockSpec((_BLK, _D), _blk_map2),
    ],
    out_shape=[
        jax.ShapeDtypeStruct((_N, _D), jnp.float32),
        jax.ShapeDtypeStruct((_N, _D), jnp.float32),
    ],
    scratch_shapes=[
        pltpu.VMEM((_N, _D), jnp.float32),
        pltpu.VMEM((2, _D), jnp.float32),
    ],
)


def kernel(x, edge_index,
           c1_W1, c1_b1, c1_g, c1_bt, c1_W2, c1_b2,
           c2_W1, c2_b1, c2_g, c2_bt, c2_W2, c2_b2,
           c3_W1, c3_b1, c3_g, c3_bt, c3_W2, c3_b2,
           lin1_W, lin1_b, lin2_W, lin2_b):
    src3 = edge_index[0].reshape(_NW, _NCH, _CH)
    dst3 = edge_index[1].reshape(_NW, _NCH, _CH)
    zeros = jnp.zeros((_NP, _D), jnp.float32)

    def conv(xin, W1, b1, g, bt, W2, b2):
        agg = _sc_agg(xin, src3, dst3, zeros)
        return _conv_tc(xin, agg[:_N], agg[_NP:_NP + _N], W1,
                        b1.reshape(1, _D), g.reshape(1, _D),
                        bt.reshape(1, _D), W2, b2.reshape(1, _D))

    h1 = conv(x, c1_W1, c1_b1, c1_g, c1_bt, c1_W2, c1_b2)
    h2 = conv(h1, c2_W1, c2_b1, c2_g, c2_bt, c2_W2, c2_b2)
    agg3 = _sc_agg(h2, src3, dst3, zeros)
    return tuple(_conv3_head_tc(
        h2, agg3[:_N], agg3[_NP:_NP + _N], c3_W1, c3_b1.reshape(1, _D),
        c3_g.reshape(1, _D), c3_bt.reshape(1, _D), c3_W2,
        c3_b2.reshape(1, _D), h1, h2, lin1_W, lin1_b.reshape(1, 3 * _D),
        lin2_W, lin2_b.reshape(1, _D)))

# --- scband reference (transcript-rebuilt; emitter-appended) ---
"""Pipeline reference for scband-gin-46033459478999 (READ-ONLY COPY).

The authoritative reference and input builder live on the scoring server;
editing this copy changes nothing except your own understanding.
"""

import jax, jax.numpy as jnp
import numpy as np

N = 10000
E = 320000
D = 128
H = 128
OUT = 128

def _lin_init(key, fan_in, shape):
    s = 1.0 / np.sqrt(fan_in)
    return jax.random.uniform(key, shape, dtype=jnp.float32, minval=-s, maxval=s)

def setup_inputs(seed: int = 0):
    key = jax.random.key(seed)
    ks = jax.random.split(key, 32)
    inp = {}
    inp["x"] = jax.random.normal(ks[0], (N, D), dtype=jnp.float32)
    inp["edge_index"] = jax.random.randint(ks[1], (2, E), 0, N, dtype=jnp.int32)
    ki = 2
    for i, name in enumerate(["c1", "c2", "c3"]):
        in_d = D if i == 0 else H
        inp[name + "_W1"] = _lin_init(ks[ki], in_d, (in_d, H)); ki += 1
        inp[name + "_b1"] = _lin_init(ks[ki], in_d, (H,)); ki += 1
        inp[name + "_g"] = jnp.ones((H,), dtype=jnp.float32)
        inp[name + "_bt"] = jnp.zeros((H,), dtype=jnp.float32)
        inp[name + "_W2"] = _lin_init(ks[ki], H, (H, H)); ki += 1
        inp[name + "_b2"] = _lin_init(ks[ki], H, (H,)); ki += 1
    inp["lin1_W"] = _lin_init(ks[ki], 3 * H, (3 * H, 3 * H)); ki += 1
    inp["lin1_b"] = _lin_init(ks[ki], 3 * H, (3 * H,)); ki += 1
    inp["lin2_W"] = _lin_init(ks[ki], 3 * H, (3 * H, OUT)); ki += 1
    inp["lin2_b"] = _lin_init(ks[ki], 3 * H, (OUT,)); ki += 1
    return inp

def _gin_conv(x, ei, W1, b1, g, bt, W2, b2):
    src, dst = ei[0], ei[1]
    agg = jnp.zeros((x.shape[0], x.shape[1]), x.dtype).at[dst].add(x[src])
    h = (x + agg) @ W1 + b1
    mean = jnp.mean(h, axis=0)
    var = jnp.var(h, axis=0)
    h = (h - mean) / jnp.sqrt(var + 128.0) * g + bt
    h = jax.nn.relu(h)
    h = jax.nn.relu(h @ W2 + b2)
    return h

def reference(x, edge_index, c1_W1, c1_b1, c1_g, c1_bt, c1_W2, c1_b2, c2_W1, c2_b1, c2_g, c2_bt, c2_W2, c2_b2, c3_W1, c3_b1, c3_g, c3_bt, c3_W2, c3_b2, lin1_W, lin1_b, lin2_W, lin2_b):
    h1 = _gin_conv(x, edge_index, c1_W1, c1_b1, c1_g, c1_bt, c1_W2, c1_b2)
    h2 = _gin_conv(h1, edge_index, c2_W1, c2_b1, c2_g, c2_bt, c2_W2, c2_b2)
    h3 = _gin_conv(h2, edge_index, c3_W1, c3_b1, c3_g, c3_bt, c3_W2, c3_b2)
    h = jnp.concatenate([h1, h2, h3], axis=1)
    h = jax.nn.relu(h @ lin1_W + lin1_b)
    h = h @ lin2_W + lin2_b
    return (h, jax.nn.softmax(h, axis=1))

if __name__ == "__main__":
    import jax
    _d = setup_inputs()
    print(jax.jit(kernel)(*tuple(_d.values())))

</pallas_src>

<mosaic_0001>
#map = affine_map<(d0, d1) -> (0, 0)>
#map1 = affine_map<(d0, d1) -> (0, 0, 0)>
module attributes {stable_mosaic.version = 14 : i64} {
  func.func @sc_agg(%arg0: i32, %arg1: i32, %arg2: memref<10000x128xf32, #tpu.memory_space<hbm>>, %arg3: memref<32x125x80xi32, #tpu.memory_space<hbm>>, %arg4: memref<32x125x80xi32, #tpu.memory_space<hbm>>, %arg5: memref<10240x128xf32, #tpu.memory_space<hbm>>, %arg6: memref<20480x128xf32, #tpu.memory_space<hbm>>, %arg7: memref<64x80xi32, #tpu.memory_space<vmem>>, %arg8: memref<64x80xi32, #tpu.memory_space<vmem>>, %arg9: memref<80x128xf32, #tpu.memory_space<vmem>>, %arg10: memref<80x128xf32, #tpu.memory_space<vmem>>, %arg11: memref<80x128xf32, #tpu.memory_space<vmem>>, %arg12: memref<10240x128xf32, #tpu.memory_space<vmem_shared>>, %arg13: memref<!tpu.dma_semaphore, #tpu.memory_space<semaphore_mem>>, %arg14: memref<!tpu.dma_semaphore, #tpu.memory_space<semaphore_mem>>, %arg15: memref<!tpu.dma_semaphore, #tpu.memory_space<semaphore_mem>>) attributes {dimension_semantics = [#tpu.dimension_semantics<core_parallel>, #tpu.dimension_semantics<subcore_parallel>], iteration_bounds = array<i64: 2, 16>, scalar_prefetch = 0 : i64, scratch_operands = 9 : i64, tpu.core_type = #tpu.core_type<sc_vector_subcore>, window_params = [{transform_indices = #map}, {transform_indices = #map1}, {transform_indices = #map1}, {transform_indices = #map}, {transform_indices = #map}]} {
    %mul3A = arith.constant 16 : i32
    %mul3A_0 = arith.muli %arg0, %mul3A : i32
    %add3A = arith.addi %mul3A_0, %arg1 : i32
    %mul3A_1 = arith.constant 640 : i32
    %mul3A_2 = arith.muli %arg1, %mul3A_1 : i32
    "tpu.region"() ({
      %run_scoped3A_135 = tpu.sem_alloc : memref<!tpu.dma_semaphore, #tpu.memory_space<semaphore_mem>>
      %dma_start3A_136 = arith.constant 0 : i32
      %dma_start3A_137 = tpu.memref_slice %arg12[%mul3A_2, %dma_start3A_136] : memref<10240x128xf32, #tpu.memory_space<vmem_shared>> -> memref<640x128xf32, #tpu.memory_space<vmem_shared>>
      %dma_start3A_138 = arith.constant 0 : i32
      %dma_start3A_139 = tpu.memref_slice %arg5[%mul3A_2, %dma_start3A_138] : memref<10240x128xf32, #tpu.memory_space<hbm>> -> memref<640x128xf32, #tpu.memory_space<hbm>>
      tpu.enqueue_dma source(%dma_start3A_139 : memref<640x128xf32, #tpu.memory_space<hbm>>) target(%dma_start3A_137 : memref<640x128xf32, #tpu.memory_space<vmem_shared>>) target_semaphore(%run_scoped3A_135 : memref<!tpu.dma_semaphore, #tpu.memory_space<semaphore_mem>>)
      %dma_wait3A_140 = arith.constant 0 : i32
      %dma_wait3A_141 = tpu.memref_slice %arg12[%mul3A_2, %dma_wait3A_140] : memref<10240x128xf32, #tpu.memory_space<vmem_shared>> -> memref<640x128xf32, #tpu.memory_space<vmem_shared>>
      %dma_wait3A_142 = arith.constant 0 : i32
      %dma_wait3A_143 = tpu.memref_slice %arg5[%mul3A_2, %dma_wait3A_142] : memref<10240x128xf32, #tpu.memory_space<hbm>> -> memref<640x128xf32, #tpu.memory_space<hbm>>
      tpu.wait_dma2 semaphore(%run_scoped3A_135 : memref<!tpu.dma_semaphore, #tpu.memory_space<semaphore_mem>>) src(%dma_wait3A_143 : memref<640x128xf32, #tpu.memory_space<hbm>>) dst(%dma_wait3A_141 : memref<640x128xf32, #tpu.memory_space<vmem_shared>>)
      tpu.yield
    }) : () -> ()
    %barrier3A = arith.constant 0 : index
    tpu.barrier barrier_id(%barrier3A)
    "tpu.region"() ({
      %run_scoped3A_135 = tpu.sem_alloc : memref<!tpu.dma_semaphore, #tpu.memory_space<semaphore_mem>>
      %dma_start3A_136 = arith.constant 0 : i32
      %dma_start3A_137 = arith.constant 0 : i32
      %dma_start3A_138 = tpu.memref_slice %arg7[%dma_start3A_136, %dma_start3A_137] : memref<64x80xi32, #tpu.memory_space<vmem>> -> memref<64x80xi32, #tpu.memory_space<vmem>>
      %dma_start3A_139 = arith.constant 0 : i32
      %dma_start3A_140 = arith.constant 0 : i32
      %dma_start3A_141 = tpu.memref_slice %arg3[%add3A, %dma_start3A_139, %dma_start3A_140] : memref<32x125x80xi32, #tpu.memory_space<hbm>> -> memref<1x64x80xi32, #tpu.memory_space<hbm>>
      %dma_start3A_142 = tpu.memref_squeeze %dma_start3A_141 : memref<1x64x80xi32, #tpu.memory_space<hbm>> -> memref<64x80xi32, #tpu.memory_space<hbm>>
      %dma_start3A_143 = arith.constant 0 : i32
      %dma_start3A_144 = arith.constant 0 : i32
      %dma_start3A_145 = tpu.memref_slice %arg7[%dma_start3A_143, %dma_start3A_144] : memref<64x80xi32, #tpu.memory_space<vmem>> -> memref<64x80xi32, #tpu.memory_space<vmem>>
      %dma_start3A_146 = arith.constant 0 : i32
      %dma_start3A_147 = arith.constant 0 : i32
      %dma_start3A_148 = tpu.memref_slice %arg3[%add3A, %dma_start3A_146, %dma_start3A_147] : memref<32x125x80xi32, #tpu.memory_space<hbm>> -> memref<1x64x80xi32, #tpu.memory_space<hbm>>
      %dma_start3A_149 = tpu.memref_squeeze %dma_start3A_148 : memref<1x64x80xi32, #tpu.memory_space<hbm>> -> memref<64x80xi32, #tpu.memory_space<hbm>>
      tpu.enqueue_dma source(%dma_start3A_149 : memref<64x80xi32, #tpu.memory_space<hbm>>) target(%dma_start3A_145 : memref<64x80xi32, #tpu.memory_space<vmem>>) target_semaphore(%run_scoped3A_135 : memref<!tpu.dma_semaphore, #tpu.memory_space<semaphore_mem>>)
      %dma_wait3A_150 = arith.constant 0 : i32
      %dma_wait3A_151 = arith.constant 0 : i32
      %dma_wait3A_152 = tpu.memref_slice %arg7[%dma_wait3A_150, %dma_wait3A_151] : memref<64x80xi32, #tpu.memory_space<vmem>> -> memref<64x80xi32, #tpu.memory_space<vmem>>
      %dma_wait3A_153 = arith.constant 0 : i32
      %dma_wait3A_154 = arith.constant 0 : i32
      %dma_wait3A_155 = tpu.memref_slice %arg3[%add3A, %dma_wait3A_153, %dma_wait3A_154] : memref<32x125x80xi32, #tpu.memory_space<hbm>> -> memref<1x64x80xi32, #tpu.memory_space<hbm>>
      %dma_wait3A_156 = tpu.memref_squeeze %dma_wait3A_155 : memref<1x64x80xi32, #tpu.memory_space<hbm>> -> memref<64x80xi32, #tpu.memory_space<hbm>>
      %dma_wait3A_157 = arith.constant 0 : i32
      %dma_wait3A_158 = arith.constant 0 : i32
      %dma_wait3A_159 = tpu.memref_slice %arg7[%dma_wait3A_157, %dma_wait3A_158] : memref<64x80xi32, #tpu.memory_space<vmem>> -> memref<64x80xi32, #tpu.memory_space<vmem>>
      %dma_wait3A_160 = arith.constant 0 : i32
      %dma_wait3A_161 = arith.constant 0 : i32
      %dma_wait3A_162 = tpu.memref_slice %arg3[%add3A, %dma_wait3A_160, %dma_wait3A_161] : memref<32x125x80xi32, #tpu.memory_space<hbm>> -> memref<1x64x80xi32, #tpu.memory_space<hbm>>
      %dma_wait3A_163 = tpu.memref_squeeze %dma_wait3A_162 : memref<1x64x80xi32, #tpu.memory_space<hbm>> -> memref<64x80xi32, #tpu.memory_space<hbm>>
      tpu.wait_dma2 semaphore(%run_scoped3A_135 : memref<!tpu.dma_semaphore, #tpu.memory_space<semaphore_mem>>) src(%dma_wait3A_163 : memref<64x80xi32, #tpu.memory_space<hbm>>) dst(%dma_wait3A_159 : memref<64x80xi32, #tpu.memory_space<vmem>>)
      tpu.yield
    }) : () -> ()
    "tpu.region"() ({
      %run_scoped3A_135 = tpu.sem_alloc : memref<!tpu.dma_semaphore, #tpu.memory_space<semaphore_mem>>
      %dma_start3A_136 = arith.constant 0 : i32
      %dma_start3A_137 = arith.constant 0 : i32
      %dma_start3A_138 = tpu.memref_slice %arg8[%dma_start3A_136, %dma_start3A_137] : memref<64x80xi32, #tpu.memory_space<vmem>> -> memref<64x80xi32, #tpu.memory_space<vmem>>
      %dma_start3A_139 = arith.constant 0 : i32
      %dma_start3A_140 = arith.constant 0 : i32
      %dma_start3A_141 = tpu.memref_slice %arg4[%add3A, %dma_start3A_139, %dma_start3A_140] : memref<32x125x80xi32, #tpu.memory_space<hbm>> -> memref<1x64x80xi32, #tpu.memory_space<hbm>>
      %dma_start3A_142 = tpu.memref_squeeze %dma_start3A_141 : memref<1x64x80xi32, #tpu.memory_space<hbm>> -> memref<64x80xi32, #tpu.memory_space<hbm>>
      %dma_start3A_143 = arith.constant 0 : i32
      %dma_start3A_144 = arith.constant 0 : i32
      %dma_start3A_145 = tpu.memref_slice %arg8[%dma_start3A_143, %dma_start3A_144] : memref<64x80xi32, #tpu.memory_space<vmem>> -> memref<64x80xi32, #tpu.memory_space<vmem>>
      %dma_start3A_146 = arith.constant 0 : i32
      %dma_start3A_147 = arith.constant 0 : i32
      %dma_start3A_148 = tpu.memref_slice %arg4[%add3A, %dma_start3A_146, %dma_start3A_147] : memref<32x125x80xi32, #tpu.memory_space<hbm>> -> memref<1x64x80xi32, #tpu.memory_space<hbm>>
      %dma_start3A_149 = tpu.memref_squeeze %dma_start3A_148 : memref<1x64x80xi32, #tpu.memory_space<hbm>> -> memref<64x80xi32, #tpu.memory_space<hbm>>
      tpu.enqueue_dma source(%dma_start3A_149 : memref<64x80xi32, #tpu.memory_space<hbm>>) target(%dma_start3A_145 : memref<64x80xi32, #tpu.memory_space<vmem>>) target_semaphore(%run_scoped3A_135 : memref<!tpu.dma_semaphore, #tpu.memory_space<semaphore_mem>>)
      %dma_wait3A_150 = arith.constant 0 : i32
      %dma_wait3A_151 = arith.constant 0 : i32
      %dma_wait3A_152 = tpu.memref_slice %arg8[%dma_wait3A_150, %dma_wait3A_151] : memref<64x80xi32, #tpu.memory_space<vmem>> -> memref<64x80xi32, #tpu.memory_space<vmem>>
      %dma_wait3A_153 = arith.constant 0 : i32
      %dma_wait3A_154 = arith.constant 0 : i32
      %dma_wait3A_155 = tpu.memref_slice %arg4[%add3A, %dma_wait3A_153, %dma_wait3A_154] : memref<32x125x80xi32, #tpu.memory_space<hbm>> -> memref<1x64x80xi32, #tpu.memory_space<hbm>>
      %dma_wait3A_156 = tpu.memref_squeeze %dma_wait3A_155 : memref<1x64x80xi32, #tpu.memory_space<hbm>> -> memref<64x80xi32, #tpu.memory_space<hbm>>
      %dma_wait3A_157 = arith.constant 0 : i32
      %dma_wait3A_158 = arith.constant 0 : i32
      %dma_wait3A_159 = tpu.memref_slice %arg8[%dma_wait3A_157, %dma_wait3A_158] : memref<64x80xi32, #tpu.memory_space<vmem>> -> memref<64x80xi32, #tpu.memory_space<vmem>>
      %dma_wait3A_160 = arith.constant 0 : i32
      %dma_wait3A_161 = arith.constant 0 : i32
      %dma_wait3A_162 = tpu.memref_slice %arg4[%add3A, %dma_wait3A_160, %dma_wait3A_161] : memref<32x125x80xi32, #tpu.memory_space<hbm>> -> memref<1x64x80xi32, #tpu.memory_space<hbm>>
      %dma_wait3A_163 = tpu.memref_squeeze %dma_wait3A_162 : memref<1x64x80xi32, #tpu.memory_space<hbm>> -> memref<64x80xi32, #tpu.memory_space<hbm>>
      tpu.wait_dma2 semaphore(%run_scoped3A_135 : memref<!tpu.dma_semaphore, #tpu.memory_space<semaphore_mem>>) src(%dma_wait3A_163 : memref<64x80xi32, #tpu.memory_space<hbm>>) dst(%dma_wait3A_159 : memref<64x80xi32, #tpu.memory_space<vmem>>)
      tpu.yield
    }) : () -> ()
    %dma_start3A = arith.constant 0 : i32
    %dma_start3A_3 = arith.constant 0 : i32
    %dma_start3A_4 = tpu.memref_slice %arg7[%dma_start3A, %dma_start3A_3] : memref<64x80xi32, #tpu.memory_space<vmem>> -> memref<1x80xi32, #tpu.memory_space<vmem>>
    %dma_start3A_5 = tpu.memref_squeeze %dma_start3A_4 : memref<1x80xi32, #tpu.memory_space<vmem>> -> memref<80xi32, #tpu.memory_space<vmem>>
    %dma_start3A_6 = arith.constant 0 : i32
    %dma_start3A_7 = arith.constant 0 : i32
    %dma_start3A_8 = tpu.memref_slice %arg2[%dma_start3A_6, %dma_start3A_7] : memref<10000x128xf32, #tpu.memory_space<hbm>> -> memref<10000x128xf32, #tpu.memory_space<hbm>>
    tpu.enqueue_indirect_dma source(%dma_start3A_8 : memref<10000x128xf32, #tpu.memory_space<hbm>>) target(%arg9 : memref<80x128xf32, #tpu.memory_space<vmem>>) offsets(%dma_start3A_5 : memref<80xi32, #tpu.memory_space<vmem>>) semaphore(%arg13 : memref<!tpu.dma_semaphore, #tpu.memory_space<semaphore_mem>>)
    %dma_start3A_9 = arith.constant 1 : i32
    %dma_start3A_10 = arith.constant 0 : i32
    %dma_start3A_11 = tpu.memref_slice %arg7[%dma_start3A_9, %dma_start3A_10] : memref<64x80xi32, #tpu.memory_space<vmem>> -> memref<1x80xi32, #tpu.memory_space<vmem>>
    %dma_start3A_12 = tpu.memref_squeeze %dma_start3A_11 : memref<1x80xi32, #tpu.memory_space<vmem>> -> memref<80xi32, #tpu.memory_space<vmem>>
    %dma_start3A_13 = arith.constant 0 : i32
    %dma_start3A_14 = arith.constant 0 : i32
    %dma_start3A_15 = tpu.memref_slice %arg2[%dma_start3A_13, %dma_start3A_14] : memref<10000x128xf32, #tpu.memory_space<hbm>> -> memref<10000x128xf32, #tpu.memory_space<hbm>>
    tpu.enqueue_indirect_dma source(%dma_start3A_15 : memref<10000x128xf32, #tpu.memory_space<hbm>>) target(%arg10 : memref<80x128xf32, #tpu.memory_space<vmem>>) offsets(%dma_start3A_12 : memref<80xi32, #tpu.memory_space<vmem>>) semaphore(%arg14 : memref<!tpu.dma_semaphore, #tpu.memory_space<semaphore_mem>>)
    %dma_start3A_16 = arith.constant 2 : i32
    %dma_start3A_17 = arith.constant 0 : i32
    %dma_start3A_18 = tpu.memref_slice %arg7[%dma_start3A_16, %dma_start3A_17] : memref<64x80xi32, #tpu.memory_space<vmem>> -> memref<1x80xi32, #tpu.memory_space<vmem>>
    %dma_start3A_19 = tpu.memref_squeeze %dma_start3A_18 : memref<1x80xi32, #tpu.memory_space<vmem>> -> memref<80xi32, #tpu.memory_space<vmem>>
    %dma_start3A_20 = arith.constant 0 : i32
    %dma_start3A_21 = arith.constant 0 : i32
    %dma_start3A_22 = tpu.memref_slice %arg2[%dma_start3A_20, %dma_start3A_21] : memref<10000x128xf32, #tpu.memory_space<hbm>> -> memref<10000x128xf32, #tpu.memory_space<hbm>>
    tpu.enqueue_indirect_dma source(%dma_start3A_22 : memref<10000x128xf32, #tpu.memory_space<hbm>>) target(%arg11 : memref<80x128xf32, #tpu.memory_space<vmem>>) offsets(%dma_start3A_19 : memref<80xi32, #tpu.memory_space<vmem>>) semaphore(%arg15 : memref<!tpu.dma_semaphore, #tpu.memory_space<semaphore_mem>>)
    %scan3A = arith.constant 0 : i32
    %scan3A_23 = arith.constant 0 : i32
    %scan3A_24 = arith.constant 20 : i32
    %scan3A_25 = arith.addi %scan3A_23, %scan3A_24 : i32
    %scan3A_26 = arith.constant 1 : i32
    scf.for %scan3A_135 = %scan3A_23 to %scan3A_25 step %scan3A_26  : i32 {
      %mul3A_136 = arith.constant 3 : i32
      %mul3A_137 = arith.muli %mul3A_136, %scan3A_135 : i32
      %dma_wait3A_138 = arith.constant 0 : i32
      %dma_wait3A_139 = tpu.memref_slice %arg7[%mul3A_137, %dma_wait3A_138] : memref<64x80xi32, #tpu.memory_space<vmem>> -> memref<1x80xi32, #tpu.memory_space<vmem>>
      %dma_wait3A_140 = tpu.memref_squeeze %dma_wait3A_139 : memref<1x80xi32, #tpu.memory_space<vmem>> -> memref<80xi32, #tpu.memory_space<vmem>>
      %dma_wait3A_141 = arith.constant 0 : i32
      %dma_wait3A_142 = arith.constant 0 : i32
      %dma_wait3A_143 = tpu.memref_slice %arg2[%dma_wait3A_141, %dma_wait3A_142] : memref<10000x128xf32, #tpu.memory_space<hbm>> -> memref<10000x128xf32, #tpu.memory_space<hbm>>
      tpu.wait_indirect_dma semaphore(%arg13 : memref<!tpu.dma_semaphore, #tpu.memory_space<semaphore_mem>>) src(%dma_wait3A_143 : memref<10000x128xf32, #tpu.memory_space<hbm>>) dst(%arg9 : memref<80x128xf32, #tpu.memory_space<vmem>>)
      "tpu.region"() ({
        %run_scoped3A_184 = tpu.sem_alloc : memref<!tpu.dma_semaphore, #tpu.memory_space<semaphore_mem>>
        %dma_start3A_185 = arith.constant 0 : i32
        %dma_start3A_186 = tpu.memref_slice %arg8[%mul3A_137, %dma_start3A_185] : memref<64x80xi32, #tpu.memory_space<vmem>> -> memref<1x80xi32, #tpu.memory_space<vmem>>
        %dma_start3A_187 = tpu.memref_squeeze %dma_start3A_186 : memref<1x80xi32, #tpu.memory_space<vmem>> -> memref<80xi32, #tpu.memory_space<vmem>>
        %dma_start3A_188 = arith.constant 0 : i32
        %dma_start3A_189 = arith.constant 0 : i32
        %dma_start3A_190 = tpu.memref_slice %arg12[%dma_start3A_188, %dma_start3A_189] : memref<10240x128xf32, #tpu.memory_space<vmem_shared>> -> memref<10240x128xf32, #tpu.memory_space<vmem_shared>>
        tpu.enqueue_indirect_dma source(%arg9 : memref<80x128xf32, #tpu.memory_space<vmem>>) target(%dma_start3A_190 : memref<10240x128xf32, #tpu.memory_space<vmem_shared>>) offsets(%dma_start3A_187 : memref<80xi32, #tpu.memory_space<vmem>>) semaphore(%run_scoped3A_184 : memref<!tpu.dma_semaphore, #tpu.memory_space<semaphore_mem>>) {add = true}
        %dma_wait3A_191 = arith.constant 0 : i32
        %dma_wait3A_192 = tpu.memref_slice %arg8[%mul3A_137, %dma_wait3A_191] : memref<64x80xi32, #tpu.memory_space<vmem>> -> memref<1x80xi32, #tpu.memory_space<vmem>>
        %dma_wait3A_193 = tpu.memref_squeeze %dma_wait3A_192 : memref<1x80xi32, #tpu.memory_space<vmem>> -> memref<80xi32, #tpu.memory_space<vmem>>
        %dma_wait3A_194 = arith.constant 0 : i32
        %dma_wait3A_195 = arith.constant 0 : i32
        %dma_wait3A_196 = tpu.memref_slice %arg12[%dma_wait3A_194, %dma_wait3A_195] : memref<10240x128xf32, #tpu.memory_space<vmem_shared>> -> memref<10240x128xf32, #tpu.memory_space<vmem_shared>>
        tpu.wait_indirect_dma semaphore(%run_scoped3A_184 : memref<!tpu.dma_semaphore, #tpu.memory_space<semaphore_mem>>) src(%arg9 : memref<80x128xf32, #tpu.memory_space<vmem>>) dst(%dma_wait3A_196 : memref<10240x128xf32, #tpu.memory_space<vmem_shared>>)
        tpu.yield
      }) : () -> ()
      %add3A_144 = arith.constant 3 : i32
      %add3A_145 = arith.addi %mul3A_137, %add3A_144 : i32
      %dma_start3A_146 = arith.constant 0 : i32
      %dma_start3A_147 = tpu.memref_slice %arg7[%add3A_145, %dma_start3A_146] : memref<64x80xi32, #tpu.memory_space<vmem>> -> memref<1x80xi32, #tpu.memory_space<vmem>>
      %dma_start3A_148 = tpu.memref_squeeze %dma_start3A_147 : memref<1x80xi32, #tpu.memory_space<vmem>> -> memref<80xi32, #tpu.memory_space<vmem>>
      %dma_start3A_149 = arith.constant 0 : i32
      %dma_start3A_150 = arith.constant 0 : i32
      %dma_start3A_151 = tpu.memref_slice %arg2[%dma_start3A_149, %dma_start3A_150] : memref<10000x128xf32, #tpu.memory_space<hbm>> -> memref<10000x128xf32, #tpu.memory_space<hbm>>
      tpu.enqueue_indirect_dma source(%dma_start3A_151 : memref<10000x128xf32, #tpu.memory_space<hbm>>) target(%arg9 : memref<80x128xf32, #tpu.memory_space<vmem>>) offsets(%dma_start3A_148 : memref<80xi32, #tpu.memory_space<vmem>>) semaphore(%arg13 : memref<!tpu.dma_semaphore, #tpu.memory_space<semaphore_mem>>)
      %add3A_152 = arith.constant 1 : i32
      %add3A_153 = arith.addi %mul3A_137, %add3A_152 : i32
      %dma_wait3A_154 = arith.constant 0 : i32
      %dma_wait3A_155 = tpu.memref_slice %arg7[%add3A_153, %dma_wait3A_154] : memref<64x80xi32, #tpu.memory_space<vmem>> -> memref<1x80xi32, #tpu.memory_space<vmem>>
      %dma_wait3A_156 = tpu.memref_squeeze %dma_wait3A_155 : memref<1x80xi32, #tpu.memory_space<vmem>> -> memref<80xi32, #tpu.memory_space<vmem>>
      %dma_wait3A_157 = arith.constant 0 : i32
      %dma_wait3A_158 = arith.constant 0 : i32
      %dma_wait3A_159 = tpu.memref_slice %arg2[%dma_wait3A_157, %dma_wait3A_158] : memref<10000x128xf32, #tpu.memory_space<hbm>> -> memref<10000x128xf32, #tpu.memory_space<hbm>>
      tpu.wait_indirect_dma semaphore(%arg14 : memref<!tpu.dma_semaphore, #tpu.memory_space<semaphore_mem>>) src(%dma_wait3A_159 : memref<10000x128xf32, #tpu.memory_space<hbm>>) dst(%arg10 : memref<80x128xf32, #tpu.memory_space<vmem>>)
      "tpu.region"() ({
        %run_scoped3A_184 = tpu.sem_alloc : memref<!tpu.dma_semaphore, #tpu.memory_space<semaphore_mem>>
        %dma_start3A_185 = arith.constant 0 : i32
        %dma_start3A_186 = tpu.memref_slice %arg8[%add3A_153, %dma_start3A_185] : memref<64x80xi32, #tpu.memory_space<vmem>> -> memref<1x80xi32, #tpu.memory_space<vmem>>
        %dma_start3A_187 = tpu.memref_squeeze %dma_start3A_186 : memref<1x80xi32, #tpu.memory_space<vmem>> -> memref<80xi32, #tpu.memory_space<vmem>>
        %dma_start3A_188 = arith.constant 0 : i32
        %dma_start3A_189 = arith.constant 0 : i32
        %dma_start3A_190 = tpu.memref_slice %arg12[%dma_start3A_188, %dma_start3A_189] : memref<10240x128xf32, #tpu.memory_space<vmem_shared>> -> memref<10240x128xf32, #tpu.memory_space<vmem_shared>>
        tpu.enqueue_indirect_dma source(%arg10 : memref<80x128xf32, #tpu.memory_space<vmem>>) target(%dma_start3A_190 : memref<10240x128xf32, #tpu.memory_space<vmem_shared>>) offsets(%dma_start3A_187 : memref<80xi32, #tpu.memory_space<vmem>>) semaphore(%run_scoped3A_184 : memref<!tpu.dma_semaphore, #tpu.memory_space<semaphore_mem>>) {add = true}
        %dma_wait3A_191 = arith.constant 0 : i32
        %dma_wait3A_192 = tpu.memref_slice %arg8[%add3A_153, %dma_wait3A_191] : memref<64x80xi32, #tpu.memory_space<vmem>> -> memref<1x80xi32, #tpu.memory_space<vmem>>
        %dma_wait3A_193 = tpu.memref_squeeze %dma_wait3A_192 : memref<1x80xi32, #tpu.memory_space<vmem>> -> memref<80xi32, #tpu.memory_space<vmem>>
        %dma_wait3A_194 = arith.constant 0 : i32
        %dma_wait3A_195 = arith.constant 0 : i32
        %dma_wait3A_196 = tpu.memref_slice %arg12[%dma_wait3A_194, %dma_wait3A_195] : memref<10240x128xf32, #tpu.memory_space<vmem_shared>> -> memref<10240x128xf32, #tpu.memory_space<vmem_shared>>
        tpu.wait_indirect_dma semaphore(%run_scoped3A_184 : memref<!tpu.dma_semaphore, #tpu.memory_space<semaphore_mem>>) src(%arg10 : memref<80x128xf32, #tpu.memory_space<vmem>>) dst(%dma_wait3A_196 : memref<10240x128xf32, #tpu.memory_space<vmem_shared>>)
        tpu.yield
      }) : () -> ()
      %add3A_160 = arith.constant 4 : i32
      %add3A_161 = arith.addi %mul3A_137, %add3A_160 : i32
      %dma_start3A_162 = arith.constant 0 : i32
      %dma_start3A_163 = tpu.memref_slice %arg7[%add3A_161, %dma_start3A_162] : memref<64x80xi32, #tpu.memory_space<vmem>> -> memref<1x80xi32, #tpu.memory_space<vmem>>
      %dma_start3A_164 = tpu.memref_squeeze %dma_start3A_163 : memref<1x80xi32, #tpu.memory_space<vmem>> -> memref<80xi32, #tpu.memory_space<vmem>>
      %dma_start3A_165 = arith.constant 0 : i32
      %dma_start3A_166 = arith.constant 0 : i32
      %dma_start3A_167 = tpu.memref_slice %arg2[%dma_start3A_165, %dma_start3A_166] : memref<10000x128xf32, #tpu.memory_space<hbm>> -> memref<10000x128xf32, #tpu.memory_space<hbm>>
      tpu.enqueue_indirect_dma source(%dma_start3A_167 : memref<10000x128xf32, #tpu.memory_space<hbm>>) target(%arg10 : memref<80x128xf32, #tpu.memory_space<vmem>>) offsets(%dma_start3A_164 : memref<80xi32, #tpu.memory_space<vmem>>) semaphore(%arg14 : memref<!tpu.dma_semaphore, #tpu.memory_space<semaphore_mem>>)
      %add3A_168 = arith.constant 2 : i32
      %add3A_169 = arith.addi %mul3A_137, %add3A_168 : i32
      %dma_wait3A_170 = arith.constant 0 : i32
      %dma_wait3A_171 = tpu.memref_slice %arg7[%add3A_169, %dma_wait3A_170] : memref<64x80xi32, #tpu.memory_space<vmem>> -> memref<1x80xi32, #tpu.memory_space<vmem>>
      %dma_wait3A_172 = tpu.memref_squeeze %dma_wait3A_171 : memref<1x80xi32, #tpu.memory_space<vmem>> -> memref<80xi32, #tpu.memory_space<vmem>>
      %dma_wait3A_173 = arith.constant 0 : i32
      %dma_wait3A_174 = arith.constant 0 : i32
      %dma_wait3A_175 = tpu.memref_slice %arg2[%dma_wait3A_173, %dma_wait3A_174] : memref<10000x128xf32, #tpu.memory_space<hbm>> -> memref<10000x128xf32, #tpu.memory_space<hbm>>
      tpu.wait_indirect_dma semaphore(%arg15 : memref<!tpu.dma_semaphore, #tpu.memory_space<semaphore_mem>>) src(%dma_wait3A_175 : memref<10000x128xf32, #tpu.memory_space<hbm>>) dst(%arg11 : memref<80x128xf32, #tpu.memory_space<vmem>>)
      "tpu.region"() ({
        %run_scoped3A_184 = tpu.sem_alloc : memref<!tpu.dma_semaphore, #tpu.memory_space<semaphore_mem>>
        %dma_start3A_185 = arith.constant 0 : i32
        %dma_start3A_186 = tpu.memref_slice %arg8[%add3A_169, %dma_start3A_185] : memref<64x80xi32, #tpu.memory_space<vmem>> -> memref<1x80xi32, #tpu.memory_space<vmem>>
        %dma_start3A_187 = tpu.memref_squeeze %dma_start3A_186 : memref<1x80xi32, #tpu.memory_space<vmem>> -> memref<80xi32, #tpu.memory_space<vmem>>
        %dma_start3A_188 = arith.constant 0 : i32
        %dma_start3A_189 = arith.constant 0 : i32
        %dma_start3A_190 = tpu.memref_slice %arg12[%dma_start3A_188, %dma_start3A_189] : memref<10240x128xf32, #tpu.memory_space<vmem_shared>> -> memref<10240x128xf32, #tpu.memory_space<vmem_shared>>
        tpu.enqueue_indirect_dma source(%arg11 : memref<80x128xf32, #tpu.memory_space<vmem>>) target(%dma_start3A_190 : memref<10240x128xf32, #tpu.memory_space<vmem_shared>>) offsets(%dma_start3A_187 : memref<80xi32, #tpu.memory_space<vmem>>) semaphore(%run_scoped3A_184 : memref<!tpu.dma_semaphore, #tpu.memory_space<semaphore_mem>>) {add = true}
        %dma_wait3A_191 = arith.constant 0 : i32
        %dma_wait3A_192 = tpu.memref_slice %arg8[%add3A_169, %dma_wait3A_191] : memref<64x80xi32, #tpu.memory_space<vmem>> -> memref<1x80xi32, #tpu.memory_space<vmem>>
        %dma_wait3A_193 = tpu.memref_squeeze %dma_wait3A_192 : memref<1x80xi32, #tpu.memory_space<vmem>> -> memref<80xi32, #tpu.memory_space<vmem>>
        %dma_wait3A_194 = arith.constant 0 : i32
        %dma_wait3A_195 = arith.constant 0 : i32
        %dma_wait3A_196 = tpu.memref_slice %arg12[%dma_wait3A_194, %dma_wait3A_195] : memref<10240x128xf32, #tpu.memory_space<vmem_shared>> -> memref<10240x128xf32, #tpu.memory_space<vmem_shared>>
        tpu.wait_indirect_dma semaphore(%run_scoped3A_184 : memref<!tpu.dma_semaphore, #tpu.memory_space<semaphore_mem>>) src(%arg11 : memref<80x128xf32, #tpu.memory_space<vmem>>) dst(%dma_wait3A_196 : memref<10240x128xf32, #tpu.memory_space<vmem_shared>>)
        tpu.yield
      }) : () -> ()
      %add3A_176 = arith.constant 5 : i32
      %add3A_177 = arith.addi %mul3A_137, %add3A_176 : i32
      %dma_start3A_178 = arith.constant 0 : i32
      %dma_start3A_179 = tpu.memref_slice %arg7[%add3A_177, %dma_start3A_178] : memref<64x80xi32, #tpu.memory_space<vmem>> -> memref<1x80xi32, #tpu.memory_space<vmem>>
      %dma_start3A_180 = tpu.memref_squeeze %dma_start3A_179 : memref<1x80xi32, #tpu.memory_space<vmem>> -> memref<80xi32, #tpu.memory_space<vmem>>
      %dma_start3A_181 = arith.constant 0 : i32
      %dma_start3A_182 = arith.constant 0 : i32
      %dma_start3A_183 = tpu.memref_slice %arg2[%dma_start3A_181, %dma_start3A_182] : memref<10000x128xf32, #tpu.memory_space<hbm>> -> memref<10000x128xf32, #tpu.memory_space<hbm>>
      tpu.enqueue_indirect_dma source(%dma_start3A_183 : memref<10000x128xf32, #tpu.memory_space<hbm>>) target(%arg11 : memref<80x128xf32, #tpu.memory_space<vmem>>) offsets(%dma_start3A_180 : memref<80xi32, #tpu.memory_space<vmem>>) semaphore(%arg15 : memref<!tpu.dma_semaphore, #tpu.memory_space<semaphore_mem>>)
    }
    %scan3A_27 = arith.constant 20 : i32
    %dma_wait3A = arith.constant 60 : i32
    %dma_wait3A_28 = arith.constant 0 : i32
    %dma_wait3A_29 = tpu.memref_slice %arg7[%dma_wait3A, %dma_wait3A_28] : memref<64x80xi32, #tpu.memory_space<vmem>> -> memref<1x80xi32, #tpu.memory_space<vmem>>
    %dma_wait3A_30 = tpu.memref_squeeze %dma_wait3A_29 : memref<1x80xi32, #tpu.memory_space<vmem>> -> memref<80xi32, #tpu.memory_space<vmem>>
    %dma_wait3A_31 = arith.constant 0 : i32
    %dma_wait3A_32 = arith.constant 0 : i32
    %dma_wait3A_33 = tpu.memref_slice %arg2[%dma_wait3A_31, %dma_wait3A_32] : memref<10000x128xf32, #tpu.memory_space<hbm>> -> memref<10000x128xf32, #tpu.memory_space<hbm>>
    tpu.wait_indirect_dma semaphore(%arg13 : memref<!tpu.dma_semaphore, #tpu.memory_space<semaphore_mem>>) src(%dma_wait3A_33 : memref<10000x128xf32, #tpu.memory_space<hbm>>) dst(%arg9 : memref<80x128xf32, #tpu.memory_space<vmem>>)
    %run_scoped3A = arith.constant 60 : i32
    "tpu.region"() ({
      %run_scoped3A_135 = tpu.sem_alloc : memref<!tpu.dma_semaphore, #tpu.memory_space<semaphore_mem>>
      %dma_start3A_136 = arith.constant 0 : i32
      %dma_start3A_137 = tpu.memref_slice %arg8[%run_scoped3A, %dma_start3A_136] : memref<64x80xi32, #tpu.memory_space<vmem>> -> memref<1x80xi32, #tpu.memory_space<vmem>>
      %dma_start3A_138 = tpu.memref_squeeze %dma_start3A_137 : memref<1x80xi32, #tpu.memory_space<vmem>> -> memref<80xi32, #tpu.memory_space<vmem>>
      %dma_start3A_139 = arith.constant 0 : i32
      %dma_start3A_140 = arith.constant 0 : i32
      %dma_start3A_141 = tpu.memref_slice %arg12[%dma_start3A_139, %dma_start3A_140] : memref<10240x128xf32, #tpu.memory_space<vmem_shared>> -> memref<10240x128xf32, #tpu.memory_space<vmem_shared>>
      tpu.enqueue_indirect_dma source(%arg9 : memref<80x128xf32, #tpu.memory_space<vmem>>) target(%dma_start3A_141 : memref<10240x128xf32, #tpu.memory_space<vmem_shared>>) offsets(%dma_start3A_138 : memref<80xi32, #tpu.memory_space<vmem>>) semaphore(%run_scoped3A_135 : memref<!tpu.dma_semaphore, #tpu.memory_space<semaphore_mem>>) {add = true}
      %dma_wait3A_142 = arith.constant 0 : i32
      %dma_wait3A_143 = tpu.memref_slice %arg8[%run_scoped3A, %dma_wait3A_142] : memref<64x80xi32, #tpu.memory_space<vmem>> -> memref<1x80xi32, #tpu.memory_space<vmem>>
      %dma_wait3A_144 = tpu.memref_squeeze %dma_wait3A_143 : memref<1x80xi32, #tpu.memory_space<vmem>> -> memref<80xi32, #tpu.memory_space<vmem>>
      %dma_wait3A_145 = arith.constant 0 : i32
      %dma_wait3A_146 = arith.constant 0 : i32
      %dma_wait3A_147 = tpu.memref_slice %arg12[%dma_wait3A_145, %dma_wait3A_146] : memref<10240x128xf32, #tpu.memory_space<vmem_shared>> -> memref<10240x128xf32, #tpu.memory_space<vmem_shared>>
      tpu.wait_indirect_dma semaphore(%run_scoped3A_135 : memref<!tpu.dma_semaphore, #tpu.memory_space<semaphore_mem>>) src(%arg9 : memref<80x128xf32, #tpu.memory_space<vmem>>) dst(%dma_wait3A_147 : memref<10240x128xf32, #tpu.memory_space<vmem_shared>>)
      tpu.yield
    }) : () -> ()
    %dma_start3A_34 = arith.constant 63 : i32
    %dma_start3A_35 = arith.constant 0 : i32
    %dma_start3A_36 = tpu.memref_slice %arg7[%dma_start3A_34, %dma_start3A_35] : memref<64x80xi32, #tpu.memory_space<vmem>> -> memref<1x80xi32, #tpu.memory_space<vmem>>
    %dma_start3A_37 = tpu.memref_squeeze %dma_start3A_36 : memref<1x80xi32, #tpu.memory_space<vmem>> -> memref<80xi32, #tpu.memory_space<vmem>>
    %dma_start3A_38 = arith.constant 0 : i32
    %dma_start3A_39 = arith.constant 0 : i32
    %dma_start3A_40 = tpu.memref_slice %arg2[%dma_start3A_38, %dma_start3A_39] : memref<10000x128xf32, #tpu.memory_space<hbm>> -> memref<10000x128xf32, #tpu.memory_space<hbm>>
    tpu.enqueue_indirect_dma source(%dma_start3A_40 : memref<10000x128xf32, #tpu.memory_space<hbm>>) target(%arg9 : memref<80x128xf32, #tpu.memory_space<vmem>>) offsets(%dma_start3A_37 : memref<80xi32, #tpu.memory_space<vmem>>) semaphore(%arg13 : memref<!tpu.dma_semaphore, #tpu.memory_space<semaphore_mem>>)
    %dma_wait3A_41 = arith.constant 61 : i32
    %dma_wait3A_42 = arith.constant 0 : i32
    %dma_wait3A_43 = tpu.memref_slice %arg7[%dma_wait3A_41, %dma_wait3A_42] : memref<64x80xi32, #tpu.memory_space<vmem>> -> memref<1x80xi32, #tpu.memory_space<vmem>>
    %dma_wait3A_44 = tpu.memref_squeeze %dma_wait3A_43 : memref<1x80xi32, #tpu.memory_space<vmem>> -> memref<80xi32, #tpu.memory_space<vmem>>
    %dma_wait3A_45 = arith.constant 0 : i32
    %dma_wait3A_46 = arith.constant 0 : i32
    %dma_wait3A_47 = tpu.memref_slice %arg2[%dma_wait3A_45, %dma_wait3A_46] : memref<10000x128xf32, #tpu.memory_space<hbm>> -> memref<10000x128xf32, #tpu.memory_space<hbm>>
    tpu.wait_indirect_dma semaphore(%arg14 : memref<!tpu.dma_semaphore, #tpu.memory_space<semaphore_mem>>) src(%dma_wait3A_47 : memref<10000x128xf32, #tpu.memory_space<hbm>>) dst(%arg10 : memref<80x128xf32, #tpu.memory_space<vmem>>)
    %run_scoped3A_48 = arith.constant 61 : i32
    "tpu.region"() ({
      %run_scoped3A_135 = tpu.sem_alloc : memref<!tpu.dma_semaphore, #tpu.memory_space<semaphore_mem>>
      %dma_start3A_136 = arith.constant 0 : i32
      %dma_start3A_137 = tpu.memref_slice %arg8[%run_scoped3A_48, %dma_start3A_136] : memref<64x80xi32, #tpu.memory_space<vmem>> -> memref<1x80xi32, #tpu.memory_space<vmem>>
      %dma_start3A_138 = tpu.memref_squeeze %dma_start3A_137 : memref<1x80xi32, #tpu.memory_space<vmem>> -> memref<80xi32, #tpu.memory_space<vmem>>
      %dma_start3A_139 = arith.constant 0 : i32
      %dma_start3A_140 = arith.constant 0 : i32
      %dma_start3A_141 = tpu.memref_slice %arg12[%dma_start3A_139, %dma_start3A_140] : memref<10240x128xf32, #tpu.memory_space<vmem_shared>> -> memref<10240x128xf32, #tpu.memory_space<vmem_shared>>
      tpu.enqueue_indirect_dma source(%arg10 : memref<80x128xf32, #tpu.memory_space<vmem>>) target(%dma_start3A_141 : memref<10240x128xf32, #tpu.memory_space<vmem_shared>>) offsets(%dma_start3A_138 : memref<80xi32, #tpu.memory_space<vmem>>) semaphore(%run_scoped3A_135 : memref<!tpu.dma_semaphore, #tpu.memory_space<semaphore_mem>>) {add = true}
      %dma_wait3A_142 = arith.constant 0 : i32
      %dma_wait3A_143 = tpu.memref_slice %arg8[%run_scoped3A_48, %dma_wait3A_142] : memref<64x80xi32, #tpu.memory_space<vmem>> -> memref<1x80xi32, #tpu.memory_space<vmem>>
      %dma_wait3A_144 = tpu.memref_squeeze %dma_wait3A_143 : memref<1x80xi32, #tpu.memory_space<vmem>> -> memref<80xi32, #tpu.memory_space<vmem>>
      %dma_wait3A_145 = arith.constant 0 : i32
      %dma_wait3A_146 = arith.constant 0 : i32
      %dma_wait3A_147 = tpu.memref_slice %arg12[%dma_wait3A_145, %dma_wait3A_146] : memref<10240x128xf32, #tpu.memory_space<vmem_shared>> -> memref<10240x128xf32, #tpu.memory_space<vmem_shared>>
      tpu.wait_indirect_dma semaphore(%run_scoped3A_135 : memref<!tpu.dma_semaphore, #tpu.memory_space<semaphore_mem>>) src(%arg10 : memref<80x128xf32, #tpu.memory_space<vmem>>) dst(%dma_wait3A_147 : memref<10240x128xf32, #tpu.memory_space<vmem_shared>>)
      tpu.yield
    }) : () -> ()
    %dma_wait3A_49 = arith.constant 62 : i32
    %dma_wait3A_50 = arith.constant 0 : i32
    %dma_wait3A_51 = tpu.memref_slice %arg7[%dma_wait3A_49, %dma_wait3A_50] : memref<64x80xi32, #tpu.memory_space<vmem>> -> memref<1x80xi32, #tpu.memory_space<vmem>>
    %dma_wait3A_52 = tpu.memref_squeeze %dma_wait3A_51 : memref<1x80xi32, #tpu.memory_space<vmem>> -> memref<80xi32, #tpu.memory_space<vmem>>
    %dma_wait3A_53 = arith.constant 0 : i32
    %dma_wait3A_54 = arith.constant 0 : i32
    %dma_wait3A_55 = tpu.memref_slice %arg2[%dma_wait3A_53, %dma_wait3A_54] : memref<10000x128xf32, #tpu.memory_space<hbm>> -> memref<10000x128xf32, #tpu.memory_space<hbm>>
    tpu.wait_indirect_dma semaphore(%arg15 : memref<!tpu.dma_semaphore, #tpu.memory_space<semaphore_mem>>) src(%dma_wait3A_55 : memref<10000x128xf32, #tpu.memory_space<hbm>>) dst(%arg11 : memref<80x128xf32, #tpu.memory_space<vmem>>)
    %run_scoped3A_56 = arith.constant 62 : i32
    "tpu.region"() ({
      %run_scoped3A_135 = tpu.sem_alloc : memref<!tpu.dma_semaphore, #tpu.memory_space<semaphore_mem>>
      %dma_start3A_136 = arith.constant 0 : i32
      %dma_start3A_137 = tpu.memref_slice %arg8[%run_scoped3A_56, %dma_start3A_136] : memref<64x80xi32, #tpu.memory_space<vmem>> -> memref<1x80xi32, #tpu.memory_space<vmem>>
      %dma_start3A_138 = tpu.memref_squeeze %dma_start3A_137 : memref<1x80xi32, #tpu.memory_space<vmem>> -> memref<80xi32, #tpu.memory_space<vmem>>
      %dma_start3A_139 = arith.constant 0 : i32
      %dma_start3A_140 = arith.constant 0 : i32
      %dma_start3A_141 = tpu.memref_slice %arg12[%dma_start3A_139, %dma_start3A_140] : memref<10240x128xf32, #tpu.memory_space<vmem_shared>> -> memref<10240x128xf32, #tpu.memory_space<vmem_shared>>
      tpu.enqueue_indirect_dma source(%arg11 : memref<80x128xf32, #tpu.memory_space<vmem>>) target(%dma_start3A_141 : memref<10240x128xf32, #tpu.memory_space<vmem_shared>>) offsets(%dma_start3A_138 : memref<80xi32, #tpu.memory_space<vmem>>) semaphore(%run_scoped3A_135 : memref<!tpu.dma_semaphore, #tpu.memory_space<semaphore_mem>>) {add = true}
      %dma_wait3A_142 = arith.constant 0 : i32
      %dma_wait3A_143 = tpu.memref_slice %arg8[%run_scoped3A_56, %dma_wait3A_142] : memref<64x80xi32, #tpu.memory_space<vmem>> -> memref<1x80xi32, #tpu.memory_space<vmem>>
      %dma_wait3A_144 = tpu.memref_squeeze %dma_wait3A_143 : memref<1x80xi32, #tpu.memory_space<vmem>> -> memref<80xi32, #tpu.memory_space<vmem>>
      %dma_wait3A_145 = arith.constant 0 : i32
      %dma_wait3A_146 = arith.constant 0 : i32
      %dma_wait3A_147 = tpu.memref_slice %arg12[%dma_wait3A_145, %dma_wait3A_146] : memref<10240x128xf32, #tpu.memory_space<vmem_shared>> -> memref<10240x128xf32, #tpu.memory_space<vmem_shared>>
      tpu.wait_indirect_dma semaphore(%run_scoped3A_135 : memref<!tpu.dma_semaphore, #tpu.memory_space<semaphore_mem>>) src(%arg11 : memref<80x128xf32, #tpu.memory_space<vmem>>) dst(%dma_wait3A_147 : memref<10240x128xf32, #tpu.memory_space<vmem_shared>>)
      tpu.yield
    }) : () -> ()
    %dma_wait3A_57 = arith.constant 63 : i32
    %dma_wait3A_58 = arith.constant 0 : i32
    %dma_wait3A_59 = tpu.memref_slice %arg7[%dma_wait3A_57, %dma_wait3A_58] : memref<64x80xi32, #tpu.memory_space<vmem>> -> memref<1x80xi32, #tpu.memory_space<vmem>>
    %dma_wait3A_60 = tpu.memref_squeeze %dma_wait3A_59 : memref<1x80xi32, #tpu.memory_space<vmem>> -> memref<80xi32, #tpu.memory_space<vmem>>
    %dma_wait3A_61 = arith.constant 0 : i32
    %dma_wait3A_62 = arith.constant 0 : i32
    %dma_wait3A_63 = tpu.memref_slice %arg2[%dma_wait3A_61, %dma_wait3A_62] : memref<10000x128xf32, #tpu.memory_space<hbm>> -> memref<10000x128xf32, #tpu.memory_space<hbm>>
    tpu.wait_indirect_dma semaphore(%arg13 : memref<!tpu.dma_semaphore, #tpu.memory_space<semaphore_mem>>) src(%dma_wait3A_63 : memref<10000x128xf32, #tpu.memory_space<hbm>>) dst(%arg9 : memref<80x128xf32, #tpu.memory_space<vmem>>)
    %run_scoped3A_64 = arith.constant 63 : i32
    "tpu.region"() ({
      %run_scoped3A_135 = tpu.sem_alloc : memref<!tpu.dma_semaphore, #tpu.memory_space<semaphore_mem>>
      %dma_start3A_136 = arith.constant 0 : i32
      %dma_start3A_137 = tpu.memref_slice %arg8[%run_scoped3A_64, %dma_start3A_136] : memref<64x80xi32, #tpu.memory_space<vmem>> -> memref<1x80xi32, #tpu.memory_space<vmem>>
      %dma_start3A_138 = tpu.memref_squeeze %dma_start3A_137 : memref<1x80xi32, #tpu.memory_space<vmem>> -> memref<80xi32, #tpu.memory_space<vmem>>
      %dma_start3A_139 = arith.constant 0 : i32
      %dma_start3A_140 = arith.constant 0 : i32
      %dma_start3A_141 = tpu.memref_slice %arg12[%dma_start3A_139, %dma_start3A_140] : memref<10240x128xf32, #tpu.memory_space<vmem_shared>> -> memref<10240x128xf32, #tpu.memory_space<vmem_shared>>
      tpu.enqueue_indirect_dma source(%arg9 : memref<80x128xf32, #tpu.memory_space<vmem>>) target(%dma_start3A_141 : memref<10240x128xf32, #tpu.memory_space<vmem_shared>>) offsets(%dma_start3A_138 : memref<80xi32, #tpu.memory_space<vmem>>) semaphore(%run_scoped3A_135 : memref<!tpu.dma_semaphore, #tpu.memory_space<semaphore_mem>>) {add = true}
      %dma_wait3A_142 = arith.constant 0 : i32
      %dma_wait3A_143 = tpu.memref_slice %arg8[%run_scoped3A_64, %dma_wait3A_142] : memref<64x80xi32, #tpu.memory_space<vmem>> -> memref<1x80xi32, #tpu.memory_space<vmem>>
      %dma_wait3A_144 = tpu.memref_squeeze %dma_wait3A_143 : memref<1x80xi32, #tpu.memory_space<vmem>> -> memref<80xi32, #tpu.memory_space<vmem>>
      %dma_wait3A_145 = arith.constant 0 : i32
      %dma_wait3A_146 = arith.constant 0 : i32
      %dma_wait3A_147 = tpu.memref_slice %arg12[%dma_wait3A_145, %dma_wait3A_146] : memref<10240x128xf32, #tpu.memory_space<vmem_shared>> -> memref<10240x128xf32, #tpu.memory_space<vmem_shared>>
      tpu.wait_indirect_dma semaphore(%run_scoped3A_135 : memref<!tpu.dma_semaphore, #tpu.memory_space<semaphore_mem>>) src(%arg9 : memref<80x128xf32, #tpu.memory_space<vmem>>) dst(%dma_wait3A_147 : memref<10240x128xf32, #tpu.memory_space<vmem_shared>>)
      tpu.yield
    }) : () -> ()
    "tpu.region"() ({
      %run_scoped3A_135 = tpu.sem_alloc : memref<!tpu.dma_semaphore, #tpu.memory_space<semaphore_mem>>
      %dma_start3A_136 = arith.constant 0 : i32
      %dma_start3A_137 = arith.constant 0 : i32
      %dma_start3A_138 = tpu.memref_slice %arg7[%dma_start3A_136, %dma_start3A_137] : memref<64x80xi32, #tpu.memory_space<vmem>> -> memref<61x80xi32, #tpu.memory_space<vmem>>
      %dma_start3A_139 = arith.constant 64 : i32
      %dma_start3A_140 = arith.constant 0 : i32
      %dma_start3A_141 = tpu.memref_slice %arg3[%add3A, %dma_start3A_139, %dma_start3A_140] : memref<32x125x80xi32, #tpu.memory_space<hbm>> -> memref<1x61x80xi32, #tpu.memory_space<hbm>>
      %dma_start3A_142 = tpu.memref_squeeze %dma_start3A_141 : memref<1x61x80xi32, #tpu.memory_space<hbm>> -> memref<61x80xi32, #tpu.memory_space<hbm>>
      %dma_start3A_143 = arith.constant 0 : i32
      %dma_start3A_144 = arith.constant 0 : i32
      %dma_start3A_145 = tpu.memref_slice %arg7[%dma_start3A_143, %dma_start3A_144] : memref<64x80xi32, #tpu.memory_space<vmem>> -> memref<61x80xi32, #tpu.memory_space<vmem>>
      %dma_start3A_146 = arith.constant 64 : i32
      %dma_start3A_147 = arith.constant 0 : i32
      %dma_start3A_148 = tpu.memref_slice %arg3[%add3A, %dma_start3A_146, %dma_start3A_147] : memref<32x125x80xi32, #tpu.memory_space<hbm>> -> memref<1x61x80xi32, #tpu.memory_space<hbm>>
      %dma_start3A_149 = tpu.memref_squeeze %dma_start3A_148 : memref<1x61x80xi32, #tpu.memory_space<hbm>> -> memref<61x80xi32, #tpu.memory_space<hbm>>
      tpu.enqueue_dma source(%dma_start3A_149 : memref<61x80xi32, #tpu.memory_space<hbm>>) target(%dma_start3A_145 : memref<61x80xi32, #tpu.memory_space<vmem>>) target_semaphore(%run_scoped3A_135 : memref<!tpu.dma_semaphore, #tpu.memory_space<semaphore_mem>>)
      %dma_wait3A_150 = arith.constant 0 : i32
      %dma_wait3A_151 = arith.constant 0 : i32
      %dma_wait3A_152 = tpu.memref_slice %arg7[%dma_wait3A_150, %dma_wait3A_151] : memref<64x80xi32, #tpu.memory_space<vmem>> -> memref<61x80xi32, #tpu.memory_space<vmem>>
      %dma_wait3A_153 = arith.constant 64 : i32
      %dma_wait3A_154 = arith.constant 0 : i32
      %dma_wait3A_155 = tpu.memref_slice %arg3[%add3A, %dma_wait3A_153, %dma_wait3A_154] : memref<32x125x80xi32, #tpu.memory_space<hbm>> -> memref<1x61x80xi32, #tpu.memory_space<hbm>>
      %dma_wait3A_156 = tpu.memref_squeeze %dma_wait3A_155 : memref<1x61x80xi32, #tpu.memory_space<hbm>> -> memref<61x80xi32, #tpu.memory_space<hbm>>
      %dma_wait3A_157 = arith.constant 0 : i32
      %dma_wait3A_158 = arith.constant 0 : i32
      %dma_wait3A_159 = tpu.memref_slice %arg7[%dma_wait3A_157, %dma_wait3A_158] : memref<64x80xi32, #tpu.memory_space<vmem>> -> memref<61x80xi32, #tpu.memory_space<vmem>>
      %dma_wait3A_160 = arith.constant 64 : i32
      %dma_wait3A_161 = arith.constant 0 : i32
      %dma_wait3A_162 = tpu.memref_slice %arg3[%add3A, %dma_wait3A_160, %dma_wait3A_161] : memref<32x125x80xi32, #tpu.memory_space<hbm>> -> memref<1x61x80xi32, #tpu.memory_space<hbm>>
      %dma_wait3A_163 = tpu.memref_squeeze %dma_wait3A_162 : memref<1x61x80xi32, #tpu.memory_space<hbm>> -> memref<61x80xi32, #tpu.memory_space<hbm>>
      tpu.wait_dma2 semaphore(%run_scoped3A_135 : memref<!tpu.dma_semaphore, #tpu.memory_space<semaphore_mem>>) src(%dma_wait3A_163 : memref<61x80xi32, #tpu.memory_space<hbm>>) dst(%dma_wait3A_159 : memref<61x80xi32, #tpu.memory_space<vmem>>)
      tpu.yield
    }) : () -> ()
    "tpu.region"() ({
      %run_scoped3A_135 = tpu.sem_alloc : memref<!tpu.dma_semaphore, #tpu.memory_space<semaphore_mem>>
      %dma_start3A_136 = arith.constant 0 : i32
      %dma_start3A_137 = arith.constant 0 : i32
      %dma_start3A_138 = tpu.memref_slice %arg8[%dma_start3A_136, %dma_start3A_137] : memref<64x80xi32, #tpu.memory_space<vmem>> -> memref<61x80xi32, #tpu.memory_space<vmem>>
      %dma_start3A_139 = arith.constant 64 : i32
      %dma_start3A_140 = arith.constant 0 : i32
      %dma_start3A_141 = tpu.memref_slice %arg4[%add3A, %dma_start3A_139, %dma_start3A_140] : memref<32x125x80xi32, #tpu.memory_space<hbm>> -> memref<1x61x80xi32, #tpu.memory_space<hbm>>
      %dma_start3A_142 = tpu.memref_squeeze %dma_start3A_141 : memref<1x61x80xi32, #tpu.memory_space<hbm>> -> memref<61x80xi32, #tpu.memory_space<hbm>>
      %dma_start3A_143 = arith.constant 0 : i32
      %dma_start3A_144 = arith.constant 0 : i32
      %dma_start3A_145 = tpu.memref_slice %arg8[%dma_start3A_143, %dma_start3A_144] : memref<64x80xi32, #tpu.memory_space<vmem>> -> memref<61x80xi32, #tpu.memory_space<vmem>>
      %dma_start3A_146 = arith.constant 64 : i32
      %dma_start3A_147 = arith.constant 0 : i32
      %dma_start3A_148 = tpu.memref_slice %arg4[%add3A, %dma_start3A_146, %dma_start3A_147] : memref<32x125x80xi32, #tpu.memory_space<hbm>> -> memref<1x61x80xi32, #tpu.memory_space<hbm>>
      %dma_start3A_149 = tpu.memref_squeeze %dma_start3A_148 : memref<1x61x80xi32, #tpu.memory_space<hbm>> -> memref<61x80xi32, #tpu.memory_space<hbm>>
      tpu.enqueue_dma source(%dma_start3A_149 : memref<61x80xi32, #tpu.memory_space<hbm>>) target(%dma_start3A_145 : memref<61x80xi32, #tpu.memory_space<vmem>>) target_semaphore(%run_scoped3A_135 : memref<!tpu.dma_semaphore, #tpu.memory_space<semaphore_mem>>)
      %dma_wait3A_150 = arith.constant 0 : i32
      %dma_wait3A_151 = arith.constant 0 : i32
      %dma_wait3A_152 = tpu.memref_slice %arg8[%dma_wait3A_150, %dma_wait3A_151] : memref<64x80xi32, #tpu.memory_space<vmem>> -> memref<61x80xi32, #tpu.memory_space<vmem>>
      %dma_wait3A_153 = arith.constant 64 : i32
      %dma_wait3A_154 = arith.constant 0 : i32
      %dma_wait3A_155 = tpu.memref_slice %arg4[%add3A, %dma_wait3A_153, %dma_wait3A_154] : memref<32x125x80xi32, #tpu.memory_space<hbm>> -> memref<1x61x80xi32, #tpu.memory_space<hbm>>
      %dma_wait3A_156 = tpu.memref_squeeze %dma_wait3A_155 : memref<1x61x80xi32, #tpu.memory_space<hbm>> -> memref<61x80xi32, #tpu.memory_space<hbm>>
      %dma_wait3A_157 = arith.constant 0 : i32
      %dma_wait3A_158 = arith.constant 0 : i32
      %dma_wait3A_159 = tpu.memref_slice %arg8[%dma_wait3A_157, %dma_wait3A_158] : memref<64x80xi32, #tpu.memory_space<vmem>> -> memref<61x80xi32, #tpu.memory_space<vmem>>
      %dma_wait3A_160 = arith.constant 64 : i32
      %dma_wait3A_161 = arith.constant 0 : i32
      %dma_wait3A_162 = tpu.memref_slice %arg4[%add3A, %dma_wait3A_160, %dma_wait3A_161] : memref<32x125x80xi32, #tpu.memory_space<hbm>> -> memref<1x61x80xi32, #tpu.memory_space<hbm>>
      %dma_wait3A_163 = tpu.memref_squeeze %dma_wait3A_162 : memref<1x61x80xi32, #tpu.memory_space<hbm>> -> memref<61x80xi32, #tpu.memory_space<hbm>>
      tpu.wait_dma2 semaphore(%run_scoped3A_135 : memref<!tpu.dma_semaphore, #tpu.memory_space<semaphore_mem>>) src(%dma_wait3A_163 : memref<61x80xi32, #tpu.memory_space<hbm>>) dst(%dma_wait3A_159 : memref<61x80xi32, #tpu.memory_space<vmem>>)
      tpu.yield
    }) : () -> ()
    %dma_start3A_65 = arith.constant 0 : i32
    %dma_start3A_66 = arith.constant 0 : i32
    %dma_start3A_67 = tpu.memref_slice %arg7[%dma_start3A_65, %dma_start3A_66] : memref<64x80xi32, #tpu.memory_space<vmem>> -> memref<1x80xi32, #tpu.memory_space<vmem>>
    %dma_start3A_68 = tpu.memref_squeeze %dma_start3A_67 : memref<1x80xi32, #tpu.memory_space<vmem>> -> memref<80xi32, #tpu.memory_space<vmem>>
    %dma_start3A_69 = arith.constant 0 : i32
    %dma_start3A_70 = arith.constant 0 : i32
    %dma_start3A_71 = tpu.memref_slice %arg2[%dma_start3A_69, %dma_start3A_70] : memref<10000x128xf32, #tpu.memory_space<hbm>> -> memref<10000x128xf32, #tpu.memory_space<hbm>>
    tpu.enqueue_indirect_dma source(%dma_start3A_71 : memref<10000x128xf32, #tpu.memory_space<hbm>>) target(%arg9 : memref<80x128xf32, #tpu.memory_space<vmem>>) offsets(%dma_start3A_68 : memref<80xi32, #tpu.memory_space<vmem>>) semaphore(%arg13 : memref<!tpu.dma_semaphore, #tpu.memory_space<semaphore_mem>>)
    %dma_start3A_72 = arith.constant 1 : i32
    %dma_start3A_73 = arith.constant 0 : i32
    %dma_start3A_74 = tpu.memref_slice %arg7[%dma_start3A_72, %dma_start3A_73] : memref<64x80xi32, #tpu.memory_space<vmem>> -> memref<1x80xi32, #tpu.memory_space<vmem>>
    %dma_start3A_75 = tpu.memref_squeeze %dma_start3A_74 : memref<1x80xi32, #tpu.memory_space<vmem>> -> memref<80xi32, #tpu.memory_space<vmem>>
    %dma_start3A_76 = arith.constant 0 : i32
    %dma_start3A_77 = arith.constant 0 : i32
    %dma_start3A_78 = tpu.memref_slice %arg2[%dma_start3A_76, %dma_start3A_77] : memref<10000x128xf32, #tpu.memory_space<hbm>> -> memref<10000x128xf32, #tpu.memory_space<hbm>>
    tpu.enqueue_indirect_dma source(%dma_start3A_78 : memref<10000x128xf32, #tpu.memory_space<hbm>>) target(%arg10 : memref<80x128xf32, #tpu.memory_space<vmem>>) offsets(%dma_start3A_75 : memref<80xi32, #tpu.memory_space<vmem>>) semaphore(%arg14 : memref<!tpu.dma_semaphore, #tpu.memory_space<semaphore_mem>>)
    %dma_start3A_79 = arith.constant 2 : i32
    %dma_start3A_80 = arith.constant 0 : i32
    %dma_start3A_81 = tpu.memref_slice %arg7[%dma_start3A_79, %dma_start3A_80] : memref<64x80xi32, #tpu.memory_space<vmem>> -> memref<1x80xi32, #tpu.memory_space<vmem>>
    %dma_start3A_82 = tpu.memref_squeeze %dma_start3A_81 : memref<1x80xi32, #tpu.memory_space<vmem>> -> memref<80xi32, #tpu.memory_space<vmem>>
    %dma_start3A_83 = arith.constant 0 : i32
    %dma_start3A_84 = arith.constant 0 : i32
    %dma_start3A_85 = tpu.memref_slice %arg2[%dma_start3A_83, %dma_start3A_84] : memref<10000x128xf32, #tpu.memory_space<hbm>> -> memref<10000x128xf32, #tpu.memory_space<hbm>>
    tpu.enqueue_indirect_dma source(%dma_start3A_85 : memref<10000x128xf32, #tpu.memory_space<hbm>>) target(%arg11 : memref<80x128xf32, #tpu.memory_space<vmem>>) offsets(%dma_start3A_82 : memref<80xi32, #tpu.memory_space<vmem>>) semaphore(%arg15 : memref<!tpu.dma_semaphore, #tpu.memory_space<semaphore_mem>>)
    %scan3A_86 = arith.constant 0 : i32
    %scan3A_87 = arith.constant 0 : i32
    %scan3A_88 = arith.constant 19 : i32
    %scan3A_89 = arith.addi %scan3A_87, %scan3A_88 : i32
    %scan3A_90 = arith.constant 1 : i32
    scf.for %scan3A_135 = %scan3A_87 to %scan3A_89 step %scan3A_90  : i32 {
      %mul3A_136 = arith.constant 3 : i32
      %mul3A_137 = arith.muli %mul3A_136, %scan3A_135 : i32
      %dma_wait3A_138 = arith.constant 0 : i32
      %dma_wait3A_139 = tpu.memref_slice %arg7[%mul3A_137, %dma_wait3A_138] : memref<64x80xi32, #tpu.memory_space<vmem>> -> memref<1x80xi32, #tpu.memory_space<vmem>>
      %dma_wait3A_140 = tpu.memref_squeeze %dma_wait3A_139 : memref<1x80xi32, #tpu.memory_space<vmem>> -> memref<80xi32, #tpu.memory_space<vmem>>
      %dma_wait3A_141 = arith.constant 0 : i32
      %dma_wait3A_142 = arith.constant 0 : i32
      %dma_wait3A_143 = tpu.memref_slice %arg2[%dma_wait3A_141, %dma_wait3A_142] : memref<10000x128xf32, #tpu.memory_space<hbm>> -> memref<10000x128xf32, #tpu.memory_space<hbm>>
      tpu.wait_indirect_dma semaphore(%arg13 : memref<!tpu.dma_semaphore, #tpu.memory_space<semaphore_mem>>) src(%dma_wait3A_143 : memref<10000x128xf32, #tpu.memory_space<hbm>>) dst(%arg9 : memref<80x128xf32, #tpu.memory_space<vmem>>)
      "tpu.region"() ({
        %run_scoped3A_184 = tpu.sem_alloc : memref<!tpu.dma_semaphore, #tpu.memory_space<semaphore_mem>>
        %dma_start3A_185 = arith.constant 0 : i32
        %dma_start3A_186 = tpu.memref_slice %arg8[%mul3A_137, %dma_start3A_185] : memref<64x80xi32, #tpu.memory_space<vmem>> -> memref<1x80xi32, #tpu.memory_space<vmem>>
        %dma_start3A_187 = tpu.memref_squeeze %dma_start3A_186 : memref<1x80xi32, #tpu.memory_space<vmem>> -> memref<80xi32, #tpu.memory_space<vmem>>
        %dma_start3A_188 = arith.constant 0 : i32
        %dma_start3A_189 = arith.constant 0 : i32
        %dma_start3A_190 = tpu.memref_slice %arg12[%dma_start3A_188, %dma_start3A_189] : memref<10240x128xf32, #tpu.memory_space<vmem_shared>> -> memref<10240x128xf32, #tpu.memory_space<vmem_shared>>
        tpu.enqueue_indirect_dma source(%arg9 : memref<80x128xf32, #tpu.memory_space<vmem>>) target(%dma_start3A_190 : memref<10240x128xf32, #tpu.memory_space<vmem_shared>>) offsets(%dma_start3A_187 : memref<80xi32, #tpu.memory_space<vmem>>) semaphore(%run_scoped3A_184 : memref<!tpu.dma_semaphore, #tpu.memory_space<semaphore_mem>>) {add = true}
        %dma_wait3A_191 = arith.constant 0 : i32
        %dma_wait3A_192 = tpu.memref_slice %arg8[%mul3A_137, %dma_wait3A_191] : memref<64x80xi32, #tpu.memory_space<vmem>> -> memref<1x80xi32, #tpu.memory_space<vmem>>
        %dma_wait3A_193 = tpu.memref_squeeze %dma_wait3A_192 : memref<1x80xi32, #tpu.memory_space<vmem>> -> memref<80xi32, #tpu.memory_space<vmem>>
        %dma_wait3A_194 = arith.constant 0 : i32
        %dma_wait3A_195 = arith.constant 0 : i32
        %dma_wait3A_196 = tpu.memref_slice %arg12[%dma_wait3A_194, %dma_wait3A_195] : memref<10240x128xf32, #tpu.memory_space<vmem_shared>> -> memref<10240x128xf32, #tpu.memory_space<vmem_shared>>
        tpu.wait_indirect_dma semaphore(%run_scoped3A_184 : memref<!tpu.dma_semaphore, #tpu.memory_space<semaphore_mem>>) src(%arg9 : memref<80x128xf32, #tpu.memory_space<vmem>>) dst(%dma_wait3A_196 : memref<10240x128xf32, #tpu.memory_space<vmem_shared>>)
        tpu.yield
      }) : () -> ()
      %add3A_144 = arith.constant 3 : i32
      %add3A_145 = arith.addi %mul3A_137, %add3A_144 : i32
      %dma_start3A_146 = arith.constant 0 : i32
      %dma_start3A_147 = tpu.memref_slice %arg7[%add3A_145, %dma_start3A_146] : memref<64x80xi32, #tpu.memory_space<vmem>> -> memref<1x80xi32, #tpu.memory_space<vmem>>
      %dma_start3A_148 = tpu.memref_squeeze %dma_start3A_147 : memref<1x80xi32, #tpu.memory_space<vmem>> -> memref<80xi32, #tpu.memory_space<vmem>>
      %dma_start3A_149 = arith.constant 0 : i32
      %dma_start3A_150 = arith.constant 0 : i32
      %dma_start3A_151 = tpu.memref_slice %arg2[%dma_start3A_149, %dma_start3A_150] : memref<10000x128xf32, #tpu.memory_space<hbm>> -> memref<10000x128xf32, #tpu.memory_space<hbm>>
      tpu.enqueue_indirect_dma source(%dma_start3A_151 : memref<10000x128xf32, #tpu.memory_space<hbm>>) target(%arg9 : memref<80x128xf32, #tpu.memory_space<vmem>>) offsets(%dma_start3A_148 : memref<80xi32, #tpu.memory_space<vmem>>) semaphore(%arg13 : memref<!tpu.dma_semaphore, #tpu.memory_space<semaphore_mem>>)
      %add3A_152 = arith.constant 1 : i32
      %add3A_153 = arith.addi %mul3A_137, %add3A_152 : i32
      %dma_wait3A_154 = arith.constant 0 : i32
      %dma_wait3A_155 = tpu.memref_slice %arg7[%add3A_153, %dma_wait3A_154] : memref<64x80xi32, #tpu.memory_space<vmem>> -> memref<1x80xi32, #tpu.memory_space<vmem>>
      %dma_wait3A_156 = tpu.memref_squeeze %dma_wait3A_155 : memref<1x80xi32, #tpu.memory_space<vmem>> -> memref<80xi32, #tpu.memory_space<vmem>>
      %dma_wait3A_157 = arith.constant 0 : i32
      %dma_wait3A_158 = arith.constant 0 : i32
      %dma_wait3A_159 = tpu.memref_slice %arg2[%dma_wait3A_157, %dma_wait3A_158] : memref<10000x128xf32, #tpu.memory_space<hbm>> -> memref<10000x128xf32, #tpu.memory_space<hbm>>
      tpu.wait_indirect_dma semaphore(%arg14 : memref<!tpu.dma_semaphore, #tpu.memory_space<semaphore_mem>>) src(%dma_wait3A_159 : memref<10000x128xf32, #tpu.memory_space<hbm>>) dst(%arg10 : memref<80x128xf32, #tpu.memory_space<vmem>>)
      "tpu.region"() ({
        %run_scoped3A_184 = tpu.sem_alloc : memref<!tpu.dma_semaphore, #tpu.memory_space<semaphore_mem>>
        %dma_start3A_185 = arith.constant 0 : i32
        %dma_start3A_186 = tpu.memref_slice %arg8[%add3A_153, %dma_start3A_185] : memref<64x80xi32, #tpu.memory_space<vmem>> -> memref<1x80xi32, #tpu.memory_space<vmem>>
        %dma_start3A_187 = tpu.memref_squeeze %dma_start3A_186 : memref<1x80xi32, #tpu.memory_space<vmem>> -> memref<80xi32, #tpu.memory_space<vmem>>
        %dma_start3A_188 = arith.constant 0 : i32
        %dma_start3A_189 = arith.constant 0 : i32
        %dma_start3A_190 = tpu.memref_slice %arg12[%dma_start3A_188, %dma_start3A_189] : memref<10240x128xf32, #tpu.memory_space<vmem_shared>> -> memref<10240x128xf32, #tpu.memory_space<vmem_shared>>
        tpu.enqueue_indirect_dma source(%arg10 : memref<80x128xf32, #tpu.memory_space<vmem>>) target(%dma_start3A_190 : memref<10240x128xf32, #tpu.memory_space<vmem_shared>>) offsets(%dma_start3A_187 : memref<80xi32, #tpu.memory_space<vmem>>) semaphore(%run_scoped3A_184 : memref<!tpu.dma_semaphore, #tpu.memory_space<semaphore_mem>>) {add = true}
        %dma_wait3A_191 = arith.constant 0 : i32
        %dma_wait3A_192 = tpu.memref_slice %arg8[%add3A_153, %dma_wait3A_191] : memref<64x80xi32, #tpu.memory_space<vmem>> -> memref<1x80xi32, #tpu.memory_space<vmem>>
        %dma_wait3A_193 = tpu.memref_squeeze %dma_wait3A_192 : memref<1x80xi32, #tpu.memory_space<vmem>> -> memref<80xi32, #tpu.memory_space<vmem>>
        %dma_wait3A_194 = arith.constant 0 : i32
        %dma_wait3A_195 = arith.constant 0 : i32
        %dma_wait3A_196 = tpu.memref_slice %arg12[%dma_wait3A_194, %dma_wait3A_195] : memref<10240x128xf32, #tpu.memory_space<vmem_shared>> -> memref<10240x128xf32, #tpu.memory_space<vmem_shared>>
        tpu.wait_indirect_dma semaphore(%run_scoped3A_184 : memref<!tpu.dma_semaphore, #tpu.memory_space<semaphore_mem>>) src(%arg10 : memref<80x128xf32, #tpu.memory_space<vmem>>) dst(%dma_wait3A_196 : memref<10240x128xf32, #tpu.memory_space<vmem_shared>>)
        tpu.yield
      }) : () -> ()
      %add3A_160 = arith.constant 4 : i32
      %add3A_161 = arith.addi %mul3A_137, %add3A_160 : i32
      %dma_start3A_162 = arith.constant 0 : i32
      %dma_start3A_163 = tpu.memref_slice %arg7[%add3A_161, %dma_start3A_162] : memref<64x80xi32, #tpu.memory_space<vmem>> -> memref<1x80xi32, #tpu.memory_space<vmem>>
      %dma_start3A_164 = tpu.memref_squeeze %dma_start3A_163 : memref<1x80xi32, #tpu.memory_space<vmem>> -> memref<80xi32, #tpu.memory_space<vmem>>
      %dma_start3A_165 = arith.constant 0 : i32
      %dma_start3A_166 = arith.constant 0 : i32
      %dma_start3A_167 = tpu.memref_slice %arg2[%dma_start3A_165, %dma_start3A_166] : memref<10000x128xf32, #tpu.memory_space<hbm>> -> memref<10000x128xf32, #tpu.memory_space<hbm>>
      tpu.enqueue_indirect_dma source(%dma_start3A_167 : memref<10000x128xf32, #tpu.memory_space<hbm>>) target(%arg10 : memref<80x128xf32, #tpu.memory_space<vmem>>) offsets(%dma_start3A_164 : memref<80xi32, #tpu.memory_space<vmem>>) semaphore(%arg14 : memref<!tpu.dma_semaphore, #tpu.memory_space<semaphore_mem>>)
      %add3A_168 = arith.constant 2 : i32
      %add3A_169 = arith.addi %mul3A_137, %add3A_168 : i32
      %dma_wait3A_170 = arith.constant 0 : i32
      %dma_wait3A_171 = tpu.memref_slice %arg7[%add3A_169, %dma_wait3A_170] : memref<64x80xi32, #tpu.memory_space<vmem>> -> memref<1x80xi32, #tpu.memory_space<vmem>>
      %dma_wait3A_172 = tpu.memref_squeeze %dma_wait3A_171 : memref<1x80xi32, #tpu.memory_space<vmem>> -> memref<80xi32, #tpu.memory_space<vmem>>
      %dma_wait3A_173 = arith.constant 0 : i32
      %dma_wait3A_174 = arith.constant 0 : i32
      %dma_wait3A_175 = tpu.memref_slice %arg2[%dma_wait3A_173, %dma_wait3A_174] : memref<10000x128xf32, #tpu.memory_space<hbm>> -> memref<10000x128xf32, #tpu.memory_space<hbm>>
      tpu.wait_indirect_dma semaphore(%arg15 : memref<!tpu.dma_semaphore, #tpu.memory_space<semaphore_mem>>) src(%dma_wait3A_175 : memref<10000x128xf32, #tpu.memory_space<hbm>>) dst(%arg11 : memref<80x128xf32, #tpu.memory_space<vmem>>)
      "tpu.region"() ({
        %run_scoped3A_184 = tpu.sem_alloc : memref<!tpu.dma_semaphore, #tpu.memory_space<semaphore_mem>>
        %dma_start3A_185 = arith.constant 0 : i32
        %dma_start3A_186 = tpu.memref_slice %arg8[%add3A_169, %dma_start3A_185] : memref<64x80xi32, #tpu.memory_space<vmem>> -> memref<1x80xi32, #tpu.memory_space<vmem>>
        %dma_start3A_187 = tpu.memref_squeeze %dma_start3A_186 : memref<1x80xi32, #tpu.memory_space<vmem>> -> memref<80xi32, #tpu.memory_space<vmem>>
        %dma_start3A_188 = arith.constant 0 : i32
        %dma_start3A_189 = arith.constant 0 : i32
        %dma_start3A_190 = tpu.memref_slice %arg12[%dma_start3A_188, %dma_start3A_189] : memref<10240x128xf32, #tpu.memory_space<vmem_shared>> -> memref<10240x128xf32, #tpu.memory_space<vmem_shared>>
        tpu.enqueue_indirect_dma source(%arg11 : memref<80x128xf32, #tpu.memory_space<vmem>>) target(%dma_start3A_190 : memref<10240x128xf32, #tpu.memory_space<vmem_shared>>) offsets(%dma_start3A_187 : memref<80xi32, #tpu.memory_space<vmem>>) semaphore(%run_scoped3A_184 : memref<!tpu.dma_semaphore, #tpu.memory_space<semaphore_mem>>) {add = true}
        %dma_wait3A_191 = arith.constant 0 : i32
        %dma_wait3A_192 = tpu.memref_slice %arg8[%add3A_169, %dma_wait3A_191] : memref<64x80xi32, #tpu.memory_space<vmem>> -> memref<1x80xi32, #tpu.memory_space<vmem>>
        %dma_wait3A_193 = tpu.memref_squeeze %dma_wait3A_192 : memref<1x80xi32, #tpu.memory_space<vmem>> -> memref<80xi32, #tpu.memory_space<vmem>>
        %dma_wait3A_194 = arith.constant 0 : i32
        %dma_wait3A_195 = arith.constant 0 : i32
        %dma_wait3A_196 = tpu.memref_slice %arg12[%dma_wait3A_194, %dma_wait3A_195] : memref<10240x128xf32, #tpu.memory_space<vmem_shared>> -> memref<10240x128xf32, #tpu.memory_space<vmem_shared>>
        tpu.wait_indirect_dma semaphore(%run_scoped3A_184 : memref<!tpu.dma_semaphore, #tpu.memory_space<semaphore_mem>>) src(%arg11 : memref<80x128xf32, #tpu.memory_space<vmem>>) dst(%dma_wait3A_196 : memref<10240x128xf32, #tpu.memory_space<vmem_shared>>)
        tpu.yield
      }) : () -> ()
      %add3A_176 = arith.constant 5 : i32
      %add3A_177 = arith.addi %mul3A_137, %add3A_176 : i32
      %dma_start3A_178 = arith.constant 0 : i32
      %dma_start3A_179 = tpu.memref_slice %arg7[%add3A_177, %dma_start3A_178] : memref<64x80xi32, #tpu.memory_space<vmem>> -> memref<1x80xi32, #tpu.memory_space<vmem>>
      %dma_start3A_180 = tpu.memref_squeeze %dma_start3A_179 : memref<1x80xi32, #tpu.memory_space<vmem>> -> memref<80xi32, #tpu.memory_space<vmem>>
      %dma_start3A_181 = arith.constant 0 : i32
      %dma_start3A_182 = arith.constant 0 : i32
      %dma_start3A_183 = tpu.memref_slice %arg2[%dma_start3A_181, %dma_start3A_182] : memref<10000x128xf32, #tpu.memory_space<hbm>> -> memref<10000x128xf32, #tpu.memory_space<hbm>>
      tpu.enqueue_indirect_dma source(%dma_start3A_183 : memref<10000x128xf32, #tpu.memory_space<hbm>>) target(%arg11 : memref<80x128xf32, #tpu.memory_space<vmem>>) offsets(%dma_start3A_180 : memref<80xi32, #tpu.memory_space<vmem>>) semaphore(%arg15 : memref<!tpu.dma_semaphore, #tpu.memory_space<semaphore_mem>>)
    }
    %scan3A_91 = arith.constant 19 : i32
    %dma_wait3A_92 = arith.constant 57 : i32
    %dma_wait3A_93 = arith.constant 0 : i32
    %dma_wait3A_94 = tpu.memref_slice %arg7[%dma_wait3A_92, %dma_wait3A_93] : memref<64x80xi32, #tpu.memory_space<vmem>> -> memref<1x80xi32, #tpu.memory_space<vmem>>
    %dma_wait3A_95 = tpu.memref_squeeze %dma_wait3A_94 : memref<1x80xi32, #tpu.memory_space<vmem>> -> memref<80xi32, #tpu.memory_space<vmem>>
    %dma_wait3A_96 = arith.constant 0 : i32
    %dma_wait3A_97 = arith.constant 0 : i32
    %dma_wait3A_98 = tpu.memref_slice %arg2[%dma_wait3A_96, %dma_wait3A_97] : memref<10000x128xf32, #tpu.memory_space<hbm>> -> memref<10000x128xf32, #tpu.memory_space<hbm>>
    tpu.wait_indirect_dma semaphore(%arg13 : memref<!tpu.dma_semaphore, #tpu.memory_space<semaphore_mem>>) src(%dma_wait3A_98 : memref<10000x128xf32, #tpu.memory_space<hbm>>) dst(%arg9 : memref<80x128xf32, #tpu.memory_space<vmem>>)
    %run_scoped3A_99 = arith.constant 57 : i32
    "tpu.region"() ({
      %run_scoped3A_135 = tpu.sem_alloc : memref<!tpu.dma_semaphore, #tpu.memory_space<semaphore_mem>>
      %dma_start3A_136 = arith.constant 0 : i32
      %dma_start3A_137 = tpu.memref_slice %arg8[%run_scoped3A_99, %dma_start3A_136] : memref<64x80xi32, #tpu.memory_space<vmem>> -> memref<1x80xi32, #tpu.memory_space<vmem>>
      %dma_start3A_138 = tpu.memref_squeeze %dma_start3A_137 : memref<1x80xi32, #tpu.memory_space<vmem>> -> memref<80xi32, #tpu.memory_space<vmem>>
      %dma_start3A_139 = arith.constant 0 : i32
      %dma_start3A_140 = arith.constant 0 : i32
      %dma_start3A_141 = tpu.memref_slice %arg12[%dma_start3A_139, %dma_start3A_140] : memref<10240x128xf32, #tpu.memory_space<vmem_shared>> -> memref<10240x128xf32, #tpu.memory_space<vmem_shared>>
      tpu.enqueue_indirect_dma source(%arg9 : memref<80x128xf32, #tpu.memory_space<vmem>>) target(%dma_start3A_141 : memref<10240x128xf32, #tpu.memory_space<vmem_shared>>) offsets(%dma_start3A_138 : memref<80xi32, #tpu.memory_space<vmem>>) semaphore(%run_scoped3A_135 : memref<!tpu.dma_semaphore, #tpu.memory_space<semaphore_mem>>) {add = true}
      %dma_wait3A_142 = arith.constant 0 : i32
      %dma_wait3A_143 = tpu.memref_slice %arg8[%run_scoped3A_99, %dma_wait3A_142] : memref<64x80xi32, #tpu.memory_space<vmem>> -> memref<1x80xi32, #tpu.memory_space<vmem>>
      %dma_wait3A_144 = tpu.memref_squeeze %dma_wait3A_143 : memref<1x80xi32, #tpu.memory_space<vmem>> -> memref<80xi32, #tpu.memory_space<vmem>>
      %dma_wait3A_145 = arith.constant 0 : i32
      %dma_wait3A_146 = arith.constant 0 : i32
      %dma_wait3A_147 = tpu.memref_slice %arg12[%dma_wait3A_145, %dma_wait3A_146] : memref<10240x128xf32, #tpu.memory_space<vmem_shared>> -> memref<10240x128xf32, #tpu.memory_space<vmem_shared>>
      tpu.wait_indirect_dma semaphore(%run_scoped3A_135 : memref<!tpu.dma_semaphore, #tpu.memory_space<semaphore_mem>>) src(%arg9 : memref<80x128xf32, #tpu.memory_space<vmem>>) dst(%dma_wait3A_147 : memref<10240x128xf32, #tpu.memory_space<vmem_shared>>)
      tpu.yield
    }) : () -> ()
    %dma_start3A_100 = arith.constant 60 : i32
    %dma_start3A_101 = arith.constant 0 : i32
    %dma_start3A_102 = tpu.memref_slice %arg7[%dma_start3A_100, %dma_start3A_101] : memref<64x80xi32, #tpu.memory_space<vmem>> -> memref<1x80xi32, #tpu.memory_space<vmem>>
    %dma_start3A_103 = tpu.memref_squeeze %dma_start3A_102 : memref<1x80xi32, #tpu.memory_space<vmem>> -> memref<80xi32, #tpu.memory_space<vmem>>
    %dma_start3A_104 = arith.constant 0 : i32
    %dma_start3A_105 = arith.constant 0 : i32
    %dma_start3A_106 = tpu.memref_slice %arg2[%dma_start3A_104, %dma_start3A_105] : memref<10000x128xf32, #tpu.memory_space<hbm>> -> memref<10000x128xf32, #tpu.memory_space<hbm>>
    tpu.enqueue_indirect_dma source(%dma_start3A_106 : memref<10000x128xf32, #tpu.memory_space<hbm>>) target(%arg9 : memref<80x128xf32, #tpu.memory_space<vmem>>) offsets(%dma_start3A_103 : memref<80xi32, #tpu.memory_space<vmem>>) semaphore(%arg13 : memref<!tpu.dma_semaphore, #tpu.memory_space<semaphore_mem>>)
    %dma_wait3A_107 = arith.constant 58 : i32
    %dma_wait3A_108 = arith.constant 0 : i32
    %dma_wait3A_109 = tpu.memref_slice %arg7[%dma_wait3A_107, %dma_wait3A_108] : memref<64x80xi32, #tpu.memory_space<vmem>> -> memref<1x80xi32, #tpu.memory_space<vmem>>
    %dma_wait3A_110 = tpu.memref_squeeze %dma_wait3A_109 : memref<1x80xi32, #tpu.memory_space<vmem>> -> memref<80xi32, #tpu.memory_space<vmem>>
    %dma_wait3A_111 = arith.constant 0 : i32
    %dma_wait3A_112 = arith.constant 0 : i32
    %dma_wait3A_113 = tpu.memref_slice %arg2[%dma_wait3A_111, %dma_wait3A_112] : memref<10000x128xf32, #tpu.memory_space<hbm>> -> memref<10000x128xf32, #tpu.memory_space<hbm>>
    tpu.wait_indirect_dma semaphore(%arg14 : memref<!tpu.dma_semaphore, #tpu.memory_space<semaphore_mem>>) src(%dma_wait3A_113 : memref<10000x128xf32, #tpu.memory_space<hbm>>) dst(%arg10 : memref<80x128xf32, #tpu.memory_space<vmem>>)
    %run_scoped3A_114 = arith.constant 58 : i32
    "tpu.region"() ({
      %run_scoped3A_135 = tpu.sem_alloc : memref<!tpu.dma_semaphore, #tpu.memory_space<semaphore_mem>>
      %dma_start3A_136 = arith.constant 0 : i32
      %dma_start3A_137 = tpu.memref_slice %arg8[%run_scoped3A_114, %dma_start3A_136] : memref<64x80xi32, #tpu.memory_space<vmem>> -> memref<1x80xi32, #tpu.memory_space<vmem>>
      %dma_start3A_138 = tpu.memref_squeeze %dma_start3A_137 : memref<1x80xi32, #tpu.memory_space<vmem>> -> memref<80xi32, #tpu.memory_space<vmem>>
      %dma_start3A_139 = arith.constant 0 : i32
      %dma_start3A_140 = arith.constant 0 : i32
      %dma_start3A_141 = tpu.memref_slice %arg12[%dma_start3A_139, %dma_start3A_140] : memref<10240x128xf32, #tpu.memory_space<vmem_shared>> -> memref<10240x128xf32, #tpu.memory_space<vmem_shared>>
      tpu.enqueue_indirect_dma source(%arg10 : memref<80x128xf32, #tpu.memory_space<vmem>>) target(%dma_start3A_141 : memref<10240x128xf32, #tpu.memory_space<vmem_shared>>) offsets(%dma_start3A_138 : memref<80xi32, #tpu.memory_space<vmem>>) semaphore(%run_scoped3A_135 : memref<!tpu.dma_semaphore, #tpu.memory_space<semaphore_mem>>) {add = true}
      %dma_wait3A_142 = arith.constant 0 : i32
      %dma_wait3A_143 = tpu.memref_slice %arg8[%run_scoped3A_114, %dma_wait3A_142] : memref<64x80xi32, #tpu.memory_space<vmem>> -> memref<1x80xi32, #tpu.memory_space<vmem>>
      %dma_wait3A_144 = tpu.memref_squeeze %dma_wait3A_143 : memref<1x80xi32, #tpu.memory_space<vmem>> -> memref<80xi32, #tpu.memory_space<vmem>>
      %dma_wait3A_145 = arith.constant 0 : i32
      %dma_wait3A_146 = arith.constant 0 : i32
      %dma_wait3A_147 = tpu.memref_slice %arg12[%dma_wait3A_145, %dma_wait3A_146] : memref<10240x128xf32, #tpu.memory_space<vmem_shared>> -> memref<10240x128xf32, #tpu.memory_space<vmem_shared>>
      tpu.wait_indirect_dma semaphore(%run_scoped3A_135 : memref<!tpu.dma_semaphore, #tpu.memory_space<semaphore_mem>>) src(%arg10 : memref<80x128xf32, #tpu.memory_space<vmem>>) dst(%dma_wait3A_147 : memref<10240x128xf32, #tpu.memory_space<vmem_shared>>)
      tpu.yield
    }) : () -> ()
    %dma_wait3A_115 = arith.constant 59 : i32
    %dma_wait3A_116 = arith.constant 0 : i32
    %dma_wait3A_117 = tpu.memref_slice %arg7[%dma_wait3A_115, %dma_wait3A_116] : memref<64x80xi32, #tpu.memory_space<vmem>> -> memref<1x80xi32, #tpu.memory_space<vmem>>
    %dma_wait3A_118 = tpu.memref_squeeze %dma_wait3A_117 : memref<1x80xi32, #tpu.memory_space<vmem>> -> memref<80xi32, #tpu.memory_space<vmem>>
    %dma_wait3A_119 = arith.constant 0 : i32
    %dma_wait3A_120 = arith.constant 0 : i32
    %dma_wait3A_121 = tpu.memref_slice %arg2[%dma_wait3A_119, %dma_wait3A_120] : memref<10000x128xf32, #tpu.memory_space<hbm>> -> memref<10000x128xf32, #tpu.memory_space<hbm>>
    tpu.wait_indirect_dma semaphore(%arg15 : memref<!tpu.dma_semaphore, #tpu.memory_space<semaphore_mem>>) src(%dma_wait3A_121 : memref<10000x128xf32, #tpu.memory_space<hbm>>) dst(%arg11 : memref<80x128xf32, #tpu.memory_space<vmem>>)
    %run_scoped3A_122 = arith.constant 59 : i32
    "tpu.region"() ({
      %run_scoped3A_135 = tpu.sem_alloc : memref<!tpu.dma_semaphore, #tpu.memory_space<semaphore_mem>>
      %dma_start3A_136 = arith.constant 0 : i32
      %dma_start3A_137 = tpu.memref_slice %arg8[%run_scoped3A_122, %dma_start3A_136] : memref<64x80xi32, #tpu.memory_space<vmem>> -> memref<1x80xi32, #tpu.memory_space<vmem>>
      %dma_start3A_138 = tpu.memref_squeeze %dma_start3A_137 : memref<1x80xi32, #tpu.memory_space<vmem>> -> memref<80xi32, #tpu.memory_space<vmem>>
      %dma_start3A_139 = arith.constant 0 : i32
      %dma_start3A_140 = arith.constant 0 : i32
      %dma_start3A_141 = tpu.memref_slice %arg12[%dma_start3A_139, %dma_start3A_140] : memref<10240x128xf32, #tpu.memory_space<vmem_shared>> -> memref<10240x128xf32, #tpu.memory_space<vmem_shared>>
      tpu.enqueue_indirect_dma source(%arg11 : memref<80x128xf32, #tpu.memory_space<vmem>>) target(%dma_start3A_141 : memref<10240x128xf32, #tpu.memory_space<vmem_shared>>) offsets(%dma_start3A_138 : memref<80xi32, #tpu.memory_space<vmem>>) semaphore(%run_scoped3A_135 : memref<!tpu.dma_semaphore, #tpu.memory_space<semaphore_mem>>) {add = true}
      %dma_wait3A_142 = arith.constant 0 : i32
      %dma_wait3A_143 = tpu.memref_slice %arg8[%run_scoped3A_122, %dma_wait3A_142] : memref<64x80xi32, #tpu.memory_space<vmem>> -> memref<1x80xi32, #tpu.memory_space<vmem>>
      %dma_wait3A_144 = tpu.memref_squeeze %dma_wait3A_143 : memref<1x80xi32, #tpu.memory_space<vmem>> -> memref<80xi32, #tpu.memory_space<vmem>>
      %dma_wait3A_145 = arith.constant 0 : i32
      %dma_wait3A_146 = arith.constant 0 : i32
      %dma_wait3A_147 = tpu.memref_slice %arg12[%dma_wait3A_145, %dma_wait3A_146] : memref<10240x128xf32, #tpu.memory_space<vmem_shared>> -> memref<10240x128xf32, #tpu.memory_space<vmem_shared>>
      tpu.wait_indirect_dma semaphore(%run_scoped3A_135 : memref<!tpu.dma_semaphore, #tpu.memory_space<semaphore_mem>>) src(%arg11 : memref<80x128xf32, #tpu.memory_space<vmem>>) dst(%dma_wait3A_147 : memref<10240x128xf32, #tpu.memory_space<vmem_shared>>)
      tpu.yield
    }) : () -> ()
    %dma_wait3A_123 = arith.constant 60 : i32
    %dma_wait3A_124 = arith.constant 0 : i32
    %dma_wait3A_125 = tpu.memref_slice %arg7[%dma_wait3A_123, %dma_wait3A_124] : memref<64x80xi32, #tpu.memory_space<vmem>> -> memref<1x80xi32, #tpu.memory_space<vmem>>
    %dma_wait3A_126 = tpu.memref_squeeze %dma_wait3A_125 : memref<1x80xi32, #tpu.memory_space<vmem>> -> memref<80xi32, #tpu.memory_space<vmem>>
    %dma_wait3A_127 = arith.constant 0 : i32
    %dma_wait3A_128 = arith.constant 0 : i32
    %dma_wait3A_129 = tpu.memref_slice %arg2[%dma_wait3A_127, %dma_wait3A_128] : memref<10000x128xf32, #tpu.memory_space<hbm>> -> memref<10000x128xf32, #tpu.memory_space<hbm>>
    tpu.wait_indirect_dma semaphore(%arg13 : memref<!tpu.dma_semaphore, #tpu.memory_space<semaphore_mem>>) src(%dma_wait3A_129 : memref<10000x128xf32, #tpu.memory_space<hbm>>) dst(%arg9 : memref<80x128xf32, #tpu.memory_space<vmem>>)
    %run_scoped3A_130 = arith.constant 60 : i32
    "tpu.region"() ({
      %run_scoped3A_135 = tpu.sem_alloc : memref<!tpu.dma_semaphore, #tpu.memory_space<semaphore_mem>>
      %dma_start3A_136 = arith.constant 0 : i32
      %dma_start3A_137 = tpu.memref_slice %arg8[%run_scoped3A_130, %dma_start3A_136] : memref<64x80xi32, #tpu.memory_space<vmem>> -> memref<1x80xi32, #tpu.memory_space<vmem>>
      %dma_start3A_138 = tpu.memref_squeeze %dma_start3A_137 : memref<1x80xi32, #tpu.memory_space<vmem>> -> memref<80xi32, #tpu.memory_space<vmem>>
      %dma_start3A_139 = arith.constant 0 : i32
      %dma_start3A_140 = arith.constant 0 : i32
      %dma_start3A_141 = tpu.memref_slice %arg12[%dma_start3A_139, %dma_start3A_140] : memref<10240x128xf32, #tpu.memory_space<vmem_shared>> -> memref<10240x128xf32, #tpu.memory_space<vmem_shared>>
      tpu.enqueue_indirect_dma source(%arg9 : memref<80x128xf32, #tpu.memory_space<vmem>>) target(%dma_start3A_141 : memref<10240x128xf32, #tpu.memory_space<vmem_shared>>) offsets(%dma_start3A_138 : memref<80xi32, #tpu.memory_space<vmem>>) semaphore(%run_scoped3A_135 : memref<!tpu.dma_semaphore, #tpu.memory_space<semaphore_mem>>) {add = true}
      %dma_wait3A_142 = arith.constant 0 : i32
      %dma_wait3A_143 = tpu.memref_slice %arg8[%run_scoped3A_130, %dma_wait3A_142] : memref<64x80xi32, #tpu.memory_space<vmem>> -> memref<1x80xi32, #tpu.memory_space<vmem>>
      %dma_wait3A_144 = tpu.memref_squeeze %dma_wait3A_143 : memref<1x80xi32, #tpu.memory_space<vmem>> -> memref<80xi32, #tpu.memory_space<vmem>>
      %dma_wait3A_145 = arith.constant 0 : i32
      %dma_wait3A_146 = arith.constant 0 : i32
      %dma_wait3A_147 = tpu.memref_slice %arg12[%dma_wait3A_145, %dma_wait3A_146] : memref<10240x128xf32, #tpu.memory_space<vmem_shared>> -> memref<10240x128xf32, #tpu.memory_space<vmem_shared>>
      tpu.wait_indirect_dma semaphore(%run_scoped3A_135 : memref<!tpu.dma_semaphore, #tpu.memory_space<semaphore_mem>>) src(%arg9 : memref<80x128xf32, #tpu.memory_space<vmem>>) dst(%dma_wait3A_147 : memref<10240x128xf32, #tpu.memory_space<vmem_shared>>)
      tpu.yield
    }) : () -> ()
    %barrier3A_131 = arith.constant 0 : index
    tpu.barrier barrier_id(%barrier3A_131)
    %mul3A_132 = arith.constant 10240 : i32
    %mul3A_133 = arith.muli %arg0, %mul3A_132 : i32
    %add3A_134 = arith.addi %mul3A_133, %mul3A_2 : i32
    "tpu.region"() ({
      %run_scoped3A_135 = tpu.sem_alloc : memref<!tpu.dma_semaphore, #tpu.memory_space<semaphore_mem>>
      %dma_start3A_136 = arith.constant 0 : i32
      %dma_start3A_137 = tpu.memref_slice %arg6[%add3A_134, %dma_start3A_136] : memref<20480x128xf32, #tpu.memory_space<hbm>> -> memref<640x128xf32, #tpu.memory_space<hbm>>
      %dma_start3A_138 = arith.constant 0 : i32
      %dma_start3A_139 = tpu.memref_slice %arg12[%mul3A_2, %dma_start3A_138] : memref<10240x128xf32, #tpu.memory_space<vmem_shared>> -> memref<640x128xf32, #tpu.memory_space<vmem_shared>>
      tpu.enqueue_dma source(%dma_start3A_139 : memref<640x128xf32, #tpu.memory_space<vmem_shared>>) target(%dma_start3A_137 : memref<640x128xf32, #tpu.memory_space<hbm>>) target_semaphore(%run_scoped3A_135 : memref<!tpu.dma_semaphore, #tpu.memory_space<semaphore_mem>>)
      %dma_wait3A_140 = arith.constant 0 : i32
      %dma_wait3A_141 = tpu.memref_slice %arg6[%add3A_134, %dma_wait3A_140] : memref<20480x128xf32, #tpu.memory_space<hbm>> -> memref<640x128xf32, #tpu.memory_space<hbm>>
      %dma_wait3A_142 = arith.constant 0 : i32
      %dma_wait3A_143 = tpu.memref_slice %arg12[%mul3A_2, %dma_wait3A_142] : memref<10240x128xf32, #tpu.memory_space<vmem_shared>> -> memref<640x128xf32, #tpu.memory_space<vmem_shared>>
      tpu.wait_dma2 semaphore(%run_scoped3A_135 : memref<!tpu.dma_semaphore, #tpu.memory_space<semaphore_mem>>) src(%dma_wait3A_143 : memref<640x128xf32, #tpu.memory_space<vmem_shared>>) dst(%dma_wait3A_141 : memref<640x128xf32, #tpu.memory_space<hbm>>)
      tpu.yield
    }) : () -> ()
    return
  }
}

#map = affine_map<(d0, d1) -> (0, 0)>
#map1 = affine_map<(d0, d1) -> (0, 0, 0)>
module attributes {stable_mosaic.version = 14 : i64} {
  func.func @sc_agg(%arg0: i32, %arg1: i32, %arg2: memref<10000x128xf32, #tpu.memory_space<hbm>>, %arg3: memref<32x125x80xi32, #tpu.memory_space<hbm>>, %arg4: memref<32x125x80xi32, #tpu.memory_space<hbm>>, %arg5: memref<10240x128xf32, #tpu.memory_space<hbm>>, %arg6: memref<20480x128xf32, #tpu.memory_space<hbm>>, %arg7: memref<64x80xi32, #tpu.memory_space<vmem>>, %arg8: memref<64x80xi32, #tpu.memory_space<vmem>>, %arg9: memref<80x128xf32, #tpu.memory_space<vmem>>, %arg10: memref<80x128xf32, #tpu.memory_space<vmem>>, %arg11: memref<80x128xf32, #tpu.memory_space<vmem>>, %arg12: memref<10240x128xf32, #tpu.memory_space<vmem_shared>>, %arg13: memref<!tpu.dma_semaphore, #tpu.memory_space<semaphore_mem>>, %arg14: memref<!tpu.dma_semaphore, #tpu.memory_space<semaphore_mem>>, %arg15: memref<!tpu.dma_semaphore, #tpu.memory_space<semaphore_mem>>) attributes {dimension_semantics = [#tpu.dimension_semantics<core_parallel>, #tpu.dimension_semantics<subcore_parallel>], iteration_bounds = array<i64: 2, 16>, scalar_prefetch = 0 : i64, scratch_operands = 9 : i64, tpu.core_type = #tpu.core_type<sc_vector_subcore>, window_params = [{transform_indices = #map}, {transform_indices = #map1}, {transform_indices = #map1}, {transform_indices = #map}, {transform_indices = #map}]} {
    %mul3A = arith.constant 16 : i32
    %mul3A_0 = arith.muli %arg0, %mul3A : i32
    %add3A = arith.addi %mul3A_0, %arg1 : i32
    %mul3A_1 = arith.constant 640 : i32
    %mul3A_2 = arith.muli %arg1, %mul3A_1 : i32
    "tpu.region"() ({
      %run_scoped3A_135 = tpu.sem_alloc : memref<!tpu.dma_semaphore, #tpu.memory_space<semaphore_mem>>
      %dma_start3A_136 = arith.constant 0 : i32
      %dma_start3A_137 = tpu.memref_slice %arg12[%mul3A_2, %dma_start3A_136] : memref<10240x128xf32, #tpu.memory_space<vmem_shared>> -> memref<640x128xf32, #tpu.memory_space<vmem_shared>>
      %dma_start3A_138 = arith.constant 0 : i32
      %dma_start3A_139 = tpu.memref_slice %arg5[%mul3A_2, %dma_start3A_138] : memref<10240x128xf32, #tpu.memory_space<hbm>> -> memref<640x128xf32, #tpu.memory_space<hbm>>
      tpu.enqueue_dma source(%dma_start3A_139 : memref<640x128xf32, #tpu.memory_space<hbm>>) target(%dma_start3A_137 : memref<640x128xf32, #tpu.memory_space<vmem_shared>>) target_semaphore(%run_scoped3A_135 : memref<!tpu.dma_semaphore, #tpu.memory_space<semaphore_mem>>)
      %dma_wait3A_140 = arith.constant 0 : i32
      %dma_wait3A_141 = tpu.memref_slice %arg12[%mul3A_2, %dma_wait3A_140] : memref<10240x128xf32, #tpu.memory_space<vmem_shared>> -> memref<640x128xf32, #tpu.memory_space<vmem_shared>>
      %dma_wait3A_142 = arith.constant 0 : i32
      %dma_wait3A_143 = tpu.memref_slice %arg5[%mul3A_2, %dma_wait3A_142] : memref<10240x128xf32, #tpu.memory_space<hbm>> -> memref<640x128xf32, #tpu.memory_space<hbm>>
      tpu.wait_dma2 semaphore(%run_scoped3A_135 : memref<!tpu.dma_semaphore, #tpu.memory_space<semaphore_mem>>) src(%dma_wait3A_143 : memref<640x128xf32, #tpu.memory_space<hbm>>) dst(%dma_wait3A_141 : memref<640x128xf32, #tpu.memory_space<vmem_shared>>)
      tpu.yield
    }) : () -> ()
    %barrier3A = arith.constant 0 : index
    tpu.barrier barrier_id(%barrier3A)
    "tpu.region"() ({
      %run_scoped3A_135 = tpu.sem_alloc : memref<!tpu.dma_semaphore, #tpu.memory_space<semaphore_mem>>
      %dma_start3A_136 = arith.constant 0 : i32
      %dma_start3A_137 = arith.constant 0 : i32
      %dma_start3A_138 = tpu.memref_slice %arg7[%dma_start3A_136, %dma_start3A_137] : memref<64x80xi32, #tpu.memory_space<vmem>> -> memref<64x80xi32, #tpu.memory_space<vmem>>
      %dma_start3A_139 = arith.constant 0 : i32
      %dma_start3A_140 = arith.constant 0 : i32
      %dma_start3A_141 = tpu.memref_slice %arg3[%add3A, %dma_start3A_139, %dma_start3A_140] : memref<32x125x80xi32, #tpu.memory_space<hbm>> -> memref<1x64x80xi32, #tpu.memory_space<hbm>>
      %dma_start3A_142 = tpu.memref_squeeze %dma_start3A_141 : memref<1x64x80xi32, #tpu.memory_space<hbm>> -> memref<64x80xi32, #tpu.memory_space<hbm>>
      %dma_start3A_143 = arith.constant 0 : i32
      %dma_start3A_144 = arith.constant 0 : i32
      %dma_start3A_145 = tpu.memref_slice %arg7[%dma_start3A_143, %dma_start3A_144] : memref<64x80xi32, #tpu.memory_space<vmem>> -> memref<64x80xi32, #tpu.memory_space<vmem>>
      %dma_start3A_146 = arith.constant 0 : i32
      %dma_start3A_147 = arith.constant 0 : i32
      %dma_start3A_148 = tpu.memref_slice %arg3[%add3A, %dma_start3A_146, %dma_start3A_147] : memref<32x125x80xi32, #tpu.memory_space<hbm>> -> memref<1x64x80xi32, #tpu.memory_space<hbm>>
      %dma_start3A_149 = tpu.memref_squeeze %dma_start3A_148 : memref<1x64x80xi32, #tpu.memory_space<hbm>> -> memref<64x80xi32, #tpu.memory_space<hbm>>
      tpu.enqueue_dma source(%dma_start3A_149 : memref<64x80xi32, #tpu.memory_space<hbm>>) target(%dma_start3A_145 : memref<64x80xi32, #tpu.memory_space<vmem>>) target_semaphore(%run_scoped3A_135 : memref<!tpu.dma_semaphore, #tpu.memory_space<semaphore_mem>>)
      %dma_wait3A_150 = arith.constant 0 : i32
      %dma_wait3A_151 = arith.constant 0 : i32
      %dma_wait3A_152 = tpu.memref_slice %arg7[%dma_wait3A_150, %dma_wait3A_151] : memref<64x80xi32, #tpu.memory_space<vmem>> -> memref<64x80xi32, #tpu.memory_space<vmem>>
      %dma_wait3A_153 = arith.constant 0 : i32
      %dma_wait3A_154 = arith.constant 0 : i32
      %dma_wait3A_155 = tpu.memref_slice %arg3[%add3A, %dma_wait3A_153, %dma_wait3A_154] : memref<32x125x80xi32, #tpu.memory_space<hbm>> -> memref<1x64x80xi32, #tpu.memory_space<hbm>>
      %dma_wait3A_156 = tpu.memref_squeeze %dma_wait3A_155 : memref<1x64x80xi32, #tpu.memory_space<hbm>> -> memref<64x80xi32, #tpu.memory_space<hbm>>
      %dma_wait3A_157 = arith.constant 0 : i32
      %dma_wait3A_158 = arith.constant 0 : i32
      %dma_wait3A_159 = tpu.memref_slice %arg7[%dma_wait3A_157, %dma_wait3A_158] : memref<64x80xi32, #tpu.memory_space<vmem>> -> memref<64x80xi32, #tpu.memory_space<vmem>>
      %dma_wait3A_160 = arith.constant 0 : i32
      %dma_wait3A_161 = arith.constant 0 : i32
      %dma_wait3A_162 = tpu.memref_slice %arg3[%add3A, %dma_wait3A_160, %dma_wait3A_161] : memref<32x125x80xi32, #tpu.memory_space<hbm>> -> memref<1x64x80xi32, #tpu.memory_space<hbm>>
      %dma_wait3A_163 = tpu.memref_squeeze %dma_wait3A_162 : memref<1x64x80xi32, #tpu.memory_space<hbm>> -> memref<64x80xi32, #tpu.memory_space<hbm>>
      tpu.wait_dma2 semaphore(%run_scoped3A_135 : memref<!tpu.dma_semaphore, #tpu.memory_space<semaphore_mem>>) src(%dma_wait3A_163 : memref<64x80xi32, #tpu.memory_space<hbm>>) dst(%dma_wait3A_159 : memref<64x80xi32, #tpu.memory_space<vmem>>)
      tpu.yield
    }) : () -> ()
    "tpu.region"() ({
      %run_scoped3A_135 = tpu.sem_alloc : memref<!tpu.dma_semaphore, #tpu.memory_space<semaphore_mem>>
      %dma_start3A_136 = arith.constant 0 : i32
      %dma_start3A_137 = arith.constant 0 : i32
      %dma_start3A_138 = tpu.memref_slice %arg8[%dma_start3A_136, %dma_start3A_137] : memref<64x80xi32, #tpu.memory_space<vmem>> -> memref<64x80xi32, #tpu.memory_space<vmem>>
      %dma_start3A_139 = arith.constant 0 : i32
      %dma_start3A_140 = arith.constant 0 : i32
      %dma_start3A_141 = tpu.memref_slice %arg4[%add3A, %dma_start3A_139, %dma_start3A_140] : memref<32x125x80xi32, #tpu.memory_space<hbm>> -> memref<1x64x80xi32, #tpu.memory_space<hbm>>
      %dma_start3A_142 = tpu.memref_squeeze %dma_start3A_141 : memref<1x64x80xi32, #tpu.memory_space<hbm>> -> memref<64x80xi32, #tpu.memory_space<hbm>>
      %dma_start3A_143 = arith.constant 0 : i32
      %dma_start3A_144 = arith.constant 0 : i32
      %dma_start3A_145 = tpu.memref_slice %arg8[%dma_start3A_143, %dma_start3A_144] : memref<64x80xi32, #tpu.memory_space<vmem>> -> memref<64x80xi32, #tpu.memory_space<vmem>>
      %dma_start3A_146 = arith.constant 0 : i32
      %dma_start3A_147 = arith.constant 0 : i32
      %dma_start3A_148 = tpu.memref_slice %arg4[%add3A, %dma_start3A_146, %dma_start3A_147] : memref<32x125x80xi32, #tpu.memory_space<hbm>> -> memref<1x64x80xi32, #tpu.memory_space<hbm>>
      %dma_start3A_149 = tpu.memref_squeeze %dma_start3A_148 : memref<1x64x80xi32, #tpu.memory_space<hbm>> -> memref<64x80xi32, #tpu.memory_space<hbm>>
      tpu.enqueue_dma source(%dma_start3A_149 : memref<64x80xi32, #tpu.memory_space<hbm>>) target(%dma_start3A_145 : memref<64x80xi32, #tpu.memory_space<vmem>>) target_semaphore(%run_scoped3A_135 : memref<!tpu.dma_semaphore, #tpu.memory_space<semaphore_mem>>)
      %dma_wait3A_150 = arith.constant 0 : i32
      %dma_wait3A_151 = arith.constant 0 : i32
      %dma_wait3A_152 = tpu.memref_slice %arg8[%dma_wait3A_150, %dma_wait3A_151] : memref<64x80xi32, #tpu.memory_space<vmem>> -> memref<64x80xi32, #tpu.memory_space<vmem>>
      %dma_wait3A_153 = arith.constant 0 : i32
      %dma_wait3A_154 = arith.constant 0 : i32
      %dma_wait3A_155 = tpu.memref_slice %arg4[%add3A, %dma_wait3A_153, %dma_wait3A_154] : memref<32x125x80xi32, #tpu.memory_space<hbm>> -> memref<1x64x80xi32, #tpu.memory_space<hbm>>
      %dma_wait3A_156 = tpu.memref_squeeze %dma_wait3A_155 : memref<1x64x80xi32, #tpu.memory_space<hbm>> -> memref<64x80xi32, #tpu.memory_space<hbm>>
      %dma_wait3A_157 = arith.constant 0 : i32
      %dma_wait3A_158 = arith.constant 0 : i32
      %dma_wait3A_159 = tpu.memref_slice %arg8[%dma_wait3A_157, %dma_wait3A_158] : memref<64x80xi32, #tpu.memory_space<vmem>> -> memref<64x80xi32, #tpu.memory_space<vmem>>
      %dma_wait3A_160 = arith.constant 0 : i32
      %dma_wait3A_161 = arith.constant 0 : i32
      %dma_wait3A_162 = tpu.memref_slice %arg4[%add3A, %dma_wait3A_160, %dma_wait3A_161] : memref<32x125x80xi32, #tpu.memory_space<hbm>> -> memref<1x64x80xi32, #tpu.memory_space<hbm>>
      %dma_wait3A_163 = tpu.memref_squeeze %dma_wait3A_162 : memref<1x64x80xi32, #tpu.memory_space<hbm>> -> memref<64x80xi32, #tpu.memory_space<hbm>>
      tpu.wait_dma2 semaphore(%run_scoped3A_135 : memref<!tpu.dma_semaphore, #tpu.memory_space<semaphore_mem>>) src(%dma_wait3A_163 : memref<64x80xi32, #tpu.memory_space<hbm>>) dst(%dma_wait3A_159 : memref<64x80xi32, #tpu.memory_space<vmem>>)
      tpu.yield
    }) : () -> ()
    %dma_start3A = arith.constant 0 : i32
    %dma_start3A_3 = arith.constant 0 : i32
    %dma_start3A_4 = tpu.memref_slice %arg7[%dma_start3A, %dma_start3A_3] : memref<64x80xi32, #tpu.memory_space<vmem>> -> memref<1x80xi32, #tpu.memory_space<vmem>>
    %dma_start3A_5 = tpu.memref_squeeze %dma_start3A_4 : memref<1x80xi32, #tpu.memory_space<vmem>> -> memref<80xi32, #tpu.memory_space<vmem>>
    %dma_start3A_6 = arith.constant 0 : i32
    %dma_start3A_7 = arith.constant 0 : i32
    %dma_start3A_8 = tpu.memref_slice %arg2[%dma_start3A_6, %dma_start3A_7] : memref<10000x128xf32, #tpu.memory_space<hbm>> -> memref<10000x128xf32, #tpu.memory_space<hbm>>
    tpu.enqueue_indirect_dma source(%dma_start3A_8 : memref<10000x128xf32, #tpu.memory_space<hbm>>) target(%arg9 : memref<80x128xf32, #tpu.memory_space<vmem>>) offsets(%dma_start3A_5 : memref<80xi32, #tpu.memory_space<vmem>>) semaphore(%arg13 : memref<!tpu.dma_semaphore, #tpu.memory_space<semaphore_mem>>)
    %dma_start3A_9 = arith.constant 1 : i32
    %dma_start3A_10 = arith.constant 0 : i32
    %dma_start3A_11 = tpu.memref_slice %arg7[%dma_start3A_9, %dma_start3A_10] : memref<64x80xi32, #tpu.memory_space<vmem>> -> memref<1x80xi32, #tpu.memory_space<vmem>>
    %dma_start3A_12 = tpu.memref_squeeze %dma_start3A_11 : memref<1x80xi32, #tpu.memory_space<vmem>> -> memref<80xi32, #tpu.memory_space<vmem>>
    %dma_start3A_13 = arith.constant 0 : i32
    %dma_start3A_14 = arith.constant 0 : i32
    %dma_start3A_15 = tpu.memref_slice %arg2[%dma_start3A_13, %dma_start3A_14] : memref<10000x128xf32, #tpu.memory_space<hbm>> -> memref<10000x128xf32, #tpu.memory_space<hbm>>
    tpu.enqueue_indirect_dma source(%dma_start3A_15 : memref<10000x128xf32, #tpu.memory_space<hbm>>) target(%arg10 : memref<80x128xf32, #tpu.memory_space<vmem>>) offsets(%dma_start3A_12 : memref<80xi32, #tpu.memory_space<vmem>>) semaphore(%arg14 : memref<!tpu.dma_semaphore, #tpu.memory_space<semaphore_mem>>)
    %dma_start3A_16 = arith.constant 2 : i32
    %dma_start3A_17 = arith.constant 0 : i32
    %dma_start3A_18 = tpu.memref_slice %arg7[%dma_start3A_16, %dma_start3A_17] : memref<64x80xi32, #tpu.memory_space<vmem>> -> memref<1x80xi32, #tpu.memory_space<vmem>>
    %dma_start3A_19 = tpu.memref_squeeze %dma_start3A_18 : memref<1x80xi32, #tpu.memory_space<vmem>> -> memref<80xi32, #tpu.memory_space<vmem>>
    %dma_start3A_20 = arith.constant 0 : i32
    %dma_start3A_21 = arith.constant 0 : i32
    %dma_start3A_22 = tpu.memref_slice %arg2[%dma_start3A_20, %dma_start3A_21] : memref<10000x128xf32, #tpu.memory_space<hbm>> -> memref<10000x128xf32, #tpu.memory_space<hbm>>
    tpu.enqueue_indirect_dma source(%dma_start3A_22 : memref<10000x128xf32, #tpu.memory_space<hbm>>) target(%arg11 : memref<80x128xf32, #tpu.memory_space<vmem>>) offsets(%dma_start3A_19 : memref<80xi32, #tpu.memory_space<vmem>>) semaphore(%arg15 : memref<!tpu.dma_semaphore, #tpu.memory_space<semaphore_mem>>)
    %scan3A = arith.constant 0 : i32
    %scan3A_23 = arith.constant 0 : i32
    %scan3A_24 = arith.constant 20 : i32
    %scan3A_25 = arith.addi %scan3A_23, %scan3A_24 : i32
    %scan3A_26 = arith.constant 1 : i32
    scf.for %scan3A_135 = %scan3A_23 to %scan3A_25 step %scan3A_26  : i32 {
      %mul3A_136 = arith.constant 3 : i32
      %mul3A_137 = arith.muli %mul3A_136, %scan3A_135 : i32
      %dma_wait3A_138 = arith.constant 0 : i32
      %dma_wait3A_139 = tpu.memref_slice %arg7[%mul3A_137, %dma_wait3A_138] : memref<64x80xi32, #tpu.memory_space<vmem>> -> memref<1x80xi32, #tpu.memory_space<vmem>>
      %dma_wait3A_140 = tpu.memref_squeeze %dma_wait3A_139 : memref<1x80xi32, #tpu.memory_space<vmem>> -> memref<80xi32, #tpu.memory_space<vmem>>
      %dma_wait3A_141 = arith.constant 0 : i32
      %dma_wait3A_142 = arith.constant 0 : i32
      %dma_wait3A_143 = tpu.memref_slice %arg2[%dma_wait3A_141, %dma_wait3A_142] : memref<10000x128xf32, #tpu.memory_space<hbm>> -> memref<10000x128xf32, #tpu.memory_space<hbm>>
      tpu.wait_indirect_dma semaphore(%arg13 : memref<!tpu.dma_semaphore, #tpu.memory_space<semaphore_mem>>) src(%dma_wait3A_143 : memref<10000x128xf32, #tpu.memory_space<hbm>>) dst(%arg9 : memref<80x128xf32, #tpu.memory_space<vmem>>)
      "tpu.region"() ({
        %run_scoped3A_184 = tpu.sem_alloc : memref<!tpu.dma_semaphore, #tpu.memory_space<semaphore_mem>>
        %dma_start3A_185 = arith.constant 0 : i32
        %dma_start3A_186 = tpu.memref_slice %arg8[%mul3A_137, %dma_start3A_185] : memref<64x80xi32, #tpu.memory_space<vmem>> -> memref<1x80xi32, #tpu.memory_space<vmem>>
        %dma_start3A_187 = tpu.memref_squeeze %dma_start3A_186 : memref<1x80xi32, #tpu.memory_space<vmem>> -> memref<80xi32, #tpu.memory_space<vmem>>
        %dma_start3A_188 = arith.constant 0 : i32
        %dma_start3A_189 = arith.constant 0 : i32
        %dma_start3A_190 = tpu.memref_slice %arg12[%dma_start3A_188, %dma_start3A_189] : memref<10240x128xf32, #tpu.memory_space<vmem_shared>> -> memref<10240x128xf32, #tpu.memory_space<vmem_shared>>
        tpu.enqueue_indirect_dma source(%arg9 : memref<80x128xf32, #tpu.memory_space<vmem>>) target(%dma_start3A_190 : memref<10240x128xf32, #tpu.memory_space<vmem_shared>>) offsets(%dma_start3A_187 : memref<80xi32, #tpu.memory_space<vmem>>) semaphore(%run_scoped3A_184 : memref<!tpu.dma_semaphore, #tpu.memory_space<semaphore_mem>>) {add = true}
        %dma_wait3A_191 = arith.constant 0 : i32
        %dma_wait3A_192 = tpu.memref_slice %arg8[%mul3A_137, %dma_wait3A_191] : memref<64x80xi32, #tpu.memory_space<vmem>> -> memref<1x80xi32, #tpu.memory_space<vmem>>
        %dma_wait3A_193 = tpu.memref_squeeze %dma_wait3A_192 : memref<1x80xi32, #tpu.memory_space<vmem>> -> memref<80xi32, #tpu.memory_space<vmem>>
        %dma_wait3A_194 = arith.constant 0 : i32
        %dma_wait3A_195 = arith.constant 0 : i32
        %dma_wait3A_196 = tpu.memref_slice %arg12[%dma_wait3A_194, %dma_wait3A_195] : memref<10240x128xf32, #tpu.memory_space<vmem_shared>> -> memref<10240x128xf32, #tpu.memory_space<vmem_shared>>
        tpu.wait_indirect_dma semaphore(%run_scoped3A_184 : memref<!tpu.dma_semaphore, #tpu.memory_space<semaphore_mem>>) src(%arg9 : memref<80x128xf32, #tpu.memory_space<vmem>>) dst(%dma_wait3A_196 : memref<10240x128xf32, #tpu.memory_space<vmem_shared>>)
        tpu.yield
      }) : () -> ()
      %add3A_144 = arith.constant 3 : i32
      %add3A_145 = arith.addi %mul3A_137, %add3A_144 : i32
      %dma_start3A_146 = arith.constant 0 : i32
      %dma_start3A_147 = tpu.memref_slice %arg7[%add3A_145, %dma_start3A_146] : memref<64x80xi32, #tpu.memory_space<vmem>> -> memref<1x80xi32, #tpu.memory_space<vmem>>
      %dma_start3A_148 = tpu.memref_squeeze %dma_start3A_147 : memref<1x80xi32, #tpu.memory_space<vmem>> -> memref<80xi32, #tpu.memory_space<vmem>>
      %dma_start3A_149 = arith.constant 0 : i32
      %dma_start3A_150 = arith.constant 0 : i32
      %dma_start3A_151 = tpu.memref_slice %arg2[%dma_start3A_149, %dma_start3A_150] : memref<10000x128xf32, #tpu.memory_space<hbm>> -> memref<10000x128xf32, #tpu.memory_space<hbm>>
      tpu.enqueue_indirect_dma source(%dma_start3A_151 : memref<10000x128xf32, #tpu.memory_space<hbm>>) target(%arg9 : memref<80x128xf32, #tpu.memory_space<vmem>>) offsets(%dma_start3A_148 : memref<80xi32, #tpu.memory_space<vmem>>) semaphore(%arg13 : memref<!tpu.dma_semaphore, #tpu.memory_space<semaphore_mem>>)
      %add3A_152 = arith.constant 1 : i32
      %add3A_153 = arith.addi %mul3A_137, %add3A_152 : i32
      %dma_wait3A_154 = arith.constant 0 : i32
      %dma_wait3A_155 = tpu.memref_slice %arg7[%add3A_153, %dma_wait3A_154] : memref<64x80xi32, #tpu.memory_space<vmem>> -> memref<1x80xi32, #tpu.memory_space<vmem>>
      %dma_wait3A_156 = tpu.memref_squeeze %dma_wait3A_155 : memref<1x80xi32, #tpu.memory_space<vmem>> -> memref<80xi32, #tpu.memory_space<vmem>>
      %dma_wait3A_157 = arith.constant 0 : i32
      %dma_wait3A_158 = arith.constant 0 : i32
      %dma_wait3A_159 = tpu.memref_slice %arg2[%dma_wait3A_157, %dma_wait3A_158] : memref<10000x128xf32, #tpu.memory_space<hbm>> -> memref<10000x128xf32, #tpu.memory_space<hbm>>
      tpu.wait_indirect_dma semaphore(%arg14 : memref<!tpu.dma_semaphore, #tpu.memory_space<semaphore_mem>>) src(%dma_wait3A_159 : memref<10000x128xf32, #tpu.memory_space<hbm>>) dst(%arg10 : memref<80x128xf32, #tpu.memory_space<vmem>>)
      "tpu.region"() ({
        %run_scoped3A_184 = tpu.sem_alloc : memref<!tpu.dma_semaphore, #tpu.memory_space<semaphore_mem>>
        %dma_start3A_185 = arith.constant 0 : i32
        %dma_start3A_186 = tpu.memref_slice %arg8[%add3A_153, %dma_start3A_185] : memref<64x80xi32, #tpu.memory_space<vmem>> -> memref<1x80xi32, #tpu.memory_space<vmem>>
        %dma_start3A_187 = tpu.memref_squeeze %dma_start3A_186 : memref<1x80xi32, #tpu.memory_space<vmem>> -> memref<80xi32, #tpu.memory_space<vmem>>
        %dma_start3A_188 = arith.constant 0 : i32
        %dma_start3A_189 = arith.constant 0 : i32
        %dma_start3A_190 = tpu.memref_slice %arg12[%dma_start3A_188, %dma_start3A_189] : memref<10240x128xf32, #tpu.memory_space<vmem_shared>> -> memref<10240x128xf32, #tpu.memory_space<vmem_shared>>
        tpu.enqueue_indirect_dma source(%arg10 : memref<80x128xf32, #tpu.memory_space<vmem>>) target(%dma_start3A_190 : memref<10240x128xf32, #tpu.memory_space<vmem_shared>>) offsets(%dma_start3A_187 : memref<80xi32, #tpu.memory_space<vmem>>) semaphore(%run_scoped3A_184 : memref<!tpu.dma_semaphore, #tpu.memory_space<semaphore_mem>>) {add = true}
        %dma_wait3A_191 = arith.constant 0 : i32
        %dma_wait3A_192 = tpu.memref_slice %arg8[%add3A_153, %dma_wait3A_191] : memref<64x80xi32, #tpu.memory_space<vmem>> -> memref<1x80xi32, #tpu.memory_space<vmem>>
        %dma_wait3A_193 = tpu.memref_squeeze %dma_wait3A_192 : memref<1x80xi32, #tpu.memory_space<vmem>> -> memref<80xi32, #tpu.memory_space<vmem>>
        %dma_wait3A_194 = arith.constant 0 : i32
        %dma_wait3A_195 = arith.constant 0 : i32
        %dma_wait3A_196 = tpu.memref_slice %arg12[%dma_wait3A_194, %dma_wait3A_195] : memref<10240x128xf32, #tpu.memory_space<vmem_shared>> -> memref<10240x128xf32, #tpu.memory_space<vmem_shared>>
        tpu.wait_indirect_dma semaphore(%run_scoped3A_184 : memref<!tpu.dma_semaphore, #tpu.memory_space<semaphore_mem>>) src(%arg10 : memref<80x128xf32, #tpu.memory_space<vmem>>) dst(%dma_wait3A_196 : memref<10240x128xf32, #tpu.memory_space<vmem_shared>>)
        tpu.yield
      }) : () -> ()
      %add3A_160 = arith.constant 4 : i32
      %add3A_161 = arith.addi %mul3A_137, %add3A_160 : i32
      %dma_start3A_162 = arith.constant 0 : i32
      %dma_start3A_163 = tpu.memref_slice %arg7[%add3A_161, %dma_start3A_162] : memref<64x80xi32, #tpu.memory_space<vmem>> -> memref<1x80xi32, #tpu.memory_space<vmem>>
      %dma_start3A_164 = tpu.memref_squeeze %dma_start3A_163 : memref<1x80xi32, #tpu.memory_space<vmem>> -> memref<80xi32, #tpu.memory_space<vmem>>
      %dma_start3A_165 = arith.constant 0 : i32
      %dma_start3A_166 = arith.constant 0 : i32
      %dma_start3A_167 = tpu.memref_slice %arg2[%dma_start3A_165, %dma_start3A_166] : memref<10000x128xf32, #tpu.memory_space<hbm>> -> memref<10000x128xf32, #tpu.memory_space<hbm>>
      tpu.enqueue_indirect_dma source(%dma_start3A_167 : memref<10000x128xf32, #tpu.memory_space<hbm>>) target(%arg10 : memref<80x128xf32, #tpu.memory_space<vmem>>) offsets(%dma_start3A_164 : memref<80xi32, #tpu.memory_space<vmem>>) semaphore(%arg14 : memref<!tpu.dma_semaphore, #tpu.memory_space<semaphore_mem>>)
      %add3A_168 = arith.constant 2 : i32
      %add3A_169 = arith.addi %mul3A_137, %add3A_168 : i32
      %dma_wait3A_170 = arith.constant 0 : i32
      %dma_wait3A_171 = tpu.memref_slice %arg7[%add3A_169, %dma_wait3A_170] : memref<64x80xi32, #tpu.memory_space<vmem>> -> memref<1x80xi32, #tpu.memory_space<vmem>>
      %dma_wait3A_172 = tpu.memref_squeeze %dma_wait3A_171 : memref<1x80xi32, #tpu.memory_space<vmem>> -> memref<80xi32, #tpu.memory_space<vmem>>
      %dma_wait3A_173 = arith.constant 0 : i32
      %dma_wait3A_174 = arith.constant 0 : i32
      %dma_wait3A_175 = tpu.memref_slice %arg2[%dma_wait3A_173, %dma_wait3A_174] : memref<10000x128xf32, #tpu.memory_space<hbm>> -> memref<10000x128xf32, #tpu.memory_space<hbm>>
      tpu.wait_indirect_dma semaphore(%arg15 : memref<!tpu.dma_semaphore, #tpu.memory_space<semaphore_mem>>) src(%dma_wait3A_175 : memref<10000x128xf32, #tpu.memory_space<hbm>>) dst(%arg11 : memref<80x128xf32, #tpu.memory_space<vmem>>)
      "tpu.region"() ({
        %run_scoped3A_184 = tpu.sem_alloc : memref<!tpu.dma_semaphore, #tpu.memory_space<semaphore_mem>>
        %dma_start3A_185 = arith.constant 0 : i32
        %dma_start3A_186 = tpu.memref_slice %arg8[%add3A_169, %dma_start3A_185] : memref<64x80xi32, #tpu.memory_space<vmem>> -> memref<1x80xi32, #tpu.memory_space<vmem>>
        %dma_start3A_187 = tpu.memref_squeeze %dma_start3A_186 : memref<1x80xi32, #tpu.memory_space<vmem>> -> memref<80xi32, #tpu.memory_space<vmem>>
        %dma_start3A_188 = arith.constant 0 : i32
        %dma_start3A_189 = arith.constant 0 : i32
        %dma_start3A_190 = tpu.memref_slice %arg12[%dma_start3A_188, %dma_start3A_189] : memref<10240x128xf32, #tpu.memory_space<vmem_shared>> -> memref<10240x128xf32, #tpu.memory_space<vmem_shared>>
        tpu.enqueue_indirect_dma source(%arg11 : memref<80x128xf32, #tpu.memory_space<vmem>>) target(%dma_start3A_190 : memref<10240x128xf32, #tpu.memory_space<vmem_shared>>) offsets(%dma_start3A_187 : memref<80xi32, #tpu.memory_space<vmem>>) semaphore(%run_scoped3A_184 : memref<!tpu.dma_semaphore, #tpu.memory_space<semaphore_mem>>) {add = true}
        %dma_wait3A_191 = arith.constant 0 : i32
        %dma_wait3A_192 = tpu.memref_slice %arg8[%add3A_169, %dma_wait3A_191] : memref<64x80xi32, #tpu.memory_space<vmem>> -> memref<1x80xi32, #tpu.memory_space<vmem>>
        %dma_wait3A_193 = tpu.memref_squeeze %dma_wait3A_192 : memref<1x80xi32, #tpu.memory_space<vmem>> -> memref<80xi32, #tpu.memory_space<vmem>>
        %dma_wait3A_194 = arith.constant 0 : i32
        %dma_wait3A_195 = arith.constant 0 : i32
        %dma_wait3A_196 = tpu.memref_slice %arg12[%dma_wait3A_194, %dma_wait3A_195] : memref<10240x128xf32, #tpu.memory_space<vmem_shared>> -> memref<10240x128xf32, #tpu.memory_space<vmem_shared>>
        tpu.wait_indirect_dma semaphore(%run_scoped3A_184 : memref<!tpu.dma_semaphore, #tpu.memory_space<semaphore_mem>>) src(%arg11 : memref<80x128xf32, #tpu.memory_space<vmem>>) dst(%dma_wait3A_196 : memref<10240x128xf32, #tpu.memory_space<vmem_shared>>)
        tpu.yield
      }) : () -> ()
      %add3A_176 = arith.constant 5 : i32
      %add3A_177 = arith.addi %mul3A_137, %add3A_176 : i32
      %dma_start3A_178 = arith.constant 0 : i32
      %dma_start3A_179 = tpu.memref_slice %arg7[%add3A_177, %dma_start3A_178] : memref<64x80xi32, #tpu.memory_space<vmem>> -> memref<1x80xi32, #tpu.memory_space<vmem>>
      %dma_start3A_180 = tpu.memref_squeeze %dma_start3A_179 : memref<1x80xi32, #tpu.memory_space<vmem>> -> memref<80xi32, #tpu.memory_space<vmem>>
      %dma_start3A_181 = arith.constant 0 : i32
      %dma_start3A_182 = arith.constant 0 : i32
      %dma_start3A_183 = tpu.memref_slice %arg2[%dma_start3A_181, %dma_start3A_182] : memref<10000x128xf32, #tpu.memory_space<hbm>> -> memref<10000x128xf32, #tpu.memory_space<hbm>>
      tpu.enqueue_indirect_dma source(%dma_start3A_183 : memref<10000x128xf32, #tpu.memory_space<hbm>>) target(%arg11 : memref<80x128xf32, #tpu.memory_space<vmem>>) offsets(%dma_start3A_180 : memref<80xi32, #tpu.memory_space<vmem>>) semaphore(%arg15 : memref<!tpu.dma_semaphore, #tpu.memory_space<semaphore_mem>>)
    }
    %scan3A_27 = arith.constant 20 : i32
    %dma_wait3A = arith.constant 60 : i32
    %dma_wait3A_28 = arith.constant 0 : i32
    %dma_wait3A_29 = tpu.memref_slice %arg7[%dma_wait3A, %dma_wait3A_28] : memref<64x80xi32, #tpu.memory_space<vmem>> -> memref<1x80xi32, #tpu.memory_space<vmem>>
    %dma_wait3A_30 = tpu.memref_squeeze %dma_wait3A_29 : memref<1x80xi32, #tpu.memory_space<vmem>> -> memref<80xi32, #tpu.memory_space<vmem>>
    %dma_wait3A_31 = arith.constant 0 : i32
    %dma_wait3A_32 = arith.constant 0 : i32
    %dma_wait3A_33 = tpu.memref_slice %arg2[%dma_wait3A_31, %dma_wait3A_32] : memref<10000x128xf32, #tpu.memory_space<hbm>> -> memref<10000x128xf32, #tpu.memory_space<hbm>>
    tpu.wait_indirect_dma semaphore(%arg13 : memref<!tpu.dma_semaphore, #tpu.memory_space<semaphore_mem>>) src(%dma_wait3A_33 : memref<10000x128xf32, #tpu.memory_space<hbm>>) dst(%arg9 : memref<80x128xf32, #tpu.memory_space<vmem>>)
    %run_scoped3A = arith.constant 60 : i32
    "tpu.region"() ({
      %run_scoped3A_135 = tpu.sem_alloc : memref<!tpu.dma_semaphore, #tpu.memory_space<semaphore_mem>>
      %dma_start3A_136 = arith.constant 0 : i32
      %dma_start3A_137 = tpu.memref_slice %arg8[%run_scoped3A, %dma_start3A_136] : memref<64x80xi32, #tpu.memory_space<vmem>> -> memref<1x80xi32, #tpu.memory_space<vmem>>
      %dma_start3A_138 = tpu.memref_squeeze %dma_start3A_137 : memref<1x80xi32, #tpu.memory_space<vmem>> -> memref<80xi32, #tpu.memory_space<vmem>>
      %dma_start3A_139 = arith.constant 0 : i32
      %dma_start3A_140 = arith.constant 0 : i32
      %dma_start3A_141 = tpu.memref_slice %arg12[%dma_start3A_139, %dma_start3A_140] : memref<10240x128xf32, #tpu.memory_space<vmem_shared>> -> memref<10240x128xf32, #tpu.memory_space<vmem_shared>>
      tpu.enqueue_indirect_dma source(%arg9 : memref<80x128xf32, #tpu.memory_space<vmem>>) target(%dma_start3A_141 : memref<10240x128xf32, #tpu.memory_space<vmem_shared>>) offsets(%dma_start3A_138 : memref<80xi32, #tpu.memory_space<vmem>>) semaphore(%run_scoped3A_135 : memref<!tpu.dma_semaphore, #tpu.memory_space<semaphore_mem>>) {add = true}
      %dma_wait3A_142 = arith.constant 0 : i32
      %dma_wait3A_143 = tpu.memref_slice %arg8[%run_scoped3A, %dma_wait3A_142] : memref<64x80xi32, #tpu.memory_space<vmem>> -> memref<1x80xi32, #tpu.memory_space<vmem>>
      %dma_wait3A_144 = tpu.memref_squeeze %dma_wait3A_143 : memref<1x80xi32, #tpu.memory_space<vmem>> -> memref<80xi32, #tpu.memory_space<vmem>>
      %dma_wait3A_145 = arith.constant 0 : i32
      %dma_wait3A_146 = arith.constant 0 : i32
      %dma_wait3A_147 = tpu.memref_slice %arg12[%dma_wait3A_145, %dma_wait3A_146] : memref<10240x128xf32, #tpu.memory_space<vmem_shared>> -> memref<10240x128xf32, #tpu.memory_space<vmem_shared>>
      tpu.wait_indirect_dma semaphore(%run_scoped3A_135 : memref<!tpu.dma_semaphore, #tpu.memory_space<semaphore_mem>>) src(%arg9 : memref<80x128xf32, #tpu.memory_space<vmem>>) dst(%dma_wait3A_147 : memref<10240x128xf32, #tpu.memory_space<vmem_shared>>)
      tpu.yield
    }) : () -> ()
    %dma_start3A_34 = arith.constant 63 : i32
    %dma_start3A_35 = arith.constant 0 : i32
    %dma_start3A_36 = tpu.memref_slice %arg7[%dma_start3A_34, %dma_start3A_35] : memref<64x80xi32, #tpu.memory_space<vmem>> -> memref<1x80xi32, #tpu.memory_space<vmem>>
    %dma_start3A_37 = tpu.memref_squeeze %dma_start3A_36 : memref<1x80xi32, #tpu.memory_space<vmem>> -> memref<80xi32, #tpu.memory_space<vmem>>
    %dma_start3A_38 = arith.constant 0 : i32
    %dma_start3A_39 = arith.constant 0 : i32
    %dma_start3A_40 = tpu.memref_slice %arg2[%dma_start3A_38, %dma_start3A_39] : memref<10000x128xf32, #tpu.memory_space<hbm>> -> memref<10000x128xf32, #tpu.memory_space<hbm>>
    tpu.enqueue_indirect_dma source(%dma_start3A_40 : memref<10000x128xf32, #tpu.memory_space<hbm>>) target(%arg9 : memref<80x128xf32, #tpu.memory_space<vmem>>) offsets(%dma_start3A_37 : memref<80xi32, #tpu.memory_space<vmem>>) semaphore(%arg13 : memref<!tpu.dma_semaphore, #tpu.memory_space<semaphore_mem>>)
    %dma_wait3A_41 = arith.constant 61 : i32
    %dma_wait3A_42 = arith.constant 0 : i32
    %dma_wait3A_43 = tpu.memref_slice %arg7[%dma_wait3A_41, %dma_wait3A_42] : memref<64x80xi32, #tpu.memory_space<vmem>> -> memref<1x80xi32, #tpu.memory_space<vmem>>
    %dma_wait3A_44 = tpu.memref_squeeze %dma_wait3A_43 : memref<1x80xi32, #tpu.memory_space<vmem>> -> memref<80xi32, #tpu.memory_space<vmem>>
    %dma_wait3A_45 = arith.constant 0 : i32
    %dma_wait3A_46 = arith.constant 0 : i32
    %dma_wait3A_47 = tpu.memref_slice %arg2[%dma_wait3A_45, %dma_wait3A_46] : memref<10000x128xf32, #tpu.memory_space<hbm>> -> memref<10000x128xf32, #tpu.memory_space<hbm>>
    tpu.wait_indirect_dma semaphore(%arg14 : memref<!tpu.dma_semaphore, #tpu.memory_space<semaphore_mem>>) src(%dma_wait3A_47 : memref<10000x128xf32, #tpu.memory_space<hbm>>) dst(%arg10 : memref<80x128xf32, #tpu.memory_space<vmem>>)
    %run_scoped3A_48 = arith.constant 61 : i32
    "tpu.region"() ({
      %run_scoped3A_135 = tpu.sem_alloc : memref<!tpu.dma_semaphore, #tpu.memory_space<semaphore_mem>>
      %dma_start3A_136 = arith.constant 0 : i32
      %dma_start3A_137 = tpu.memref_slice %arg8[%run_scoped3A_48, %dma_start3A_136] : memref<64x80xi32, #tpu.memory_space<vmem>> -> memref<1x80xi32, #tpu.memory_space<vmem>>
      %dma_start3A_138 = tpu.memref_squeeze %dma_start3A_137 : memref<1x80xi32, #tpu.memory_space<vmem>> -> memref<80xi32, #tpu.memory_space<vmem>>
      %dma_start3A_139 = arith.constant 0 : i32
      %dma_start3A_140 = arith.constant 0 : i32
      %dma_start3A_141 = tpu.memref_slice %arg12[%dma_start3A_139, %dma_start3A_140] : memref<10240x128xf32, #tpu.memory_space<vmem_shared>> -> memref<10240x128xf32, #tpu.memory_space<vmem_shared>>
      tpu.enqueue_indirect_dma source(%arg10 : memref<80x128xf32, #tpu.memory_space<vmem>>) target(%dma_start3A_141 : memref<10240x128xf32, #tpu.memory_space<vmem_shared>>) offsets(%dma_start3A_138 : memref<80xi32, #tpu.memory_space<vmem>>) semaphore(%run_scoped3A_135 : memref<!tpu.dma_semaphore, #tpu.memory_space<semaphore_mem>>) {add = true}
      %dma_wait3A_142 = arith.constant 0 : i32
      %dma_wait3A_143 = tpu.memref_slice %arg8[%run_scoped3A_48, %dma_wait3A_142] : memref<64x80xi32, #tpu.memory_space<vmem>> -> memref<1x80xi32, #tpu.memory_space<vmem>>
      %dma_wait3A_144 = tpu.memref_squeeze %dma_wait3A_143 : memref<1x80xi32, #tpu.memory_space<vmem>> -> memref<80xi32, #tpu.memory_space<vmem>>
      %dma_wait3A_145 = arith.constant 0 : i32
      %dma_wait3A_146 = arith.constant 0 : i32
      %dma_wait3A_147 = tpu.memref_slice %arg12[%dma_wait3A_145, %dma_wait3A_146] : memref<10240x128xf32, #tpu.memory_space<vmem_shared>> -> memref<10240x128xf32, #tpu.memory_space<vmem_shared>>
      tpu.wait_indirect_dma semaphore(%run_scoped3A_135 : memref<!tpu.dma_semaphore, #tpu.memory_space<semaphore_mem>>) src(%arg10 : memref<80x128xf32, #tpu.memory_space<vmem>>) dst(%dma_wait3A_147 : memref<10240x128xf32, #tpu.memory_space<vmem_shared>>)
      tpu.yield
    }) : () -> ()
    %dma_wait3A_49 = arith.constant 62 : i32
    %dma_wait3A_50 = arith.constant 0 : i32
    %dma_wait3A_51 = tpu.memref_slice %arg7[%dma_wait3A_49, %dma_wait3A_50] : memref<64x80xi32, #tpu.memory_space<vmem>> -> memref<1x80xi32, #tpu.memory_space<vmem>>
    %dma_wait3A_52 = tpu.memref_squeeze %dma_wait3A_51 : memref<1x80xi32, #tpu.memory_space<vmem>> -> memref<80xi32, #tpu.memory_space<vmem>>
    %dma_wait3A_53 = arith.constant 0 : i32
    %dma_wait3A_54 = arith.constant 0 : i32
    %dma_wait3A_55 = tpu.memref_slice %arg2[%dma_wait3A_53, %dma_wait3A_54] : memref<10000x128xf32, #tpu.memory_space<hbm>> -> memref<10000x128xf32, #tpu.memory_space<hbm>>
    tpu.wait_indirect_dma semaphore(%arg15 : memref<!tpu.dma_semaphore, #tpu.memory_space<semaphore_mem>>) src(%dma_wait3A_55 : memref<10000x128xf32, #tpu.memory_space<hbm>>) dst(%arg11 : memref<80x128xf32, #tpu.memory_space<vmem>>)
    %run_scoped3A_56 = arith.constant 62 : i32
    "tpu.region"() ({
      %run_scoped3A_135 = tpu.sem_alloc : memref<!tpu.dma_semaphore, #tpu.memory_space<semaphore_mem>>
      %dma_start3A_136 = arith.constant 0 : i32
      %dma_start3A_137 = tpu.memref_slice %arg8[%run_scoped3A_56, %dma_start3A_136] : memref<64x80xi32, #tpu.memory_space<vmem>> -> memref<1x80xi32, #tpu.memory_space<vmem>>
      %dma_start3A_138 = tpu.memref_squeeze %dma_start3A_137 : memref<1x80xi32, #tpu.memory_space<vmem>> -> memref<80xi32, #tpu.memory_space<vmem>>
      %dma_start3A_139 = arith.constant 0 : i32
      %dma_start3A_140 = arith.constant 0 : i32
      %dma_start3A_141 = tpu.memref_slice %arg12[%dma_start3A_139, %dma_start3A_140] : memref<10240x128xf32, #tpu.memory_space<vmem_shared>> -> memref<10240x128xf32, #tpu.memory_space<vmem_shared>>
      tpu.enqueue_indirect_dma source(%arg11 : memref<80x128xf32, #tpu.memory_space<vmem>>) target(%dma_start3A_141 : memref<10240x128xf32, #tpu.memory_space<vmem_shared>>) offsets(%dma_start3A_138 : memref<80xi32, #tpu.memory_space<vmem>>) semaphore(%run_scoped3A_135 : memref<!tpu.dma_semaphore, #tpu.memory_space<semaphore_mem>>) {add = true}
      %dma_wait3A_142 = arith.constant 0 : i32
      %dma_wait3A_143 = tpu.memref_slice %arg8[%run_scoped3A_56, %dma_wait3A_142] : memref<64x80xi32, #tpu.memory_space<vmem>> -> memref<1x80xi32, #tpu.memory_space<vmem>>
      %dma_wait3A_144 = tpu.memref_squeeze %dma_wait3A_143 : memref<1x80xi32, #tpu.memory_space<vmem>> -> memref<80xi32, #tpu.memory_space<vmem>>
      %dma_wait3A_145 = arith.constant 0 : i32
      %dma_wait3A_146 = arith.constant 0 : i32
      %dma_wait3A_147 = tpu.memref_slice %arg12[%dma_wait3A_145, %dma_wait3A_146] : memref<10240x128xf32, #tpu.memory_space<vmem_shared>> -> memref<10240x128xf32, #tpu.memory_space<vmem_shared>>
      tpu.wait_indirect_dma semaphore(%run_scoped3A_135 : memref<!tpu.dma_semaphore, #tpu.memory_space<semaphore_mem>>) src(%arg11 : memref<80x128xf32, #tpu.memory_space<vmem>>) dst(%dma_wait3A_147 : memref<10240x128xf32, #tpu.memory_space<vmem_shared>>)
      tpu.yield
    }) : () -> ()
    %dma_wait3A_57 = arith.constant 63 : i32
    %dma_wait3A_58 = arith.constant 0 : i32
    %dma_wait3A_59 = tpu.memref_slice %arg7[%dma_wait3A_57, %dma_wait3A_58] : memref<64x80xi32, #tpu.memory_space<vmem>> -> memref<1x80xi32, #tpu.memory_space<vmem>>
    %dma_wait3A_60 = tpu.memref_squeeze %dma_wait3A_59 : memref<1x80xi32, #tpu.memory_space<vmem>> -> memref<80xi32, #tpu.memory_space<vmem>>
    %dma_wait3A_61 = arith.constant 0 : i32
    %dma_wait3A_62 = arith.constant 0 : i32
    %dma_wait3A_63 = tpu.memref_slice %arg2[%dma_wait3A_61, %dma_wait3A_62] : memref<10000x128xf32, #tpu.memory_space<hbm>> -> memref<10000x128xf32, #tpu.memory_space<hbm>>
    tpu.wait_indirect_dma semaphore(%arg13 : memref<!tpu.dma_semaphore, #tpu.memory_space<semaphore_mem>>) src(%dma_wait3A_63 : memref<10000x128xf32, #tpu.memory_space<hbm>>) dst(%arg9 : memref<80x128xf32, #tpu.memory_space<vmem>>)
    %run_scoped3A_64 = arith.constant 63 : i32
    "tpu.region"() ({
      %run_scoped3A_135 = tpu.sem_alloc : memref<!tpu.dma_semaphore, #tpu.memory_space<semaphore_mem>>
      %dma_start3A_136 = arith.constant 0 : i32
      %dma_start3A_137 = tpu.memref_slice %arg8[%run_scoped3A_64, %dma_start3A_136] : memref<64x80xi32, #tpu.memory_space<vmem>> -> memref<1x80xi32, #tpu.memory_space<vmem>>
      %dma_start3A_138 = tpu.memref_squeeze %dma_start3A_137 : memref<1x80xi32, #tpu.memory_space<vmem>> -> memref<80xi32, #tpu.memory_space<vmem>>
      %dma_start3A_139 = arith.constant 0 : i32
      %dma_start3A_140 = arith.constant 0 : i32
      %dma_start3A_141 = tpu.memref_slice %arg12[%dma_start3A_139, %dma_start3A_140] : memref<10240x128xf32, #tpu.memory_space<vmem_shared>> -> memref<10240x128xf32, #tpu.memory_space<vmem_shared>>
      tpu.enqueue_indirect_dma source(%arg9 : memref<80x128xf32, #tpu.memory_space<vmem>>) target(%dma_start3A_141 : memref<10240x128xf32, #tpu.memory_space<vmem_shared>>) offsets(%dma_start3A_138 : memref<80xi32, #tpu.memory_space<vmem>>) semaphore(%run_scoped3A_135 : memref<!tpu.dma_semaphore, #tpu.memory_space<semaphore_mem>>) {add = true}
      %dma_wait3A_142 = arith.constant 0 : i32
      %dma_wait3A_143 = tpu.memref_slice %arg8[%run_scoped3A_64, %dma_wait3A_142] : memref<64x80xi32, #tpu.memory_space<vmem>> -> memref<1x80xi32, #tpu.memory_space<vmem>>
      %dma_wait3A_144 = tpu.memref_squeeze %dma_wait3A_143 : memref<1x80xi32, #tpu.memory_space<vmem>> -> memref<80xi32, #tpu.memory_space<vmem>>
      %dma_wait3A_145 = arith.constant 0 : i32
      %dma_wait3A_146 = arith.constant 0 : i32
      %dma_wait3A_147 = tpu.memref_slice %arg12[%dma_wait3A_145, %dma_wait3A_146] : memref<10240x128xf32, #tpu.memory_space<vmem_shared>> -> memref<10240x128xf32, #tpu.memory_space<vmem_shared>>
      tpu.wait_indirect_dma semaphore(%run_scoped3A_135 : memref<!tpu.dma_semaphore, #tpu.memory_space<semaphore_mem>>) src(%arg9 : memref<80x128xf32, #tpu.memory_space<vmem>>) dst(%dma_wait3A_147 : memref<10240x128xf32, #tpu.memory_space<vmem_shared>>)
      tpu.yield
    }) : () -> ()
    "tpu.region"() ({
      %run_scoped3A_135 = tpu.sem_alloc : memref<!tpu.dma_semaphore, #tpu.memory_space<semaphore_mem>>
      %dma_start3A_136 = arith.constant 0 : i32
      %dma_start3A_137 = arith.constant 0 : i32
      %dma_start3A_138 = tpu.memref_slice %arg7[%dma_start3A_136, %dma_start3A_137] : memref<64x80xi32, #tpu.memory_space<vmem>> -> memref<61x80xi32, #tpu.memory_space<vmem>>
      %dma_start3A_139 = arith.constant 64 : i32
      %dma_start3A_140 = arith.constant 0 : i32
      %dma_start3A_141 = tpu.memref_slice %arg3[%add3A, %dma_start3A_139, %dma_start3A_140] : memref<32x125x80xi32, #tpu.memory_space<hbm>> -> memref<1x61x80xi32, #tpu.memory_space<hbm>>
      %dma_start3A_142 = tpu.memref_squeeze %dma_start3A_141 : memref<1x61x80xi32, #tpu.memory_space<hbm>> -> memref<61x80xi32, #tpu.memory_space<hbm>>
      %dma_start3A_143 = arith.constant 0 : i32
      %dma_start3A_144 = arith.constant 0 : i32
      %dma_start3A_145 = tpu.memref_slice %arg7[%dma_start3A_143, %dma_start3A_144] : memref<64x80xi32, #tpu.memory_space<vmem>> -> memref<61x80xi32, #tpu.memory_space<vmem>>
      %dma_start3A_146 = arith.constant 64 : i32
      %dma_start3A_147 = arith.constant 0 : i32
      %dma_start3A_148 = tpu.memref_slice %arg3[%add3A, %dma_start3A_146, %dma_start3A_147] : memref<32x125x80xi32, #tpu.memory_space<hbm>> -> memref<1x61x80xi32, #tpu.memory_space<hbm>>
      %dma_start3A_149 = tpu.memref_squeeze %dma_start3A_148 : memref<1x61x80xi32, #tpu.memory_space<hbm>> -> memref<61x80xi32, #tpu.memory_space<hbm>>
      tpu.enqueue_dma source(%dma_start3A_149 : memref<61x80xi32, #tpu.memory_space<hbm>>) target(%dma_start3A_145 : memref<61x80xi32, #tpu.memory_space<vmem>>) target_semaphore(%run_scoped3A_135 : memref<!tpu.dma_semaphore, #tpu.memory_space<semaphore_mem>>)
      %dma_wait3A_150 = arith.constant 0 : i32
      %dma_wait3A_151 = arith.constant 0 : i32
      %dma_wait3A_152 = tpu.memref_slice %arg7[%dma_wait3A_150, %dma_wait3A_151] : memref<64x80xi32, #tpu.memory_space<vmem>> -> memref<61x80xi32, #tpu.memory_space<vmem>>
      %dma_wait3A_153 = arith.constant 64 : i32
      %dma_wait3A_154 = arith.constant 0 : i32
      %dma_wait3A_155 = tpu.memref_slice %arg3[%add3A, %dma_wait3A_153, %dma_wait3A_154] : memref<32x125x80xi32, #tpu.memory_space<hbm>> -> memref<1x61x80xi32, #tpu.memory_space<hbm>>
      %dma_wait3A_156 = tpu.memref_squeeze %dma_wait3A_155 : memref<1x61x80xi32, #tpu.memory_space<hbm>> -> memref<61x80xi32, #tpu.memory_space<hbm>>
      %dma_wait3A_157 = arith.constant 0 : i32
      %dma_wait3A_158 = arith.constant 0 : i32
      %dma_wait3A_159 = tpu.memref_slice %arg7[%dma_wait3A_157, %dma_wait3A_158] : memref<64x80xi32, #tpu.memory_space<vmem>> -> memref<61x80xi32, #tpu.memory_space<vmem>>
      %dma_wait3A_160 = arith.constant 64 : i32
      %dma_wait3A_161 = arith.constant 0 : i32
      %dma_wait3A_162 = tpu.memref_slice %arg3[%add3A, %dma_wait3A_160, %dma_wait3A_161] : memref<32x125x80xi32, #tpu.memory_space<hbm>> -> memref<1x61x80xi32, #tpu.memory_space<hbm>>
      %dma_wait3A_163 = tpu.memref_squeeze %dma_wait3A_162 : memref<1x61x80xi32, #tpu.memory_space<hbm>> -> memref<61x80xi32, #tpu.memory_space<hbm>>
      tpu.wait_dma2 semaphore(%run_scoped3A_135 : memref<!tpu.dma_semaphore, #tpu.memory_space<semaphore_mem>>) src(%dma_wait3A_163 : memref<61x80xi32, #tpu.memory_space<hbm>>) dst(%dma_wait3A_159 : memref<61x80xi32, #tpu.memory_space<vmem>>)
      tpu.yield
    }) : () -> ()
    "tpu.region"() ({
      %run_scoped3A_135 = tpu.sem_alloc : memref<!tpu.dma_semaphore, #tpu.memory_space<semaphore_mem>>
      %dma_start3A_136 = arith.constant 0 : i32
      %dma_start3A_137 = arith.constant 0 : i32
      %dma_start3A_138 = tpu.memref_slice %arg8[%dma_start3A_136, %dma_start3A_137] : memref<64x80xi32, #tpu.memory_space<vmem>> -> memref<61x80xi32, #tpu.memory_space<vmem>>
      %dma_start3A_139 = arith.constant 64 : i32
      %dma_start3A_140 = arith.constant 0 : i32
      %dma_start3A_141 = tpu.memref_slice %arg4[%add3A, %dma_start3A_139, %dma_start3A_140] : memref<32x125x80xi32, #tpu.memory_space<hbm>> -> memref<1x61x80xi32, #tpu.memory_space<hbm>>
      %dma_start3A_142 = tpu.memref_squeeze %dma_start3A_141 : memref<1x61x80xi32, #tpu.memory_space<hbm>> -> memref<61x80xi32, #tpu.memory_space<hbm>>
      %dma_start3A_143 = arith.constant 0 : i32
      %dma_start3A_144 = arith.constant 0 : i32
      %dma_start3A_145 = tpu.memref_slice %arg8[%dma_start3A_143, %dma_start3A_144] : memref<64x80xi32, #tpu.memory_space<vmem>> -> memref<61x80xi32, #tpu.memory_space<vmem>>
      %dma_start3A_146 = arith.constant 64 : i32
      %dma_start3A_147 = arith.constant 0 : i32
      %dma_start3A_148 = tpu.memref_slice %arg4[%add3A, %dma_start3A_146, %dma_start3A_147] : memref<32x125x80xi32, #tpu.memory_space<hbm>> -> memref<1x61x80xi32, #tpu.memory_space<hbm>>
      %dma_start3A_149 = tpu.memref_squeeze %dma_start3A_148 : memref<1x61x80xi32, #tpu.memory_space<hbm>> -> memref<61x80xi32, #tpu.memory_space<hbm>>
      tpu.enqueue_dma source(%dma_start3A_149 : memref<61x80xi32, #tpu.memory_space<hbm>>) target(%dma_start3A_145 : memref<61x80xi32, #tpu.memory_space<vmem>>) target_semaphore(%run_scoped3A_135 : memref<!tpu.dma_semaphore, #tpu.memory_space<semaphore_mem>>)
      %dma_wait3A_150 = arith.constant 0 : i32
      %dma_wait3A_151 = arith.constant 0 : i32
      %dma_wait3A_152 = tpu.memref_slice %arg8[%dma_wait3A_150, %dma_wait3A_151] : memref<64x80xi32, #tpu.memory_space<vmem>> -> memref<61x80xi32, #tpu.memory_space<vmem>>
      %dma_wait3A_153 = arith.constant 64 : i32
      %dma_wait3A_154 = arith.constant 0 : i32
      %dma_wait3A_155 = tpu.memref_slice %arg4[%add3A, %dma_wait3A_153, %dma_wait3A_154] : memref<32x125x80xi32, #tpu.memory_space<hbm>> -> memref<1x61x80xi32, #tpu.memory_space<hbm>>
      %dma_wait3A_156 = tpu.memref_squeeze %dma_wait3A_155 : memref<1x61x80xi32, #tpu.memory_space<hbm>> -> memref<61x80xi32, #tpu.memory_space<hbm>>
      %dma_wait3A_157 = arith.constant 0 : i32
      %dma_wait3A_158 = arith.constant 0 : i32
      %dma_wait3A_159 = tpu.memref_slice %arg8[%dma_wait3A_157, %dma_wait3A_158] : memref<64x80xi32, #tpu.memory_space<vmem>> -> memref<61x80xi32, #tpu.memory_space<vmem>>
      %dma_wait3A_160 = arith.constant 64 : i32
      %dma_wait3A_161 = arith.constant 0 : i32
      %dma_wait3A_162 = tpu.memref_slice %arg4[%add3A, %dma_wait3A_160, %dma_wait3A_161] : memref<32x125x80xi32, #tpu.memory_space<hbm>> -> memref<1x61x80xi32, #tpu.memory_space<hbm>>
      %dma_wait3A_163 = tpu.memref_squeeze %dma_wait3A_162 : memref<1x61x80xi32, #tpu.memory_space<hbm>> -> memref<61x80xi32, #tpu.memory_space<hbm>>
      tpu.wait_dma2 semaphore(%run_scoped3A_135 : memref<!tpu.dma_semaphore, #tpu.memory_space<semaphore_mem>>) src(%dma_wait3A_163 : memref<61x80xi32, #tpu.memory_space<hbm>>) dst(%dma_wait3A_159 : memref<61x80xi32, #tpu.memory_space<vmem>>)
      tpu.yield
    }) : () -> ()
    %dma_start3A_65 = arith.constant 0 : i32
    %dma_start3A_66 = arith.constant 0 : i32
    %dma_start3A_67 = tpu.memref_slice %arg7[%dma_start3A_65, %dma_start3A_66] : memref<64x80xi32, #tpu.memory_space<vmem>> -> memref<1x80xi32, #tpu.memory_space<vmem>>
    %dma_start3A_68 = tpu.memref_squeeze %dma_start3A_67 : memref<1x80xi32, #tpu.memory_space<vmem>> -> memref<80xi32, #tpu.memory_space<vmem>>
    %dma_start3A_69 = arith.constant 0 : i32
    %dma_start3A_70 = arith.constant 0 : i32
    %dma_start3A_71 = tpu.memref_slice %arg2[%dma_start3A_69, %dma_start3A_70] : memref<10000x128xf32, #tpu.memory_space<hbm>> -> memref<10000x128xf32, #tpu.memory_space<hbm>>
    tpu.enqueue_indirect_dma source(%dma_start3A_71 : memref<10000x128xf32, #tpu.memory_space<hbm>>) target(%arg9 : memref<80x128xf32, #tpu.memory_space<vmem>>) offsets(%dma_start3A_68 : memref<80xi32, #tpu.memory_space<vmem>>) semaphore(%arg13 : memref<!tpu.dma_semaphore, #tpu.memory_space<semaphore_mem>>)
    %dma_start3A_72 = arith.constant 1 : i32
    %dma_start3A_73 = arith.constant 0 : i32
    %dma_start3A_74 = tpu.memref_slice %arg7[%dma_start3A_72, %dma_start3A_73] : memref<64x80xi32, #tpu.memory_space<vmem>> -> memref<1x80xi32, #tpu.memory_space<vmem>>
    %dma_start3A_75 = tpu.memref_squeeze %dma_start3A_74 : memref<1x80xi32, #tpu.memory_space<vmem>> -> memref<80xi32, #tpu.memory_space<vmem>>
    %dma_start3A_76 = arith.constant 0 : i32
    %dma_start3A_77 = arith.constant 0 : i32
    %dma_start3A_78 = tpu.memref_slice %arg2[%dma_start3A_76, %dma_start3A_77] : memref<10000x128xf32, #tpu.memory_space<hbm>> -> memref<10000x128xf32, #tpu.memory_space<hbm>>
    tpu.enqueue_indirect_dma source(%dma_start3A_78 : memref<10000x128xf32, #tpu.memory_space<hbm>>) target(%arg10 : memref<80x128xf32, #tpu.memory_space<vmem>>) offsets(%dma_start3A_75 : memref<80xi32, #tpu.memory_space<vmem>>) semaphore(%arg14 : memref<!tpu.dma_semaphore, #tpu.memory_space<semaphore_mem>>)
    %dma_start3A_79 = arith.constant 2 : i32
    %dma_start3A_80 = arith.constant 0 : i32
    %dma_start3A_81 = tpu.memref_slice %arg7[%dma_start3A_79, %dma_start3A_80] : memref<64x80xi32, #tpu.memory_space<vmem>> -> memref<1x80xi32, #tpu.memory_space<vmem>>
    %dma_start3A_82 = tpu.memref_squeeze %dma_start3A_81 : memref<1x80xi32, #tpu.memory_space<vmem>> -> memref<80xi32, #tpu.memory_space<vmem>>
    %dma_start3A_83 = arith.constant 0 : i32
    %dma_start3A_84 = arith.constant 0 : i32
    %dma_start3A_85 = tpu.memref_slice %arg2[%dma_start3A_83, %dma_start3A_84] : memref<10000x128xf32, #tpu.memory_space<hbm>> -> memref<10000x128xf32, #tpu.memory_space<hbm>>
    tpu.enqueue_indirect_dma source(%dma_start3A_85 : memref<10000x128xf32, #tpu.memory_space<hbm>>) target(%arg11 : memref<80x128xf32, #tpu.memory_space<vmem>>) offsets(%dma_start3A_82 : memref<80xi32, #tpu.memory_space<vmem>>) semaphore(%arg15 : memref<!tpu.dma_semaphore, #tpu.memory_space<semaphore_mem>>)
    %scan3A_86 = arith.constant 0 : i32
    %scan3A_87 = arith.constant 0 : i32
    %scan3A_88 = arith.constant 19 : i32
    %scan3A_89 = arith.addi %scan3A_87, %scan3A_88 : i32
    %scan3A_90 = arith.constant 1 : i32
    scf.for %scan3A_135 = %scan3A_87 to %scan3A_89 step %scan3A_90  : i32 {
      %mul3A_136 = arith.constant 3 : i32
      %mul3A_137 = arith.muli %mul3A_136, %scan3A_135 : i32
      %dma_wait3A_138 = arith.constant 0 : i32
      %dma_wait3A_139 = tpu.memref_slice %arg7[%mul3A_137, %dma_wait3A_138] : memref<64x80xi32, #tpu.memory_space<vmem>> -> memref<1x80xi32, #tpu.memory_space<vmem>>
      %dma_wait3A_140 = tpu.memref_squeeze %dma_wait3A_139 : memref<1x80xi32, #tpu.memory_space<vmem>> -> memref<80xi32, #tpu.memory_space<vmem>>
      %dma_wait3A_141 = arith.constant 0 : i32
      %dma_wait3A_142 = arith.constant 0 : i32
      %dma_wait3A_143 = tpu.memref_slice %arg2[%dma_wait3A_141, %dma_wait3A_142] : memref<10000x128xf32, #tpu.memory_space<hbm>> -> memref<10000x128xf32, #tpu.memory_space<hbm>>
      tpu.wait_indirect_dma semaphore(%arg13 : memref<!tpu.dma_semaphore, #tpu.memory_space<semaphore_mem>>) src(%dma_wait3A_143 : memref<10000x128xf32, #tpu.memory_space<hbm>>) dst(%arg9 : memref<80x128xf32, #tpu.memory_space<vmem>>)
      "tpu.region"() ({
        %run_scoped3A_184 = tpu.sem_alloc : memref<!tpu.dma_semaphore, #tpu.memory_space<semaphore_mem>>
        %dma_start3A_185 = arith.constant 0 : i32
        %dma_start3A_186 = tpu.memref_slice %arg8[%mul3A_137, %dma_start3A_185] : memref<64x80xi32, #tpu.memory_space<vmem>> -> memref<1x80xi32, #tpu.memory_space<vmem>>
        %dma_start3A_187 = tpu.memref_squeeze %dma_start3A_186 : memref<1x80xi32, #tpu.memory_space<vmem>> -> memref<80xi32, #tpu.memory_space<vmem>>
        %dma_start3A_188 = arith.constant 0 : i32
        %dma_start3A_189 = arith.constant 0 : i32
        %dma_start3A_190 = tpu.memref_slice %arg12[%dma_start3A_188, %dma_start3A_189] : memref<10240x128xf32, #tpu.memory_space<vmem_shared>> -> memref<10240x128xf32, #tpu.memory_space<vmem_shared>>
        tpu.enqueue_indirect_dma source(%arg9 : memref<80x128xf32, #tpu.memory_space<vmem>>) target(%dma_start3A_190 : memref<10240x128xf32, #tpu.memory_space<vmem_shared>>) offsets(%dma_start3A_187 : memref<80xi32, #tpu.memory_space<vmem>>) semaphore(%run_scoped3A_184 : memref<!tpu.dma_semaphore, #tpu.memory_space<semaphore_mem>>) {add = true}
        %dma_wait3A_191 = arith.constant 0 : i32
        %dma_wait3A_192 = tpu.memref_slice %arg8[%mul3A_137, %dma_wait3A_191] : memref<64x80xi32, #tpu.memory_space<vmem>> -> memref<1x80xi32, #tpu.memory_space<vmem>>
        %dma_wait3A_193 = tpu.memref_squeeze %dma_wait3A_192 : memref<1x80xi32, #tpu.memory_space<vmem>> -> memref<80xi32, #tpu.memory_space<vmem>>
        %dma_wait3A_194 = arith.constant 0 : i32
        %dma_wait3A_195 = arith.constant 0 : i32
        %dma_wait3A_196 = tpu.memref_slice %arg12[%dma_wait3A_194, %dma_wait3A_195] : memref<10240x128xf32, #tpu.memory_space<vmem_shared>> -> memref<10240x128xf32, #tpu.memory_space<vmem_shared>>
        tpu.wait_indirect_dma semaphore(%run_scoped3A_184 : memref<!tpu.dma_semaphore, #tpu.memory_space<semaphore_mem>>) src(%arg9 : memref<80x128xf32, #tpu.memory_space<vmem>>) dst(%dma_wait3A_196 : memref<10240x128xf32, #tpu.memory_space<vmem_shared>>)
        tpu.yield
      }) : () -> ()
      %add3A_144 = arith.constant 3 : i32
      %add3A_145 = arith.addi %mul3A_137, %add3A_144 : i32
      %dma_start3A_146 = arith.constant 0 : i32
      %dma_start3A_147 = tpu.memref_slice %arg7[%add3A_145, %dma_start3A_146] : memref<64x80xi32, #tpu.memory_space<vmem>> -> memref<1x80xi32, #tpu.memory_space<vmem>>
      %dma_start3A_148 = tpu.memref_squeeze %dma_start3A_147 : memref<1x80xi32, #tpu.memory_space<vmem>> -> memref<80xi32, #tpu.memory_space<vmem>>
      %dma_start3A_149 = arith.constant 0 : i32
      %dma_start3A_150 = arith.constant 0 : i32
      %dma_start3A_151 = tpu.memref_slice %arg2[%dma_start3A_149, %dma_start3A_150] : memref<10000x128xf32, #tpu.memory_space<hbm>> -> memref<10000x128xf32, #tpu.memory_space<hbm>>
      tpu.enqueue_indirect_dma source(%dma_start3A_151 : memref<10000x128xf32, #tpu.memory_space<hbm>>) target(%arg9 : memref<80x128xf32, #tpu.memory_space<vmem>>) offsets(%dma_start3A_148 : memref<80xi32, #tpu.memory_space<vmem>>) semaphore(%arg13 : memref<!tpu.dma_semaphore, #tpu.memory_space<semaphore_mem>>)
      %add3A_152 = arith.constant 1 : i32
      %add3A_153 = arith.addi %mul3A_137, %add3A_152 : i32
      %dma_wait3A_154 = arith.constant 0 : i32
      %dma_wait3A_155 = tpu.memref_slice %arg7[%add3A_153, %dma_wait3A_154] : memref<64x80xi32, #tpu.memory_space<vmem>> -> memref<1x80xi32, #tpu.memory_space<vmem>>
      %dma_wait3A_156 = tpu.memref_squeeze %dma_wait3A_155 : memref<1x80xi32, #tpu.memory_space<vmem>> -> memref<80xi32, #tpu.memory_space<vmem>>
      %dma_wait3A_157 = arith.constant 0 : i32
      %dma_wait3A_158 = arith.constant 0 : i32
      %dma_wait3A_159 = tpu.memref_slice %arg2[%dma_wait3A_157, %dma_wait3A_158] : memref<10000x128xf32, #tpu.memory_space<hbm>> -> memref<10000x128xf32, #tpu.memory_space<hbm>>
      tpu.wait_indirect_dma semaphore(%arg14 : memref<!tpu.dma_semaphore, #tpu.memory_space<semaphore_mem>>) src(%dma_wait3A_159 : memref<10000x128xf32, #tpu.memory_space<hbm>>) dst(%arg10 : memref<80x128xf32, #tpu.memory_space<vmem>>)
      "tpu.region"() ({
        %run_scoped3A_184 = tpu.sem_alloc : memref<!tpu.dma_semaphore, #tpu.memory_space<semaphore_mem>>
        %dma_start3A_185 = arith.constant 0 : i32
        %dma_start3A_186 = tpu.memref_slice %arg8[%add3A_153, %dma_start3A_185] : memref<64x80xi32, #tpu.memory_space<vmem>> -> memref<1x80xi32, #tpu.memory_space<vmem>>
        %dma_start3A_187 = tpu.memref_squeeze %dma_start3A_186 : memref<1x80xi32, #tpu.memory_space<vmem>> -> memref<80xi32, #tpu.memory_space<vmem>>
        %dma_start3A_188 = arith.constant 0 : i32
        %dma_start3A_189 = arith.constant 0 : i32
        %dma_start3A_190 = tpu.memref_slice %arg12[%dma_start3A_188, %dma_start3A_189] : memref<10240x128xf32, #tpu.memory_space<vmem_shared>> -> memref<10240x128xf32, #tpu.memory_space<vmem_shared>>
        tpu.enqueue_indirect_dma source(%arg10 : memref<80x128xf32, #tpu.memory_space<vmem>>) target(%dma_start3A_190 : memref<10240x128xf32, #tpu.memory_space<vmem_shared>>) offsets(%dma_start3A_187 : memref<80xi32, #tpu.memory_space<vmem>>) semaphore(%run_scoped3A_184 : memref<!tpu.dma_semaphore, #tpu.memory_space<semaphore_mem>>) {add = true}
        %dma_wait3A_191 = arith.constant 0 : i32
        %dma_wait3A_192 = tpu.memref_slice %arg8[%add3A_153, %dma_wait3A_191] : memref<64x80xi32, #tpu.memory_space<vmem>> -> memref<1x80xi32, #tpu.memory_space<vmem>>
        %dma_wait3A_193 = tpu.memref_squeeze %dma_wait3A_192 : memref<1x80xi32, #tpu.memory_space<vmem>> -> memref<80xi32, #tpu.memory_space<vmem>>
        %dma_wait3A_194 = arith.constant 0 : i32
        %dma_wait3A_195 = arith.constant 0 : i32
        %dma_wait3A_196 = tpu.memref_slice %arg12[%dma_wait3A_194, %dma_wait3A_195] : memref<10240x128xf32, #tpu.memory_space<vmem_shared>> -> memref<10240x128xf32, #tpu.memory_space<vmem_shared>>
        tpu.wait_indirect_dma semaphore(%run_scoped3A_184 : memref<!tpu.dma_semaphore, #tpu.memory_space<semaphore_mem>>) src(%arg10 : memref<80x128xf32, #tpu.memory_space<vmem>>) dst(%dma_wait3A_196 : memref<10240x128xf32, #tpu.memory_space<vmem_shared>>)
        tpu.yield
      }) : () -> ()
      %add3A_160 = arith.constant 4 : i32
      %add3A_161 = arith.addi %mul3A_137, %add3A_160 : i32
      %dma_start3A_162 = arith.constant 0 : i32
      %dma_start3A_163 = tpu.memref_slice %arg7[%add3A_161, %dma_start3A_162] : memref<64x80xi32, #tpu.memory_space<vmem>> -> memref<1x80xi32, #tpu.memory_space<vmem>>
      %dma_start3A_164 = tpu.memref_squeeze %dma_start3A_163 : memref<1x80xi32, #tpu.memory_space<vmem>> -> memref<80xi32, #tpu.memory_space<vmem>>
      %dma_start3A_165 = arith.constant 0 : i32
      %dma_start3A_166 = arith.constant 0 : i32
      %dma_start3A_167 = tpu.memref_slice %arg2[%dma_start3A_165, %dma_start3A_166] : memref<10000x128xf32, #tpu.memory_space<hbm>> -> memref<10000x128xf32, #tpu.memory_space<hbm>>
      tpu.enqueue_indirect_dma source(%dma_start3A_167 : memref<10000x128xf32, #tpu.memory_space<hbm>>) target(%arg10 : memref<80x128xf32, #tpu.memory_space<vmem>>) offsets(%dma_start3A_164 : memref<80xi32, #tpu.memory_space<vmem>>) semaphore(%arg14 : memref<!tpu.dma_semaphore, #tpu.memory_space<semaphore_mem>>)
      %add3A_168 = arith.constant 2 : i32
      %add3A_169 = arith.addi %mul3A_137, %add3A_168 : i32
      %dma_wait3A_170 = arith.constant 0 : i32
      %dma_wait3A_171 = tpu.memref_slice %arg7[%add3A_169, %dma_wait3A_170] : memref<64x80xi32, #tpu.memory_space<vmem>> -> memref<1x80xi32, #tpu.memory_space<vmem>>
      %dma_wait3A_172 = tpu.memref_squeeze %dma_wait3A_171 : memref<1x80xi32, #tpu.memory_space<vmem>> -> memref<80xi32, #tpu.memory_space<vmem>>
      %dma_wait3A_173 = arith.constant 0 : i32
      %dma_wait3A_174 = arith.constant 0 : i32
      %dma_wait3A_175 = tpu.memref_slice %arg2[%dma_wait3A_173, %dma_wait3A_174] : memref<10000x128xf32, #tpu.memory_space<hbm>> -> memref<10000x128xf32, #tpu.memory_space<hbm>>
      tpu.wait_indirect_dma semaphore(%arg15 : memref<!tpu.dma_semaphore, #tpu.memory_space<semaphore_mem>>) src(%dma_wait3A_175 : memref<10000x128xf32, #tpu.memory_space<hbm>>) dst(%arg11 : memref<80x128xf32, #tpu.memory_space<vmem>>)
      "tpu.region"() ({
        %run_scoped3A_184 = tpu.sem_alloc : memref<!tpu.dma_semaphore, #tpu.memory_space<semaphore_mem>>
        %dma_start3A_185 = arith.constant 0 : i32
        %dma_start3A_186 = tpu.memref_slice %arg8[%add3A_169, %dma_start3A_185] : memref<64x80xi32, #tpu.memory_space<vmem>> -> memref<1x80xi32, #tpu.memory_space<vmem>>
        %dma_start3A_187 = tpu.memref_squeeze %dma_start3A_186 : memref<1x80xi32, #tpu.memory_space<vmem>> -> memref<80xi32, #tpu.memory_space<vmem>>
        %dma_start3A_188 = arith.constant 0 : i32
        %dma_start3A_189 = arith.constant 0 : i32
        %dma_start3A_190 = tpu.memref_slice %arg12[%dma_start3A_188, %dma_start3A_189] : memref<10240x128xf32, #tpu.memory_space<vmem_shared>> -> memref<10240x128xf32, #tpu.memory_space<vmem_shared>>
        tpu.enqueue_indirect_dma source(%arg11 : memref<80x128xf32, #tpu.memory_space<vmem>>) target(%dma_start3A_190 : memref<10240x128xf32, #tpu.memory_space<vmem_shared>>) offsets(%dma_start3A_187 : memref<80xi32, #tpu.memory_space<vmem>>) semaphore(%run_scoped3A_184 : memref<!tpu.dma_semaphore, #tpu.memory_space<semaphore_mem>>) {add = true}
        %dma_wait3A_191 = arith.constant 0 : i32
        %dma_wait3A_192 = tpu.memref_slice %arg8[%add3A_169, %dma_wait3A_191] : memref<64x80xi32, #tpu.memory_space<vmem>> -> memref<1x80xi32, #tpu.memory_space<vmem>>
        %dma_wait3A_193 = tpu.memref_squeeze %dma_wait3A_192 : memref<1x80xi32, #tpu.memory_space<vmem>> -> memref<80xi32, #tpu.memory_space<vmem>>
        %dma_wait3A_194 = arith.constant 0 : i32
        %dma_wait3A_195 = arith.constant 0 : i32
        %dma_wait3A_196 = tpu.memref_slice %arg12[%dma_wait3A_194, %dma_wait3A_195] : memref<10240x128xf32, #tpu.memory_space<vmem_shared>> -> memref<10240x128xf32, #tpu.memory_space<vmem_shared>>
        tpu.wait_indirect_dma semaphore(%run_scoped3A_184 : memref<!tpu.dma_semaphore, #tpu.memory_space<semaphore_mem>>) src(%arg11 : memref<80x128xf32, #tpu.memory_space<vmem>>) dst(%dma_wait3A_196 : memref<10240x128xf32, #tpu.memory_space<vmem_shared>>)
        tpu.yield
      }) : () -> ()
      %add3A_176 = arith.constant 5 : i32
      %add3A_177 = arith.addi %mul3A_137, %add3A_176 : i32
      %dma_start3A_178 = arith.constant 0 : i32
      %dma_start3A_179 = tpu.memref_slice %arg7[%add3A_177, %dma_start3A_178] : memref<64x80xi32, #tpu.memory_space<vmem>> -> memref<1x80xi32, #tpu.memory_space<vmem>>
      %dma_start3A_180 = tpu.memref_squeeze %dma_start3A_179 : memref<1x80xi32, #tpu.memory_space<vmem>> -> memref<80xi32, #tpu.memory_space<vmem>>
      %dma_start3A_181 = arith.constant 0 : i32
      %dma_start3A_182 = arith.constant 0 : i32
      %dma_start3A_183 = tpu.memref_slice %arg2[%dma_start3A_181, %dma_start3A_182] : memref<10000x128xf32, #tpu.memory_space<hbm>> -> memref<10000x128xf32, #tpu.memory_space<hbm>>
      tpu.enqueue_indirect_dma source(%dma_start3A_183 : memref<10000x128xf32, #tpu.memory_space<hbm>>) target(%arg11 : memref<80x128xf32, #tpu.memory_space<vmem>>) offsets(%dma_start3A_180 : memref<80xi32, #tpu.memory_space<vmem>>) semaphore(%arg15 : memref<!tpu.dma_semaphore, #tpu.memory_space<semaphore_mem>>)
    }
    %scan3A_91 = arith.constant 19 : i32
    %dma_wait3A_92 = arith.constant 57 : i32
    %dma_wait3A_93 = arith.constant 0 : i32
    %dma_wait3A_94 = tpu.memref_slice %arg7[%dma_wait3A_92, %dma_wait3A_93] : memref<64x80xi32, #tpu.memory_space<vmem>> -> memref<1x80xi32, #tpu.memory_space<vmem>>
    %dma_wait3A_95 = tpu.memref_squeeze %dma_wait3A_94 : memref<1x80xi32, #tpu.memory_space<vmem>> -> memref<80xi32, #tpu.memory_space<vmem>>
    %dma_wait3A_96 = arith.constant 0 : i32
    %dma_wait3A_97 = arith.constant 0 : i32
    %dma_wait3A_98 = tpu.memref_slice %arg2[%dma_wait3A_96, %dma_wait3A_97] : memref<10000x128xf32, #tpu.memory_space<hbm>> -> memref<10000x128xf32, #tpu.memory_space<hbm>>
    tpu.wait_indirect_dma semaphore(%arg13 : memref<!tpu.dma_semaphore, #tpu.memory_space<semaphore_mem>>) src(%dma_wait3A_98 : memref<10000x128xf32, #tpu.memory_space<hbm>>) dst(%arg9 : memref<80x128xf32, #tpu.memory_space<vmem>>)
    %run_scoped3A_99 = arith.constant 57 : i32
    "tpu.region"() ({
      %run_scoped3A_135 = tpu.sem_alloc : memref<!tpu.dma_semaphore, #tpu.memory_space<semaphore_mem>>
      %dma_start3A_136 = arith.constant 0 : i32
      %dma_start3A_137 = tpu.memref_slice %arg8[%run_scoped3A_99, %dma_start3A_136] : memref<64x80xi32, #tpu.memory_space<vmem>> -> memref<1x80xi32, #tpu.memory_space<vmem>>
      %dma_start3A_138 = tpu.memref_squeeze %dma_start3A_137 : memref<1x80xi32, #tpu.memory_space<vmem>> -> memref<80xi32, #tpu.memory_space<vmem>>
      %dma_start3A_139 = arith.constant 0 : i32
      %dma_start3A_140 = arith.constant 0 : i32
      %dma_start3A_141 = tpu.memref_slice %arg12[%dma_start3A_139, %dma_start3A_140] : memref<10240x128xf32, #tpu.memory_space<vmem_shared>> -> memref<10240x128xf32, #tpu.memory_space<vmem_shared>>
      tpu.enqueue_indirect_dma source(%arg9 : memref<80x128xf32, #tpu.memory_space<vmem>>) target(%dma_start3A_141 : memref<10240x128xf32, #tpu.memory_space<vmem_shared>>) offsets(%dma_start3A_138 : memref<80xi32, #tpu.memory_space<vmem>>) semaphore(%run_scoped3A_135 : memref<!tpu.dma_semaphore, #tpu.memory_space<semaphore_mem>>) {add = true}
      %dma_wait3A_142 = arith.constant 0 : i32
      %dma_wait3A_143 = tpu.memref_slice %arg8[%run_scoped3A_99, %dma_wait3A_142] : memref<64x80xi32, #tpu.memory_space<vmem>> -> memref<1x80xi32, #tpu.memory_space<vmem>>
      %dma_wait3A_144 = tpu.memref_squeeze %dma_wait3A_143 : memref<1x80xi32, #tpu.memory_space<vmem>> -> memref<80xi32, #tpu.memory_space<vmem>>
      %dma_wait3A_145 = arith.constant 0 : i32
      %dma_wait3A_146 = arith.constant 0 : i32
      %dma_wait3A_147 = tpu.memref_slice %arg12[%dma_wait3A_145, %dma_wait3A_146] : memref<10240x128xf32, #tpu.memory_space<vmem_shared>> -> memref<10240x128xf32, #tpu.memory_space<vmem_shared>>
      tpu.wait_indirect_dma semaphore(%run_scoped3A_135 : memref<!tpu.dma_semaphore, #tpu.memory_space<semaphore_mem>>) src(%arg9 : memref<80x128xf32, #tpu.memory_space<vmem>>) dst(%dma_wait3A_147 : memref<10240x128xf32, #tpu.memory_space<vmem_shared>>)
      tpu.yield
    }) : () -> ()
    %dma_start3A_100 = arith.constant 60 : i32
    %dma_start3A_101 = arith.constant 0 : i32
    %dma_start3A_102 = tpu.memref_slice %arg7[%dma_start3A_100, %dma_start3A_101] : memref<64x80xi32, #tpu.memory_space<vmem>> -> memref<1x80xi32, #tpu.memory_space<vmem>>
    %dma_start3A_103 = tpu.memref_squeeze %dma_start3A_102 : memref<1x80xi32, #tpu.memory_space<vmem>> -> memref<80xi32, #tpu.memory_space<vmem>>
    %dma_start3A_104 = arith.constant 0 : i32
    %dma_start3A_105 = arith.constant 0 : i32
    %dma_start3A_106 = tpu.memref_slice %arg2[%dma_start3A_104, %dma_start3A_105] : memref<10000x128xf32, #tpu.memory_space<hbm>> -> memref<10000x128xf32, #tpu.memory_space<hbm>>
    tpu.enqueue_indirect_dma source(%dma_start3A_106 : memref<10000x128xf32, #tpu.memory_space<hbm>>) target(%arg9 : memref<80x128xf32, #tpu.memory_space<vmem>>) offsets(%dma_start3A_103 : memref<80xi32, #tpu.memory_space<vmem>>) semaphore(%arg13 : memref<!tpu.dma_semaphore, #tpu.memory_space<semaphore_mem>>)
    %dma_wait3A_107 = arith.constant 58 : i32
    %dma_wait3A_108 = arith.constant 0 : i32
    %dma_wait3A_109 = tpu.memref_slice %arg7[%dma_wait3A_107, %dma_wait3A_108] : memref<64x80xi32, #tpu.memory_space<vmem>> -> memref<1x80xi32, #tpu.memory_space<vmem>>
    %dma_wait3A_110 = tpu.memref_squeeze %dma_wait3A_109 : memref<1x80xi32, #tpu.memory_space<vmem>> -> memref<80xi32, #tpu.memory_space<vmem>>
    %dma_wait3A_111 = arith.constant 0 : i32
    %dma_wait3A_112 = arith.constant 0 : i32
    %dma_wait3A_113 = tpu.memref_slice %arg2[%dma_wait3A_111, %dma_wait3A_112] : memref<10000x128xf32, #tpu.memory_space<hbm>> -> memref<10000x128xf32, #tpu.memory_space<hbm>>
    tpu.wait_indirect_dma semaphore(%arg14 : memref<!tpu.dma_semaphore, #tpu.memory_space<semaphore_mem>>) src(%dma_wait3A_113 : memref<10000x128xf32, #tpu.memory_space<hbm>>) dst(%arg10 : memref<80x128xf32, #tpu.memory_space<vmem>>)
    %run_scoped3A_114 = arith.constant 58 : i32
    "tpu.region"() ({
      %run_scoped3A_135 = tpu.sem_alloc : memref<!tpu.dma_semaphore, #tpu.memory_space<semaphore_mem>>
      %dma_start3A_136 = arith.constant 0 : i32
      %dma_start3A_137 = tpu.memref_slice %arg8[%run_scoped3A_114, %dma_start3A_136] : memref<64x80xi32, #tpu.memory_space<vmem>> -> memref<1x80xi32, #tpu.memory_space<vmem>>
      %dma_start3A_138 = tpu.memref_squeeze %dma_start3A_137 : memref<1x80xi32, #tpu.memory_space<vmem>> -> memref<80xi32, #tpu.memory_space<vmem>>
      %dma_start3A_139 = arith.constant 0 : i32
      %dma_start3A_140 = arith.constant 0 : i32
      %dma_start3A_141 = tpu.memref_slice %arg12[%dma_start3A_139, %dma_start3A_140] : memref<10240x128xf32, #tpu.memory_space<vmem_shared>> -> memref<10240x128xf32, #tpu.memory_space<vmem_shared>>
      tpu.enqueue_indirect_dma source(%arg10 : memref<80x128xf32, #tpu.memory_space<vmem>>) target(%dma_start3A_141 : memref<10240x128xf32, #tpu.memory_space<vmem_shared>>) offsets(%dma_start3A_138 : memref<80xi32, #tpu.memory_space<vmem>>) semaphore(%run_scoped3A_135 : memref<!tpu.dma_semaphore, #tpu.memory_space<semaphore_mem>>) {add = true}
      %dma_wait3A_142 = arith.constant 0 : i32
      %dma_wait3A_143 = tpu.memref_slice %arg8[%run_scoped3A_114, %dma_wait3A_142] : memref<64x80xi32, #tpu.memory_space<vmem>> -> memref<1x80xi32, #tpu.memory_space<vmem>>
      %dma_wait3A_144 = tpu.memref_squeeze %dma_wait3A_143 : memref<1x80xi32, #tpu.memory_space<vmem>> -> memref<80xi32, #tpu.memory_space<vmem>>
      %dma_wait3A_145 = arith.constant 0 : i32
      %dma_wait3A_146 = arith.constant 0 : i32
      %dma_wait3A_147 = tpu.memref_slice %arg12[%dma_wait3A_145, %dma_wait3A_146] : memref<10240x128xf32, #tpu.memory_space<vmem_shared>> -> memref<10240x128xf32, #tpu.memory_space<vmem_shared>>
      tpu.wait_indirect_dma semaphore(%run_scoped3A_135 : memref<!tpu.dma_semaphore, #tpu.memory_space<semaphore_mem>>) src(%arg10 : memref<80x128xf32, #tpu.memory_space<vmem>>) dst(%dma_wait3A_147 : memref<10240x128xf32, #tpu.memory_space<vmem_shared>>)
      tpu.yield
    }) : () -> ()
    %dma_wait3A_115 = arith.constant 59 : i32
    %dma_wait3A_116 = arith.constant 0 : i32
    %dma_wait3A_117 = tpu.memref_slice %arg7[%dma_wait3A_115, %dma_wait3A_116] : memref<64x80xi32, #tpu.memory_space<vmem>> -> memref<1x80xi32, #tpu.memory_space<vmem>>
    %dma_wait3A_118 = tpu.memref_squeeze %dma_wait3A_117 : memref<1x80xi32, #tpu.memory_space<vmem>> -> memref<80xi32, #tpu.memory_space<vmem>>
    %dma_wait3A_119 = arith.constant 0 : i32
    %dma_wait3A_120 = arith.constant 0 : i32
    %dma_wait3A_121 = tpu.memref_slice %arg2[%dma_wait3A_119, %dma_wait3A_120] : memref<10000x128xf32, #tpu.memory_space<hbm>> -> memref<10000x128xf32, #tpu.memory_space<hbm>>
    tpu.wait_indirect_dma semaphore(%arg15 : memref<!tpu.dma_semaphore, #tpu.memory_space<semaphore_mem>>) src(%dma_wait3A_121 : memref<10000x128xf32, #tpu.memory_space<hbm>>) dst(%arg11 : memref<80x128xf32, #tpu.memory_space<vmem>>)
    %run_scoped3A_122 = arith.constant 59 : i32
    "tpu.region"() ({
      %run_scoped3A_135 = tpu.sem_alloc : memref<!tpu.dma_semaphore, #tpu.memory_space<semaphore_mem>>
      %dma_start3A_136 = arith.constant 0 : i32
      %dma_start3A_137 = tpu.memref_slice %arg8[%run_scoped3A_122, %dma_start3A_136] : memref<64x80xi32, #tpu.memory_space<vmem>> -> memref<1x80xi32, #tpu.memory_space<vmem>>
      %dma_start3A_138 = tpu.memref_squeeze %dma_start3A_137 : memref<1x80xi32, #tpu.memory_space<vmem>> -> memref<80xi32, #tpu.memory_space<vmem>>
      %dma_start3A_139 = arith.constant 0 : i32
      %dma_start3A_140 = arith.constant 0 : i32
      %dma_start3A_141 = tpu.memref_slice %arg12[%dma_start3A_139, %dma_start3A_140] : memref<10240x128xf32, #tpu.memory_space<vmem_shared>> -> memref<10240x128xf32, #tpu.memory_space<vmem_shared>>
      tpu.enqueue_indirect_dma source(%arg11 : memref<80x128xf32, #tpu.memory_space<vmem>>) target(%dma_start3A_141 : memref<10240x128xf32, #tpu.memory_space<vmem_shared>>) offsets(%dma_start3A_138 : memref<80xi32, #tpu.memory_space<vmem>>) semaphore(%run_scoped3A_135 : memref<!tpu.dma_semaphore, #tpu.memory_space<semaphore_mem>>) {add = true}
      %dma_wait3A_142 = arith.constant 0 : i32
      %dma_wait3A_143 = tpu.memref_slice %arg8[%run_scoped3A_122, %dma_wait3A_142] : memref<64x80xi32, #tpu.memory_space<vmem>> -> memref<1x80xi32, #tpu.memory_space<vmem>>
      %dma_wait3A_144 = tpu.memref_squeeze %dma_wait3A_143 : memref<1x80xi32, #tpu.memory_space<vmem>> -> memref<80xi32, #tpu.memory_space<vmem>>
      %dma_wait3A_145 = arith.constant 0 : i32
      %dma_wait3A_146 = arith.constant 0 : i32
      %dma_wait3A_147 = tpu.memref_slice %arg12[%dma_wait3A_145, %dma_wait3A_146] : memref<10240x128xf32, #tpu.memory_space<vmem_shared>> -> memref<10240x128xf32, #tpu.memory_space<vmem_shared>>
      tpu.wait_indirect_dma semaphore(%run_scoped3A_135 : memref<!tpu.dma_semaphore, #tpu.memory_space<semaphore_mem>>) src(%arg11 : memref<80x128xf32, #tpu.memory_space<vmem>>) dst(%dma_wait3A_147 : memref<10240x128xf32, #tpu.memory_space<vmem_shared>>)
      tpu.yield
    }) : () -> ()
    %dma_wait3A_123 = arith.constant 60 : i32
    %dma_wait3A_124 = arith.constant 0 : i32
    %dma_wait3A_125 = tpu.memref_slice %arg7[%dma_wait3A_123, %dma_wait3A_124] : memref<64x80xi32, #tpu.memory_space<vmem>> -> memref<1x80xi32, #tpu.memory_space<vmem>>
    %dma_wait3A_126 = tpu.memref_squeeze %dma_wait3A_125 : memref<1x80xi32, #tpu.memory_space<vmem>> -> memref<80xi32, #tpu.memory_space<vmem>>
    %dma_wait3A_127 = arith.constant 0 : i32
    %dma_wait3A_128 = arith.constant 0 : i32
    %dma_wait3A_129 = tpu.memref_slice %arg2[%dma_wait3A_127, %dma_wait3A_128] : memref<10000x128xf32, #tpu.memory_space<hbm>> -> memref<10000x128xf32, #tpu.memory_space<hbm>>
    tpu.wait_indirect_dma semaphore(%arg13 : memref<!tpu.dma_semaphore, #tpu.memory_space<semaphore_mem>>) src(%dma_wait3A_129 : memref<10000x128xf32, #tpu.memory_space<hbm>>) dst(%arg9 : memref<80x128xf32, #tpu.memory_space<vmem>>)
    %run_scoped3A_130 = arith.constant 60 : i32
    "tpu.region"() ({
      %run_scoped3A_135 = tpu.sem_alloc : memref<!tpu.dma_semaphore, #tpu.memory_space<semaphore_mem>>
      %dma_start3A_136 = arith.constant 0 : i32
      %dma_start3A_137 = tpu.memref_slice %arg8[%run_scoped3A_130, %dma_start3A_136] : memref<64x80xi32, #tpu.memory_space<vmem>> -> memref<1x80xi32, #tpu.memory_space<vmem>>
      %dma_start3A_138 = tpu.memref_squeeze %dma_start3A_137 : memref<1x80xi32, #tpu.memory_space<vmem>> -> memref<80xi32, #tpu.memory_space<vmem>>
      %dma_start3A_139 = arith.constant 0 : i32
      %dma_start3A_140 = arith.constant 0 : i32
      %dma_start3A_141 = tpu.memref_slice %arg12[%dma_start3A_139, %dma_start3A_140] : memref<10240x128xf32, #tpu.memory_space<vmem_shared>> -> memref<10240x128xf32, #tpu.memory_space<vmem_shared>>
      tpu.enqueue_indirect_dma source(%arg9 : memref<80x128xf32, #tpu.memory_space<vmem>>) target(%dma_start3A_141 : memref<10240x128xf32, #tpu.memory_space<vmem_shared>>) offsets(%dma_start3A_138 : memref<80xi32, #tpu.memory_space<vmem>>) semaphore(%run_scoped3A_135 : memref<!tpu.dma_semaphore, #tpu.memory_space<semaphore_mem>>) {add = true}
      %dma_wait3A_142 = arith.constant 0 : i32
      %dma_wait3A_143 = tpu.memref_slice %arg8[%run_scoped3A_130, %dma_wait3A_142] : memref<64x80xi32, #tpu.memory_space<vmem>> -> memref<1x80xi32, #tpu.memory_space<vmem>>
      %dma_wait3A_144 = tpu.memref_squeeze %dma_wait3A_143 : memref<1x80xi32, #tpu.memory_space<vmem>> -> memref<80xi32, #tpu.memory_space<vmem>>
      %dma_wait3A_145 = arith.constant 0 : i32
      %dma_wait3A_146 = arith.constant 0 : i32
      %dma_wait3A_147 = tpu.memref_slice %arg12[%dma_wait3A_145, %dma_wait3A_146] : memref<10240x128xf32, #tpu.memory_space<vmem_shared>> -> memref<10240x128xf32, #tpu.memory_space<vmem_shared>>
      tpu.wait_indirect_dma semaphore(%run_scoped3A_135 : memref<!tpu.dma_semaphore, #tpu.memory_space<semaphore_mem>>) src(%arg9 : memref<80x128xf32, #tpu.memory_space<vmem>>) dst(%dma_wait3A_147 : memref<10240x128xf32, #tpu.memory_space<vmem_shared>>)
      tpu.yield
    }) : () -> ()
    %barrier3A_131 = arith.constant 0 : index
    tpu.barrier barrier_id(%barrier3A_131)
    %mul3A_132 = arith.constant 10240 : i32
    %mul3A_133 = arith.muli %arg0, %mul3A_132 : i32
    %add3A_134 = arith.addi %mul3A_133, %mul3A_2 : i32
    "tpu.region"() ({
      %run_scoped3A_135 = tpu.sem_alloc : memref<!tpu.dma_semaphore, #tpu.memory_space<semaphore_mem>>
      %dma_start3A_136 = arith.constant 0 : i32
      %dma_start3A_137 = tpu.memref_slice %arg6[%add3A_134, %dma_start3A_136] : memref<20480x128xf32, #tpu.memory_space<hbm>> -> memref<640x128xf32, #tpu.memory_space<hbm>>
      %dma_start3A_138 = arith.constant 0 : i32
      %dma_start3A_139 = tpu.memref_slice %arg12[%mul3A_2, %dma_start3A_138] : memref<10240x128xf32, #tpu.memory_space<vmem_shared>> -> memref<640x128xf32, #tpu.memory_space<vmem_shared>>
      tpu.enqueue_dma source(%dma_start3A_139 : memref<640x128xf32, #tpu.memory_space<vmem_shared>>) target(%dma_start3A_137 : memref<640x128xf32, #tpu.memory_space<hbm>>) target_semaphore(%run_scoped3A_135 : memref<!tpu.dma_semaphore, #tpu.memory_space<semaphore_mem>>)
      %dma_wait3A_140 = arith.constant 0 : i32
      %dma_wait3A_141 = tpu.memref_slice %arg6[%add3A_134, %dma_wait3A_140] : memref<20480x128xf32, #tpu.memory_space<hbm>> -> memref<640x128xf32, #tpu.memory_space<hbm>>
      %dma_wait3A_142 = arith.constant 0 : i32
      %dma_wait3A_143 = tpu.memref_slice %arg12[%mul3A_2, %dma_wait3A_142] : memref<10240x128xf32, #tpu.memory_space<vmem_shared>> -> memref<640x128xf32, #tpu.memory_space<vmem_shared>>
      tpu.wait_dma2 semaphore(%run_scoped3A_135 : memref<!tpu.dma_semaphore, #tpu.memory_space<semaphore_mem>>) src(%dma_wait3A_143 : memref<640x128xf32, #tpu.memory_space<vmem_shared>>) dst(%dma_wait3A_141 : memref<640x128xf32, #tpu.memory_space<hbm>>)
      tpu.yield
    }) : () -> ()
    return
  }
}

#map = affine_map<(d0, d1) -> (0, 0)>
#map1 = affine_map<(d0, d1) -> (0, 0, 0)>
module attributes {stable_mosaic.version = 14 : i64} {
  func.func @sc_agg(%arg0: i32, %arg1: i32, %arg2: memref<10000x128xf32, #tpu.memory_space<hbm>>, %arg3: memref<32x125x80xi32, #tpu.memory_space<hbm>>, %arg4: memref<32x125x80xi32, #tpu.memory_space<hbm>>, %arg5: memref<10240x128xf32, #tpu.memory_space<hbm>>, %arg6: memref<20480x128xf32, #tpu.memory_space<hbm>>, %arg7: memref<64x80xi32, #tpu.memory_space<vmem>>, %arg8: memref<64x80xi32, #tpu.memory_space<vmem>>, %arg9: memref<80x128xf32, #tpu.memory_space<vmem>>, %arg10: memref<80x128xf32, #tpu.memory_space<vmem>>, %arg11: memref<80x128xf32, #tpu.memory_space<vmem>>, %arg12: memref<10240x128xf32, #tpu.memory_space<vmem_shared>>, %arg13: memref<!tpu.dma_semaphore, #tpu.memory_space<semaphore_mem>>, %arg14: memref<!tpu.dma_semaphore, #tpu.memory_space<semaphore_mem>>, %arg15: memref<!tpu.dma_semaphore, #tpu.memory_space<semaphore_mem>>) attributes {dimension_semantics = [#tpu.dimension_semantics<core_parallel>, #tpu.dimension_semantics<subcore_parallel>], iteration_bounds = array<i64: 2, 16>, scalar_prefetch = 0 : i64, scratch_operands = 9 : i64, tpu.core_type = #tpu.core_type<sc_vector_subcore>, window_params = [{transform_indices = #map}, {transform_indices = #map1}, {transform_indices = #map1}, {transform_indices = #map}, {transform_indices = #map}]} {
    %mul3A = arith.constant 16 : i32
    %mul3A_0 = arith.muli %arg0, %mul3A : i32
    %add3A = arith.addi %mul3A_0, %arg1 : i32
    %mul3A_1 = arith.constant 640 : i32
    %mul3A_2 = arith.muli %arg1, %mul3A_1 : i32
    "tpu.region"() ({
      %run_scoped3A_135 = tpu.sem_alloc : memref<!tpu.dma_semaphore, #tpu.memory_space<semaphore_mem>>
      %dma_start3A_136 = arith.constant 0 : i32
      %dma_start3A_137 = tpu.memref_slice %arg12[%mul3A_2, %dma_start3A_136] : memref<10240x128xf32, #tpu.memory_space<vmem_shared>> -> memref<640x128xf32, #tpu.memory_space<vmem_shared>>
      %dma_start3A_138 = arith.constant 0 : i32
      %dma_start3A_139 = tpu.memref_slice %arg5[%mul3A_2, %dma_start3A_138] : memref<10240x128xf32, #tpu.memory_space<hbm>> -> memref<640x128xf32, #tpu.memory_space<hbm>>
      tpu.enqueue_dma source(%dma_start3A_139 : memref<640x128xf32, #tpu.memory_space<hbm>>) target(%dma_start3A_137 : memref<640x128xf32, #tpu.memory_space<vmem_shared>>) target_semaphore(%run_scoped3A_135 : memref<!tpu.dma_semaphore, #tpu.memory_space<semaphore_mem>>)
      %dma_wait3A_140 = arith.constant 0 : i32
      %dma_wait3A_141 = tpu.memref_slice %arg12[%mul3A_2, %dma_wait3A_140] : memref<10240x128xf32, #tpu.memory_space<vmem_shared>> -> memref<640x128xf32, #tpu.memory_space<vmem_shared>>
      %dma_wait3A_142 = arith.constant 0 : i32
      %dma_wait3A_143 = tpu.memref_slice %arg5[%mul3A_2, %dma_wait3A_142] : memref<10240x128xf32, #tpu.memory_space<hbm>> -> memref<640x128xf32, #tpu.memory_space<hbm>>
      tpu.wait_dma2 semaphore(%run_scoped3A_135 : memref<!tpu.dma_semaphore, #tpu.memory_space<semaphore_mem>>) src(%dma_wait3A_143 : memref<640x128xf32, #tpu.memory_space<hbm>>) dst(%dma_wait3A_141 : memref<640x128xf32, #tpu.memory_space<vmem_shared>>)
      tpu.yield
    }) : () -> ()
    %barrier3A = arith.constant 0 : index
    tpu.barrier barrier_id(%barrier3A)
    "tpu.region"() ({
      %run_scoped3A_135 = tpu.sem_alloc : memref<!tpu.dma_semaphore, #tpu.memory_space<semaphore_mem>>
      %dma_start3A_136 = arith.constant 0 : i32
      %dma_start3A_137 = arith.constant 0 : i32
      %dma_start3A_138 = tpu.memref_slice %arg7[%dma_start3A_136, %dma_start3A_137] : memref<64x80xi32, #tpu.memory_space<vmem>> -> memref<64x80xi32, #tpu.memory_space<vmem>>
      %dma_start3A_139 = arith.constant 0 : i32
      %dma_start3A_140 = arith.constant 0 : i32
      %dma_start3A_141 = tpu.memref_slice %arg3[%add3A, %dma_start3A_139, %dma_start3A_140] : memref<32x125x80xi32, #tpu.memory_space<hbm>> -> memref<1x64x80xi32, #tpu.memory_space<hbm>>
      %dma_start3A_142 = tpu.memref_squeeze %dma_start3A_141 : memref<1x64x80xi32, #tpu.memory_space<hbm>> -> memref<64x80xi32, #tpu.memory_space<hbm>>
      %dma_start3A_143 = arith.constant 0 : i32
      %dma_start3A_144 = arith.constant 0 : i32
      %dma_start3A_145 = tpu.memref_slice %arg7[%dma_start3A_143, %dma_start3A_144] : memref<64x80xi32, #tpu.memory_space<vmem>> -> memref<64x80xi32, #tpu.memory_space<vmem>>
      %dma_start3A_146 = arith.constant 0 : i32
      %dma_start3A_147 = arith.constant 0 : i32
      %dma_start3A_148 = tpu.memref_slice %arg3[%add3A, %dma_start3A_146, %dma_start3A_147] : memref<32x125x80xi32, #tpu.memory_space<hbm>> -> memref<1x64x80xi32, #tpu.memory_space<hbm>>
      %dma_start3A_149 = tpu.memref_squeeze %dma_start3A_148 : memref<1x64x80xi32, #tpu.memory_space<hbm>> -> memref<64x80xi32, #tpu.memory_space<hbm>>
      tpu.enqueue_dma source(%dma_start3A_149 : memref<64x80xi32, #tpu.memory_space<hbm>>) target(%dma_start3A_145 : memref<64x80xi32, #tpu.memory_space<vmem>>) target_semaphore(%run_scoped3A_135 : memref<!tpu.dma_semaphore, #tpu.memory_space<semaphore_mem>>)
      %dma_wait3A_150 = arith.constant 0 : i32
      %dma_wait3A_151 = arith.constant 0 : i32
      %dma_wait3A_152 = tpu.memref_slice %arg7[%dma_wait3A_150, %dma_wait3A_151] : memref<64x80xi32, #tpu.memory_space<vmem>> -> memref<64x80xi32, #tpu.memory_space<vmem>>
      %dma_wait3A_153 = arith.constant 0 : i32
      %dma_wait3A_154 = arith.constant 0 : i32
      %dma_wait3A_155 = tpu.memref_slice %arg3[%add3A, %dma_wait3A_153, %dma_wait3A_154] : memref<32x125x80xi32, #tpu.memory_space<hbm>> -> memref<1x64x80xi32, #tpu.memory_space<hbm>>
      %dma_wait3A_156 = tpu.memref_squeeze %dma_wait3A_155 : memref<1x64x80xi32, #tpu.memory_space<hbm>> -> memref<64x80xi32, #tpu.memory_space<hbm>>
      %dma_wait3A_157 = arith.constant 0 : i32
      %dma_wait3A_158 = arith.constant 0 : i32
      %dma_wait3A_159 = tpu.memref_slice %arg7[%dma_wait3A_157, %dma_wait3A_158] : memref<64x80xi32, #tpu.memory_space<vmem>> -> memref<64x80xi32, #tpu.memory_space<vmem>>
      %dma_wait3A_160 = arith.constant 0 : i32
      %dma_wait3A_161 = arith.constant 0 : i32
      %dma_wait3A_162 = tpu.memref_slice %arg3[%add3A, %dma_wait3A_160, %dma_wait3A_161] : memref<32x125x80xi32, #tpu.memory_space<hbm>> -> memref<1x64x80xi32, #tpu.memory_space<hbm>>
      %dma_wait3A_163 = tpu.memref_squeeze %dma_wait3A_162 : memref<1x64x80xi32, #tpu.memory_space<hbm>> -> memref<64x80xi32, #tpu.memory_space<hbm>>
      tpu.wait_dma2 semaphore(%run_scoped3A_135 : memref<!tpu.dma_semaphore, #tpu.memory_space<semaphore_mem>>) src(%dma_wait3A_163 : memref<64x80xi32, #tpu.memory_space<hbm>>) dst(%dma_wait3A_159 : memref<64x80xi32, #tpu.memory_space<vmem>>)
      tpu.yield
    }) : () -> ()
    "tpu.region"() ({
      %run_scoped3A_135 = tpu.sem_alloc : memref<!tpu.dma_semaphore, #tpu.memory_space<semaphore_mem>>
      %dma_start3A_136 = arith.constant 0 : i32
      %dma_start3A_137 = arith.constant 0 : i32
      %dma_start3A_138 = tpu.memref_slice %arg8[%dma_start3A_136, %dma_start3A_137] : memref<64x80xi32, #tpu.memory_space<vmem>> -> memref<64x80xi32, #tpu.memory_space<vmem>>
      %dma_start3A_139 = arith.constant 0 : i32
      %dma_start3A_140 = arith.constant 0 : i32
      %dma_start3A_141 = tpu.memref_slice %arg4[%add3A, %dma_start3A_139, %dma_start3A_140] : memref<32x125x80xi32, #tpu.memory_space<hbm>> -> memref<1x64x80xi32, #tpu.memory_space<hbm>>
      %dma_start3A_142 = tpu.memref_squeeze %dma_start3A_141 : memref<1x64x80xi32, #tpu.memory_space<hbm>> -> memref<64x80xi32, #tpu.memory_space<hbm>>
      %dma_start3A_143 = arith.constant 0 : i32
      %dma_start3A_144 = arith.constant 0 : i32
      %dma_start3A_145 = tpu.memref_slice %arg8[%dma_start3A_143, %dma_start3A_144] : memref<64x80xi32, #tpu.memory_space<vmem>> -> memref<64x80xi32, #tpu.memory_space<vmem>>
      %dma_start3A_146 = arith.constant 0 : i32
      %dma_start3A_147 = arith.constant 0 : i32
      %dma_start3A_148 = tpu.memref_slice %arg4[%add3A, %dma_start3A_146, %dma_start3A_147] : memref<32x125x80xi32, #tpu.memory_space<hbm>> -> memref<1x64x80xi32, #tpu.memory_space<hbm>>
      %dma_start3A_149 = tpu.memref_squeeze %dma_start3A_148 : memref<1x64x80xi32, #tpu.memory_space<hbm>> -> memref<64x80xi32, #tpu.memory_space<hbm>>
      tpu.enqueue_dma source(%dma_start3A_149 : memref<64x80xi32, #tpu.memory_space<hbm>>) target(%dma_start3A_145 : memref<64x80xi32, #tpu.memory_space<vmem>>) target_semaphore(%run_scoped3A_135 : memref<!tpu.dma_semaphore, #tpu.memory_space<semaphore_mem>>)
      %dma_wait3A_150 = arith.constant 0 : i32
      %dma_wait3A_151 = arith.constant 0 : i32
      %dma_wait3A_152 = tpu.memref_slice %arg8[%dma_wait3A_150, %dma_wait3A_151] : memref<64x80xi32, #tpu.memory_space<vmem>> -> memref<64x80xi32, #tpu.memory_space<vmem>>
      %dma_wait3A_153 = arith.constant 0 : i32
      %dma_wait3A_154 = arith.constant 0 : i32
      %dma_wait3A_155 = tpu.memref_slice %arg4[%add3A, %dma_wait3A_153, %dma_wait3A_154] : memref<32x125x80xi32, #tpu.memory_space<hbm>> -> memref<1x64x80xi32, #tpu.memory_space<hbm>>
      %dma_wait3A_156 = tpu.memref_squeeze %dma_wait3A_155 : memref<1x64x80xi32, #tpu.memory_space<hbm>> -> memref<64x80xi32, #tpu.memory_space<hbm>>
      %dma_wait3A_157 = arith.constant 0 : i32
      %dma_wait3A_158 = arith.constant 0 : i32
      %dma_wait3A_159 = tpu.memref_slice %arg8[%dma_wait3A_157, %dma_wait3A_158] : memref<64x80xi32, #tpu.memory_space<vmem>> -> memref<64x80xi32, #tpu.memory_space<vmem>>
      %dma_wait3A_160 = arith.constant 0 : i32
      %dma_wait3A_161 = arith.constant 0 : i32
      %dma_wait3A_162 = tpu.memref_slice %arg4[%add3A, %dma_wait3A_160, %dma_wait3A_161] : memref<32x125x80xi32, #tpu.memory_space<hbm>> -> memref<1x64x80xi32, #tpu.memory_space<hbm>>
      %dma_wait3A_163 = tpu.memref_squeeze %dma_wait3A_162 : memref<1x64x80xi32, #tpu.memory_space<hbm>> -> memref<64x80xi32, #tpu.memory_space<hbm>>
      tpu.wait_dma2 semaphore(%run_scoped3A_135 : memref<!tpu.dma_semaphore, #tpu.memory_space<semaphore_mem>>) src(%dma_wait3A_163 : memref<64x80xi32, #tpu.memory_space<hbm>>) dst(%dma_wait3A_159 : memref<64x80xi32, #tpu.memory_space<vmem>>)
      tpu.yield
    }) : () -> ()
    %dma_start3A = arith.constant 0 : i32
    %dma_start3A_3 = arith.constant 0 : i32
    %dma_start3A_4 = tpu.memref_slice %arg7[%dma_start3A, %dma_start3A_3] : memref<64x80xi32, #tpu.memory_space<vmem>> -> memref<1x80xi32, #tpu.memory_space<vmem>>
    %dma_start3A_5 = tpu.memref_squeeze %dma_start3A_4 : memref<1x80xi32, #tpu.memory_space<vmem>> -> memref<80xi32, #tpu.memory_space<vmem>>
    %dma_start3A_6 = arith.constant 0 : i32
    %dma_start3A_7 = arith.constant 0 : i32
    %dma_start3A_8 = tpu.memref_slice %arg2[%dma_start3A_6, %dma_start3A_7] : memref<10000x128xf32, #tpu.memory_space<hbm>> -> memref<10000x128xf32, #tpu.memory_space<hbm>>
    tpu.enqueue_indirect_dma source(%dma_start3A_8 : memref<10000x128xf32, #tpu.memory_space<hbm>>) target(%arg9 : memref<80x128xf32, #tpu.memory_space<vmem>>) offsets(%dma_start3A_5 : memref<80xi32, #tpu.memory_space<vmem>>) semaphore(%arg13 : memref<!tpu.dma_semaphore, #tpu.memory_space<semaphore_mem>>)
    %dma_start3A_9 = arith.constant 1 : i32
    %dma_start3A_10 = arith.constant 0 : i32
    %dma_start3A_11 = tpu.memref_slice %arg7[%dma_start3A_9, %dma_start3A_10] : memref<64x80xi32, #tpu.memory_space<vmem>> -> memref<1x80xi32, #tpu.memory_space<vmem>>
    %dma_start3A_12 = tpu.memref_squeeze %dma_start3A_11 : memref<1x80xi32, #tpu.memory_space<vmem>> -> memref<80xi32, #tpu.memory_space<vmem>>
    %dma_start3A_13 = arith.constant 0 : i32
    %dma_start3A_14 = arith.constant 0 : i32
    %dma_start3A_15 = tpu.memref_slice %arg2[%dma_start3A_13, %dma_start3A_14] : memref<10000x128xf32, #tpu.memory_space<hbm>> -> memref<10000x128xf32, #tpu.memory_space<hbm>>
    tpu.enqueue_indirect_dma source(%dma_start3A_15 : memref<10000x128xf32, #tpu.memory_space<hbm>>) target(%arg10 : memref<80x128xf32, #tpu.memory_space<vmem>>) offsets(%dma_start3A_12 : memref<80xi32, #tpu.memory_space<vmem>>) semaphore(%arg14 : memref<!tpu.dma_semaphore, #tpu.memory_space<semaphore_mem>>)
    %dma_start3A_16 = arith.constant 2 : i32
    %dma_start3A_17 = arith.constant 0 : i32
    %dma_start3A_18 = tpu.memref_slice %arg7[%dma_start3A_16, %dma_start3A_17] : memref<64x80xi32, #tpu.memory_space<vmem>> -> memref<1x80xi32, #tpu.memory_space<vmem>>
    %dma_start3A_19 = tpu.memref_squeeze %dma_start3A_18 : memref<1x80xi32, #tpu.memory_space<vmem>> -> memref<80xi32, #tpu.memory_space<vmem>>
    %dma_start3A_20 = arith.constant 0 : i32
    %dma_start3A_21 = arith.constant 0 : i32
    %dma_start3A_22 = tpu.memref_slice %arg2[%dma_start3A_20, %dma_start3A_21] : memref<10000x128xf32, #tpu.memory_space<hbm>> -> memref<10000x128xf32, #tpu.memory_space<hbm>>
    tpu.enqueue_indirect_dma source(%dma_start3A_22 : memref<10000x128xf32, #tpu.memory_space<hbm>>) target(%arg11 : memref<80x128xf32, #tpu.memory_space<vmem>>) offsets(%dma_start3A_19 : memref<80xi32, #tpu.memory_space<vmem>>) semaphore(%arg15 : memref<!tpu.dma_semaphore, #tpu.memory_space<semaphore_mem>>)
    %scan3A = arith.constant 0 : i32
    %scan3A_23 = arith.constant 0 : i32
    %scan3A_24 = arith.constant 20 : i32
    %scan3A_25 = arith.addi %scan3A_23, %scan3A_24 : i32
    %scan3A_26 = arith.constant 1 : i32
    scf.for %scan3A_135 = %scan3A_23 to %scan3A_25 step %scan3A_26  : i32 {
      %mul3A_136 = arith.constant 3 : i32
      %mul3A_137 = arith.muli %mul3A_136, %scan3A_135 : i32
      %dma_wait3A_138 = arith.constant 0 : i32
      %dma_wait3A_139 = tpu.memref_slice %arg7[%mul3A_137, %dma_wait3A_138] : memref<64x80xi32, #tpu.memory_space<vmem>> -> memref<1x80xi32, #tpu.memory_space<vmem>>
      %dma_wait3A_140 = tpu.memref_squeeze %dma_wait3A_139 : memref<1x80xi32, #tpu.memory_space<vmem>> -> memref<80xi32, #tpu.memory_space<vmem>>
      %dma_wait3A_141 = arith.constant 0 : i32
      %dma_wait3A_142 = arith.constant 0 : i32
      %dma_wait3A_143 = tpu.memref_slice %arg2[%dma_wait3A_141, %dma_wait3A_142] : memref<10000x128xf32, #tpu.memory_space<hbm>> -> memref<10000x128xf32, #tpu.memory_space<hbm>>
      tpu.wait_indirect_dma semaphore(%arg13 : memref<!tpu.dma_semaphore, #tpu.memory_space<semaphore_mem>>) src(%dma_wait3A_143 : memref<10000x128xf32, #tpu.memory_space<hbm>>) dst(%arg9 : memref<80x128xf32, #tpu.memory_space<vmem>>)
      "tpu.region"() ({
        %run_scoped3A_184 = tpu.sem_alloc : memref<!tpu.dma_semaphore, #tpu.memory_space<semaphore_mem>>
        %dma_start3A_185 = arith.constant 0 : i32
        %dma_start3A_186 = tpu.memref_slice %arg8[%mul3A_137, %dma_start3A_185] : memref<64x80xi32, #tpu.memory_space<vmem>> -> memref<1x80xi32, #tpu.memory_space<vmem>>
        %dma_start3A_187 = tpu.memref_squeeze %dma_start3A_186 : memref<1x80xi32, #tpu.memory_space<vmem>> -> memref<80xi32, #tpu.memory_space<vmem>>
        %dma_start3A_188 = arith.constant 0 : i32
        %dma_start3A_189 = arith.constant 0 : i32
        %dma_start3A_190 = tpu.memref_slice %arg12[%dma_start3A_188, %dma_start3A_189] : memref<10240x128xf32, #tpu.memory_space<vmem_shared>> -> memref<10240x128xf32, #tpu.memory_space<vmem_shared>>
        tpu.enqueue_indirect_dma source(%arg9 : memref<80x128xf32, #tpu.memory_space<vmem>>) target(%dma_start3A_190 : memref<10240x128xf32, #tpu.memory_space<vmem_shared>>) offsets(%dma_start3A_187 : memref<80xi32, #tpu.memory_space<vmem>>) semaphore(%run_scoped3A_184 : memref<!tpu.dma_semaphore, #tpu.memory_space<semaphore_mem>>) {add = true}
        %dma_wait3A_191 = arith.constant 0 : i32
        %dma_wait3A_192 = tpu.memref_slice %arg8[%mul3A_137, %dma_wait3A_191] : memref<64x80xi32, #tpu.memory_space<vmem>> -> memref<1x80xi32, #tpu.memory_space<vmem>>
        %dma_wait3A_193 = tpu.memref_squeeze %dma_wait3A_192 : memref<1x80xi32, #tpu.memory_space<vmem>> -> memref<80xi32, #tpu.memory_space<vmem>>
        %dma_wait3A_194 = arith.constant 0 : i32
        %dma_wait3A_195 = arith.constant 0 : i32
        %dma_wait3A_196 = tpu.memref_slice %arg12[%dma_wait3A_194, %dma_wait3A_195] : memref<10240x128xf32, #tpu.memory_space<vmem_shared>> -> memref<10240x128xf32, #tpu.memory_space<vmem_shared>>
        tpu.wait_indirect_dma semaphore(%run_scoped3A_184 : memref<!tpu.dma_semaphore, #tpu.memory_space<semaphore_mem>>) src(%arg9 : memref<80x128xf32, #tpu.memory_space<vmem>>) dst(%dma_wait3A_196 : memref<10240x128xf32, #tpu.memory_space<vmem_shared>>)
        tpu.yield
      }) : () -> ()
      %add3A_144 = arith.constant 3 : i32
      %add3A_145 = arith.addi %mul3A_137, %add3A_144 : i32
      %dma_start3A_146 = arith.constant 0 : i32
      %dma_start3A_147 = tpu.memref_slice %arg7[%add3A_145, %dma_start3A_146] : memref<64x80xi32, #tpu.memory_space<vmem>> -> memref<1x80xi32, #tpu.memory_space<vmem>>
      %dma_start3A_148 = tpu.memref_squeeze %dma_start3A_147 : memref<1x80xi32, #tpu.memory_space<vmem>> -> memref<80xi32, #tpu.memory_space<vmem>>
      %dma_start3A_149 = arith.constant 0 : i32
      %dma_start3A_150 = arith.constant 0 : i32
      %dma_start3A_151 = tpu.memref_slice %arg2[%dma_start3A_149, %dma_start3A_150] : memref<10000x128xf32, #tpu.memory_space<hbm>> -> memref<10000x128xf32, #tpu.memory_space<hbm>>
      tpu.enqueue_indirect_dma source(%dma_start3A_151 : memref<10000x128xf32, #tpu.memory_space<hbm>>) target(%arg9 : memref<80x128xf32, #tpu.memory_space<vmem>>) offsets(%dma_start3A_148 : memref<80xi32, #tpu.memory_space<vmem>>) semaphore(%arg13 : memref<!tpu.dma_semaphore, #tpu.memory_space<semaphore_mem>>)
      %add3A_152 = arith.constant 1 : i32
      %add3A_153 = arith.addi %mul3A_137, %add3A_152 : i32
      %dma_wait3A_154 = arith.constant 0 : i32
      %dma_wait3A_155 = tpu.memref_slice %arg7[%add3A_153, %dma_wait3A_154] : memref<64x80xi32, #tpu.memory_space<vmem>> -> memref<1x80xi32, #tpu.memory_space<vmem>>
      %dma_wait3A_156 = tpu.memref_squeeze %dma_wait3A_155 : memref<1x80xi32, #tpu.memory_space<vmem>> -> memref<80xi32, #tpu.memory_space<vmem>>
      %dma_wait3A_157 = arith.constant 0 : i32
      %dma_wait3A_158 = arith.constant 0 : i32
      %dma_wait3A_159 = tpu.memref_slice %arg2[%dma_wait3A_157, %dma_wait3A_158] : memref<10000x128xf32, #tpu.memory_space<hbm>> -> memref<10000x128xf32, #tpu.memory_space<hbm>>
      tpu.wait_indirect_dma semaphore(%arg14 : memref<!tpu.dma_semaphore, #tpu.memory_space<semaphore_mem>>) src(%dma_wait3A_159 : memref<10000x128xf32, #tpu.memory_space<hbm>>) dst(%arg10 : memref<80x128xf32, #tpu.memory_space<vmem>>)
      "tpu.region"() ({
        %run_scoped3A_184 = tpu.sem_alloc : memref<!tpu.dma_semaphore, #tpu.memory_space<semaphore_mem>>
        %dma_start3A_185 = arith.constant 0 : i32
        %dma_start3A_186 = tpu.memref_slice %arg8[%add3A_153, %dma_start3A_185] : memref<64x80xi32, #tpu.memory_space<vmem>> -> memref<1x80xi32, #tpu.memory_space<vmem>>
        %dma_start3A_187 = tpu.memref_squeeze %dma_start3A_186 : memref<1x80xi32, #tpu.memory_space<vmem>> -> memref<80xi32, #tpu.memory_space<vmem>>
        %dma_start3A_188 = arith.constant 0 : i32
        %dma_start3A_189 = arith.constant 0 : i32
        %dma_start3A_190 = tpu.memref_slice %arg12[%dma_start3A_188, %dma_start3A_189] : memref<10240x128xf32, #tpu.memory_space<vmem_shared>> -> memref<10240x128xf32, #tpu.memory_space<vmem_shared>>
        tpu.enqueue_indirect_dma source(%arg10 : memref<80x128xf32, #tpu.memory_space<vmem>>) target(%dma_start3A_190 : memref<10240x128xf32, #tpu.memory_space<vmem_shared>>) offsets(%dma_start3A_187 : memref<80xi32, #tpu.memory_space<vmem>>) semaphore(%run_scoped3A_184 : memref<!tpu.dma_semaphore, #tpu.memory_space<semaphore_mem>>) {add = true}
        %dma_wait3A_191 = arith.constant 0 : i32
        %dma_wait3A_192 = tpu.memref_slice %arg8[%add3A_153, %dma_wait3A_191] : memref<64x80xi32, #tpu.memory_space<vmem>> -> memref<1x80xi32, #tpu.memory_space<vmem>>
        %dma_wait3A_193 = tpu.memref_squeeze %dma_wait3A_192 : memref<1x80xi32, #tpu.memory_space<vmem>> -> memref<80xi32, #tpu.memory_space<vmem>>
        %dma_wait3A_194 = arith.constant 0 : i32
        %dma_wait3A_195 = arith.constant 0 : i32
        %dma_wait3A_196 = tpu.memref_slice %arg12[%dma_wait3A_194, %dma_wait3A_195] : memref<10240x128xf32, #tpu.memory_space<vmem_shared>> -> memref<10240x128xf32, #tpu.memory_space<vmem_shared>>
        tpu.wait_indirect_dma semaphore(%run_scoped3A_184 : memref<!tpu.dma_semaphore, #tpu.memory_space<semaphore_mem>>) src(%arg10 : memref<80x128xf32, #tpu.memory_space<vmem>>) dst(%dma_wait3A_196 : memref<10240x128xf32, #tpu.memory_space<vmem_shared>>)
        tpu.yield
      }) : () -> ()
      %add3A_160 = arith.constant 4 : i32
      %add3A_161 = arith.addi %mul3A_137, %add3A_160 : i32
      %dma_start3A_162 = arith.constant 0 : i32
      %dma_start3A_163 = tpu.memref_slice %arg7[%add3A_161, %dma_start3A_162] : memref<64x80xi32, #tpu.memory_space<vmem>> -> memref<1x80xi32, #tpu.memory_space<vmem>>
      %dma_start3A_164 = tpu.memref_squeeze %dma_start3A_163 : memref<1x80xi32, #tpu.memory_space<vmem>> -> memref<80xi32, #tpu.memory_space<vmem>>
      %dma_start3A_165 = arith.constant 0 : i32
      %dma_start3A_166 = arith.constant 0 : i32
      %dma_start3A_167 = tpu.memref_slice %arg2[%dma_start3A_165, %dma_start3A_166] : memref<10000x128xf32, #tpu.memory_space<hbm>> -> memref<10000x128xf32, #tpu.memory_space<hbm>>
      tpu.enqueue_indirect_dma source(%dma_start3A_167 : memref<10000x128xf32, #tpu.memory_space<hbm>>) target(%arg10 : memref<80x128xf32, #tpu.memory_space<vmem>>) offsets(%dma_start3A_164 : memref<80xi32, #tpu.memory_space<vmem>>) semaphore(%arg14 : memref<!tpu.dma_semaphore, #tpu.memory_space<semaphore_mem>>)
      %add3A_168 = arith.constant 2 : i32
      %add3A_169 = arith.addi %mul3A_137, %add3A_168 : i32
      %dma_wait3A_170 = arith.constant 0 : i32
      %dma_wait3A_171 = tpu.memref_slice %arg7[%add3A_169, %dma_wait3A_170] : memref<64x80xi32, #tpu.memory_space<vmem>> -> memref<1x80xi32, #tpu.memory_space<vmem>>
      %dma_wait3A_172 = tpu.memref_squeeze %dma_wait3A_171 : memref<1x80xi32, #tpu.memory_space<vmem>> -> memref<80xi32, #tpu.memory_space<vmem>>
      %dma_wait3A_173 = arith.constant 0 : i32
      %dma_wait3A_174 = arith.constant 0 : i32
      %dma_wait3A_175 = tpu.memref_slice %arg2[%dma_wait3A_173, %dma_wait3A_174] : memref<10000x128xf32, #tpu.memory_space<hbm>> -> memref<10000x128xf32, #tpu.memory_space<hbm>>
      tpu.wait_indirect_dma semaphore(%arg15 : memref<!tpu.dma_semaphore, #tpu.memory_space<semaphore_mem>>) src(%dma_wait3A_175 : memref<10000x128xf32, #tpu.memory_space<hbm>>) dst(%arg11 : memref<80x128xf32, #tpu.memory_space<vmem>>)
      "tpu.region"() ({
        %run_scoped3A_184 = tpu.sem_alloc : memref<!tpu.dma_semaphore, #tpu.memory_space<semaphore_mem>>
        %dma_start3A_185 = arith.constant 0 : i32
        %dma_start3A_186 = tpu.memref_slice %arg8[%add3A_169, %dma_start3A_185] : memref<64x80xi32, #tpu.memory_space<vmem>> -> memref<1x80xi32, #tpu.memory_space<vmem>>
        %dma_start3A_187 = tpu.memref_squeeze %dma_start3A_186 : memref<1x80xi32, #tpu.memory_space<vmem>> -> memref<80xi32, #tpu.memory_space<vmem>>
        %dma_start3A_188 = arith.constant 0 : i32
        %dma_start3A_189 = arith.constant 0 : i32
        %dma_start3A_190 = tpu.memref_slice %arg12[%dma_start3A_188, %dma_start3A_189] : memref<10240x128xf32, #tpu.memory_space<vmem_shared>> -> memref<10240x128xf32, #tpu.memory_space<vmem_shared>>
        tpu.enqueue_indirect_dma source(%arg11 : memref<80x128xf32, #tpu.memory_space<vmem>>) target(%dma_start3A_190 : memref<10240x128xf32, #tpu.memory_space<vmem_shared>>) offsets(%dma_start3A_187 : memref<80xi32, #tpu.memory_space<vmem>>) semaphore(%run_scoped3A_184 : memref<!tpu.dma_semaphore, #tpu.memory_space<semaphore_mem>>) {add = true}
        %dma_wait3A_191 = arith.constant 0 : i32
        %dma_wait3A_192 = tpu.memref_slice %arg8[%add3A_169, %dma_wait3A_191] : memref<64x80xi32, #tpu.memory_space<vmem>> -> memref<1x80xi32, #tpu.memory_space<vmem>>
        %dma_wait3A_193 = tpu.memref_squeeze %dma_wait3A_192 : memref<1x80xi32, #tpu.memory_space<vmem>> -> memref<80xi32, #tpu.memory_space<vmem>>
        %dma_wait3A_194 = arith.constant 0 : i32
        %dma_wait3A_195 = arith.constant 0 : i32
        %dma_wait3A_196 = tpu.memref_slice %arg12[%dma_wait3A_194, %dma_wait3A_195] : memref<10240x128xf32, #tpu.memory_space<vmem_shared>> -> memref<10240x128xf32, #tpu.memory_space<vmem_shared>>
        tpu.wait_indirect_dma semaphore(%run_scoped3A_184 : memref<!tpu.dma_semaphore, #tpu.memory_space<semaphore_mem>>) src(%arg11 : memref<80x128xf32, #tpu.memory_space<vmem>>) dst(%dma_wait3A_196 : memref<10240x128xf32, #tpu.memory_space<vmem_shared>>)
        tpu.yield
      }) : () -> ()
      %add3A_176 = arith.constant 5 : i32
      %add3A_177 = arith.addi %mul3A_137, %add3A_176 : i32
      %dma_start3A_178 = arith.constant 0 : i32
      %dma_start3A_179 = tpu.memref_slice %arg7[%add3A_177, %dma_start3A_178] : memref<64x80xi32, #tpu.memory_space<vmem>> -> memref<1x80xi32, #tpu.memory_space<vmem>>
      %dma_start3A_180 = tpu.memref_squeeze %dma_start3A_179 : memref<1x80xi32, #tpu.memory_space<vmem>> -> memref<80xi32, #tpu.memory_space<vmem>>
      %dma_start3A_181 = arith.constant 0 : i32
      %dma_start3A_182 = arith.constant 0 : i32
      %dma_start3A_183 = tpu.memref_slice %arg2[%dma_start3A_181, %dma_start3A_182] : memref<10000x128xf32, #tpu.memory_space<hbm>> -> memref<10000x128xf32, #tpu.memory_space<hbm>>
      tpu.enqueue_indirect_dma source(%dma_start3A_183 : memref<10000x128xf32, #tpu.memory_space<hbm>>) target(%arg11 : memref<80x128xf32, #tpu.memory_space<vmem>>) offsets(%dma_start3A_180 : memref<80xi32, #tpu.memory_space<vmem>>) semaphore(%arg15 : memref<!tpu.dma_semaphore, #tpu.memory_space<semaphore_mem>>)
    }
    %scan3A_27 = arith.constant 20 : i32
    %dma_wait3A = arith.constant 60 : i32
    %dma_wait3A_28 = arith.constant 0 : i32
    %dma_wait3A_29 = tpu.memref_slice %arg7[%dma_wait3A, %dma_wait3A_28] : memref<64x80xi32, #tpu.memory_space<vmem>> -> memref<1x80xi32, #tpu.memory_space<vmem>>
    %dma_wait3A_30 = tpu.memref_squeeze %dma_wait3A_29 : memref<1x80xi32, #tpu.memory_space<vmem>> -> memref<80xi32, #tpu.memory_space<vmem>>
    %dma_wait3A_31 = arith.constant 0 : i32
    %dma_wait3A_32 = arith.constant 0 : i32
    %dma_wait3A_33 = tpu.memref_slice %arg2[%dma_wait3A_31, %dma_wait3A_32] : memref<10000x128xf32, #tpu.memory_space<hbm>> -> memref<10000x128xf32, #tpu.memory_space<hbm>>
    tpu.wait_indirect_dma semaphore(%arg13 : memref<!tpu.dma_semaphore, #tpu.memory_space<semaphore_mem>>) src(%dma_wait3A_33 : memref<10000x128xf32, #tpu.memory_space<hbm>>) dst(%arg9 : memref<80x128xf32, #tpu.memory_space<vmem>>)
    %run_scoped3A = arith.constant 60 : i32
    "tpu.region"() ({
      %run_scoped3A_135 = tpu.sem_alloc : memref<!tpu.dma_semaphore, #tpu.memory_space<semaphore_mem>>
      %dma_start3A_136 = arith.constant 0 : i32
      %dma_start3A_137 = tpu.memref_slice %arg8[%run_scoped3A, %dma_start3A_136] : memref<64x80xi32, #tpu.memory_space<vmem>> -> memref<1x80xi32, #tpu.memory_space<vmem>>
      %dma_start3A_138 = tpu.memref_squeeze %dma_start3A_137 : memref<1x80xi32, #tpu.memory_space<vmem>> -> memref<80xi32, #tpu.memory_space<vmem>>
      %dma_start3A_139 = arith.constant 0 : i32
      %dma_start3A_140 = arith.constant 0 : i32
      %dma_start3A_141 = tpu.memref_slice %arg12[%dma_start3A_139, %dma_start3A_140] : memref<10240x128xf32, #tpu.memory_space<vmem_shared>> -> memref<10240x128xf32, #tpu.memory_space<vmem_shared>>
      tpu.enqueue_indirect_dma source(%arg9 : memref<80x128xf32, #tpu.memory_space<vmem>>) target(%dma_start3A_141 : memref<10240x128xf32, #tpu.memory_space<vmem_shared>>) offsets(%dma_start3A_138 : memref<80xi32, #tpu.memory_space<vmem>>) semaphore(%run_scoped3A_135 : memref<!tpu.dma_semaphore, #tpu.memory_space<semaphore_mem>>) {add = true}
      %dma_wait3A_142 = arith.constant 0 : i32
      %dma_wait3A_143 = tpu.memref_slice %arg8[%run_scoped3A, %dma_wait3A_142] : memref<64x80xi32, #tpu.memory_space<vmem>> -> memref<1x80xi32, #tpu.memory_space<vmem>>
      %dma_wait3A_144 = tpu.memref_squeeze %dma_wait3A_143 : memref<1x80xi32, #tpu.memory_space<vmem>> -> memref<80xi32, #tpu.memory_space<vmem>>
      %dma_wait3A_145 = arith.constant 0 : i32
      %dma_wait3A_146 = arith.constant 0 : i32
      %dma_wait3A_147 = tpu.memref_slice %arg12[%dma_wait3A_145, %dma_wait3A_146] : memref<10240x128xf32, #tpu.memory_space<vmem_shared>> -> memref<10240x128xf32, #tpu.memory_space<vmem_shared>>
      tpu.wait_indirect_dma semaphore(%run_scoped3A_135 : memref<!tpu.dma_semaphore, #tpu.memory_space<semaphore_mem>>) src(%arg9 : memref<80x128xf32, #tpu.memory_space<vmem>>) dst(%dma_wait3A_147 : memref<10240x128xf32, #tpu.memory_space<vmem_shared>>)
      tpu.yield
    }) : () -> ()
    %dma_start3A_34 = arith.constant 63 : i32
    %dma_start3A_35 = arith.constant 0 : i32
    %dma_start3A_36 = tpu.memref_slice %arg7[%dma_start3A_34, %dma_start3A_35] : memref<64x80xi32, #tpu.memory_space<vmem>> -> memref<1x80xi32, #tpu.memory_space<vmem>>
    %dma_start3A_37 = tpu.memref_squeeze %dma_start3A_36 : memref<1x80xi32, #tpu.memory_space<vmem>> -> memref<80xi32, #tpu.memory_space<vmem>>
    %dma_start3A_38 = arith.constant 0 : i32
    %dma_start3A_39 = arith.constant 0 : i32
    %dma_start3A_40 = tpu.memref_slice %arg2[%dma_start3A_38, %dma_start3A_39] : memref<10000x128xf32, #tpu.memory_space<hbm>> -> memref<10000x128xf32, #tpu.memory_space<hbm>>
    tpu.enqueue_indirect_dma source(%dma_start3A_40 : memref<10000x128xf32, #tpu.memory_space<hbm>>) target(%arg9 : memref<80x128xf32, #tpu.memory_space<vmem>>) offsets(%dma_start3A_37 : memref<80xi32, #tpu.memory_space<vmem>>) semaphore(%arg13 : memref<!tpu.dma_semaphore, #tpu.memory_space<semaphore_mem>>)
    %dma_wait3A_41 = arith.constant 61 : i32
    %dma_wait3A_42 = arith.constant 0 : i32
    %dma_wait3A_43 = tpu.memref_slice %arg7[%dma_wait3A_41, %dma_wait3A_42] : memref<64x80xi32, #tpu.memory_space<vmem>> -> memref<1x80xi32, #tpu.memory_space<vmem>>
    %dma_wait3A_44 = tpu.memref_squeeze %dma_wait3A_43 : memref<1x80xi32, #tpu.memory_space<vmem>> -> memref<80xi32, #tpu.memory_space<vmem>>
    %dma_wait3A_45 = arith.constant 0 : i32
    %dma_wait3A_46 = arith.constant 0 : i32
    %dma_wait3A_47 = tpu.memref_slice %arg2[%dma_wait3A_45, %dma_wait3A_46] : memref<10000x128xf32, #tpu.memory_space<hbm>> -> memref<10000x128xf32, #tpu.memory_space<hbm>>
    tpu.wait_indirect_dma semaphore(%arg14 : memref<!tpu.dma_semaphore, #tpu.memory_space<semaphore_mem>>) src(%dma_wait3A_47 : memref<10000x128xf32, #tpu.memory_space<hbm>>) dst(%arg10 : memref<80x128xf32, #tpu.memory_space<vmem>>)
    %run_scoped3A_48 = arith.constant 61 : i32
    "tpu.region"() ({
      %run_scoped3A_135 = tpu.sem_alloc : memref<!tpu.dma_semaphore, #tpu.memory_space<semaphore_mem>>
      %dma_start3A_136 = arith.constant 0 : i32
      %dma_start3A_137 = tpu.memref_slice %arg8[%run_scoped3A_48, %dma_start3A_136] : memref<64x80xi32, #tpu.memory_space<vmem>> -> memref<1x80xi32, #tpu.memory_space<vmem>>
      %dma_start3A_138 = tpu.memref_squeeze %dma_start3A_137 : memref<1x80xi32, #tpu.memory_space<vmem>> -> memref<80xi32, #tpu.memory_space<vmem>>
      %dma_start3A_139 = arith.constant 0 : i32
      %dma_start3A_140 = arith.constant 0 : i32
      %dma_start3A_141 = tpu.memref_slice %arg12[%dma_start3A_139, %dma_start3A_140] : memref<10240x128xf32, #tpu.memory_space<vmem_shared>> -> memref<10240x128xf32, #tpu.memory_space<vmem_shared>>
      tpu.enqueue_indirect_dma source(%arg10 : memref<80x128xf32, #tpu.memory_space<vmem>>) target(%dma_start3A_141 : memref<10240x128xf32, #tpu.memory_space<vmem_shared>>) offsets(%dma_start3A_138 : memref<80xi32, #tpu.memory_space<vmem>>) semaphore(%run_scoped3A_135 : memref<!tpu.dma_semaphore, #tpu.memory_space<semaphore_mem>>) {add = true}
      %dma_wait3A_142 = arith.constant 0 : i32
      %dma_wait3A_143 = tpu.memref_slice %arg8[%run_scoped3A_48, %dma_wait3A_142] : memref<64x80xi32, #tpu.memory_space<vmem>> -> memref<1x80xi32, #tpu.memory_space<vmem>>
      %dma_wait3A_144 = tpu.memref_squeeze %dma_wait3A_143 : memref<1x80xi32, #tpu.memory_space<vmem>> -> memref<80xi32, #tpu.memory_space<vmem>>
      %dma_wait3A_145 = arith.constant 0 : i32
      %dma_wait3A_146 = arith.constant 0 : i32
      %dma_wait3A_147 = tpu.memref_slice %arg12[%dma_wait3A_145, %dma_wait3A_146] : memref<10240x128xf32, #tpu.memory_space<vmem_shared>> -> memref<10240x128xf32, #tpu.memory_space<vmem_shared>>
      tpu.wait_indirect_dma semaphore(%run_scoped3A_135 : memref<!tpu.dma_semaphore, #tpu.memory_space<semaphore_mem>>) src(%arg10 : memref<80x128xf32, #tpu.memory_space<vmem>>) dst(%dma_wait3A_147 : memref<10240x128xf32, #tpu.memory_space<vmem_shared>>)
      tpu.yield
    }) : () -> ()
    %dma_wait3A_49 = arith.constant 62 : i32
    %dma_wait3A_50 = arith.constant 0 : i32
    %dma_wait3A_51 = tpu.memref_slice %arg7[%dma_wait3A_49, %dma_wait3A_50] : memref<64x80xi32, #tpu.memory_space<vmem>> -> memref<1x80xi32, #tpu.memory_space<vmem>>
    %dma_wait3A_52 = tpu.memref_squeeze %dma_wait3A_51 : memref<1x80xi32, #tpu.memory_space<vmem>> -> memref<80xi32, #tpu.memory_space<vmem>>
    %dma_wait3A_53 = arith.constant 0 : i32
    %dma_wait3A_54 = arith.constant 0 : i32
    %dma_wait3A_55 = tpu.memref_slice %arg2[%dma_wait3A_53, %dma_wait3A_54] : memref<10000x128xf32, #tpu.memory_space<hbm>> -> memref<10000x128xf32, #tpu.memory_space<hbm>>
    tpu.wait_indirect_dma semaphore(%arg15 : memref<!tpu.dma_semaphore, #tpu.memory_space<semaphore_mem>>) src(%dma_wait3A_55 : memref<10000x128xf32, #tpu.memory_space<hbm>>) dst(%arg11 : memref<80x128xf32, #tpu.memory_space<vmem>>)
    %run_scoped3A_56 = arith.constant 62 : i32
    "tpu.region"() ({
      %run_scoped3A_135 = tpu.sem_alloc : memref<!tpu.dma_semaphore, #tpu.memory_space<semaphore_mem>>
      %dma_start3A_136 = arith.constant 0 : i32
      %dma_start3A_137 = tpu.memref_slice %arg8[%run_scoped3A_56, %dma_start3A_136] : memref<64x80xi32, #tpu.memory_space<vmem>> -> memref<1x80xi32, #tpu.memory_space<vmem>>
      %dma_start3A_138 = tpu.memref_squeeze %dma_start3A_137 : memref<1x80xi32, #tpu.memory_space<vmem>> -> memref<80xi32, #tpu.memory_space<vmem>>
      %dma_start3A_139 = arith.constant 0 : i32
      %dma_start3A_140 = arith.constant 0 : i32
      %dma_start3A_141 = tpu.memref_slice %arg12[%dma_start3A_139, %dma_start3A_140] : memref<10240x128xf32, #tpu.memory_space<vmem_shared>> -> memref<10240x128xf32, #tpu.memory_space<vmem_shared>>
      tpu.enqueue_indirect_dma source(%arg11 : memref<80x128xf32, #tpu.memory_space<vmem>>) target(%dma_start3A_141 : memref<10240x128xf32, #tpu.memory_space<vmem_shared>>) offsets(%dma_start3A_138 : memref<80xi32, #tpu.memory_space<vmem>>) semaphore(%run_scoped3A_135 : memref<!tpu.dma_semaphore, #tpu.memory_space<semaphore_mem>>) {add = true}
      %dma_wait3A_142 = arith.constant 0 : i32
      %dma_wait3A_143 = tpu.memref_slice %arg8[%run_scoped3A_56, %dma_wait3A_142] : memref<64x80xi32, #tpu.memory_space<vmem>> -> memref<1x80xi32, #tpu.memory_space<vmem>>
      %dma_wait3A_144 = tpu.memref_squeeze %dma_wait3A_143 : memref<1x80xi32, #tpu.memory_space<vmem>> -> memref<80xi32, #tpu.memory_space<vmem>>
      %dma_wait3A_145 = arith.constant 0 : i32
      %dma_wait3A_146 = arith.constant 0 : i32
      %dma_wait3A_147 = tpu.memref_slice %arg12[%dma_wait3A_145, %dma_wait3A_146] : memref<10240x128xf32, #tpu.memory_space<vmem_shared>> -> memref<10240x128xf32, #tpu.memory_space<vmem_shared>>
      tpu.wait_indirect_dma semaphore(%run_scoped3A_135 : memref<!tpu.dma_semaphore, #tpu.memory_space<semaphore_mem>>) src(%arg11 : memref<80x128xf32, #tpu.memory_space<vmem>>) dst(%dma_wait3A_147 : memref<10240x128xf32, #tpu.memory_space<vmem_shared>>)
      tpu.yield
    }) : () -> ()
    %dma_wait3A_57 = arith.constant 63 : i32
    %dma_wait3A_58 = arith.constant 0 : i32
    %dma_wait3A_59 = tpu.memref_slice %arg7[%dma_wait3A_57, %dma_wait3A_58] : memref<64x80xi32, #tpu.memory_space<vmem>> -> memref<1x80xi32, #tpu.memory_space<vmem>>
    %dma_wait3A_60 = tpu.memref_squeeze %dma_wait3A_59 : memref<1x80xi32, #tpu.memory_space<vmem>> -> memref<80xi32, #tpu.memory_space<vmem>>
    %dma_wait3A_61 = arith.constant 0 : i32
    %dma_wait3A_62 = arith.constant 0 : i32
    %dma_wait3A_63 = tpu.memref_slice %arg2[%dma_wait3A_61, %dma_wait3A_62] : memref<10000x128xf32, #tpu.memory_space<hbm>> -> memref<10000x128xf32, #tpu.memory_space<hbm>>
    tpu.wait_indirect_dma semaphore(%arg13 : memref<!tpu.dma_semaphore, #tpu.memory_space<semaphore_mem>>) src(%dma_wait3A_63 : memref<10000x128xf32, #tpu.memory_space<hbm>>) dst(%arg9 : memref<80x128xf32, #tpu.memory_space<vmem>>)
    %run_scoped3A_64 = arith.constant 63 : i32
    "tpu.region"() ({
      %run_scoped3A_135 = tpu.sem_alloc : memref<!tpu.dma_semaphore, #tpu.memory_space<semaphore_mem>>
      %dma_start3A_136 = arith.constant 0 : i32
      %dma_start3A_137 = tpu.memref_slice %arg8[%run_scoped3A_64, %dma_start3A_136] : memref<64x80xi32, #tpu.memory_space<vmem>> -> memref<1x80xi32, #tpu.memory_space<vmem>>
      %dma_start3A_138 = tpu.memref_squeeze %dma_start3A_137 : memref<1x80xi32, #tpu.memory_space<vmem>> -> memref<80xi32, #tpu.memory_space<vmem>>
      %dma_start3A_139 = arith.constant 0 : i32
      %dma_start3A_140 = arith.constant 0 : i32
      %dma_start3A_141 = tpu.memref_slice %arg12[%dma_start3A_139, %dma_start3A_140] : memref<10240x128xf32, #tpu.memory_space<vmem_shared>> -> memref<10240x128xf32, #tpu.memory_space<vmem_shared>>
      tpu.enqueue_indirect_dma source(%arg9 : memref<80x128xf32, #tpu.memory_space<vmem>>) target(%dma_start3A_141 : memref<10240x128xf32, #tpu.memory_space<vmem_shared>>) offsets(%dma_start3A_138 : memref<80xi32, #tpu.memory_space<vmem>>) semaphore(%run_scoped3A_135 : memref<!tpu.dma_semaphore, #tpu.memory_space<semaphore_mem>>) {add = true}
      %dma_wait3A_142 = arith.constant 0 : i32
      %dma_wait3A_143 = tpu.memref_slice %arg8[%run_scoped3A_64, %dma_wait3A_142] : memref<64x80xi32, #tpu.memory_space<vmem>> -> memref<1x80xi32, #tpu.memory_space<vmem>>
      %dma_wait3A_144 = tpu.memref_squeeze %dma_wait3A_143 : memref<1x80xi32, #tpu.memory_space<vmem>> -> memref<80xi32, #tpu.memory_space<vmem>>
      %dma_wait3A_145 = arith.constant 0 : i32
      %dma_wait3A_146 = arith.constant 0 : i32
      %dma_wait3A_147 = tpu.memref_slice %arg12[%dma_wait3A_145, %dma_wait3A_146] : memref<10240x128xf32, #tpu.memory_space<vmem_shared>> -> memref<10240x128xf32, #tpu.memory_space<vmem_shared>>
      tpu.wait_indirect_dma semaphore(%run_scoped3A_135 : memref<!tpu.dma_semaphore, #tpu.memory_space<semaphore_mem>>) src(%arg9 : memref<80x128xf32, #tpu.memory_space<vmem>>) dst(%dma_wait3A_147 : memref<10240x128xf32, #tpu.memory_space<vmem_shared>>)
      tpu.yield
    }) : () -> ()
    "tpu.region"() ({
      %run_scoped3A_135 = tpu.sem_alloc : memref<!tpu.dma_semaphore, #tpu.memory_space<semaphore_mem>>
      %dma_start3A_136 = arith.constant 0 : i32
      %dma_start3A_137 = arith.constant 0 : i32
      %dma_start3A_138 = tpu.memref_slice %arg7[%dma_start3A_136, %dma_start3A_137] : memref<64x80xi32, #tpu.memory_space<vmem>> -> memref<61x80xi32, #tpu.memory_space<vmem>>
      %dma_start3A_139 = arith.constant 64 : i32
      %dma_start3A_140 = arith.constant 0 : i32
      %dma_start3A_141 = tpu.memref_slice %arg3[%add3A, %dma_start3A_139, %dma_start3A_140] : memref<32x125x80xi32, #tpu.memory_space<hbm>> -> memref<1x61x80xi32, #tpu.memory_space<hbm>>
      %dma_start3A_142 = tpu.memref_squeeze %dma_start3A_141 : memref<1x61x80xi32, #tpu.memory_space<hbm>> -> memref<61x80xi32, #tpu.memory_space<hbm>>
      %dma_start3A_143 = arith.constant 0 : i32
      %dma_start3A_144 = arith.constant 0 : i32
      %dma_start3A_145 = tpu.memref_slice %arg7[%dma_start3A_143, %dma_start3A_144] : memref<64x80xi32, #tpu.memory_space<vmem>> -> memref<61x80xi32, #tpu.memory_space<vmem>>
      %dma_start3A_146 = arith.constant 64 : i32
      %dma_start3A_147 = arith.constant 0 : i32
      %dma_start3A_148 = tpu.memref_slice %arg3[%add3A, %dma_start3A_146, %dma_start3A_147] : memref<32x125x80xi32, #tpu.memory_space<hbm>> -> memref<1x61x80xi32, #tpu.memory_space<hbm>>
      %dma_start3A_149 = tpu.memref_squeeze %dma_start3A_148 : memref<1x61x80xi32, #tpu.memory_space<hbm>> -> memref<61x80xi32, #tpu.memory_space<hbm>>
      tpu.enqueue_dma source(%dma_start3A_149 : memref<61x80xi32, #tpu.memory_space<hbm>>) target(%dma_start3A_145 : memref<61x80xi32, #tpu.memory_space<vmem>>) target_semaphore(%run_scoped3A_135 : memref<!tpu.dma_semaphore, #tpu.memory_space<semaphore_mem>>)
      %dma_wait3A_150 = arith.constant 0 : i32
      %dma_wait3A_151 = arith.constant 0 : i32
      %dma_wait3A_152 = tpu.memref_slice %arg7[%dma_wait3A_150, %dma_wait3A_151] : memref<64x80xi32, #tpu.memory_space<vmem>> -> memref<61x80xi32, #tpu.memory_space<vmem>>
      %dma_wait3A_153 = arith.constant 64 : i32
      %dma_wait3A_154 = arith.constant 0 : i32
      %dma_wait3A_155 = tpu.memref_slice %arg3[%add3A, %dma_wait3A_153, %dma_wait3A_154] : memref<32x125x80xi32, #tpu.memory_space<hbm>> -> memref<1x61x80xi32, #tpu.memory_space<hbm>>
      %dma_wait3A_156 = tpu.memref_squeeze %dma_wait3A_155 : memref<1x61x80xi32, #tpu.memory_space<hbm>> -> memref<61x80xi32, #tpu.memory_space<hbm>>
      %dma_wait3A_157 = arith.constant 0 : i32
      %dma_wait3A_158 = arith.constant 0 : i32
      %dma_wait3A_159 = tpu.memref_slice %arg7[%dma_wait3A_157, %dma_wait3A_158] : memref<64x80xi32, #tpu.memory_space<vmem>> -> memref<61x80xi32, #tpu.memory_space<vmem>>
      %dma_wait3A_160 = arith.constant 64 : i32
      %dma_wait3A_161 = arith.constant 0 : i32
      %dma_wait3A_162 = tpu.memref_slice %arg3[%add3A, %dma_wait3A_160, %dma_wait3A_161] : memref<32x125x80xi32, #tpu.memory_space<hbm>> -> memref<1x61x80xi32, #tpu.memory_space<hbm>>
      %dma_wait3A_163 = tpu.memref_squeeze %dma_wait3A_162 : memref<1x61x80xi32, #tpu.memory_space<hbm>> -> memref<61x80xi32, #tpu.memory_space<hbm>>
      tpu.wait_dma2 semaphore(%run_scoped3A_135 : memref<!tpu.dma_semaphore, #tpu.memory_space<semaphore_mem>>) src(%dma_wait3A_163 : memref<61x80xi32, #tpu.memory_space<hbm>>) dst(%dma_wait3A_159 : memref<61x80xi32, #tpu.memory_space<vmem>>)
      tpu.yield
    }) : () -> ()
    "tpu.region"() ({
      %run_scoped3A_135 = tpu.sem_alloc : memref<!tpu.dma_semaphore, #tpu.memory_space<semaphore_mem>>
      %dma_start3A_136 = arith.constant 0 : i32
      %dma_start3A_137 = arith.constant 0 : i32
      %dma_start3A_138 = tpu.memref_slice %arg8[%dma_start3A_136, %dma_start3A_137] : memref<64x80xi32, #tpu.memory_space<vmem>> -> memref<61x80xi32, #tpu.memory_space<vmem>>
      %dma_start3A_139 = arith.constant 64 : i32
      %dma_start3A_140 = arith.constant 0 : i32
      %dma_start3A_141 = tpu.memref_slice %arg4[%add3A, %dma_start3A_139, %dma_start3A_140] : memref<32x125x80xi32, #tpu.memory_space<hbm>> -> memref<1x61x80xi32, #tpu.memory_space<hbm>>
      %dma_start3A_142 = tpu.memref_squeeze %dma_start3A_141 : memref<1x61x80xi32, #tpu.memory_space<hbm>> -> memref<61x80xi32, #tpu.memory_space<hbm>>
      %dma_start3A_143 = arith.constant 0 : i32
      %dma_start3A_144 = arith.constant 0 : i32
      %dma_start3A_145 = tpu.memref_slice %arg8[%dma_start3A_143, %dma_start3A_144] : memref<64x80xi32, #tpu.memory_space<vmem>> -> memref<61x80xi32, #tpu.memory_space<vmem>>
      %dma_start3A_146 = arith.constant 64 : i32
      %dma_start3A_147 = arith.constant 0 : i32
      %dma_start3A_148 = tpu.memref_slice %arg4[%add3A, %dma_start3A_146, %dma_start3A_147] : memref<32x125x80xi32, #tpu.memory_space<hbm>> -> memref<1x61x80xi32, #tpu.memory_space<hbm>>
      %dma_start3A_149 = tpu.memref_squeeze %dma_start3A_148 : memref<1x61x80xi32, #tpu.memory_space<hbm>> -> memref<61x80xi32, #tpu.memory_space<hbm>>
      tpu.enqueue_dma source(%dma_start3A_149 : memref<61x80xi32, #tpu.memory_space<hbm>>) target(%dma_start3A_145 : memref<61x80xi32, #tpu.memory_space<vmem>>) target_semaphore(%run_scoped3A_135 : memref<!tpu.dma_semaphore, #tpu.memory_space<semaphore_mem>>)
      %dma_wait3A_150 = arith.constant 0 : i32
      %dma_wait3A_151 = arith.constant 0 : i32
      %dma_wait3A_152 = tpu.memref_slice %arg8[%dma_wait3A_150, %dma_wait3A_151] : memref<64x80xi32, #tpu.memory_space<vmem>> -> memref<61x80xi32, #tpu.memory_space<vmem>>
      %dma_wait3A_153 = arith.constant 64 : i32
      %dma_wait3A_154 = arith.constant 0 : i32
      %dma_wait3A_155 = tpu.memref_slice %arg4[%add3A, %dma_wait3A_153, %dma_wait3A_154] : memref<32x125x80xi32, #tpu.memory_space<hbm>> -> memref<1x61x80xi32, #tpu.memory_space<hbm>>
      %dma_wait3A_156 = tpu.memref_squeeze %dma_wait3A_155 : memref<1x61x80xi32, #tpu.memory_space<hbm>> -> memref<61x80xi32, #tpu.memory_space<hbm>>
      %dma_wait3A_157 = arith.constant 0 : i32
      %dma_wait3A_158 = arith.constant 0 : i32
      %dma_wait3A_159 = tpu.memref_slice %arg8[%dma_wait3A_157, %dma_wait3A_158] : memref<64x80xi32, #tpu.memory_space<vmem>> -> memref<61x80xi32, #tpu.memory_space<vmem>>
      %dma_wait3A_160 = arith.constant 64 : i32
      %dma_wait3A_161 = arith.constant 0 : i32
      %dma_wait3A_162 = tpu.memref_slice %arg4[%add3A, %dma_wait3A_160, %dma_wait3A_161] : memref<32x125x80xi32, #tpu.memory_space<hbm>> -> memref<1x61x80xi32, #tpu.memory_space<hbm>>
      %dma_wait3A_163 = tpu.memref_squeeze %dma_wait3A_162 : memref<1x61x80xi32, #tpu.memory_space<hbm>> -> memref<61x80xi32, #tpu.memory_space<hbm>>
      tpu.wait_dma2 semaphore(%run_scoped3A_135 : memref<!tpu.dma_semaphore, #tpu.memory_space<semaphore_mem>>) src(%dma_wait3A_163 : memref<61x80xi32, #tpu.memory_space<hbm>>) dst(%dma_wait3A_159 : memref<61x80xi32, #tpu.memory_space<vmem>>)
      tpu.yield
    }) : () -> ()
    %dma_start3A_65 = arith.constant 0 : i32
    %dma_start3A_66 = arith.constant 0 : i32
    %dma_start3A_67 = tpu.memref_slice %arg7[%dma_start3A_65, %dma_start3A_66] : memref<64x80xi32, #tpu.memory_space<vmem>> -> memref<1x80xi32, #tpu.memory_space<vmem>>
    %dma_start3A_68 = tpu.memref_squeeze %dma_start3A_67 : memref<1x80xi32, #tpu.memory_space<vmem>> -> memref<80xi32, #tpu.memory_space<vmem>>
    %dma_start3A_69 = arith.constant 0 : i32
    %dma_start3A_70 = arith.constant 0 : i32
    %dma_start3A_71 = tpu.memref_slice %arg2[%dma_start3A_69, %dma_start3A_70] : memref<10000x128xf32, #tpu.memory_space<hbm>> -> memref<10000x128xf32, #tpu.memory_space<hbm>>
    tpu.enqueue_indirect_dma source(%dma_start3A_71 : memref<10000x128xf32, #tpu.memory_space<hbm>>) target(%arg9 : memref<80x128xf32, #tpu.memory_space<vmem>>) offsets(%dma_start3A_68 : memref<80xi32, #tpu.memory_space<vmem>>) semaphore(%arg13 : memref<!tpu.dma_semaphore, #tpu.memory_space<semaphore_mem>>)
    %dma_start3A_72 = arith.constant 1 : i32
    %dma_start3A_73 = arith.constant 0 : i32
    %dma_start3A_74 = tpu.memref_slice %arg7[%dma_start3A_72, %dma_start3A_73] : memref<64x80xi32, #tpu.memory_space<vmem>> -> memref<1x80xi32, #tpu.memory_space<vmem>>
    %dma_start3A_75 = tpu.memref_squeeze %dma_start3A_74 : memref<1x80xi32, #tpu.memory_space<vmem>> -> memref<80xi32, #tpu.memory_space<vmem>>
    %dma_start3A_76 = arith.constant 0 : i32
    %dma_start3A_77 = arith.constant 0 : i32
    %dma_start3A_78 = tpu.memref_slice %arg2[%dma_start3A_76, %dma_start3A_77] : memref<10000x128xf32, #tpu.memory_space<hbm>> -> memref<10000x128xf32, #tpu.memory_space<hbm>>
    tpu.enqueue_indirect_dma source(%dma_start3A_78 : memref<10000x128xf32, #tpu.memory_space<hbm>>) target(%arg10 : memref<80x128xf32, #tpu.memory_space<vmem>>) offsets(%dma_start3A_75 : memref<80xi32, #tpu.memory_space<vmem>>) semaphore(%arg14 : memref<!tpu.dma_semaphore, #tpu.memory_space<semaphore_mem>>)
    %dma_start3A_79 = arith.constant 2 : i32
    %dma_start3A_80 = arith.constant 0 : i32
    %dma_start3A_81 = tpu.memref_slice %arg7[%dma_start3A_79, %dma_start3A_80] : memref<64x80xi32, #tpu.memory_space<vmem>> -> memref<1x80xi32, #tpu.memory_space<vmem>>
    %dma_start3A_82 = tpu.memref_squeeze %dma_start3A_81 : memref<1x80xi32, #tpu.memory_space<vmem>> -> memref<80xi32, #tpu.memory_space<vmem>>
    %dma_start3A_83 = arith.constant 0 : i32
    %dma_start3A_84 = arith.constant 0 : i32
    %dma_start3A_85 = tpu.memref_slice %arg2[%dma_start3A_83, %dma_start3A_84] : memref<10000x128xf32, #tpu.memory_space<hbm>> -> memref<10000x128xf32, #tpu.memory_space<hbm>>
    tpu.enqueue_indirect_dma source(%dma_start3A_85 : memref<10000x128xf32, #tpu.memory_space<hbm>>) target(%arg11 : memref<80x128xf32, #tpu.memory_space<vmem>>) offsets(%dma_start3A_82 : memref<80xi32, #tpu.memory_space<vmem>>) semaphore(%arg15 : memref<!tpu.dma_semaphore, #tpu.memory_space<semaphore_mem>>)
    %scan3A_86 = arith.constant 0 : i32
    %scan3A_87 = arith.constant 0 : i32
    %scan3A_88 = arith.constant 19 : i32
    %scan3A_89 = arith.addi %scan3A_87, %scan3A_88 : i32
    %scan3A_90 = arith.constant 1 : i32
    scf.for %scan3A_135 = %scan3A_87 to %scan3A_89 step %scan3A_90  : i32 {
      %mul3A_136 = arith.constant 3 : i32
      %mul3A_137 = arith.muli %mul3A_136, %scan3A_135 : i32
      %dma_wait3A_138 = arith.constant 0 : i32
      %dma_wait3A_139 = tpu.memref_slice %arg7[%mul3A_137, %dma_wait3A_138] : memref<64x80xi32, #tpu.memory_space<vmem>> -> memref<1x80xi32, #tpu.memory_space<vmem>>
      %dma_wait3A_140 = tpu.memref_squeeze %dma_wait3A_139 : memref<1x80xi32, #tpu.memory_space<vmem>> -> memref<80xi32, #tpu.memory_space<vmem>>
      %dma_wait3A_141 = arith.constant 0 : i32
      %dma_wait3A_142 = arith.constant 0 : i32
      %dma_wait3A_143 = tpu.memref_slice %arg2[%dma_wait3A_141, %dma_wait3A_142] : memref<10000x128xf32, #tpu.memory_space<hbm>> -> memref<10000x128xf32, #tpu.memory_space<hbm>>
      tpu.wait_indirect_dma semaphore(%arg13 : memref<!tpu.dma_semaphore, #tpu.memory_space<semaphore_mem>>) src(%dma_wait3A_143 : memref<10000x128xf32, #tpu.memory_space<hbm>>) dst(%arg9 : memref<80x128xf32, #tpu.memory_space<vmem>>)
      "tpu.region"() ({
        %run_scoped3A_184 = tpu.sem_alloc : memref<!tpu.dma_semaphore, #tpu.memory_space<semaphore_mem>>
        %dma_start3A_185 = arith.constant 0 : i32
        %dma_start3A_186 = tpu.memref_slice %arg8[%mul3A_137, %dma_start3A_185] : memref<64x80xi32, #tpu.memory_space<vmem>> -> memref<1x80xi32, #tpu.memory_space<vmem>>
        %dma_start3A_187 = tpu.memref_squeeze %dma_start3A_186 : memref<1x80xi32, #tpu.memory_space<vmem>> -> memref<80xi32, #tpu.memory_space<vmem>>
        %dma_start3A_188 = arith.constant 0 : i32
        %dma_start3A_189 = arith.constant 0 : i32
        %dma_start3A_190 = tpu.memref_slice %arg12[%dma_start3A_188, %dma_start3A_189] : memref<10240x128xf32, #tpu.memory_space<vmem_shared>> -> memref<10240x128xf32, #tpu.memory_space<vmem_shared>>
        tpu.enqueue_indirect_dma source(%arg9 : memref<80x128xf32, #tpu.memory_space<vmem>>) target(%dma_start3A_190 : memref<10240x128xf32, #tpu.memory_space<vmem_shared>>) offsets(%dma_start3A_187 : memref<80xi32, #tpu.memory_space<vmem>>) semaphore(%run_scoped3A_184 : memref<!tpu.dma_semaphore, #tpu.memory_space<semaphore_mem>>) {add = true}
        %dma_wait3A_191 = arith.constant 0 : i32
        %dma_wait3A_192 = tpu.memref_slice %arg8[%mul3A_137, %dma_wait3A_191] : memref<64x80xi32, #tpu.memory_space<vmem>> -> memref<1x80xi32, #tpu.memory_space<vmem>>
        %dma_wait3A_193 = tpu.memref_squeeze %dma_wait3A_192 : memref<1x80xi32, #tpu.memory_space<vmem>> -> memref<80xi32, #tpu.memory_space<vmem>>
        %dma_wait3A_194 = arith.constant 0 : i32
        %dma_wait3A_195 = arith.constant 0 : i32
        %dma_wait3A_196 = tpu.memref_slice %arg12[%dma_wait3A_194, %dma_wait3A_195] : memref<10240x128xf32, #tpu.memory_space<vmem_shared>> -> memref<10240x128xf32, #tpu.memory_space<vmem_shared>>
        tpu.wait_indirect_dma semaphore(%run_scoped3A_184 : memref<!tpu.dma_semaphore, #tpu.memory_space<semaphore_mem>>) src(%arg9 : memref<80x128xf32, #tpu.memory_space<vmem>>) dst(%dma_wait3A_196 : memref<10240x128xf32, #tpu.memory_space<vmem_shared>>)
        tpu.yield
      }) : () -> ()
      %add3A_144 = arith.constant 3 : i32
      %add3A_145 = arith.addi %mul3A_137, %add3A_144 : i32
      %dma_start3A_146 = arith.constant 0 : i32
      %dma_start3A_147 = tpu.memref_slice %arg7[%add3A_145, %dma_start3A_146] : memref<64x80xi32, #tpu.memory_space<vmem>> -> memref<1x80xi32, #tpu.memory_space<vmem>>
      %dma_start3A_148 = tpu.memref_squeeze %dma_start3A_147 : memref<1x80xi32, #tpu.memory_space<vmem>> -> memref<80xi32, #tpu.memory_space<vmem>>
      %dma_start3A_149 = arith.constant 0 : i32
      %dma_start3A_150 = arith.constant 0 : i32
      %dma_start3A_151 = tpu.memref_slice %arg2[%dma_start3A_149, %dma_start3A_150] : memref<10000x128xf32, #tpu.memory_space<hbm>> -> memref<10000x128xf32, #tpu.memory_space<hbm>>
      tpu.enqueue_indirect_dma source(%dma_start3A_151 : memref<10000x128xf32, #tpu.memory_space<hbm>>) target(%arg9 : memref<80x128xf32, #tpu.memory_space<vmem>>) offsets(%dma_start3A_148 : memref<80xi32, #tpu.memory_space<vmem>>) semaphore(%arg13 : memref<!tpu.dma_semaphore, #tpu.memory_space<semaphore_mem>>)
      %add3A_152 = arith.constant 1 : i32
      %add3A_153 = arith.addi %mul3A_137, %add3A_152 : i32
      %dma_wait3A_154 = arith.constant 0 : i32
      %dma_wait3A_155 = tpu.memref_slice %arg7[%add3A_153, %dma_wait3A_154] : memref<64x80xi32, #tpu.memory_space<vmem>> -> memref<1x80xi32, #tpu.memory_space<vmem>>
      %dma_wait3A_156 = tpu.memref_squeeze %dma_wait3A_155 : memref<1x80xi32, #tpu.memory_space<vmem>> -> memref<80xi32, #tpu.memory_space<vmem>>
      %dma_wait3A_157 = arith.constant 0 : i32
      %dma_wait3A_158 = arith.constant 0 : i32
      %dma_wait3A_159 = tpu.memref_slice %arg2[%dma_wait3A_157, %dma_wait3A_158] : memref<10000x128xf32, #tpu.memory_space<hbm>> -> memref<10000x128xf32, #tpu.memory_space<hbm>>
      tpu.wait_indirect_dma semaphore(%arg14 : memref<!tpu.dma_semaphore, #tpu.memory_space<semaphore_mem>>) src(%dma_wait3A_159 : memref<10000x128xf32, #tpu.memory_space<hbm>>) dst(%arg10 : memref<80x128xf32, #tpu.memory_space<vmem>>)
      "tpu.region"() ({
        %run_scoped3A_184 = tpu.sem_alloc : memref<!tpu.dma_semaphore, #tpu.memory_space<semaphore_mem>>
        %dma_start3A_185 = arith.constant 0 : i32
        %dma_start3A_186 = tpu.memref_slice %arg8[%add3A_153, %dma_start3A_185] : memref<64x80xi32, #tpu.memory_space<vmem>> -> memref<1x80xi32, #tpu.memory_space<vmem>>
        %dma_start3A_187 = tpu.memref_squeeze %dma_start3A_186 : memref<1x80xi32, #tpu.memory_space<vmem>> -> memref<80xi32, #tpu.memory_space<vmem>>
        %dma_start3A_188 = arith.constant 0 : i32
        %dma_start3A_189 = arith.constant 0 : i32
        %dma_start3A_190 = tpu.memref_slice %arg12[%dma_start3A_188, %dma_start3A_189] : memref<10240x128xf32, #tpu.memory_space<vmem_shared>> -> memref<10240x128xf32, #tpu.memory_space<vmem_shared>>
        tpu.enqueue_indirect_dma source(%arg10 : memref<80x128xf32, #tpu.memory_space<vmem>>) target(%dma_start3A_190 : memref<10240x128xf32, #tpu.memory_space<vmem_shared>>) offsets(%dma_start3A_187 : memref<80xi32, #tpu.memory_space<vmem>>) semaphore(%run_scoped3A_184 : memref<!tpu.dma_semaphore, #tpu.memory_space<semaphore_mem>>) {add = true}
        %dma_wait3A_191 = arith.constant 0 : i32
        %dma_wait3A_192 = tpu.memref_slice %arg8[%add3A_153, %dma_wait3A_191] : memref<64x80xi32, #tpu.memory_space<vmem>> -> memref<1x80xi32, #tpu.memory_space<vmem>>
        %dma_wait3A_193 = tpu.memref_squeeze %dma_wait3A_192 : memref<1x80xi32, #tpu.memory_space<vmem>> -> memref<80xi32, #tpu.memory_space<vmem>>
        %dma_wait3A_194 = arith.constant 0 : i32
        %dma_wait3A_195 = arith.constant 0 : i32
        %dma_wait3A_196 = tpu.memref_slice %arg12[%dma_wait3A_194, %dma_wait3A_195] : memref<10240x128xf32, #tpu.memory_space<vmem_shared>> -> memref<10240x128xf32, #tpu.memory_space<vmem_shared>>
        tpu.wait_indirect_dma semaphore(%run_scoped3A_184 : memref<!tpu.dma_semaphore, #tpu.memory_space<semaphore_mem>>) src(%arg10 : memref<80x128xf32, #tpu.memory_space<vmem>>) dst(%dma_wait3A_196 : memref<10240x128xf32, #tpu.memory_space<vmem_shared>>)
        tpu.yield
      }) : () -> ()
      %add3A_160 = arith.constant 4 : i32
      %add3A_161 = arith.addi %mul3A_137, %add3A_160 : i32
      %dma_start3A_162 = arith.constant 0 : i32
      %dma_start3A_163 = tpu.memref_slice %arg7[%add3A_161, %dma_start3A_162] : memref<64x80xi32, #tpu.memory_space<vmem>> -> memref<1x80xi32, #tpu.memory_space<vmem>>
      %dma_start3A_164 = tpu.memref_squeeze %dma_start3A_163 : memref<1x80xi32, #tpu.memory_space<vmem>> -> memref<80xi32, #tpu.memory_space<vmem>>
      %dma_start3A_165 = arith.constant 0 : i32
      %dma_start3A_166 = arith.constant 0 : i32
      %dma_start3A_167 = tpu.memref_slice %arg2[%dma_start3A_165, %dma_start3A_166] : memref<10000x128xf32, #tpu.memory_space<hbm>> -> memref<10000x128xf32, #tpu.memory_space<hbm>>
      tpu.enqueue_indirect_dma source(%dma_start3A_167 : memref<10000x128xf32, #tpu.memory_space<hbm>>) target(%arg10 : memref<80x128xf32, #tpu.memory_space<vmem>>) offsets(%dma_start3A_164 : memref<80xi32, #tpu.memory_space<vmem>>) semaphore(%arg14 : memref<!tpu.dma_semaphore, #tpu.memory_space<semaphore_mem>>)
      %add3A_168 = arith.constant 2 : i32
      %add3A_169 = arith.addi %mul3A_137, %add3A_168 : i32
      %dma_wait3A_170 = arith.constant 0 : i32
      %dma_wait3A_171 = tpu.memref_slice %arg7[%add3A_169, %dma_wait3A_170] : memref<64x80xi32, #tpu.memory_space<vmem>> -> memref<1x80xi32, #tpu.memory_space<vmem>>
      %dma_wait3A_172 = tpu.memref_squeeze %dma_wait3A_171 : memref<1x80xi32, #tpu.memory_space<vmem>> -> memref<80xi32, #tpu.memory_space<vmem>>
      %dma_wait3A_173 = arith.constant 0 : i32
      %dma_wait3A_174 = arith.constant 0 : i32
      %dma_wait3A_175 = tpu.memref_slice %arg2[%dma_wait3A_173, %dma_wait3A_174] : memref<10000x128xf32, #tpu.memory_space<hbm>> -> memref<10000x128xf32, #tpu.memory_space<hbm>>
      tpu.wait_indirect_dma semaphore(%arg15 : memref<!tpu.dma_semaphore, #tpu.memory_space<semaphore_mem>>) src(%dma_wait3A_175 : memref<10000x128xf32, #tpu.memory_space<hbm>>) dst(%arg11 : memref<80x128xf32, #tpu.memory_space<vmem>>)
      "tpu.region"() ({
        %run_scoped3A_184 = tpu.sem_alloc : memref<!tpu.dma_semaphore, #tpu.memory_space<semaphore_mem>>
        %dma_start3A_185 = arith.constant 0 : i32
        %dma_start3A_186 = tpu.memref_slice %arg8[%add3A_169, %dma_start3A_185] : memref<64x80xi32, #tpu.memory_space<vmem>> -> memref<1x80xi32, #tpu.memory_space<vmem>>
        %dma_start3A_187 = tpu.memref_squeeze %dma_start3A_186 : memref<1x80xi32, #tpu.memory_space<vmem>> -> memref<80xi32, #tpu.memory_space<vmem>>
        %dma_start3A_188 = arith.constant 0 : i32
        %dma_start3A_189 = arith.constant 0 : i32
        %dma_start3A_190 = tpu.memref_slice %arg12[%dma_start3A_188, %dma_start3A_189] : memref<10240x128xf32, #tpu.memory_space<vmem_shared>> -> memref<10240x128xf32, #tpu.memory_space<vmem_shared>>
        tpu.enqueue_indirect_dma source(%arg11 : memref<80x128xf32, #tpu.memory_space<vmem>>) target(%dma_start3A_190 : memref<10240x128xf32, #tpu.memory_space<vmem_shared>>) offsets(%dma_start3A_187 : memref<80xi32, #tpu.memory_space<vmem>>) semaphore(%run_scoped3A_184 : memref<!tpu.dma_semaphore, #tpu.memory_space<semaphore_mem>>) {add = true}
        %dma_wait3A_191 = arith.constant 0 : i32
        %dma_wait3A_192 = tpu.memref_slice %arg8[%add3A_169, %dma_wait3A_191] : memref<64x80xi32, #tpu.memory_space<vmem>> -> memref<1x80xi32, #tpu.memory_space<vmem>>
        %dma_wait3A_193 = tpu.memref_squeeze %dma_wait3A_192 : memref<1x80xi32, #tpu.memory_space<vmem>> -> memref<80xi32, #tpu.memory_space<vmem>>
        %dma_wait3A_194 = arith.constant 0 : i32
        %dma_wait3A_195 = arith.constant 0 : i32
        %dma_wait3A_196 = tpu.memref_slice %arg12[%dma_wait3A_194, %dma_wait3A_195] : memref<10240x128xf32, #tpu.memory_space<vmem_shared>> -> memref<10240x128xf32, #tpu.memory_space<vmem_shared>>
        tpu.wait_indirect_dma semaphore(%run_scoped3A_184 : memref<!tpu.dma_semaphore, #tpu.memory_space<semaphore_mem>>) src(%arg11 : memref<80x128xf32, #tpu.memory_space<vmem>>) dst(%dma_wait3A_196 : memref<10240x128xf32, #tpu.memory_space<vmem_shared>>)
        tpu.yield
      }) : () -> ()
      %add3A_176 = arith.constant 5 : i32
      %add3A_177 = arith.addi %mul3A_137, %add3A_176 : i32
      %dma_start3A_178 = arith.constant 0 : i32
      %dma_start3A_179 = tpu.memref_slice %arg7[%add3A_177, %dma_start3A_178] : memref<64x80xi32, #tpu.memory_space<vmem>> -> memref<1x80xi32, #tpu.memory_space<vmem>>
      %dma_start3A_180 = tpu.memref_squeeze %dma_start3A_179 : memref<1x80xi32, #tpu.memory_space<vmem>> -> memref<80xi32, #tpu.memory_space<vmem>>
      %dma_start3A_181 = arith.constant 0 : i32
      %dma_start3A_182 = arith.constant 0 : i32
      %dma_start3A_183 = tpu.memref_slice %arg2[%dma_start3A_181, %dma_start3A_182] : memref<10000x128xf32, #tpu.memory_space<hbm>> -> memref<10000x128xf32, #tpu.memory_space<hbm>>
      tpu.enqueue_indirect_dma source(%dma_start3A_183 : memref<10000x128xf32, #tpu.memory_space<hbm>>) target(%arg11 : memref<80x128xf32, #tpu.memory_space<vmem>>) offsets(%dma_start3A_180 : memref<80xi32, #tpu.memory_space<vmem>>) semaphore(%arg15 : memref<!tpu.dma_semaphore, #tpu.memory_space<semaphore_mem>>)
    }
    %scan3A_91 = arith.constant 19 : i32
    %dma_wait3A_92 = arith.constant 57 : i32
    %dma_wait3A_93 = arith.constant 0 : i32
    %dma_wait3A_94 = tpu.memref_slice %arg7[%dma_wait3A_92, %dma_wait3A_93] : memref<64x80xi32, #tpu.memory_space<vmem>> -> memref<1x80xi32, #tpu.memory_space<vmem>>
    %dma_wait3A_95 = tpu.memref_squeeze %dma_wait3A_94 : memref<1x80xi32, #tpu.memory_space<vmem>> -> memref<80xi32, #tpu.memory_space<vmem>>
    %dma_wait3A_96 = arith.constant 0 : i32
    %dma_wait3A_97 = arith.constant 0 : i32
    %dma_wait3A_98 = tpu.memref_slice %arg2[%dma_wait3A_96, %dma_wait3A_97] : memref<10000x128xf32, #tpu.memory_space<hbm>> -> memref<10000x128xf32, #tpu.memory_space<hbm>>
    tpu.wait_indirect_dma semaphore(%arg13 : memref<!tpu.dma_semaphore, #tpu.memory_space<semaphore_mem>>) src(%dma_wait3A_98 : memref<10000x128xf32, #tpu.memory_space<hbm>>) dst(%arg9 : memref<80x128xf32, #tpu.memory_space<vmem>>)
    %run_scoped3A_99 = arith.constant 57 : i32
    "tpu.region"() ({
      %run_scoped3A_135 = tpu.sem_alloc : memref<!tpu.dma_semaphore, #tpu.memory_space<semaphore_mem>>
      %dma_start3A_136 = arith.constant 0 : i32
      %dma_start3A_137 = tpu.memref_slice %arg8[%run_scoped3A_99, %dma_start3A_136] : memref<64x80xi32, #tpu.memory_space<vmem>> -> memref<1x80xi32, #tpu.memory_space<vmem>>
      %dma_start3A_138 = tpu.memref_squeeze %dma_start3A_137 : memref<1x80xi32, #tpu.memory_space<vmem>> -> memref<80xi32, #tpu.memory_space<vmem>>
      %dma_start3A_139 = arith.constant 0 : i32
      %dma_start3A_140 = arith.constant 0 : i32
      %dma_start3A_141 = tpu.memref_slice %arg12[%dma_start3A_139, %dma_start3A_140] : memref<10240x128xf32, #tpu.memory_space<vmem_shared>> -> memref<10240x128xf32, #tpu.memory_space<vmem_shared>>
      tpu.enqueue_indirect_dma source(%arg9 : memref<80x128xf32, #tpu.memory_space<vmem>>) target(%dma_start3A_141 : memref<10240x128xf32, #tpu.memory_space<vmem_shared>>) offsets(%dma_start3A_138 : memref<80xi32, #tpu.memory_space<vmem>>) semaphore(%run_scoped3A_135 : memref<!tpu.dma_semaphore, #tpu.memory_space<semaphore_mem>>) {add = true}
      %dma_wait3A_142 = arith.constant 0 : i32
      %dma_wait3A_143 = tpu.memref_slice %arg8[%run_scoped3A_99, %dma_wait3A_142] : memref<64x80xi32, #tpu.memory_space<vmem>> -> memref<1x80xi32, #tpu.memory_space<vmem>>
      %dma_wait3A_144 = tpu.memref_squeeze %dma_wait3A_143 : memref<1x80xi32, #tpu.memory_space<vmem>> -> memref<80xi32, #tpu.memory_space<vmem>>
      %dma_wait3A_145 = arith.constant 0 : i32
      %dma_wait3A_146 = arith.constant 0 : i32
      %dma_wait3A_147 = tpu.memref_slice %arg12[%dma_wait3A_145, %dma_wait3A_146] : memref<10240x128xf32, #tpu.memory_space<vmem_shared>> -> memref<10240x128xf32, #tpu.memory_space<vmem_shared>>
      tpu.wait_indirect_dma semaphore(%run_scoped3A_135 : memref<!tpu.dma_semaphore, #tpu.memory_space<semaphore_mem>>) src(%arg9 : memref<80x128xf32, #tpu.memory_space<vmem>>) dst(%dma_wait3A_147 : memref<10240x128xf32, #tpu.memory_space<vmem_shared>>)
      tpu.yield
    }) : () -> ()
    %dma_start3A_100 = arith.constant 60 : i32
    %dma_start3A_101 = arith.constant 0 : i32
    %dma_start3A_102 = tpu.memref_slice %arg7[%dma_start3A_100, %dma_start3A_101] : memref<64x80xi32, #tpu.memory_space<vmem>> -> memref<1x80xi32, #tpu.memory_space<vmem>>
    %dma_start3A_103 = tpu.memref_squeeze %dma_start3A_102 : memref<1x80xi32, #tpu.memory_space<vmem>> -> memref<80xi32, #tpu.memory_space<vmem>>
    %dma_start3A_104 = arith.constant 0 : i32
    %dma_start3A_105 = arith.constant 0 : i32
    %dma_start3A_106 = tpu.memref_slice %arg2[%dma_start3A_104, %dma_start3A_105] : memref<10000x128xf32, #tpu.memory_space<hbm>> -> memref<10000x128xf32, #tpu.memory_space<hbm>>
    tpu.enqueue_indirect_dma source(%dma_start3A_106 : memref<10000x128xf32, #tpu.memory_space<hbm>>) target(%arg9 : memref<80x128xf32, #tpu.memory_space<vmem>>) offsets(%dma_start3A_103 : memref<80xi32, #tpu.memory_space<vmem>>) semaphore(%arg13 : memref<!tpu.dma_semaphore, #tpu.memory_space<semaphore_mem>>)
    %dma_wait3A_107 = arith.constant 58 : i32
    %dma_wait3A_108 = arith.constant 0 : i32
    %dma_wait3A_109 = tpu.memref_slice %arg7[%dma_wait3A_107, %dma_wait3A_108] : memref<64x80xi32, #tpu.memory_space<vmem>> -> memref<1x80xi32, #tpu.memory_space<vmem>>
    %dma_wait3A_110 = tpu.memref_squeeze %dma_wait3A_109 : memref<1x80xi32, #tpu.memory_space<vmem>> -> memref<80xi32, #tpu.memory_space<vmem>>
    %dma_wait3A_111 = arith.constant 0 : i32
    %dma_wait3A_112 = arith.constant 0 : i32
    %dma_wait3A_113 = tpu.memref_slice %arg2[%dma_wait3A_111, %dma_wait3A_112] : memref<10000x128xf32, #tpu.memory_space<hbm>> -> memref<10000x128xf32, #tpu.memory_space<hbm>>
    tpu.wait_indirect_dma semaphore(%arg14 : memref<!tpu.dma_semaphore, #tpu.memory_space<semaphore_mem>>) src(%dma_wait3A_113 : memref<10000x128xf32, #tpu.memory_space<hbm>>) dst(%arg10 : memref<80x128xf32, #tpu.memory_space<vmem>>)
    %run_scoped3A_114 = arith.constant 58 : i32
    "tpu.region"() ({
      %run_scoped3A_135 = tpu.sem_alloc : memref<!tpu.dma_semaphore, #tpu.memory_space<semaphore_mem>>
      %dma_start3A_136 = arith.constant 0 : i32
      %dma_start3A_137 = tpu.memref_slice %arg8[%run_scoped3A_114, %dma_start3A_136] : memref<64x80xi32, #tpu.memory_space<vmem>> -> memref<1x80xi32, #tpu.memory_space<vmem>>
      %dma_start3A_138 = tpu.memref_squeeze %dma_start3A_137 : memref<1x80xi32, #tpu.memory_space<vmem>> -> memref<80xi32, #tpu.memory_space<vmem>>
      %dma_start3A_139 = arith.constant 0 : i32
      %dma_start3A_140 = arith.constant 0 : i32
      %dma_start3A_141 = tpu.memref_slice %arg12[%dma_start3A_139, %dma_start3A_140] : memref<10240x128xf32, #tpu.memory_space<vmem_shared>> -> memref<10240x128xf32, #tpu.memory_space<vmem_shared>>
      tpu.enqueue_indirect_dma source(%arg10 : memref<80x128xf32, #tpu.memory_space<vmem>>) target(%dma_start3A_141 : memref<10240x128xf32, #tpu.memory_space<vmem_shared>>) offsets(%dma_start3A_138 : memref<80xi32, #tpu.memory_space<vmem>>) semaphore(%run_scoped3A_135 : memref<!tpu.dma_semaphore, #tpu.memory_space<semaphore_mem>>) {add = true}
      %dma_wait3A_142 = arith.constant 0 : i32
      %dma_wait3A_143 = tpu.memref_slice %arg8[%run_scoped3A_114, %dma_wait3A_142] : memref<64x80xi32, #tpu.memory_space<vmem>> -> memref<1x80xi32, #tpu.memory_space<vmem>>
      %dma_wait3A_144 = tpu.memref_squeeze %dma_wait3A_143 : memref<1x80xi32, #tpu.memory_space<vmem>> -> memref<80xi32, #tpu.memory_space<vmem>>
      %dma_wait3A_145 = arith.constant 0 : i32
      %dma_wait3A_146 = arith.constant 0 : i32
      %dma_wait3A_147 = tpu.memref_slice %arg12[%dma_wait3A_145, %dma_wait3A_146] : memref<10240x128xf32, #tpu.memory_space<vmem_shared>> -> memref<10240x128xf32, #tpu.memory_space<vmem_shared>>
      tpu.wait_indirect_dma semaphore(%run_scoped3A_135 : memref<!tpu.dma_semaphore, #tpu.memory_space<semaphore_mem>>) src(%arg10 : memref<80x128xf32, #tpu.memory_space<vmem>>) dst(%dma_wait3A_147 : memref<10240x128xf32, #tpu.memory_space<vmem_shared>>)
      tpu.yield
    }) : () -> ()
    %dma_wait3A_115 = arith.constant 59 : i32
    %dma_wait3A_116 = arith.constant 0 : i32
    %dma_wait3A_117 = tpu.memref_slice %arg7[%dma_wait3A_115, %dma_wait3A_116] : memref<64x80xi32, #tpu.memory_space<vmem>> -> memref<1x80xi32, #tpu.memory_space<vmem>>
    %dma_wait3A_118 = tpu.memref_squeeze %dma_wait3A_117 : memref<1x80xi32, #tpu.memory_space<vmem>> -> memref<80xi32, #tpu.memory_space<vmem>>
    %dma_wait3A_119 = arith.constant 0 : i32
    %dma_wait3A_120 = arith.constant 0 : i32
    %dma_wait3A_121 = tpu.memref_slice %arg2[%dma_wait3A_119, %dma_wait3A_120] : memref<10000x128xf32, #tpu.memory_space<hbm>> -> memref<10000x128xf32, #tpu.memory_space<hbm>>
    tpu.wait_indirect_dma semaphore(%arg15 : memref<!tpu.dma_semaphore, #tpu.memory_space<semaphore_mem>>) src(%dma_wait3A_121 : memref<10000x128xf32, #tpu.memory_space<hbm>>) dst(%arg11 : memref<80x128xf32, #tpu.memory_space<vmem>>)
    %run_scoped3A_122 = arith.constant 59 : i32
    "tpu.region"() ({
      %run_scoped3A_135 = tpu.sem_alloc : memref<!tpu.dma_semaphore, #tpu.memory_space<semaphore_mem>>
      %dma_start3A_136 = arith.constant 0 : i32
      %dma_start3A_137 = tpu.memref_slice %arg8[%run_scoped3A_122, %dma_start3A_136] : memref<64x80xi32, #tpu.memory_space<vmem>> -> memref<1x80xi32, #tpu.memory_space<vmem>>
      %dma_start3A_138 = tpu.memref_squeeze %dma_start3A_137 : memref<1x80xi32, #tpu.memory_space<vmem>> -> memref<80xi32, #tpu.memory_space<vmem>>
      %dma_start3A_139 = arith.constant 0 : i32
      %dma_start3A_140 = arith.constant 0 : i32
      %dma_start3A_141 = tpu.memref_slice %arg12[%dma_start3A_139, %dma_start3A_140] : memref<10240x128xf32, #tpu.memory_space<vmem_shared>> -> memref<10240x128xf32, #tpu.memory_space<vmem_shared>>
      tpu.enqueue_indirect_dma source(%arg11 : memref<80x128xf32, #tpu.memory_space<vmem>>) target(%dma_start3A_141 : memref<10240x128xf32, #tpu.memory_space<vmem_shared>>) offsets(%dma_start3A_138 : memref<80xi32, #tpu.memory_space<vmem>>) semaphore(%run_scoped3A_135 : memref<!tpu.dma_semaphore, #tpu.memory_space<semaphore_mem>>) {add = true}
      %dma_wait3A_142 = arith.constant 0 : i32
      %dma_wait3A_143 = tpu.memref_slice %arg8[%run_scoped3A_122, %dma_wait3A_142] : memref<64x80xi32, #tpu.memory_space<vmem>> -> memref<1x80xi32, #tpu.memory_space<vmem>>
      %dma_wait3A_144 = tpu.memref_squeeze %dma_wait3A_143 : memref<1x80xi32, #tpu.memory_space<vmem>> -> memref<80xi32, #tpu.memory_space<vmem>>
      %dma_wait3A_145 = arith.constant 0 : i32
      %dma_wait3A_146 = arith.constant 0 : i32
      %dma_wait3A_147 = tpu.memref_slice %arg12[%dma_wait3A_145, %dma_wait3A_146] : memref<10240x128xf32, #tpu.memory_space<vmem_shared>> -> memref<10240x128xf32, #tpu.memory_space<vmem_shared>>
      tpu.wait_indirect_dma semaphore(%run_scoped3A_135 : memref<!tpu.dma_semaphore, #tpu.memory_space<semaphore_mem>>) src(%arg11 : memref<80x128xf32, #tpu.memory_space<vmem>>) dst(%dma_wait3A_147 : memref<10240x128xf32, #tpu.memory_space<vmem_shared>>)
      tpu.yield
    }) : () -> ()
    %dma_wait3A_123 = arith.constant 60 : i32
    %dma_wait3A_124 = arith.constant 0 : i32
    %dma_wait3A_125 = tpu.memref_slice %arg7[%dma_wait3A_123, %dma_wait3A_124] : memref<64x80xi32, #tpu.memory_space<vmem>> -> memref<1x80xi32, #tpu.memory_space<vmem>>
    %dma_wait3A_126 = tpu.memref_squeeze %dma_wait3A_125 : memref<1x80xi32, #tpu.memory_space<vmem>> -> memref<80xi32, #tpu.memory_space<vmem>>
    %dma_wait3A_127 = arith.constant 0 : i32
    %dma_wait3A_128 = arith.constant 0 : i32
    %dma_wait3A_129 = tpu.memref_slice %arg2[%dma_wait3A_127, %dma_wait3A_128] : memref<10000x128xf32, #tpu.memory_space<hbm>> -> memref<10000x128xf32, #tpu.memory_space<hbm>>
    tpu.wait_indirect_dma semaphore(%arg13 : memref<!tpu.dma_semaphore, #tpu.memory_space<semaphore_mem>>) src(%dma_wait3A_129 : memref<10000x128xf32, #tpu.memory_space<hbm>>) dst(%arg9 : memref<80x128xf32, #tpu.memory_space<vmem>>)
    %run_scoped3A_130 = arith.constant 60 : i32
    "tpu.region"() ({
      %run_scoped3A_135 = tpu.sem_alloc : memref<!tpu.dma_semaphore, #tpu.memory_space<semaphore_mem>>
      %dma_start3A_136 = arith.constant 0 : i32
      %dma_start3A_137 = tpu.memref_slice %arg8[%run_scoped3A_130, %dma_start3A_136] : memref<64x80xi32, #tpu.memory_space<vmem>> -> memref<1x80xi32, #tpu.memory_space<vmem>>
      %dma_start3A_138 = tpu.memref_squeeze %dma_start3A_137 : memref<1x80xi32, #tpu.memory_space<vmem>> -> memref<80xi32, #tpu.memory_space<vmem>>
      %dma_start3A_139 = arith.constant 0 : i32
      %dma_start3A_140 = arith.constant 0 : i32
      %dma_start3A_141 = tpu.memref_slice %arg12[%dma_start3A_139, %dma_start3A_140] : memref<10240x128xf32, #tpu.memory_space<vmem_shared>> -> memref<10240x128xf32, #tpu.memory_space<vmem_shared>>
      tpu.enqueue_indirect_dma source(%arg9 : memref<80x128xf32, #tpu.memory_space<vmem>>) target(%dma_start3A_141 : memref<10240x128xf32, #tpu.memory_space<vmem_shared>>) offsets(%dma_start3A_138 : memref<80xi32, #tpu.memory_space<vmem>>) semaphore(%run_scoped3A_135 : memref<!tpu.dma_semaphore, #tpu.memory_space<semaphore_mem>>) {add = true}
      %dma_wait3A_142 = arith.constant 0 : i32
      %dma_wait3A_143 = tpu.memref_slice %arg8[%run_scoped3A_130, %dma_wait3A_142] : memref<64x80xi32, #tpu.memory_space<vmem>> -> memref<1x80xi32, #tpu.memory_space<vmem>>
      %dma_wait3A_144 = tpu.memref_squeeze %dma_wait3A_143 : memref<1x80xi32, #tpu.memory_space<vmem>> -> memref<80xi32, #tpu.memory_space<vmem>>
      %dma_wait3A_145 = arith.constant 0 : i32
      %dma_wait3A_146 = arith.constant 0 : i32
      %dma_wait3A_147 = tpu.memref_slice %arg12[%dma_wait3A_145, %dma_wait3A_146] : memref<10240x128xf32, #tpu.memory_space<vmem_shared>> -> memref<10240x128xf32, #tpu.memory_space<vmem_shared>>
      tpu.wait_indirect_dma semaphore(%run_scoped3A_135 : memref<!tpu.dma_semaphore, #tpu.memory_space<semaphore_mem>>) src(%arg9 : memref<80x128xf32, #tpu.memory_space<vmem>>) dst(%dma_wait3A_147 : memref<10240x128xf32, #tpu.memory_space<vmem_shared>>)
      tpu.yield
    }) : () -> ()
    %barrier3A_131 = arith.constant 0 : index
    tpu.barrier barrier_id(%barrier3A_131)
    %mul3A_132 = arith.constant 10240 : i32
    %mul3A_133 = arith.muli %arg0, %mul3A_132 : i32
    %add3A_134 = arith.addi %mul3A_133, %mul3A_2 : i32
    "tpu.region"() ({
      %run_scoped3A_135 = tpu.sem_alloc : memref<!tpu.dma_semaphore, #tpu.memory_space<semaphore_mem>>
      %dma_start3A_136 = arith.constant 0 : i32
      %dma_start3A_137 = tpu.memref_slice %arg6[%add3A_134, %dma_start3A_136] : memref<20480x128xf32, #tpu.memory_space<hbm>> -> memref<640x128xf32, #tpu.memory_space<hbm>>
      %dma_start3A_138 = arith.constant 0 : i32
      %dma_start3A_139 = tpu.memref_slice %arg12[%mul3A_2, %dma_start3A_138] : memref<10240x128xf32, #tpu.memory_space<vmem_shared>> -> memref<640x128xf32, #tpu.memory_space<vmem_shared>>
      tpu.enqueue_dma source(%dma_start3A_139 : memref<640x128xf32, #tpu.memory_space<vmem_shared>>) target(%dma_start3A_137 : memref<640x128xf32, #tpu.memory_space<hbm>>) target_semaphore(%run_scoped3A_135 : memref<!tpu.dma_semaphore, #tpu.memory_space<semaphore_mem>>)
      %dma_wait3A_140 = arith.constant 0 : i32
      %dma_wait3A_141 = tpu.memref_slice %arg6[%add3A_134, %dma_wait3A_140] : memref<20480x128xf32, #tpu.memory_space<hbm>> -> memref<640x128xf32, #tpu.memory_space<hbm>>
      %dma_wait3A_142 = arith.constant 0 : i32
      %dma_wait3A_143 = tpu.memref_slice %arg12[%mul3A_2, %dma_wait3A_142] : memref<10240x128xf32, #tpu.memory_space<vmem_shared>> -> memref<640x128xf32, #tpu.memory_space<vmem_shared>>
      tpu.wait_dma2 semaphore(%run_scoped3A_135 : memref<!tpu.dma_semaphore, #tpu.memory_space<semaphore_mem>>) src(%dma_wait3A_143 : memref<640x128xf32, #tpu.memory_space<vmem_shared>>) dst(%dma_wait3A_141 : memref<640x128xf32, #tpu.memory_space<hbm>>)
      tpu.yield
    }) : () -> ()
    return
  }
}

module attributes {stable_mosaic.version = 14 : i64} {
  func.func @_conv_body(%arg0: i32, %arg1: i32, %arg2: memref<2000x128xf32, #tpu.memory_space<vmem>>, %arg3: memref<2000x128xf32, #tpu.memory_space<vmem>>, %arg4: memref<2000x128xf32, #tpu.memory_space<vmem>>, %arg5: memref<128x128xf32, #tpu.memory_space<vmem>>, %arg6: memref<1x128xf32, #tpu.memory_space<vmem>>, %arg7: memref<1x128xf32, #tpu.memory_space<vmem>>, %arg8: memref<1x128xf32, #tpu.memory_space<vmem>>, %arg9: memref<128x128xf32, #tpu.memory_space<vmem>>, %arg10: memref<1x128xf32, #tpu.memory_space<vmem>>, %arg11: memref<2000x128xf32, #tpu.memory_space<vmem>>, %arg12: memref<10000x128xf32, #tpu.memory_space<vmem>>, %arg13: memref<2x128xf32, #tpu.memory_space<vmem>>) attributes {dimension_semantics = [#tpu.dimension_semantics<arbitrary>, #tpu.dimension_semantics<arbitrary>], iteration_bounds = array<i64: 2, 5>, scalar_prefetch = 0 : i64, scratch_operands = 2 : i64, tpu.core_type = #tpu.core_type<tc>, window_params = [{transform_indices = @transform_0, window_bounds = array<i64: 2000, 128>}, {transform_indices = @transform_1, window_bounds = array<i64: 2000, 128>}, {transform_indices = @transform_2, window_bounds = array<i64: 2000, 128>}, {pipeline_mode = #tpu.pipeline_mode<synchronous>, transform_indices = @transform_3, window_bounds = array<i64: 128, 128>}, {pipeline_mode = #tpu.pipeline_mode<synchronous>, transform_indices = @transform_4, window_bounds = array<i64: 1, 128>}, {pipeline_mode = #tpu.pipeline_mode<synchronous>, transform_indices = @transform_5, window_bounds = array<i64: 1, 128>}, {pipeline_mode = #tpu.pipeline_mode<synchronous>, transform_indices = @transform_6, window_bounds = array<i64: 1, 128>}, {pipeline_mode = #tpu.pipeline_mode<synchronous>, transform_indices = @transform_7, window_bounds = array<i64: 128, 128>}, {pipeline_mode = #tpu.pipeline_mode<synchronous>, transform_indices = @transform_8, window_bounds = array<i64: 1, 128>}, {transform_indices = @transform_9, window_bounds = array<i64: 2000, 128>}]} {
    %eq3A = arith.constant 0 : i32
    %eq3A_0 = arith.cmpi eq, %arg0, %eq3A : i32
    %convert_element_type3A = arith.extui %eq3A_0 : i1 to i32
    %cond3A = arith.constant 0 : i32
    %cond3A_1 = arith.cmpi ne, %convert_element_type3A, %cond3A : i32
    scf.if %cond3A_1 {
      %get3A = arith.constant 0 : index
      %get3A_7 = arith.constant 0 : index
      %get3A_8 = vector.load %arg2[%get3A, %get3A_7] : memref<2000x128xf32, #tpu.memory_space<vmem>>, vector<2000x128xf32>
      %get3A_9 = arith.constant 0 : index
      %get3A_10 = arith.constant 0 : index
      %get3A_11 = vector.load %arg3[%get3A_9, %get3A_10] : memref<2000x128xf32, #tpu.memory_space<vmem>>, vector<2000x128xf32>
      %add3A = arith.addf %get3A_8, %get3A_11 : vector<2000x128xf32>
      %get3A_12 = arith.constant 0 : index
      %get3A_13 = arith.constant 0 : index
      %get3A_14 = vector.load %arg4[%get3A_12, %get3A_13] : memref<2000x128xf32, #tpu.memory_space<vmem>>, vector<2000x128xf32>
      %add3A_15 = arith.addf %add3A, %get3A_14 : vector<2000x128xf32>
      %get3A_16 = arith.constant 0 : index
      %get3A_17 = arith.constant 0 : index
      %get3A_18 = vector.load %arg5[%get3A_16, %get3A_17] : memref<128x128xf32, #tpu.memory_space<vmem>>, vector<128x128xf32>
      %dot_general3A = arith.constant dense<0.000000e+00> : vector<2000x128xf32>
      %dot_general3A_19 = tpu.matmul %add3A_15, %get3A_18, %dot_general3A {dimension_numbers = #tpu.dot_dimension_numbers<[1], [0], [0], [1], [0, 0, 1, 1], [], []>, transpose_lhs_hint = false} : vector<2000x128xf32>, vector<128x128xf32>, vector<2000x128xf32> -> vector<2000x128xf32>
      %get3A_20 = arith.constant 0 : index
      %get3A_21 = arith.constant 0 : index
      %get3A_22 = vector.load %arg6[%get3A_20, %get3A_21] : memref<1x128xf32, #tpu.memory_space<vmem>>, vector<1x128xf32>
      %add3A_23 = vector.broadcast %get3A_22 : vector<1x128xf32> to vector<2000x128xf32>
      %add3A_24 = arith.addf %dot_general3A_19, %add3A_23 : vector<2000x128xf32>
      %mul3A = arith.constant 2000 : i32
      %mul3A_25 = arith.muli %arg1, %mul3A : i32
      %swap3A = arith.index_cast %mul3A_25 : i32 to index
      %swap3A_26 = arith.constant 0 : index
      %swap3A_27 = vector.load %arg12[%swap3A, %swap3A_26] : memref<10000x128xf32, #tpu.memory_space<vmem>>, vector<2000x128xf32>
      tpu.vector_store %arg12[%swap3A, %swap3A_26], %add3A_24 {strides = array<i32>} : memref<10000x128xf32, #tpu.memory_space<vmem>>, vector<2000x128xf32>,
      %eq3A_28 = arith.constant 0 : i32
      %eq3A_29 = arith.cmpi eq, %arg1, %eq3A_28 : i32
      %convert_element_type3A_30 = arith.extui %eq3A_29 : i1 to i32
      %cond3A_31 = arith.constant 0 : i32
      %cond3A_32 = arith.cmpi ne, %convert_element_type3A_30, %cond3A_31 : i32
      scf.if %cond3A_32 {
        %broadcast_in_dim3A_45 = arith.constant 0.000000e+00 : f32
        %broadcast_in_dim3A_46 = vector.broadcast %broadcast_in_dim3A_45 : f32 to vector<2x128xf32>
        %swap3A_47 = arith.constant 0 : index
        %swap3A_48 = arith.constant 0 : index
        %swap3A_49 = vector.load %arg13[%swap3A_47, %swap3A_48] : memref<2x128xf32, #tpu.memory_space<vmem>>, vector<2x128xf32>
        tpu.vector_store %arg13[%swap3A_47, %swap3A_48], %broadcast_in_dim3A_46 {strides = array<i32>} : memref<2x128xf32, #tpu.memory_space<vmem>>, vector<2x128xf32>,
      } else {
      }
      %reduce_sum3A = arith.constant dense<0.000000e+00> : vector<128xf32>
      %reduce_sum3A_33 = vector.multi_reduction <add>, %add3A_24, %reduce_sum3A [0] : vector<2000x128xf32> to vector<128xf32>
      %broadcast_in_dim3A = vector.shape_cast %reduce_sum3A_33 : vector<128xf32> to vector<1x128xf32>
      %mul3A_34 = arith.mulf %add3A_24, %add3A_24 : vector<2000x128xf32>
      %reduce_sum3A_35 = arith.constant dense<0.000000e+00> : vector<128xf32>
      %reduce_sum3A_36 = vector.multi_reduction <add>, %mul3A_34, %reduce_sum3A_35 [0] : vector<2000x128xf32> to vector<128xf32>
      %broadcast_in_dim3A_37 = vector.shape_cast %reduce_sum3A_36 : vector<128xf32> to vector<1x128xf32>
      %get3A_38 = arith.constant 0 : index
      %get3A_39 = arith.constant 0 : index
      %get3A_40 = vector.load %arg13[%get3A_38, %get3A_39] : memref<2x128xf32, #tpu.memory_space<vmem>>, vector<2x128xf32>
      %concatenate3A = tpu.concatenate %broadcast_in_dim3A, %broadcast_in_dim3A_37 in 0 : vector<1x128xf32>, vector<1x128xf32> -> vector<2x128xf32>
      %add3A_41 = arith.addf %get3A_40, %concatenate3A : vector<2x128xf32>
      %swap3A_42 = arith.constant 0 : index
      %swap3A_43 = arith.constant 0 : index
      %swap3A_44 = vector.load %arg13[%swap3A_42, %swap3A_43] : memref<2x128xf32, #tpu.memory_space<vmem>>, vector<2x128xf32>
      tpu.vector_store %arg13[%swap3A_42, %swap3A_43], %add3A_41 {strides = array<i32>} : memref<2x128xf32, #tpu.memory_space<vmem>>, vector<2x128xf32>,
    } else {
    }
    %eq3A_2 = arith.constant 1 : i32
    %eq3A_3 = arith.cmpi eq, %arg0, %eq3A_2 : i32
    %convert_element_type3A_4 = arith.extui %eq3A_3 : i1 to i32
    %cond3A_5 = arith.constant 0 : i32
    %cond3A_6 = arith.cmpi ne, %convert_element_type3A_4, %cond3A_5 : i32
    scf.if %cond3A_6 {
      %get3A = arith.constant 0 : index
      %get3A_7 = arith.constant 0 : index
      %get3A_8 = vector.load %arg13[%get3A, %get3A_7] : memref<2x128xf32, #tpu.memory_space<vmem>>, vector<1x128xf32>
      %mul3A = arith.constant 9.99999974E-5 : f32
      %mul3A_9 = vector.broadcast %mul3A : f32 to vector<1x128xf32>
      %mul3A_10 = arith.mulf %get3A_8, %mul3A_9 : vector<1x128xf32>
      %get3A_11 = arith.constant 1 : index
      %get3A_12 = arith.constant 0 : index
      %get3A_13 = vector.load %arg13[%get3A_11, %get3A_12] : memref<2x128xf32, #tpu.memory_space<vmem>>, vector<1x128xf32>
      %mul3A_14 = arith.constant 9.99999974E-5 : f32
      %mul3A_15 = vector.broadcast %mul3A_14 : f32 to vector<1x128xf32>
      %mul3A_16 = arith.mulf %get3A_13, %mul3A_15 : vector<1x128xf32>
      %mul3A_17 = arith.mulf %mul3A_10, %mul3A_10 : vector<1x128xf32>
      %sub3A = arith.subf %mul3A_16, %mul3A_17 : vector<1x128xf32>
      %get3A_18 = arith.constant 0 : index
      %get3A_19 = arith.constant 0 : index
      %get3A_20 = vector.load %arg7[%get3A_18, %get3A_19] : memref<1x128xf32, #tpu.memory_space<vmem>>, vector<1x128xf32>
      %add3A = arith.constant 1.280000e+02 : f32
      %add3A_21 = vector.broadcast %add3A : f32 to vector<1x128xf32>
      %add3A_22 = arith.addf %sub3A, %add3A_21 : vector<1x128xf32>
      %rsqrt3A = math.rsqrt %add3A_22 : vector<1x128xf32>
      %mul3A_23 = arith.mulf %get3A_20, %rsqrt3A : vector<1x128xf32>
      %mul3A_24 = arith.constant 2000 : i32
      %mul3A_25 = arith.muli %arg1, %mul3A_24 : i32
      %get3A_26 = arith.index_cast %mul3A_25 : i32 to index
      %get3A_27 = arith.constant 0 : index
      %get3A_28 = vector.load %arg12[%get3A_26, %get3A_27] : memref<10000x128xf32, #tpu.memory_space<vmem>>, vector<2000x128xf32>
      %sub3A_29 = vector.broadcast %mul3A_10 : vector<1x128xf32> to vector<2000x128xf32>
      %sub3A_30 = arith.subf %get3A_28, %sub3A_29 : vector<2000x128xf32>
      %mul3A_31 = vector.broadcast %mul3A_23 : vector<1x128xf32> to vector<2000x128xf32>
      %mul3A_32 = arith.mulf %sub3A_30, %mul3A_31 : vector<2000x128xf32>
      %get3A_33 = arith.constant 0 : index
      %get3A_34 = arith.constant 0 : index
      %get3A_35 = vector.load %arg8[%get3A_33, %get3A_34] : memref<1x128xf32, #tpu.memory_space<vmem>>, vector<1x128xf32>
      %add3A_36 = vector.broadcast %get3A_35 : vector<1x128xf32> to vector<2000x128xf32>
      %add3A_37 = arith.addf %mul3A_32, %add3A_36 : vector<2000x128xf32>
      %max3A = arith.constant 0.000000e+00 : f32
      %max3A_38 = vector.broadcast %max3A : f32 to vector<2000x128xf32>
      %max3A_39 = arith.maximumf %add3A_37, %max3A_38 : vector<2000x128xf32>
      %get3A_40 = arith.constant 0 : index
      %get3A_41 = arith.constant 0 : index
      %get3A_42 = vector.load %arg9[%get3A_40, %get3A_41] : memref<128x128xf32, #tpu.memory_space<vmem>>, vector<128x128xf32>
      %dot_general3A = arith.constant dense<0.000000e+00> : vector<2000x128xf32>
      %dot_general3A_43 = tpu.matmul %max3A_39, %get3A_42, %dot_general3A {dimension_numbers = #tpu.dot_dimension_numbers<[1], [0], [0], [1], [0, 0, 1, 1], [], []>, transpose_lhs_hint = false} : vector<2000x128xf32>, vector<128x128xf32>, vector<2000x128xf32> -> vector<2000x128xf32>
      %get3A_44 = arith.constant 0 : index
      %get3A_45 = arith.constant 0 : index
      %get3A_46 = vector.load %arg10[%get3A_44, %get3A_45] : memref<1x128xf32, #tpu.memory_space<vmem>>, vector<1x128xf32>
      %add3A_47 = vector.broadcast %get3A_46 : vector<1x128xf32> to vector<2000x128xf32>
      %add3A_48 = arith.addf %dot_general3A_43, %add3A_47 : vector<2000x128xf32>
      %max3A_49 = arith.constant 0.000000e+00 : f32
      %max3A_50 = vector.broadcast %max3A_49 : f32 to vector<2000x128xf32>
      %max3A_51 = arith.maximumf %add3A_48, %max3A_50 : vector<2000x128xf32>
      %swap3A = arith.constant 0 : index
      %swap3A_52 = arith.constant 0 : index
      %swap3A_53 = vector.load %arg11[%swap3A, %swap3A_52] : memref<2000x128xf32, #tpu.memory_space<vmem>>, vector<2000x128xf32>
      tpu.vector_store %arg11[%swap3A, %swap3A_52], %max3A_51 {strides = array<i32>} : memref<2000x128xf32, #tpu.memory_space<vmem>>, vector<2000x128xf32>,
    } else {
    }
    return
  }
  func.func @transform_0(%arg0: i32, %arg1: i32) -> (i32, i32) {
    %sub3A = arith.constant 1 : i32
    %sub3A_0 = arith.subi %sub3A, %arg0 : i32
    %mul3A = arith.muli %arg1, %sub3A_0 : i32
    %c0_i32 = arith.constant 0 : i32
    %c0_i32_1 = arith.constant 0 : i32
    return %mul3A, %c0_i32 : i32, i32
  }
  func.func @transform_1(%arg0: i32, %arg1: i32) -> (i32, i32) {
    %sub3A = arith.constant 1 : i32
    %sub3A_0 = arith.subi %sub3A, %arg0 : i32
    %mul3A = arith.muli %arg1, %sub3A_0 : i32
    %c0_i32 = arith.constant 0 : i32
    %c0_i32_1 = arith.constant 0 : i32
    return %mul3A, %c0_i32 : i32, i32
  }
  func.func @transform_2(%arg0: i32, %arg1: i32) -> (i32, i32) {
    %sub3A = arith.constant 1 : i32
    %sub3A_0 = arith.subi %sub3A, %arg0 : i32
    %mul3A = arith.muli %arg1, %sub3A_0 : i32
    %c0_i32 = arith.constant 0 : i32
    %c0_i32_1 = arith.constant 0 : i32
    return %mul3A, %c0_i32 : i32, i32
  }
  func.func @transform_3(%arg0: i32, %arg1: i32) -> (i32, i32) {
    %c0_i32 = arith.constant 0 : i32
    %c0_i32_0 = arith.constant 0 : i32
    %c0_i32_1 = arith.constant 0 : i32
    return %c0_i32, %c0_i32_0 : i32, i32
  }
  func.func @transform_4(%arg0: i32, %arg1: i32) -> (i32, i32) {
    %c0_i32 = arith.constant 0 : i32
    %c0_i32_0 = arith.constant 0 : i32
    %c0_i32_1 = arith.constant 0 : i32
    return %c0_i32, %c0_i32_0 : i32, i32
  }
  func.func @transform_5(%arg0: i32, %arg1: i32) -> (i32, i32) {
    %c0_i32 = arith.constant 0 : i32
    %c0_i32_0 = arith.constant 0 : i32
    %c0_i32_1 = arith.constant 0 : i32
    return %c0_i32, %c0_i32_0 : i32, i32
  }
  func.func @transform_6(%arg0: i32, %arg1: i32) -> (i32, i32) {
    %c0_i32 = arith.constant 0 : i32
    %c0_i32_0 = arith.constant 0 : i32
    %c0_i32_1 = arith.constant 0 : i32
    return %c0_i32, %c0_i32_0 : i32, i32
  }
  func.func @transform_7(%arg0: i32, %arg1: i32) -> (i32, i32) {
    %c0_i32 = arith.constant 0 : i32
    %c0_i32_0 = arith.constant 0 : i32
    %c0_i32_1 = arith.constant 0 : i32
    return %c0_i32, %c0_i32_0 : i32, i32
  }
  func.func @transform_8(%arg0: i32, %arg1: i32) -> (i32, i32) {
    %c0_i32 = arith.constant 0 : i32
    %c0_i32_0 = arith.constant 0 : i32
    %c0_i32_1 = arith.constant 0 : i32
    return %c0_i32, %c0_i32_0 : i32, i32
  }
  func.func @transform_9(%arg0: i32, %arg1: i32) -> (i32, i32) {
    %c0_i32 = arith.constant 0 : i32
    %c0_i32_0 = arith.constant 0 : i32
    return %arg1, %c0_i32 : i32, i32
  }
}

module attributes {stable_mosaic.version = 14 : i64} {
  func.func @_conv3_head_body(%arg0: i32, %arg1: i32, %arg2: memref<2000x128xf32, #tpu.memory_space<vmem>>, %arg3: memref<2000x128xf32, #tpu.memory_space<vmem>>, %arg4: memref<2000x128xf32, #tpu.memory_space<vmem>>, %arg5: memref<128x128xf32, #tpu.memory_space<vmem>>, %arg6: memref<1x128xf32, #tpu.memory_space<vmem>>, %arg7: memref<1x128xf32, #tpu.memory_space<vmem>>, %arg8: memref<1x128xf32, #tpu.memory_space<vmem>>, %arg9: memref<128x128xf32, #tpu.memory_space<vmem>>, %arg10: memref<1x128xf32, #tpu.memory_space<vmem>>, %arg11: memref<2000x128xf32, #tpu.memory_space<vmem>>, %arg12: memref<2000x128xf32, #tpu.memory_space<vmem>>, %arg13: memref<384x384xf32, #tpu.memory_space<vmem>>, %arg14: memref<1x384xf32, #tpu.memory_space<vmem>>, %arg15: memref<384x128xf32, #tpu.memory_space<vmem>>, %arg16: memref<1x128xf32, #tpu.memory_space<vmem>>, %arg17: memref<2000x128xf32, #tpu.memory_space<vmem>>, %arg18: memref<2000x128xf32, #tpu.memory_space<vmem>>, %arg19: memref<10000x128xf32, #tpu.memory_space<vmem>>, %arg20: memref<2x128xf32, #tpu.memory_space<vmem>>) attributes {dimension_semantics = [#tpu.dimension_semantics<arbitrary>, #tpu.dimension_semantics<arbitrary>], iteration_bounds = array<i64: 2, 5>, scalar_prefetch = 0 : i64, scratch_operands = 2 : i64, tpu.core_type = #tpu.core_type<tc>, window_params = [{transform_indices = @transform_0, window_bounds = array<i64: 2000, 128>}, {transform_indices = @transform_1, window_bounds = array<i64: 2000, 128>}, {transform_indices = @transform_2, window_bounds = array<i64: 2000, 128>}, {pipeline_mode = #tpu.pipeline_mode<synchronous>, transform_indices = @transform_3, window_bounds = array<i64: 128, 128>}, {pipeline_mode = #tpu.pipeline_mode<synchronous>, transform_indices = @transform_4, window_bounds = array<i64: 1, 128>}, {pipeline_mode = #tpu.pipeline_mode<synchronous>, transform_indices = @transform_5, window_bounds = array<i64: 1, 128>}, {pipeline_mode = #tpu.pipeline_mode<synchronous>, transform_indices = @transform_6, window_bounds = array<i64: 1, 128>}, {pipeline_mode = #tpu.pipeline_mode<synchronous>, transform_indices = @transform_7, window_bounds = array<i64: 128, 128>}, {pipeline_mode = #tpu.pipeline_mode<synchronous>, transform_indices = @transform_8, window_bounds = array<i64: 1, 128>}, {transform_indices = @transform_9, window_bounds = array<i64: 2000, 128>}, {transform_indices = @transform_10, window_bounds = array<i64: 2000, 128>}, {pipeline_mode = #tpu.pipeline_mode<synchronous>, transform_indices = @transform_11, window_bounds = array<i64: 384, 384>}, {pipeline_mode = #tpu.pipeline_mode<synchronous>, transform_indices = @transform_12, window_bounds = array<i64: 1, 384>}, {pipeline_mode = #tpu.pipeline_mode<synchronous>, transform_indices = @transform_13, window_bounds = array<i64: 384, 128>}, {pipeline_mode = #tpu.pipeline_mode<synchronous>, transform_indices = @transform_14, window_bounds = array<i64: 1, 128>}, {transform_indices = @transform_15, window_bounds = array<i64: 2000, 128>}, {transform_indices = @transform_16, window_bounds = array<i64: 2000, 128>}]} {
    %eq3A = arith.constant 0 : i32
    %eq3A_0 = arith.cmpi eq, %arg0, %eq3A : i32
    %convert_element_type3A = arith.extui %eq3A_0 : i1 to i32
    %cond3A = arith.constant 0 : i32
    %cond3A_1 = arith.cmpi ne, %convert_element_type3A, %cond3A : i32
    scf.if %cond3A_1 {
      %get3A = arith.constant 0 : index
      %get3A_7 = arith.constant 0 : index
      %get3A_8 = vector.load %arg2[%get3A, %get3A_7] : memref<2000x128xf32, #tpu.memory_space<vmem>>, vector<2000x128xf32>
      %get3A_9 = arith.constant 0 : index
      %get3A_10 = arith.constant 0 : index
      %get3A_11 = vector.load %arg3[%get3A_9, %get3A_10] : memref<2000x128xf32, #tpu.memory_space<vmem>>, vector<2000x128xf32>
      %add3A = arith.addf %get3A_8, %get3A_11 : vector<2000x128xf32>
      %get3A_12 = arith.constant 0 : index
      %get3A_13 = arith.constant 0 : index
      %get3A_14 = vector.load %arg4[%get3A_12, %get3A_13] : memref<2000x128xf32, #tpu.memory_space<vmem>>, vector<2000x128xf32>
      %add3A_15 = arith.addf %add3A, %get3A_14 : vector<2000x128xf32>
      %get3A_16 = arith.constant 0 : index
      %get3A_17 = arith.constant 0 : index
      %get3A_18 = vector.load %arg5[%get3A_16, %get3A_17] : memref<128x128xf32, #tpu.memory_space<vmem>>, vector<128x128xf32>
      %dot_general3A = arith.constant dense<0.000000e+00> : vector<2000x128xf32>
      %dot_general3A_19 = tpu.matmul %add3A_15, %get3A_18, %dot_general3A {dimension_numbers = #tpu.dot_dimension_numbers<[1], [0], [0], [1], [0, 0, 1, 1], [], []>, transpose_lhs_hint = false} : vector<2000x128xf32>, vector<128x128xf32>, vector<2000x128xf32> -> vector<2000x128xf32>
      %get3A_20 = arith.constant 0 : index
      %get3A_21 = arith.constant 0 : index
      %get3A_22 = vector.load %arg6[%get3A_20, %get3A_21] : memref<1x128xf32, #tpu.memory_space<vmem>>, vector<1x128xf32>
      %add3A_23 = vector.broadcast %get3A_22 : vector<1x128xf32> to vector<2000x128xf32>
      %add3A_24 = arith.addf %dot_general3A_19, %add3A_23 : vector<2000x128xf32>
      %mul3A = arith.constant 2000 : i32
      %mul3A_25 = arith.muli %arg1, %mul3A : i32
      %swap3A = arith.index_cast %mul3A_25 : i32 to index
      %swap3A_26 = arith.constant 0 : index
      %swap3A_27 = vector.load %arg19[%swap3A, %swap3A_26] : memref<10000x128xf32, #tpu.memory_space<vmem>>, vector<2000x128xf32>
      tpu.vector_store %arg19[%swap3A, %swap3A_26], %add3A_24 {strides = array<i32>} : memref<10000x128xf32, #tpu.memory_space<vmem>>, vector<2000x128xf32>,
      %eq3A_28 = arith.constant 0 : i32
      %eq3A_29 = arith.cmpi eq, %arg1, %eq3A_28 : i32
      %convert_element_type3A_30 = arith.extui %eq3A_29 : i1 to i32
      %cond3A_31 = arith.constant 0 : i32
      %cond3A_32 = arith.cmpi ne, %convert_element_type3A_30, %cond3A_31 : i32
      scf.if %cond3A_32 {
        %broadcast_in_dim3A_45 = arith.constant 0.000000e+00 : f32
        %broadcast_in_dim3A_46 = vector.broadcast %broadcast_in_dim3A_45 : f32 to vector<2x128xf32>
        %swap3A_47 = arith.constant 0 : index
        %swap3A_48 = arith.constant 0 : index
        %swap3A_49 = vector.load %arg20[%swap3A_47, %swap3A_48] : memref<2x128xf32, #tpu.memory_space<vmem>>, vector<2x128xf32>
        tpu.vector_store %arg20[%swap3A_47, %swap3A_48], %broadcast_in_dim3A_46 {strides = array<i32>} : memref<2x128xf32, #tpu.memory_space<vmem>>, vector<2x128xf32>,
      } else {
      }
      %reduce_sum3A = arith.constant dense<0.000000e+00> : vector<128xf32>
      %reduce_sum3A_33 = vector.multi_reduction <add>, %add3A_24, %reduce_sum3A [0] : vector<2000x128xf32> to vector<128xf32>
      %broadcast_in_dim3A = vector.shape_cast %reduce_sum3A_33 : vector<128xf32> to vector<1x128xf32>
      %mul3A_34 = arith.mulf %add3A_24, %add3A_24 : vector<2000x128xf32>
      %reduce_sum3A_35 = arith.constant dense<0.000000e+00> : vector<128xf32>
      %reduce_sum3A_36 = vector.multi_reduction <add>, %mul3A_34, %reduce_sum3A_35 [0] : vector<2000x128xf32> to vector<128xf32>
      %broadcast_in_dim3A_37 = vector.shape_cast %reduce_sum3A_36 : vector<128xf32> to vector<1x128xf32>
      %get3A_38 = arith.constant 0 : index
      %get3A_39 = arith.constant 0 : index
      %get3A_40 = vector.load %arg20[%get3A_38, %get3A_39] : memref<2x128xf32, #tpu.memory_space<vmem>>, vector<2x128xf32>
      %concatenate3A = tpu.concatenate %broadcast_in_dim3A, %broadcast_in_dim3A_37 in 0 : vector<1x128xf32>, vector<1x128xf32> -> vector<2x128xf32>
      %add3A_41 = arith.addf %get3A_40, %concatenate3A : vector<2x128xf32>
      %swap3A_42 = arith.constant 0 : index
      %swap3A_43 = arith.constant 0 : index
      %swap3A_44 = vector.load %arg20[%swap3A_42, %swap3A_43] : memref<2x128xf32, #tpu.memory_space<vmem>>, vector<2x128xf32>
      tpu.vector_store %arg20[%swap3A_42, %swap3A_43], %add3A_41 {strides = array<i32>} : memref<2x128xf32, #tpu.memory_space<vmem>>, vector<2x128xf32>,
    } else {
    }
    %eq3A_2 = arith.constant 1 : i32
    %eq3A_3 = arith.cmpi eq, %arg0, %eq3A_2 : i32
    %convert_element_type3A_4 = arith.extui %eq3A_3 : i1 to i32
    %cond3A_5 = arith.constant 0 : i32
    %cond3A_6 = arith.cmpi ne, %convert_element_type3A_4, %cond3A_5 : i32
    scf.if %cond3A_6 {
      %get3A = arith.constant 0 : index
      %get3A_7 = arith.constant 0 : index
      %get3A_8 = vector.load %arg20[%get3A, %get3A_7] : memref<2x128xf32, #tpu.memory_space<vmem>>, vector<1x128xf32>
      %mul3A = arith.constant 9.99999974E-5 : f32
      %mul3A_9 = vector.broadcast %mul3A : f32 to vector<1x128xf32>
      %mul3A_10 = arith.mulf %get3A_8, %mul3A_9 : vector<1x128xf32>
      %get3A_11 = arith.constant 1 : index
      %get3A_12 = arith.constant 0 : index
      %get3A_13 = vector.load %arg20[%get3A_11, %get3A_12] : memref<2x128xf32, #tpu.memory_space<vmem>>, vector<1x128xf32>
      %mul3A_14 = arith.constant 9.99999974E-5 : f32
      %mul3A_15 = vector.broadcast %mul3A_14 : f32 to vector<1x128xf32>
      %mul3A_16 = arith.mulf %get3A_13, %mul3A_15 : vector<1x128xf32>
      %mul3A_17 = arith.mulf %mul3A_10, %mul3A_10 : vector<1x128xf32>
      %sub3A = arith.subf %mul3A_16, %mul3A_17 : vector<1x128xf32>
      %get3A_18 = arith.constant 0 : index
      %get3A_19 = arith.constant 0 : index
      %get3A_20 = vector.load %arg7[%get3A_18, %get3A_19] : memref<1x128xf32, #tpu.memory_space<vmem>>, vector<1x128xf32>
      %add3A = arith.constant 1.280000e+02 : f32
      %add3A_21 = vector.broadcast %add3A : f32 to vector<1x128xf32>
      %add3A_22 = arith.addf %sub3A, %add3A_21 : vector<1x128xf32>
      %rsqrt3A = math.rsqrt %add3A_22 : vector<1x128xf32>
      %mul3A_23 = arith.mulf %get3A_20, %rsqrt3A : vector<1x128xf32>
      %mul3A_24 = arith.constant 2000 : i32
      %mul3A_25 = arith.muli %arg1, %mul3A_24 : i32
      %get3A_26 = arith.index_cast %mul3A_25 : i32 to index
      %get3A_27 = arith.constant 0 : index
      %get3A_28 = vector.load %arg19[%get3A_26, %get3A_27] : memref<10000x128xf32, #tpu.memory_space<vmem>>, vector<2000x128xf32>
      %sub3A_29 = vector.broadcast %mul3A_10 : vector<1x128xf32> to vector<2000x128xf32>
      %sub3A_30 = arith.subf %get3A_28, %sub3A_29 : vector<2000x128xf32>
      %mul3A_31 = vector.broadcast %mul3A_23 : vector<1x128xf32> to vector<2000x128xf32>
      %mul3A_32 = arith.mulf %sub3A_30, %mul3A_31 : vector<2000x128xf32>
      %get3A_33 = arith.constant 0 : index
      %get3A_34 = arith.constant 0 : index
      %get3A_35 = vector.load %arg8[%get3A_33, %get3A_34] : memref<1x128xf32, #tpu.memory_space<vmem>>, vector<1x128xf32>
      %add3A_36 = vector.broadcast %get3A_35 : vector<1x128xf32> to vector<2000x128xf32>
      %add3A_37 = arith.addf %mul3A_32, %add3A_36 : vector<2000x128xf32>
      %max3A = arith.constant 0.000000e+00 : f32
      %max3A_38 = vector.broadcast %max3A : f32 to vector<2000x128xf32>
      %max3A_39 = arith.maximumf %add3A_37, %max3A_38 : vector<2000x128xf32>
      %get3A_40 = arith.constant 0 : index
      %get3A_41 = arith.constant 0 : index
      %get3A_42 = vector.load %arg9[%get3A_40, %get3A_41] : memref<128x128xf32, #tpu.memory_space<vmem>>, vector<128x128xf32>
      %dot_general3A = arith.constant dense<0.000000e+00> : vector<2000x128xf32>
      %dot_general3A_43 = tpu.matmul %max3A_39, %get3A_42, %dot_general3A {dimension_numbers = #tpu.dot_dimension_numbers<[1], [0], [0], [1], [0, 0, 1, 1], [], []>, transpose_lhs_hint = false} : vector<2000x128xf32>, vector<128x128xf32>, vector<2000x128xf32> -> vector<2000x128xf32>
      %get3A_44 = arith.constant 0 : index
      %get3A_45 = arith.constant 0 : index
      %get3A_46 = vector.load %arg10[%get3A_44, %get3A_45] : memref<1x128xf32, #tpu.memory_space<vmem>>, vector<1x128xf32>
      %add3A_47 = vector.broadcast %get3A_46 : vector<1x128xf32> to vector<2000x128xf32>
      %add3A_48 = arith.addf %dot_general3A_43, %add3A_47 : vector<2000x128xf32>
      %max3A_49 = arith.constant 0.000000e+00 : f32
      %max3A_50 = vector.broadcast %max3A_49 : f32 to vector<2000x128xf32>
      %max3A_51 = arith.maximumf %add3A_48, %max3A_50 : vector<2000x128xf32>
      %get3A_52 = arith.constant 0 : index
      %get3A_53 = arith.constant 0 : index
      %get3A_54 = vector.load %arg11[%get3A_52, %get3A_53] : memref<2000x128xf32, #tpu.memory_space<vmem>>, vector<2000x128xf32>
      %get3A_55 = arith.constant 0 : index
      %get3A_56 = arith.constant 0 : index
      %get3A_57 = vector.load %arg13[%get3A_55, %get3A_56] : memref<384x384xf32, #tpu.memory_space<vmem>>, vector<128x384xf32>
      %dot_general3A_58 = arith.constant dense<0.000000e+00> : vector<2000x384xf32>
      %dot_general3A_59 = tpu.matmul %get3A_54, %get3A_57, %dot_general3A_58 {dimension_numbers = #tpu.dot_dimension_numbers<[1], [0], [0], [1], [0, 0, 1, 1], [], []>, transpose_lhs_hint = false} : vector<2000x128xf32>, vector<128x384xf32>, vector<2000x384xf32> -> vector<2000x384xf32>
      %get3A_60 = arith.constant 0 : index
      %get3A_61 = arith.constant 0 : index
      %get3A_62 = vector.load %arg12[%get3A_60, %get3A_61] : memref<2000x128xf32, #tpu.memory_space<vmem>>, vector<2000x128xf32>
      %get3A_63 = arith.constant 128 : index
      %get3A_64 = arith.constant 0 : index
      %get3A_65 = vector.load %arg13[%get3A_63, %get3A_64] : memref<384x384xf32, #tpu.memory_space<vmem>>, vector<128x384xf32>
      %dot_general3A_66 = arith.constant dense<0.000000e+00> : vector<2000x384xf32>
      %dot_general3A_67 = tpu.matmul %get3A_62, %get3A_65, %dot_general3A_66 {dimension_numbers = #tpu.dot_dimension_numbers<[1], [0], [0], [1], [0, 0, 1, 1], [], []>, transpose_lhs_hint = false} : vector<2000x128xf32>, vector<128x384xf32>, vector<2000x384xf32> -> vector<2000x384xf32>
      %add3A_68 = arith.addf %dot_general3A_59, %dot_general3A_67 : vector<2000x384xf32>
      %get3A_69 = arith.constant 256 : index
      %get3A_70 = arith.constant 0 : index
      %get3A_71 = vector.load %arg13[%get3A_69, %get3A_70] : memref<384x384xf32, #tpu.memory_space<vmem>>, vector<128x384xf32>
      %dot_general3A_72 = arith.constant dense<0.000000e+00> : vector<2000x384xf32>
      %dot_general3A_73 = tpu.matmul %max3A_51, %get3A_71, %dot_general3A_72 {dimension_numbers = #tpu.dot_dimension_numbers<[1], [0], [0], [1], [0, 0, 1, 1], [], []>, transpose_lhs_hint = false} : vector<2000x128xf32>, vector<128x384xf32>, vector<2000x384xf32> -> vector<2000x384xf32>
      %add3A_74 = arith.addf %add3A_68, %dot_general3A_73 : vector<2000x384xf32>
      %get3A_75 = arith.constant 0 : index
      %get3A_76 = arith.constant 0 : index
      %get3A_77 = vector.load %arg14[%get3A_75, %get3A_76] : memref<1x384xf32, #tpu.memory_space<vmem>>, vector<1x384xf32>
      %add3A_78 = vector.broadcast %get3A_77 : vector<1x384xf32> to vector<2000x384xf32>
      %add3A_79 = arith.addf %add3A_74, %add3A_78 : vector<2000x384xf32>
      %max3A_80 = arith.constant 0.000000e+00 : f32
      %max3A_81 = vector.broadcast %max3A_80 : f32 to vector<2000x384xf32>
      %max3A_82 = arith.maximumf %add3A_79, %max3A_81 : vector<2000x384xf32>
      %get3A_83 = arith.constant 0 : index
      %get3A_84 = arith.constant 0 : index
      %get3A_85 = vector.load %arg15[%get3A_83, %get3A_84] : memref<384x128xf32, #tpu.memory_space<vmem>>, vector<384x128xf32>
      %dot_general3A_86 = arith.constant dense<0.000000e+00> : vector<2000x128xf32>
      %dot_general3A_87 = tpu.matmul %max3A_82, %get3A_85, %dot_general3A_86 {dimension_numbers = #tpu.dot_dimension_numbers<[1], [0], [0], [1], [0, 0, 1, 1], [], []>, transpose_lhs_hint = false} : vector<2000x384xf32>, vector<384x128xf32>, vector<2000x128xf32> -> vector<2000x128xf32>
      %get3A_88 = arith.constant 0 : index
      %get3A_89 = arith.constant 0 : index
      %get3A_90 = vector.load %arg16[%get3A_88, %get3A_89] : memref<1x128xf32, #tpu.memory_space<vmem>>, vector<1x128xf32>
      %add3A_91 = vector.broadcast %get3A_90 : vector<1x128xf32> to vector<2000x128xf32>
      %add3A_92 = arith.addf %dot_general3A_87, %add3A_91 : vector<2000x128xf32>
      %swap3A = arith.constant 0 : index
      %swap3A_93 = arith.constant 0 : index
      %swap3A_94 = vector.load %arg17[%swap3A, %swap3A_93] : memref<2000x128xf32, #tpu.memory_space<vmem>>, vector<2000x128xf32>
      tpu.vector_store %arg17[%swap3A, %swap3A_93], %add3A_92 {strides = array<i32>} : memref<2000x128xf32, #tpu.memory_space<vmem>>, vector<2000x128xf32>,
      %reduce_max3A = arith.constant dense<0xFF800000> : vector<2000xf32>
      %reduce_max3A_95 = vector.multi_reduction <maximumf>, %add3A_92, %reduce_max3A [1] : vector<2000x128xf32> to vector<2000xf32>
      %broadcast_in_dim3A = vector.shape_cast %reduce_max3A_95 : vector<2000xf32> to vector<2000x1xf32>
      %sub3A_96 = vector.broadcast %broadcast_in_dim3A : vector<2000x1xf32> to vector<2000x128xf32>
      %sub3A_97 = arith.subf %add3A_92, %sub3A_96 : vector<2000x128xf32>
      %exp3A = math.exp %sub3A_97 : vector<2000x128xf32>
      %reduce_sum3A = arith.constant dense<0.000000e+00> : vector<2000xf32>
      %reduce_sum3A_98 = vector.multi_reduction <add>, %exp3A, %reduce_sum3A [1] : vector<2000x128xf32> to vector<2000xf32>
      %broadcast_in_dim3A_99 = vector.shape_cast %reduce_sum3A_98 : vector<2000xf32> to vector<2000x1xf32>
      %div3A = vector.broadcast %broadcast_in_dim3A_99 : vector<2000x1xf32> to vector<2000x128xf32>
      %div3A_100 = arith.divf %exp3A, %div3A : vector<2000x128xf32>
      %swap3A_101 = arith.constant 0 : index
      %swap3A_102 = arith.constant 0 : index
      %swap3A_103 = vector.load %arg18[%swap3A_101, %swap3A_102] : memref<2000x128xf32, #tpu.memory_space<vmem>>, vector<2000x128xf32>
      tpu.vector_store %arg18[%swap3A_101, %swap3A_102], %div3A_100 {strides = array<i32>} : memref<2000x128xf32, #tpu.memory_space<vmem>>, vector<2000x128xf32>,
    } else {
    }
    return
  }
  func.func @transform_0(%arg0: i32, %arg1: i32) -> (i32, i32) {
    %sub3A = arith.constant 1 : i32
    %sub3A_0 = arith.subi %sub3A, %arg0 : i32
    %mul3A = arith.muli %arg1, %sub3A_0 : i32
    %c0_i32 = arith.constant 0 : i32
    %c0_i32_1 = arith.constant 0 : i32
    return %mul3A, %c0_i32 : i32, i32
  }
  func.func @transform_1(%arg0: i32, %arg1: i32) -> (i32, i32) {
    %sub3A = arith.constant 1 : i32
    %sub3A_0 = arith.subi %sub3A, %arg0 : i32
    %mul3A = arith.muli %arg1, %sub3A_0 : i32
    %c0_i32 = arith.constant 0 : i32
    %c0_i32_1 = arith.constant 0 : i32
    return %mul3A, %c0_i32 : i32, i32
  }
  func.func @transform_2(%arg0: i32, %arg1: i32) -> (i32, i32) {
    %sub3A = arith.constant 1 : i32
    %sub3A_0 = arith.subi %sub3A, %arg0 : i32
    %mul3A = arith.muli %arg1, %sub3A_0 : i32
    %c0_i32 = arith.constant 0 : i32
    %c0_i32_1 = arith.constant 0 : i32
    return %mul3A, %c0_i32 : i32, i32
  }
  func.func @transform_3(%arg0: i32, %arg1: i32) -> (i32, i32) {
    %c0_i32 = arith.constant 0 : i32
    %c0_i32_0 = arith.constant 0 : i32
    %c0_i32_1 = arith.constant 0 : i32
    return %c0_i32, %c0_i32_0 : i32, i32
  }
  func.func @transform_4(%arg0: i32, %arg1: i32) -> (i32, i32) {
    %c0_i32 = arith.constant 0 : i32
    %c0_i32_0 = arith.constant 0 : i32
    %c0_i32_1 = arith.constant 0 : i32
    return %c0_i32, %c0_i32_0 : i32, i32
  }
  func.func @transform_5(%arg0: i32, %arg1: i32) -> (i32, i32) {
    %c0_i32 = arith.constant 0 : i32
    %c0_i32_0 = arith.constant 0 : i32
    %c0_i32_1 = arith.constant 0 : i32
    return %c0_i32, %c0_i32_0 : i32, i32
  }
  func.func @transform_6(%arg0: i32, %arg1: i32) -> (i32, i32) {
    %c0_i32 = arith.constant 0 : i32
    %c0_i32_0 = arith.constant 0 : i32
    %c0_i32_1 = arith.constant 0 : i32
    return %c0_i32, %c0_i32_0 : i32, i32
  }
  func.func @transform_7(%arg0: i32, %arg1: i32) -> (i32, i32) {
    %c0_i32 = arith.constant 0 : i32
    %c0_i32_0 = arith.constant 0 : i32
    %c0_i32_1 = arith.constant 0 : i32
    return %c0_i32, %c0_i32_0 : i32, i32
  }
  func.func @transform_8(%arg0: i32, %arg1: i32) -> (i32, i32) {
    %c0_i32 = arith.constant 0 : i32
    %c0_i32_0 = arith.constant 0 : i32
    %c0_i32_1 = arith.constant 0 : i32
    return %c0_i32, %c0_i32_0 : i32, i32
  }
  func.func @transform_9(%arg0: i32, %arg1: i32) -> (i32, i32) {
    %c0_i32 = arith.constant 0 : i32
    %c0_i32_0 = arith.constant 0 : i32
    return %arg1, %c0_i32 : i32, i32
  }
  func.func @transform_10(%arg0: i32, %arg1: i32) -> (i32, i32) {
    %c0_i32 = arith.constant 0 : i32
    %c0_i32_0 = arith.constant 0 : i32
    return %arg1, %c0_i32 : i32, i32
  }
  func.func @transform_11(%arg0: i32, %arg1: i32) -> (i32, i32) {
    %c0_i32 = arith.constant 0 : i32
    %c0_i32_0 = arith.constant 0 : i32
    %c0_i32_1 = arith.constant 0 : i32
    return %c0_i32, %c0_i32_0 : i32, i32
  }
  func.func @transform_12(%arg0: i32, %arg1: i32) -> (i32, i32) {
    %c0_i32 = arith.constant 0 : i32
    %c0_i32_0 = arith.constant 0 : i32
    %c0_i32_1 = arith.constant 0 : i32
    return %c0_i32, %c0_i32_0 : i32, i32
  }
  func.func @transform_13(%arg0: i32, %arg1: i32) -> (i32, i32) {
    %c0_i32 = arith.constant 0 : i32
    %c0_i32_0 = arith.constant 0 : i32
    %c0_i32_1 = arith.constant 0 : i32
    return %c0_i32, %c0_i32_0 : i32, i32
  }
  func.func @transform_14(%arg0: i32, %arg1: i32) -> (i32, i32) {
    %c0_i32 = arith.constant 0 : i32
    %c0_i32_0 = arith.constant 0 : i32
    %c0_i32_1 = arith.constant 0 : i32
    return %c0_i32, %c0_i32_0 : i32, i32
  }
  func.func @transform_15(%arg0: i32, %arg1: i32) -> (i32, i32) {
    %c0_i32 = arith.constant 0 : i32
    %c0_i32_0 = arith.constant 0 : i32
    return %arg1, %c0_i32 : i32, i32
  }
  func.func @transform_16(%arg0: i32, %arg1: i32) -> (i32, i32) {
    %c0_i32 = arith.constant 0 : i32
    %c0_i32_0 = arith.constant 0 : i32
    return %arg1, %c0_i32 : i32, i32
  }
}

</mosaic_0001>

<sc_bundles>
// kernel: kernel.11.cloned.1.call-start
scs
__scs_entry_jumppad:
0x0: {  	(pc) =	sbr.rel $0x88, $3  }
0x1: {  	(tag) =	ssettag $0x0;
	lr =	simm.s32 $0x1  }
0x2: {  	[smem:$0x3F89] =	sst lr;
	_ =	strace $0xD0000000  }
0x3: {  	_ = 	snop  }
0x4: {  	_ = 	snop  }
0x5: {  	_ = 	snop  }
0x6: {  	_ = 	snop  }
0x7: {  	_ = 	snop  }
__scs_overlays_trampoline_lowered:
0x8: {  	[smem:$0x3F98] =	sst s0  }
0x9: {  	[smem:$0x3F99] =	sst s1  }
0xa: {  	[smem:$0x3F9A] =	sst s2  }
0xb: {  	[smem:$0x3F9B] =	sst s3  }
0xc: {  	[smem:$0x3F9C] =	sst s4  }
0xd: {  	[smem:$0x3F9D] =	sst s5  }
0xe: {  	[smem:$0x3F9E] =	sst s6  }
0xf: {  	[smem:$0x3F9F] =	sst s7  }
0x10: {  	[smem:$0x3FA0] =	sst s8  }
0x11: {  	[smem:$0x3FA1] =	sst s9;
	s0 =	simm.s32 @!p0 $0x0  }
0x12: {  	s1 =	sld [smem:$0x3F87];
	s0 =	simm.s32 @p0 $0x1  }
0x13: {  	[smem:$0x3FA2] =	sst s0;
	s0 =	simm.s32 @!p1 $0x0  }
0x14: {  	s2 =	sld [smem:$0x3F86];
	s0 =	simm.s32 @p1 $0x1  }
0x15: {  	[smem:$0x3FA3] =	sst s0;
	s0 =	simm.s32 @!p2 $0x0  }
0x16: {  	s3 =	sld [smem:$0x3FDB];
	s0 =	simm.s32 @p2 $0x1  }
0x17: {  	s4 =	simm.s32 $0x1BF5;
	[smem:$0x3FA5] =	sst s0  }
0x18: {  	s0 =	sld [smem:$0x3F88];
	_ =	swait.ge [sflag:s4], $0x0  }
0x19: {  	s7 =	sld [smem:$0x3F89]  }
0x1a: {  	s8 =	sadd.s32 $0xFFFFE003, lr  }
0x1b: {  	s9 =	sadd.s32 $0xFFFFFEF7, lr;
	s5 =	simm.s32 $0xFFFFFFFF;
	p2 =	slt.u32 s8, $0xFFFFF086  }
0x1c: {  	p1 =	slt.u32 s9, $0xF7A;
	s5 =	simm.s32 @!p2 $0x0  }
0x1d: {  	s5 =	simm.s32 @p1 $0x1;
	p0 =	seq.s32 s7, s2  }
0x1e: {  	s7 =	smul.u32 @!p0 $0xF7A, s2;
	p2 =	seq.s32 @!p0 s5, $0x0  }
0x1f: {  	s9 =	smul.u32 $0xF7A, s1;
	s8 =	simm.s32 @!p0 $0x1BF5;
	p2 =	por !p2, p0  }
0x20: {  	[sflag:s8] =	ssyncset.s32 @!p0 $0xFFFFF086;
	s6 =	sadd.s32 @!p0 s3, s7;
	s7 =	simm.s32 @!p0 $0x108  }
0x21: {  	s3 =	sadd.s32 s3, s9;
	s6 =	sadd.s32 @!p0 $0x88, s6;
	s7 =	simm.s32 @p2 $0x1082  }
0x22: {  	[simem:s7], [sflag:s8] =	dma.local @!p0 [hbm:s6], $0xF7A  }
0x23: {  	s9 =	sor.u32 $0xD0000000, s2;
	s6 =	simm.s32 $0x108;
	_ =	swait.ge @!p0 [sflag:s8], $0x0  }
0x24: {  	s3 =	sadd.s32 $0x88, s3;
	s6 =	simm.s32 @!p1 $0x1082;
	[sflag:s4] =	ssyncset.s32 $0xFFFFF086  }
0x25: {  	[simem:s6], [sflag:s4] =	dma.local [hbm:s3], $0xF7A  }
0x26: {  	[smem:$0x3F89] =	sst s1;
	(tag) =	ssettag s2;
	_ =	strace s9  }
0x27: {  	s1 =	sld [smem:$0x3F99]  }
0x28: {  	s2 =	sld [smem:$0x3F9A]  }
0x29: {  	s4 =	sld [smem:$0x3F9C]  }
0x2a: {  	p0 =	seq.s32 s5, $0x0;
	s5 =	sld [smem:$0x3F9D]  }
0x2b: {  	s6 =	sld [smem:$0x3F9E]  }
0x2c: {  	s7 =	sld [smem:$0x3F9F]  }
0x2d: {  	s3 =	simm.s32 $0x108;
	s8 =	sld [smem:$0x3FA0]  }
0x2e: {  	s3 =	simm.s32 @!p0 $0x1082;
	s9 =	sld [smem:$0x3FA1]  }
0x2f: {  	lr =	sadd.s32 s0, s3;
	s0 =	sld [smem:$0x3F98]  }
0x30: {  	s3 =	sld [smem:$0x3F9B]  }
0x31: {  	[smem:$0x3FA4] =	sst s10  }
0x32: {  	s10 =	sld [smem:$0x3FA2];
	_ =	sdelay $0x3  }
0x33: {  	p0 =	seq.s32 s10, $0x1;
	s10 =	sld [smem:$0x3FA4];
	_ =	sdelay $0x3  }
0x34: {  	[smem:$0x3FA4] =	sst s10  }
0x35: {  	s10 =	sld [smem:$0x3FA3];
	_ =	sdelay $0x3  }
0x36: {  	p1 =	seq.s32 s10, $0x1;
	s10 =	sld [smem:$0x3FA4];
	_ =	sdelay $0x3  }
0x37: {  	[smem:$0x3FA4] =	sst s10  }
0x38: {  	s10 =	sld [smem:$0x3FA5]  }
0x39: {  	_ = 	snop;
	(pc) =	sbr.ind lr, $3  }
0x3a: {  	_ = 	snop  }
0x3b: {  	_ = 	snop  }
0x3c: {  	p2 =	seq.s32 s10, $0x1;
	s10 =	sld [smem:$0x3FA4]  }
0x3d: {  	_ =	shalt  }
0x3e: {  	_ =	shalt  }
0x3f: {  	_ =	shalt  }
0x40: {  	_ =	shalt  }
0x41: {  	_ =	shalt  }
0x42: {  	_ =	shalt  }
0x43: {  	_ =	shalt  }
0x44: {  	_ =	shalt  }
0x45: {  	_ =	shalt  }
0x46: {  	_ =	shalt  }
0x47: {  	_ =	shalt  }
0x48: {  	_ =	shalt  }
0x49: {  	_ =	shalt  }
0x4a: {  	_ =	shalt  }
0x4b: {  	_ =	shalt  }
0x4c: {  	_ =	shalt  }
0x4d: {  	_ =	shalt  }
0x4e: {  	_ =	shalt  }
0x4f: {  	_ =	shalt  }
0x50: {  	_ =	shalt  }
0x51: {  	_ =	shalt  }
0x52: {  	_ =	shalt  }
0x53: {  	_ =	shalt  }
0x54: {  	_ =	shalt  }
0x55: {  	_ =	shalt  }
0x56: {  	_ =	shalt  }
0x57: {  	_ =	shalt  }
0x58: {  	_ =	shalt  }
0x59: {  	_ =	shalt  }
0x5a: {  	_ =	shalt  }
0x5b: {  	_ =	shalt  }
0x5c: {  	_ =	shalt  }
0x5d: {  	_ =	shalt  }
0x5e: {  	_ =	shalt  }
0x5f: {  	_ =	shalt  }
0x60: {  	_ =	shalt  }
0x61: {  	_ =	shalt  }
0x62: {  	_ =	shalt  }
0x63: {  	_ =	shalt  }
0x64: {  	_ =	shalt  }
0x65: {  	_ =	shalt  }
0x66: {  	_ =	shalt  }
0x67: {  	_ =	shalt  }
0x68: {  	_ =	shalt  }
0x69: {  	_ =	shalt  }
0x6a: {  	_ =	shalt  }
0x6b: {  	_ =	shalt  }
0x6c: {  	_ =	shalt  }
0x6d: {  	_ =	shalt  }
0x6e: {  	_ =	shalt  }
0x6f: {  	_ =	shalt  }
0x70: {  	_ =	shalt  }
0x71: {  	_ =	shalt  }
0x72: {  	_ =	shalt  }
0x73: {  	_ =	shalt  }
0x74: {  	_ =	shalt  }
0x75: {  	_ =	shalt  }
0x76: {  	_ =	shalt  }
0x77: {  	_ =	shalt  }
0x78: {  	_ =	shalt  }
0x79: {  	_ =	shalt  }
0x7a: {  	_ =	shalt  }
0x7b: {  	_ =	shalt  }
0x7c: {  	_ =	shalt  }
0x7d: {  	_ =	shalt  }
0x7e: {  	_ =	shalt  }
0x7f: {  	_ =	shalt  }
0x80: {  	_ =	shalt  }
0x81: {  	_ =	shalt  }
0x82: {  	_ =	shalt  }
0x83: {  	_ =	shalt  }
0x84: {  	_ =	shalt  }
0x85: {  	_ =	shalt  }
0x86: {  	_ =	shalt  }
0x87: {  	_ =	shalt  }
.Lfunc_end0:
.L_simem_size_0:
called_computation.1_lowered:
.L_overlay_start_0:
0x88: {  	s2 =	sld [smem:$0x3FD9]  }
0x89: {  	s3 =	sld [smem:$0x3FFE];
	_ =	sdelay $0x1  }
0x8a: {  	s1 =	srdreg.scid  }
0x8b: {  	s0 =	sand.u32 $0x1, s1  }
0x8c: {  	s14 =	sshll.u32 s0, $0xA;
	s2 =	sadd.s32 s3, s2  }
0x8d: {  	s2 =	sadd.s32 s2, s14  }
0x8e: {  	[smem:$0x3FB0] =	sst s2  }
0x8f: {  	_ = 	snop  }
0x90: {  	s2 =	sld [smem:$0x3FD0];
	_ =	sdelay $0x2  }
0x91: {  	s15 =	simm.s32 $0xA;
	s4 =	simm.s32 $0x10  }
0x92: {  	[smem:s4], [sflag:s15] =	dma.local [hbm:s2], $0x1  }
0x93: {  	_ =	swait.eq [sflag:s15], $0x1  }
0x94: {  	[sflag:s15] =	ssyncset.done $0x0  }
0x95: {  	s16 =	sld [smem:$0x10];
	[sflag:s15] =	ssyncadd.s32 $0xFFFFFFFF  }
0x96: {  	s17 =	sld [smem:$0x11];
	(tm) =	ssettm $0x1  }
0x97: {  	s18 =	sld [smem:$0x3FFB];
	_ =	sdelay $0x3  }
0x98: {  	_ =	strace s18  }
0x99: {  	s4 =	sld [smem:$0x3FFC];
	_ =	sdelay $0x3  }
0x9a: {  	_ =	strace s4  }
0x9b: {  	s4 =	sld [smem:$0x3FFD];
	_ =	sdelay $0x3  }
0x9c: {  	_ =	strace s4  }
0x9d: {  	_ =	strace $0x8FFFFFFF  }
0x9e: {  	s19 =	sld [smem:$0x3FDB];
	_ =	sdelay $0x1  }
0x9f: {  	s5 =	simm.s32 $_scs_section_size  }
0xa0: {  	s6 =	simm.s32 $_size__tile_overlayer_lowered;
	s7 =	simm.s32 $_tile_overlayer_lowered  }
0xa1: {  	s22 =	simm.s32 $0x1BFF;
	s21 =	sshll.u32 s7, $0x1;
	s4 =	sadd.s32 s5, s19  }
0xa2: {  	s8 =	simm.s32 $0x0;
	s20 =	sshll.u32 s6, $0x1;
	s6 =	sadd.s32 s21, s4  }
0xa3: {  	[timem:s8], [sflag:s22] =	dma.local [hbm:s6], s20  }
0xa4: {  	_ =	swait.ge [sflag:s22], s20  }
0xa5: {  	s5 =	ssub.s32 $0x0, s20;
	[sflag:s22] =	ssyncset.done $0x0  }
0xa6: {  	[sflag:s22] =	ssyncadd.s32 s5;
	_ =	sdelay $0x1  }
0xa7: {  	s23 =	simm.s32 $0x1B8B  }
0xa8: {  	_ =	swait.ge [sflag:s23], $0x1  }
0xa9: {  	[sflag:s23] =	ssyncset.done $0x0  }
0xaa: {  	s25 =	simm.s32 $0x1B8E;
	s24 =	sld [smem:$0x3FFE];
	[sflag:s23] =	ssyncadd.s32 $0xFFFFFFFF  }
0xab: {  	s26 =	simm.s32 $execute0_lowered;
	[smem:$0x3FD2] =	sst s25  }
0xac: {  	s6 =	sshll.u32 s26, $0x1;
	_ =	strace $0x80000049;
	[dreg:$0x1] =	wrdreg $0xFFFFFFFF  }
0xad: {  	s28 =	simm.s32 $_size_execute0_lowered;
	s4 =	sadd.s32 s4, s6;
	[dreg:$0x0] =	wrdreg $0x0  }
0xae: {  	s6 =	sshll.u32 s28, $0x1;
	[dreg:$0x2] =	wrdreg s4  }
0xaf: {  	[dreg:$0x3] =	wrdreg s6  }
0xb0: {  	[dreg:$0x4] =	wrdreg $0xC0  }
0xb1: {  	_ =	task [dreg:s8], $0x5FFFF  }
0xb2: {  	[dreg:$0x1] =	wrdreg $0xFFFFFFFF  }
0xb3: {  	[dreg:$0x0] =	wrdreg $0x60  }
0xb4: {  	[dreg:$0x2] =	wrdreg s17  }
0xb5: {  	[dreg:$0x3] =	wrdreg s16  }
0xb6: {  	[dreg:$0x4] =	wrdreg s24  }
0xb7: {  	[dreg:$0x5] =	wrdreg $0xB8000  }
0xb8: {  	[dreg:$0x6] =	wrdreg $0x9  }
0xb9: {  	_ =	task.clear_ibuf [dreg:s8], $0x7FFFF;
	_ =	strace $0x90000049  }
0xba: {  	s29 =	simm.s32 $0x9;
	_ =	strace $0x8000004B  }
0xbb: {  	_ =	swait.ge [sflag:s29], $0x1  }
0xbc: {  	[sflag:s29] =	ssyncadd.s32 $0xFFFFFFFF  }
0xbd: {  	_ =	strace $0x9000004B  }
0xbe: {  	_ =	sfence  }
0xbf: {  	s30 =	sld [smem:$0x0];
	_ =	sdelay $0x2  }
0xc0: {  	s31 =	sshll.u32 s1, $0xD;
	s1 =	sshrl.u32 s1, $0x2  }
0xc1: {  	s3 =	sand.u32 $0x4000, s31;
	s1 =	sadd.s32 s1, s30  }
0xc2: {  	s0 =	sor.u32 s3, s0;
	s1 =	sshll.u32 s1, $0x11  }
0xc3: {  	s0 =	sor.u32 s1, s0  }
0xc4: {  	s0 =	sadd.s32 $0x8F2B, s0  }
0xc5: {  	[sflag:s0] =	ssyncadd.remote.s32 $0x1  }
0xc6: {  	_ =	sfence.sel $0xFFFF  }
0xc7: {  	[dreg:$0x0] =	wrdreg $0xFFFFFFFF;
	(pc) =	sbr.abs _section_cstart, $3  }
0xc8: {  	[dreg:$0x1] =	wrdreg $0xFFFFFFFF  }
0xc9: {  	_ =	task.clear_ibuf [dreg:s8], $0x2FFFF;
	_ =	strace $0x9FFFFFFF  }
0xca: {  	(tm) =	ssettm $0x7FFFFFFF  }
0xcb: {  	_ =	shalt  }
tec
execute0_lowered:
.L_overlay_start_1:
0x0: {  	(tag) =	ssettag $0x1  }
0x1: {  	s1 =	rddreg [dreg:$0x0]  }
0x2: {  	s0 =	rddreg [dreg:$0x1]  }
0x3: {  	s2 =	rddreg [dreg:$0x2]  }
0x4: {  	s3 =	rddreg [dreg:$0x3]  }
0x5: {  	s4 =	simm.s32 $0x0;
	s14 =	stileid.u32;
	s5 =	srdreg.scid  }
0x6: {  	s15 =	simm.s32 $0x2000;
	s16 =	simm.s32 $0x50;
	s17 =	simm.s32 $0x4000  }
0x7: {  	s18 =	simm.s32 $0x80;
	s19 =	simm.s32 $0x6800;
	s20 =	simm.s32 $0x100  }
0x8: {  	s21 =	simm.s32 $0x9000;
	s22 =	simm.s32 $0x1;
	s28 =	simm.s32 $0x0  }
0x9: {  	[smem:$0x7FF] =	sst s4;
	s6 =	smul.u32 $0x2800, s14;
	s5 =	sand.u32 $0x1, s5  }
0xa: {  	s10 =	sadd.s32 $0x5200, s2;
	s9 =	smul.u32 $0x50000, s14;
	s26 =	sshll.u32 s14, $0xB  }
0xb: {  	s29 =	sshll.u32 s14, $0x6;
	s14 =	simm.s32 $0x4;
	_ =	strace $0x8000004A  }
0xc: {  	s7 =	smul.u32 $0x28000, s5;
	s8 =	ssub.s32 $0x2, s5;
	s25 =	sshll.u32 s5, $0xF  }
0xd: {  	s11 =	sadd.s32 s6, s2;
	s23 =	sshrl.u32 s8, $0x1;
	s24 =	sshrl.u32 s9, $0x2  }
0xe: {  	s30 =	sor.u32 s26, s25;
	s25 =	simm.s32 $0x3E00;
	s26 =	simm.s32 $0x3D80  }
0xf: {  	s6 =	sadd.s32 s6, s7;
	s12 =	ssub.s32 s8, s23;
	s13 =	sadd.s32 s24, s3  }
0x10: {  	s5 =	sadd.s32 $0x15200, s11;
	s7 =	sadd.s32 s0, s30;
	s31 =	sor.u32 $0x400, s30  }
0x11: {  	s8 =	sadd.s32 s10, s30;
	s23 =	simm.s32 $0x2;
	s24 =	simm.s32 $0x3  }
0x12: {  	s2 =	sadd.s32 s6, s2;
	s6 =	sor.u32 $0x1C04, s29;
	s9 =	sadd.s32 s0, s31  }
0x13: {  	s10 =	sadd.s32 s10, s31;
	s12 =	smax.u32 s12, $0x1;
	s13 =	sshrl.u32 s13, $0x3  }
0x14: {  	s0 =	simm.s32 $0x1E00;
	s11 =	sadd.s32 $0x3D200, s2;
	s2 =	simm.s32 $0x3D00  }
.LBB2_1:
0x15: {  	[spmem:s13], [sflag:s6] =	dma.local [hbm:s5], $0x2800  }
0x16: {  	_ =	swait.ge [sflag:s14], $0x2800  }
0x17: {  	[sflag:s14] =	ssyncset.done $0x0  }
0x18: {  	[sflag:s14] =	ssyncadd.s32 $0xFFFFD800  }
0x19: {  	[bflag:$0x0] =	sbarrier.arrive $0xFFFF  }
0x1a: {  	[tilespmem:s4], [sflag:$0x4] =	stream.linear.gather [hbm4b:s7+s4], $0x2000, $0x38;
	[tilespmem:$0x1F800] =	vst v63  }
0x1b: {  	_ =	swait.ge [sflag:s14], $0x2000  }
0x1c: {  	[sflag:s14] =	ssyncset.done $0x0  }
0x1d: {  	[sflag:s14] =	ssyncadd.s32 $0xFFFFE000  }
0x1e: {  	[tilespmem:s15], [sflag:$0x4] =	stream.linear.gather [hbm4b:s8+s4], $0x2000, $0x38;
	[tilespmem:$0x1F800] =	vst v63  }
0x1f: {  	_ =	swait.ge [sflag:s14], $0x2000  }
0x20: {  	[sflag:s14] =	ssyncset.done $0x0  }
0x21: {  	[sflag:s14] =	ssyncadd.s32 $0xFFFFE000  }
0x22: {  	[tilespmem:s17], [sflag:$0x1] =	stream.indirect.gather [hbm4b:s1+s16], $0x80, s4, s16, $0xb8;
	[tilespmem:$0x1F800] =	vst v63  }
0x23: {  	_ = 	snop  }
0x24: {  	[tilespmem:s19], [sflag:$0x2] =	stream.indirect.gather [hbm4b:s1+s16], $0x80, s18, s16, $0xb8;
	[tilespmem:$0x1F800] =	vst v63  }
0x25: {  	_ = 	snop  }
0x26: {  	[tilespmem:s21], [sflag:$0x3] =	stream.indirect.gather [hbm4b:s1+s16], $0x80, s20, s16, $0xb8;
	[tilespmem:$0x1F800] =	vst v63  }
0x27: {  	_ =	swait.ge [sflag:s22], $0x2800  }
0x28: {  	[sflag:s22] =	ssyncset.done $0x0  }
0x29: {  	s29 =	simm.s32 $0x2000;
	[sflag:s22] =	ssyncadd.s32 $0xFFFFD800  }
0x2a: {  	[spmem:s3] =	stream.indirect.scatter.add.f32 [tilespmem:s17], [sflag:$0x4], $0x80, s29, s16, $0xb8;
	[tilespmem:$0x1F800] =	vst v63  }
0x2b: {  	_ =	swait.ge [sflag:s14], $0x2800  }
0x2c: {  	[sflag:s14] =	ssyncset.done $0x0  }
0x2d: {  	s29 =	simm.s32 $0x180;
	[sflag:s14] =	ssyncadd.s32 $0xFFFFD800  }
0x2e: {  	[tilespmem:s17], [sflag:$0x1] =	stream.indirect.gather [hbm4b:s1+s16], $0x80, s29, s16, $0xb8;
	[tilespmem:$0x1F800] =	vst v63  }
0x2f: {  	_ =	swait.ge [sflag:s23], $0x2800  }
0x30: {  	[sflag:s23] =	ssyncset.done $0x0  }
0x31: {  	s29 =	simm.s32 $0x2080;
	[sflag:s23] =	ssyncadd.s32 $0xFFFFD800  }
0x32: {  	[spmem:s3] =	stream.indirect.scatter.add.f32 [tilespmem:s19], [sflag:$0x4], $0x80, s29, s16, $0xb8;
	[tilespmem:$0x1F800] =	vst v63  }
0x33: {  	_ =	swait.ge [sflag:s14], $0x2800  }
0x34: {  	[sflag:s14] =	ssyncset.done $0x0  }
0x35: {  	s29 =	simm.s32 $0x200;
	[sflag:s14] =	ssyncadd.s32 $0xFFFFD800  }
0x36: {  	[tilespmem:s19], [sflag:$0x2] =	stream.indirect.gather [hbm4b:s1+s16], $0x80, s29, s16, $0xb8;
	[tilespmem:$0x1F800] =	vst v63  }
0x37: {  	_ =	swait.ge [sflag:s24], $0x2800  }
0x38: {  	[sflag:s24] =	ssyncset.done $0x0  }
0x39: {  	s29 =	simm.s32 $0x2100;
	[sflag:s24] =	ssyncadd.s32 $0xFFFFD800  }
0x3a: {  	[spmem:s3] =	stream.indirect.scatter.add.f32 [tilespmem:s21], [sflag:$0x4], $0x80, s29, s16, $0xb8;
	[tilespmem:$0x1F800] =	vst v63  }
0x3b: {  	_ =	swait.ge [sflag:s14], $0x2800  }
0x3c: {  	[sflag:s14] =	ssyncset.done $0x0  }
0x3d: {  	s30 =	simm.s32 $0x280;
	s29 =	simm.s32 $0x600;
	[sflag:s14] =	ssyncadd.s32 $0xFFFFD800  }
.LBB2_2:
0x3e: {  	[tilespmem:s21], [sflag:$0x3] =	stream.indirect.gather [hbm4b:s1+s16], $0x80, s30, s16, $0xb8;
	[tilespmem:$0x1F800] =	vst v63  }
0x3f: {  	s30 =	smov.u32 s29  }
0x40: {  	p0 =	sne.s32 s29, $0x7200;
	s29 =	sadd.s32 $0x600, s29;
	_ =	swait.ge [sflag:s22], $0x2800  }
0x41: {  	s30 =	sshra.s32 s30, $0x2;
	[sflag:s22] =	ssyncset.done $0x0  }
0x42: {  	s31 =	sadd.s32 $0x2000, s30;
	[sflag:s22] =	ssyncadd.s32 $0xFFFFD800  }
0x43: {  	[spmem:s3] =	stream.indirect.scatter.add.f32 [tilespmem:s17], [sflag:$0x4], $0x80, s31, s16, $0xb8;
	[tilespmem:$0x1F800] =	vst v63  }
0x44: {  	_ =	swait.ge [sflag:s14], $0x2800  }
0x45: {  	[sflag:s14] =	ssyncset.done $0x0  }
0x46: {  	s31 =	sadd.s32 $0x180, s30;
	[sflag:s14] =	ssyncadd.s32 $0xFFFFD800  }
0x47: {  	[tilespmem:s17], [sflag:$0x1] =	stream.indirect.gather [hbm4b:s1+s16], $0x80, s31, s16, $0xb8;
	[tilespmem:$0x1F800] =	vst v63  }
0x48: {  	_ =	swait.ge [sflag:s23], $0x2800  }
0x49: {  	[sflag:s23] =	ssyncset.done $0x0  }
0x4a: {  	s31 =	sadd.s32 $0x2080, s30;
	[sflag:s23] =	ssyncadd.s32 $0xFFFFD800  }
0x4b: {  	[spmem:s3] =	stream.indirect.scatter.add.f32 [tilespmem:s19], [sflag:$0x4], $0x80, s31, s16, $0xb8;
	[tilespmem:$0x1F800] =	vst v63  }
0x4c: {  	_ =	swait.ge [sflag:s14], $0x2800  }
0x4d: {  	[sflag:s14] =	ssyncset.done $0x0  }
0x4e: {  	s31 =	sadd.s32 $0x200, s30;
	[sflag:s14] =	ssyncadd.s32 $0xFFFFD800  }
0x4f: {  	[tilespmem:s19], [sflag:$0x2] =	stream.indirect.gather [hbm4b:s1+s16], $0x80, s31, s16, $0xb8;
	[tilespmem:$0x1F800] =	vst v63  }
0x50: {  	_ =	swait.ge [sflag:s24], $0x2800  }
0x51: {  	[sflag:s24] =	ssyncset.done $0x0  }
.Ltmp0:
0x52: {  	s31 =	sadd.s32 $0x2100, s30;
	[sflag:s24] =	ssyncadd.s32 $0xFFFFD800;
	(pc) =	sbr.rel @p0 .LBB2_2-.Ltmp0, $4  }
0x53: {  	[spmem:s3] =	stream.indirect.scatter.add.f32 [tilespmem:s21], [sflag:$0x4], $0x80, s31, s16, $0xb8;
	[tilespmem:$0x1F800] =	vst v63  }
0x54: {  	_ =	swait.ge [sflag:s14], $0x2800  }
0x55: {  	[sflag:s14] =	ssyncset.done $0x0  }
0x56: {  	s30 =	sadd.s32 $0x280, s30;
	[sflag:s14] =	ssyncadd.s32 $0xFFFFD800  }
0x57: {  	[tilespmem:s21], [sflag:$0x3] =	stream.indirect.gather [hbm4b:s1+s16], $0x80, s30, s16, $0xb8;
	[tilespmem:$0x1F800] =	vst v63  }
0x58: {  	_ =	swait.ge [sflag:s22], $0x2800  }
0x59: {  	[sflag:s22] =	ssyncset.done $0x0  }
0x5a: {  	[sflag:s22] =	ssyncadd.s32 $0xFFFFD800  }
0x5b: {  	[spmem:s3] =	stream.indirect.scatter.add.f32 [tilespmem:s17], [sflag:$0x4], $0x80, s25, s16, $0xb8;
	[tilespmem:$0x1F800] =	vst v63  }
0x5c: {  	_ =	swait.ge [sflag:s14], $0x2800  }
0x5d: {  	[sflag:s14] =	ssyncset.done $0x0  }
0x5e: {  	s29 =	simm.s32 $0x1F80;
	[sflag:s14] =	ssyncadd.s32 $0xFFFFD800  }
0x5f: {  	[tilespmem:s17], [sflag:$0x1] =	stream.indirect.gather [hbm4b:s1+s16], $0x80, s29, s16, $0xb8;
	[tilespmem:$0x1F800] =	vst v63  }
0x60: {  	_ =	swait.ge [sflag:s23], $0x2800  }
0x61: {  	[sflag:s23] =	ssyncset.done $0x0  }
0x62: {  	s29 =	simm.s32 $0x3E80;
	[sflag:s23] =	ssyncadd.s32 $0xFFFFD800  }
0x63: {  	[spmem:s3] =	stream.indirect.scatter.add.f32 [tilespmem:s19], [sflag:$0x4], $0x80, s29, s16, $0xb8;
	[tilespmem:$0x1F800] =	vst v63  }
0x64: {  	_ =	swait.ge [sflag:s14], $0x2800  }
0x65: {  	[sflag:s14] =	ssyncset.done $0x0  }
0x66: {  	[sflag:s14] =	ssyncadd.s32 $0xFFFFD800  }
0x67: {  	_ =	swait.ge [sflag:s24], $0x2800  }
0x68: {  	[sflag:s24] =	ssyncset.done $0x0  }
0x69: {  	s29 =	simm.s32 $0x3F00;
	[sflag:s24] =	ssyncadd.s32 $0xFFFFD800  }
0x6a: {  	[spmem:s3] =	stream.indirect.scatter.add.f32 [tilespmem:s21], [sflag:$0x4], $0x80, s29, s16, $0xb8;
	[tilespmem:$0x1F800] =	vst v63  }
0x6b: {  	_ =	swait.ge [sflag:s14], $0x2800  }
0x6c: {  	[sflag:s14] =	ssyncset.done $0x0  }
0x6d: {  	[sflag:s14] =	ssyncadd.s32 $0xFFFFD800  }
0x6e: {  	_ =	swait.ge [sflag:s22], $0x2800  }
0x6f: {  	[sflag:s22] =	ssyncset.done $0x0  }
0x70: {  	s29 =	simm.s32 $0x3F80;
	[sflag:s22] =	ssyncadd.s32 $0xFFFFD800  }
0x71: {  	[spmem:s3] =	stream.indirect.scatter.add.f32 [tilespmem:s17], [sflag:$0x4], $0x80, s29, s16, $0xb8;
	[tilespmem:$0x1F800] =	vst v63  }
0x72: {  	_ =	swait.ge [sflag:s14], $0x2800  }
0x73: {  	[sflag:s14] =	ssyncset.done $0x0  }
0x74: {  	s29 =	simm.s32 $0x0;
	[sflag:s14] =	ssyncadd.s32 $0xFFFFD800  }
0x75: {  	[tilespmem:s29], [sflag:$0x4] =	stream.linear.gather [hbm4b:s9+s29], $0x1E80, $0x38;
	[tilespmem:$0x1F800] =	vst v63  }
0x76: {  	_ =	swait.ge [sflag:s14], $0x1E80  }
0x77: {  	[sflag:s14] =	ssyncset.done $0x0  }
0x78: {  	[sflag:s14] =	ssyncadd.s32 $0xFFFFE180  }
0x79: {  	[tilespmem:s15], [sflag:$0x4] =	stream.linear.gather [hbm4b:s10+s29], $0x1E80, $0x38;
	[tilespmem:$0x1F800] =	vst v63  }
0x7a: {  	_ =	swait.ge [sflag:s14], $0x1E80  }
0x7b: {  	[sflag:s14] =	ssyncset.done $0x0  }
0x7c: {  	[sflag:s14] =	ssyncadd.s32 $0xFFFFE180  }
0x7d: {  	[tilespmem:s17], [sflag:$0x1] =	stream.indirect.gather [hbm4b:s1+s16], $0x80, s29, s16, $0xb8;
	[tilespmem:$0x1F800] =	vst v63  }
0x7e: {  	_ = 	snop  }
0x7f: {  	[tilespmem:s19], [sflag:$0x2] =	stream.indirect.gather [hbm4b:s1+s16], $0x80, s18, s16, $0xb8;
	[tilespmem:$0x1F800] =	vst v63  }
0x80: {  	_ = 	snop  }
0x81: {  	[tilespmem:s21], [sflag:$0x3] =	stream.indirect.gather [hbm4b:s1+s16], $0x80, s20, s16, $0xb8;
	[tilespmem:$0x1F800] =	vst v63  }
0x82: {  	_ =	swait.ge [sflag:s22], $0x2800  }
0x83: {  	[sflag:s22] =	ssyncset.done $0x0  }
0x84: {  	s29 =	simm.s32 $0x2000;
	[sflag:s22] =	ssyncadd.s32 $0xFFFFD800  }
0x85: {  	[spmem:s3] =	stream.indirect.scatter.add.f32 [tilespmem:s17], [sflag:$0x4], $0x80, s29, s16, $0xb8;
	[tilespmem:$0x1F800] =	vst v63  }
0x86: {  	_ =	swait.ge [sflag:s14], $0x2800  }
0x87: {  	[sflag:s14] =	ssyncset.done $0x0  }
0x88: {  	s29 =	simm.s32 $0x180;
	[sflag:s14] =	ssyncadd.s32 $0xFFFFD800  }
0x89: {  	[tilespmem:s17], [sflag:$0x1] =	stream.indirect.gather [hbm4b:s1+s16], $0x80, s29, s16, $0xb8;
	[tilespmem:$0x1F800] =	vst v63  }
0x8a: {  	_ =	swait.ge [sflag:s23], $0x2800  }
0x8b: {  	[sflag:s23] =	ssyncset.done $0x0  }
0x8c: {  	s29 =	simm.s32 $0x2080;
	[sflag:s23] =	ssyncadd.s32 $0xFFFFD800  }
0x8d: {  	[spmem:s3] =	stream.indirect.scatter.add.f32 [tilespmem:s19], [sflag:$0x4], $0x80, s29, s16, $0xb8;
	[tilespmem:$0x1F800] =	vst v63  }
0x8e: {  	_ =	swait.ge [sflag:s14], $0x2800  }
0x8f: {  	[sflag:s14] =	ssyncset.done $0x0  }
0x90: {  	s29 =	simm.s32 $0x200;
	[sflag:s14] =	ssyncadd.s32 $0xFFFFD800  }
0x91: {  	[tilespmem:s19], [sflag:$0x2] =	stream.indirect.gather [hbm4b:s1+s16], $0x80, s29, s16, $0xb8;
	[tilespmem:$0x1F800] =	vst v63  }
0x92: {  	_ =	swait.ge [sflag:s24], $0x2800  }
0x93: {  	[sflag:s24] =	ssyncset.done $0x0  }
0x94: {  	s29 =	simm.s32 $0x2100;
	[sflag:s24] =	ssyncadd.s32 $0xFFFFD800  }
0x95: {  	[spmem:s3] =	stream.indirect.scatter.add.f32 [tilespmem:s21], [sflag:$0x4], $0x80, s29, s16, $0xb8;
	[tilespmem:$0x1F800] =	vst v63  }
0x96: {  	_ =	swait.ge [sflag:s14], $0x2800  }
0x97: {  	[sflag:s14] =	ssyncset.done $0x0  }
0x98: {  	s30 =	simm.s32 $0x280;
	s29 =	simm.s32 $0x600;
	[sflag:s14] =	ssyncadd.s32 $0xFFFFD800  }
.LBB2_4:
0x99: {  	[tilespmem:s21], [sflag:$0x3] =	stream.indirect.gather [hbm4b:s1+s16], $0x80, s30, s16, $0xb8;
	[tilespmem:$0x1F800] =	vst v63  }
0x9a: {  	s30 =	smov.u32 s29  }
0x9b: {  	p0 =	sne.s32 s29, $0x6C00;
	s29 =	sadd.s32 $0x600, s29;
	_ =	swait.ge [sflag:s22], $0x2800  }
0x9c: {  	s30 =	sshra.s32 s30, $0x2;
	[sflag:s22] =	ssyncset.done $0x0  }
0x9d: {  	s31 =	sadd.s32 $0x2000, s30;
	[sflag:s22] =	ssyncadd.s32 $0xFFFFD800  }
0x9e: {  	[spmem:s3] =	stream.indirect.scatter.add.f32 [tilespmem:s17], [sflag:$0x4], $0x80, s31, s16, $0xb8;
	[tilespmem:$0x1F800] =	vst v63  }
0x9f: {  	_ =	swait.ge [sflag:s14], $0x2800  }
0xa0: {  	[sflag:s14] =	ssyncset.done $0x0  }
0xa1: {  	s31 =	sadd.s32 $0x180, s30;
	[sflag:s14] =	ssyncadd.s32 $0xFFFFD800  }
0xa2: {  	[tilespmem:s17], [sflag:$0x1] =	stream.indirect.gather [hbm4b:s1+s16], $0x80, s31, s16, $0xb8;
	[tilespmem:$0x1F800] =	vst v63  }
0xa3: {  	_ =	swait.ge [sflag:s23], $0x2800  }
0xa4: {  	[sflag:s23] =	ssyncset.done $0x0  }
0xa5: {  	s31 =	sadd.s32 $0x2080, s30;
	[sflag:s23] =	ssyncadd.s32 $0xFFFFD800  }
0xa6: {  	[spmem:s3] =	stream.indirect.scatter.add.f32 [tilespmem:s19], [sflag:$0x4], $0x80, s31, s16, $0xb8;
	[tilespmem:$0x1F800] =	vst v63  }
0xa7: {  	_ =	swait.ge [sflag:s14], $0x2800  }
0xa8: {  	[sflag:s14] =	ssyncset.done $0x0  }
0xa9: {  	s31 =	sadd.s32 $0x200, s30;
	[sflag:s14] =	ssyncadd.s32 $0xFFFFD800  }
0xaa: {  	[tilespmem:s19], [sflag:$0x2] =	stream.indirect.gather [hbm4b:s1+s16], $0x80, s31, s16, $0xb8;
	[tilespmem:$0x1F800] =	vst v63  }
0xab: {  	_ =	swait.ge [sflag:s24], $0x2800  }
0xac: {  	[sflag:s24] =	ssyncset.done $0x0  }
.Ltmp1:
0xad: {  	s31 =	sadd.s32 $0x2100, s30;
	[sflag:s24] =	ssyncadd.s32 $0xFFFFD800;
	(pc) =	sbr.rel @p0 .LBB2_4-.Ltmp1, $4  }
0xae: {  	[spmem:s3] =	stream.indirect.scatter.add.f32 [tilespmem:s21], [sflag:$0x4], $0x80, s31, s16, $0xb8;
	[tilespmem:$0x1F800] =	vst v63  }
0xaf: {  	_ =	swait.ge [sflag:s14], $0x2800  }
0xb0: {  	[sflag:s14] =	ssyncset.done $0x0  }
0xb1: {  	s30 =	sadd.s32 $0x280, s30;
	[sflag:s14] =	ssyncadd.s32 $0xFFFFD800  }
0xb2: {  	[tilespmem:s21], [sflag:$0x3] =	stream.indirect.gather [hbm4b:s1+s16], $0x80, s30, s16, $0xb8;
	[tilespmem:$0x1F800] =	vst v63  }
0xb3: {  	_ =	swait.ge [sflag:s22], $0x2800  }
0xb4: {  	[sflag:s22] =	ssyncset.done $0x0  }
0xb5: {  	s29 =	simm.s32 $0x3C80;
	[sflag:s22] =	ssyncadd.s32 $0xFFFFD800  }
0xb6: {  	[spmem:s3] =	stream.indirect.scatter.add.f32 [tilespmem:s17], [sflag:$0x4], $0x80, s29, s16, $0xb8;
	[tilespmem:$0x1F800] =	vst v63  }
0xb7: {  	_ =	swait.ge [sflag:s14], $0x2800  }
0xb8: {  	[sflag:s14] =	ssyncset.done $0x0  }
0xb9: {  	[sflag:s14] =	ssyncadd.s32 $0xFFFFD800  }
0xba: {  	[tilespmem:s17], [sflag:$0x1] =	stream.indirect.gather [hbm4b:s1+s16], $0x80, s0, s16, $0xb8;
	[tilespmem:$0x1F800] =	vst v63  }
0xbb: {  	_ =	swait.ge [sflag:s23], $0x2800  }
0xbc: {  	[sflag:s23] =	ssyncset.done $0x0  }
0xbd: {  	[sflag:s23] =	ssyncadd.s32 $0xFFFFD800  }
0xbe: {  	[spmem:s3] =	stream.indirect.scatter.add.f32 [tilespmem:s19], [sflag:$0x4], $0x80, s2, s16, $0xb8;
	[tilespmem:$0x1F800] =	vst v63  }
0xbf: {  	_ =	swait.ge [sflag:s14], $0x2800  }
0xc0: {  	[sflag:s14] =	ssyncset.done $0x0  }
0xc1: {  	[sflag:s14] =	ssyncadd.s32 $0xFFFFD800  }
0xc2: {  	_ =	swait.ge [sflag:s24], $0x2800  }
0xc3: {  	[sflag:s24] =	ssyncset.done $0x0  }
0xc4: {  	[sflag:s24] =	ssyncadd.s32 $0xFFFFD800  }
0xc5: {  	[spmem:s3] =	stream.indirect.scatter.add.f32 [tilespmem:s21], [sflag:$0x4], $0x80, s26, s16, $0xb8;
	[tilespmem:$0x1F800] =	vst v63  }
0xc6: {  	_ =	swait.ge [sflag:s14], $0x2800  }
0xc7: {  	[sflag:s14] =	ssyncset.done $0x0  }
0xc8: {  	[sflag:s14] =	ssyncadd.s32 $0xFFFFD800  }
0xc9: {  	_ =	swait.ge [sflag:s22], $0x2800  }
0xca: {  	[sflag:s22] =	ssyncset.done $0x0  }
0xcb: {  	[sflag:s22] =	ssyncadd.s32 $0xFFFFD800  }
0xcc: {  	[spmem:s3] =	stream.indirect.scatter.add.f32 [tilespmem:s17], [sflag:$0x4], $0x80, s25, s16, $0xb8;
	[tilespmem:$0x1F800] =	vst v63  }
0xcd: {  	_ =	swait.ge [sflag:s14], $0x2800  }
0xce: {  	s28 =	sadd.s32 $0x1, s28;
	[sflag:s14] =	ssyncset.done $0x0  }
0xcf: {  	p0 =	sne.s32 s28, s12;
	[sflag:s14] =	ssyncadd.s32 $0xFFFFD800  }
.Ltmp2:
0xd0: {  	[bflag:$0x0] =	sbarrier.arrive $0xFFFF;
	(pc) =	sbr.rel @p0 .LBB2_1-.Ltmp2, $4  }
0xd1: {  	[hbm:s11], [sflag:s6] =	dma.local [spmem:s13], $0x2800  }
0xd2: {  	_ =	swait.ge [sflag:s14], $0x2800  }
0xd3: {  	[sflag:s14] =	ssyncset.done $0x0  }
0xd4: {  	[sflag:s14] =	ssyncadd.s32 $0xFFFFD800  }
0xd5: {  	_ =	sfence.sel $0x180000  }
0xd6: {  	[bflag:$0x0] =	sbarrier.arrive $0xFFFF  }
0xd7: {  	_ =	strace $0x9000004A  }
0xd8: {  	s0 =	stileid.u32;
	[bflag:$0x2] =	sbarrier.arrive $0xFFFF  }
0xd9: {  	p0 =	sne.s32 s0, $0x0;
	s0 =	rddreg [dreg:$0x4]  }
0xda: {  	s0 =	sadd.s32 @!p0 $0x100000, s0  }
0xdb: {  	[sflag:s0] =	ssyncadd.tile.s32 @!p0 $0x1;
	_ =	shalt  }
.Lfunc_end2:
_tile_overlayer_lowered:
.L_overlay_start_2:
0xdc: {  	(tag) =	ssettag $0x2  }
0xdd: {  	s0 =	rddreg [dreg:$0x0];
	s2 =	stileid.u32  }
0xde: {  	s1 =	rddreg [dreg:$0x1];
	p0 =	sne.s32 s2, $0x0  }
0xdf: {  	s3 =	rddreg [dreg:$0x2];
	[bflag:$0x3] =	sbarrier.arrive $0xFFFF;
	s2 =	simm.s32 @!p0 $0x1C04  }
0xe0: {  	[timem:s3], [sflag:s2] =	dma.local @!p0 [hbm:s0], s1  }
0xe1: {  	s0 =	simm.s32 @!p0 $0x4  }
0xe2: {  	_ =	swait.ge @!p0 [sflag:s0], s1  }
0xe3: {  	s1 =	ssub.s32 @!p0 $0x0, s1;
	[sflag:s0] =	ssyncset.done @!p0 $0x0  }
0xe4: {  	[sflag:s0] =	ssyncadd.s32 @!p0 s1  }
0xe5: {  	[bflag:$0x3] =	sbarrier.arrive $0xFFFF  }
0xe6: {  	_ =	shalt  }

// kernel: kernel.14.cloned.1.call-start
scs
__scs_entry_jumppad:
0x0: {  	(pc) =	sbr.rel $0x88, $3  }
0x1: {  	(tag) =	ssettag $0x0;
	lr =	simm.s32 $0x1  }
0x2: {  	[smem:$0x3F89] =	sst lr;
	_ =	strace $0xD0000000  }
0x3: {  	_ = 	snop  }
0x4: {  	_ = 	snop  }
0x5: {  	_ = 	snop  }
0x6: {  	_ = 	snop  }
0x7: {  	_ = 	snop  }
__scs_overlays_trampoline_lowered:
0x8: {  	[smem:$0x3F98] =	sst s0  }
0x9: {  	[smem:$0x3F99] =	sst s1  }
0xa: {  	[smem:$0x3F9A] =	sst s2  }
0xb: {  	[smem:$0x3F9B] =	sst s3  }
0xc: {  	[smem:$0x3F9C] =	sst s4  }
0xd: {  	[smem:$0x3F9D] =	sst s5  }
0xe: {  	[smem:$0x3F9E] =	sst s6  }
0xf: {  	[smem:$0x3F9F] =	sst s7  }
0x10: {  	[smem:$0x3FA0] =	sst s8  }
0x11: {  	[smem:$0x3FA1] =	sst s9;
	s0 =	simm.s32 @!p0 $0x0  }
0x12: {  	s1 =	sld [smem:$0x3F87];
	s0 =	simm.s32 @p0 $0x1  }
0x13: {  	[smem:$0x3FA2] =	sst s0;
	s0 =	simm.s32 @!p1 $0x0  }
0x14: {  	s2 =	sld [smem:$0x3F86];
	s0 =	simm.s32 @p1 $0x1  }
0x15: {  	[smem:$0x3FA3] =	sst s0;
	s0 =	simm.s32 @!p2 $0x0  }
0x16: {  	s3 =	sld [smem:$0x3FDB];
	s0 =	simm.s32 @p2 $0x1  }
0x17: {  	s4 =	simm.s32 $0x1BF5;
	[smem:$0x3FA5] =	sst s0  }
0x18: {  	s0 =	sld [smem:$0x3F88];
	_ =	swait.ge [sflag:s4], $0x0  }
0x19: {  	s7 =	sld [smem:$0x3F89]  }
0x1a: {  	s8 =	sadd.s32 $0xFFFFE003, lr  }
0x1b: {  	s9 =	sadd.s32 $0xFFFFFEF7, lr;
	s5 =	simm.s32 $0xFFFFFFFF;
	p2 =	slt.u32 s8, $0xFFFFF086  }
0x1c: {  	p1 =	slt.u32 s9, $0xF7A;
	s5 =	simm.s32 @!p2 $0x0  }
0x1d: {  	s5 =	simm.s32 @p1 $0x1;
	p0 =	seq.s32 s7, s2  }
0x1e: {  	s7 =	smul.u32 @!p0 $0xF7A, s2;
	p2 =	seq.s32 @!p0 s5, $0x0  }
0x1f: {  	s9 =	smul.u32 $0xF7A, s1;
	s8 =	simm.s32 @!p0 $0x1BF5;
	p2 =	por !p2, p0  }
0x20: {  	[sflag:s8] =	ssyncset.s32 @!p0 $0xFFFFF086;
	s6 =	sadd.s32 @!p0 s3, s7;
	s7 =	simm.s32 @!p0 $0x108  }
0x21: {  	s3 =	sadd.s32 s3, s9;
	s6 =	sadd.s32 @!p0 $0x88, s6;
	s7 =	simm.s32 @p2 $0x1082  }
0x22: {  	[simem:s7], [sflag:s8] =	dma.local @!p0 [hbm:s6], $0xF7A  }
0x23: {  	s9 =	sor.u32 $0xD0000000, s2;
	s6 =	simm.s32 $0x108;
	_ =	swait.ge @!p0 [sflag:s8], $0x0  }
0x24: {  	s3 =	sadd.s32 $0x88, s3;
	s6 =	simm.s32 @!p1 $0x1082;
	[sflag:s4] =	ssyncset.s32 $0xFFFFF086  }
0x25: {  	[simem:s6], [sflag:s4] =	dma.local [hbm:s3], $0xF7A  }
0x26: {  	[smem:$0x3F89] =	sst s1;
	(tag) =	ssettag s2;
	_ =	strace s9  }
0x27: {  	s1 =	sld [smem:$0x3F99]  }
0x28: {  	s2 =	sld [smem:$0x3F9A]  }
0x29: {  	s4 =	sld [smem:$0x3F9C]  }
0x2a: {  	p0 =	seq.s32 s5, $0x0;
	s5 =	sld [smem:$0x3F9D]  }
0x2b: {  	s6 =	sld [smem:$0x3F9E]  }
0x2c: {  	s7 =	sld [smem:$0x3F9F]  }
0x2d: {  	s3 =	simm.s32 $0x108;
	s8 =	sld [smem:$0x3FA0]  }
0x2e: {  	s3 =	simm.s32 @!p0 $0x1082;
	s9 =	sld [smem:$0x3FA1]  }
0x2f: {  	lr =	sadd.s32 s0, s3;
	s0 =	sld [smem:$0x3F98]  }
0x30: {  	s3 =	sld [smem:$0x3F9B]  }
0x31: {  	[smem:$0x3FA4] =	sst s10  }
0x32: {  	s10 =	sld [smem:$0x3FA2];
	_ =	sdelay $0x3  }
0x33: {  	p0 =	seq.s32 s10, $0x1;
	s10 =	sld [smem:$0x3FA4];
	_ =	sdelay $0x3  }
0x34: {  	[smem:$0x3FA4] =	sst s10  }
0x35: {  	s10 =	sld [smem:$0x3FA3];
	_ =	sdelay $0x3  }
0x36: {  	p1 =	seq.s32 s10, $0x1;
	s10 =	sld [smem:$0x3FA4];
	_ =	sdelay $0x3  }
0x37: {  	[smem:$0x3FA4] =	sst s10  }
0x38: {  	s10 =	sld [smem:$0x3FA5]  }
0x39: {  	_ = 	snop;
	(pc) =	sbr.ind lr, $3  }
0x3a: {  	_ = 	snop  }
0x3b: {  	_ = 	snop  }
0x3c: {  	p2 =	seq.s32 s10, $0x1;
	s10 =	sld [smem:$0x3FA4]  }
0x3d: {  	_ =	shalt  }
0x3e: {  	_ =	shalt  }
0x3f: {  	_ =	shalt  }
0x40: {  	_ =	shalt  }
0x41: {  	_ =	shalt  }
0x42: {  	_ =	shalt  }
0x43: {  	_ =	shalt  }
0x44: {  	_ =	shalt  }
0x45: {  	_ =	shalt  }
0x46: {  	_ =	shalt  }
0x47: {  	_ =	shalt  }
0x48: {  	_ =	shalt  }
0x49: {  	_ =	shalt  }
0x4a: {  	_ =	shalt  }
0x4b: {  	_ =	shalt  }
0x4c: {  	_ =	shalt  }
0x4d: {  	_ =	shalt  }
0x4e: {  	_ =	shalt  }
0x4f: {  	_ =	shalt  }
0x50: {  	_ =	shalt  }
0x51: {  	_ =	shalt  }
0x52: {  	_ =	shalt  }
0x53: {  	_ =	shalt  }
0x54: {  	_ =	shalt  }
0x55: {  	_ =	shalt  }
0x56: {  	_ =	shalt  }
0x57: {  	_ =	shalt  }
0x58: {  	_ =	shalt  }
0x59: {  	_ =	shalt  }
0x5a: {  	_ =	shalt  }
0x5b: {  	_ =	shalt  }
0x5c: {  	_ =	shalt  }
0x5d: {  	_ =	shalt  }
0x5e: {  	_ =	shalt  }
0x5f: {  	_ =	shalt  }
0x60: {  	_ =	shalt  }
0x61: {  	_ =	shalt  }
0x62: {  	_ =	shalt  }
0x63: {  	_ =	shalt  }
0x64: {  	_ =	shalt  }
0x65: {  	_ =	shalt  }
0x66: {  	_ =	shalt  }
0x67: {  	_ =	shalt  }
0x68: {  	_ =	shalt  }
0x69: {  	_ =	shalt  }
0x6a: {  	_ =	shalt  }
0x6b: {  	_ =	shalt  }
0x6c: {  	_ =	shalt  }
0x6d: {  	_ =	shalt  }
0x6e: {  	_ =	shalt  }
0x6f: {  	_ =	shalt  }
0x70: {  	_ =	shalt  }
0x71: {  	_ =	shalt  }
0x72: {  	_ =	shalt  }
0x73: {  	_ =	shalt  }
0x74: {  	_ =	shalt  }
0x75: {  	_ =	shalt  }
0x76: {  	_ =	shalt  }
0x77: {  	_ =	shalt  }
0x78: {  	_ =	shalt  }
0x79: {  	_ =	shalt  }
0x7a: {  	_ =	shalt  }
0x7b: {  	_ =	shalt  }
0x7c: {  	_ =	shalt  }
0x7d: {  	_ =	shalt  }
0x7e: {  	_ =	shalt  }
0x7f: {  	_ =	shalt  }
0x80: {  	_ =	shalt  }
0x81: {  	_ =	shalt  }
0x82: {  	_ =	shalt  }
0x83: {  	_ =	shalt  }
0x84: {  	_ =	shalt  }
0x85: {  	_ =	shalt  }
0x86: {  	_ =	shalt  }
0x87: {  	_ =	shalt  }
.Lfunc_end0:
.L_simem_size_0:
called_computation.2_lowered:
.L_overlay_start_0:
0x88: {  	s2 =	sld [smem:$0x3FD9]  }
0x89: {  	s3 =	sld [smem:$0x3FFE];
	_ =	sdelay $0x1  }
0x8a: {  	s1 =	srdreg.scid  }
0x8b: {  	s0 =	sand.u32 $0x1, s1  }
0x8c: {  	s14 =	sshll.u32 s0, $0xA;
	s2 =	sadd.s32 s3, s2  }
0x8d: {  	s2 =	sadd.s32 s2, s14  }
0x8e: {  	[smem:$0x3FB0] =	sst s2  }
0x8f: {  	_ = 	snop  }
0x90: {  	s2 =	sld [smem:$0x3FD0];
	_ =	sdelay $0x2  }
0x91: {  	s15 =	simm.s32 $0xA;
	s4 =	simm.s32 $0x10  }
0x92: {  	[smem:s4], [sflag:s15] =	dma.local [hbm:s2], $0x1  }
0x93: {  	_ =	swait.eq [sflag:s15], $0x1  }
0x94: {  	[sflag:s15] =	ssyncset.done $0x0  }
0x95: {  	s16 =	sld [smem:$0x10];
	[sflag:s15] =	ssyncadd.s32 $0xFFFFFFFF  }
0x96: {  	s17 =	sld [smem:$0x11];
	(tm) =	ssettm $0x1  }
0x97: {  	s18 =	sld [smem:$0x3FFB];
	_ =	sdelay $0x3  }
0x98: {  	_ =	strace s18  }
0x99: {  	s4 =	sld [smem:$0x3FFC];
	_ =	sdelay $0x3  }
0x9a: {  	_ =	strace s4  }
0x9b: {  	s4 =	sld [smem:$0x3FFD];
	_ =	sdelay $0x3  }
0x9c: {  	_ =	strace s4  }
0x9d: {  	_ =	strace $0x8FFFFFFF  }
0x9e: {  	s19 =	sld [smem:$0x3FDB];
	_ =	sdelay $0x1  }
0x9f: {  	s5 =	simm.s32 $_scs_section_size  }
0xa0: {  	s6 =	simm.s32 $_size__tile_overlayer_lowered;
	s7 =	simm.s32 $_tile_overlayer_lowered  }
0xa1: {  	s22 =	simm.s32 $0x1BFF;
	s21 =	sshll.u32 s7, $0x1;
	s4 =	sadd.s32 s5, s19  }
0xa2: {  	s8 =	simm.s32 $0x0;
	s20 =	sshll.u32 s6, $0x1;
	s6 =	sadd.s32 s21, s4  }
0xa3: {  	[timem:s8], [sflag:s22] =	dma.local [hbm:s6], s20  }
0xa4: {  	_ =	swait.ge [sflag:s22], s20  }
0xa5: {  	s5 =	ssub.s32 $0x0, s20;
	[sflag:s22] =	ssyncset.done $0x0  }
0xa6: {  	[sflag:s22] =	ssyncadd.s32 s5;
	_ =	sdelay $0x1  }
0xa7: {  	s23 =	simm.s32 $0x1B8B  }
0xa8: {  	_ =	swait.ge [sflag:s23], $0x1  }
0xa9: {  	[sflag:s23] =	ssyncset.done $0x0  }
0xaa: {  	s25 =	simm.s32 $0x1B8E;
	s24 =	sld [smem:$0x3FFE];
	[sflag:s23] =	ssyncadd.s32 $0xFFFFFFFF  }
0xab: {  	s26 =	simm.s32 $execute0_lowered;
	[smem:$0x3FD2] =	sst s25  }
0xac: {  	s6 =	sshll.u32 s26, $0x1;
	_ =	strace $0x8000004C;
	[dreg:$0x1] =	wrdreg $0xFFFFFFFF  }
0xad: {  	s28 =	simm.s32 $_size_execute0_lowered;
	s4 =	sadd.s32 s4, s6;
	[dreg:$0x0] =	wrdreg $0x0  }
0xae: {  	s6 =	sshll.u32 s28, $0x1;
	[dreg:$0x2] =	wrdreg s4  }
0xaf: {  	[dreg:$0x3] =	wrdreg s6  }
0xb0: {  	[dreg:$0x4] =	wrdreg $0xC0  }
0xb1: {  	_ =	task [dreg:s8], $0x5FFFF  }
0xb2: {  	[dreg:$0x1] =	wrdreg $0xFFFFFFFF  }
0xb3: {  	[dreg:$0x0] =	wrdreg $0x60  }
0xb4: {  	[dreg:$0x2] =	wrdreg s17  }
0xb5: {  	[dreg:$0x3] =	wrdreg s16  }
0xb6: {  	[dreg:$0x4] =	wrdreg s24  }
0xb7: {  	[dreg:$0x5] =	wrdreg $0xB8000  }
0xb8: {  	[dreg:$0x6] =	wrdreg $0x9  }
0xb9: {  	_ =	task.clear_ibuf [dreg:s8], $0x7FFFF;
	_ =	strace $0x9000004C  }
0xba: {  	s29 =	simm.s32 $0x9;
	_ =	strace $0x8000004E  }
0xbb: {  	_ =	swait.ge [sflag:s29], $0x1  }
0xbc: {  	[sflag:s29] =	ssyncadd.s32 $0xFFFFFFFF  }
0xbd: {  	_ =	strace $0x9000004E  }
0xbe: {  	_ =	sfence  }
0xbf: {  	s30 =	sld [smem:$0x0];
	_ =	sdelay $0x2  }
0xc0: {  	s31 =	sshll.u32 s1, $0xD;
	s1 =	sshrl.u32 s1, $0x2  }
0xc1: {  	s3 =	sand.u32 $0x4000, s31;
	s1 =	sadd.s32 s1, s30  }
0xc2: {  	s0 =	sor.u32 s3, s0;
	s1 =	sshll.u32 s1, $0x11  }
0xc3: {  	s0 =	sor.u32 s1, s0  }
0xc4: {  	s0 =	sadd.s32 $0x8F2B, s0  }
0xc5: {  	[sflag:s0] =	ssyncadd.remote.s32 $0x1  }
0xc6: {  	_ =	sfence.sel $0xFFFF  }
0xc7: {  	[dreg:$0x0] =	wrdreg $0xFFFFFFFF;
	(pc) =	sbr.abs _section_cstart, $3  }
0xc8: {  	[dreg:$0x1] =	wrdreg $0xFFFFFFFF  }
0xc9: {  	_ =	task.clear_ibuf [dreg:s8], $0x2FFFF;
	_ =	strace $0x9FFFFFFF  }
0xca: {  	(tm) =	ssettm $0x7FFFFFFF  }
0xcb: {  	_ =	shalt  }
tec
execute0_lowered:
.L_overlay_start_1:
0x0: {  	(tag) =	ssettag $0x1  }
0x1: {  	s1 =	rddreg [dreg:$0x0]  }
0x2: {  	s0 =	rddreg [dreg:$0x1]  }
0x3: {  	s2 =	rddreg [dreg:$0x2]  }
0x4: {  	s3 =	rddreg [dreg:$0x3]  }
0x5: {  	s4 =	simm.s32 $0x0;
	s14 =	stileid.u32;
	s5 =	srdreg.scid  }
0x6: {  	s15 =	simm.s32 $0x2000;
	s16 =	simm.s32 $0x50;
	s17 =	simm.s32 $0x4000  }
0x7: {  	s18 =	simm.s32 $0x80;
	s19 =	simm.s32 $0x6800;
	s20 =	simm.s32 $0x100  }
0x8: {  	s21 =	simm.s32 $0x9000;
	s22 =	simm.s32 $0x1;
	s28 =	simm.s32 $0x0  }
0x9: {  	[smem:$0x7FF] =	sst s4;
	s6 =	smul.u32 $0x2800, s14;
	s5 =	sand.u32 $0x1, s5  }
0xa: {  	s10 =	sadd.s32 $0x5200, s2;
	s9 =	smul.u32 $0x50000, s14;
	s26 =	sshll.u32 s14, $0xB  }
0xb: {  	s29 =	sshll.u32 s14, $0x6;
	s14 =	simm.s32 $0x4;
	_ =	strace $0x8000004D  }
0xc: {  	s7 =	smul.u32 $0x28000, s5;
	s8 =	ssub.s32 $0x2, s5;
	s25 =	sshll.u32 s5, $0xF  }
0xd: {  	s11 =	sadd.s32 s6, s2;
	s23 =	sshrl.u32 s8, $0x1;
	s24 =	sshrl.u32 s9, $0x2  }
0xe: {  	s30 =	sor.u32 s26, s25;
	s25 =	simm.s32 $0x3E00;
	s26 =	simm.s32 $0x3D80  }
0xf: {  	s6 =	sadd.s32 s6, s7;
	s12 =	ssub.s32 s8, s23;
	s13 =	sadd.s32 s24, s3  }
0x10: {  	s5 =	sadd.s32 $0x15200, s11;
	s7 =	sadd.s32 s0, s30;
	s31 =	sor.u32 $0x400, s30  }
0x11: {  	s8 =	sadd.s32 s10, s30;
	s23 =	simm.s32 $0x2;
	s24 =	simm.s32 $0x3  }
0x12: {  	s2 =	sadd.s32 s6, s2;
	s6 =	sor.u32 $0x1C04, s29;
	s9 =	sadd.s32 s0, s31  }
0x13: {  	s10 =	sadd.s32 s10, s31;
	s12 =	smax.u32 s12, $0x1;
	s13 =	sshrl.u32 s13, $0x3  }
0x14: {  	s0 =	simm.s32 $0x1E00;
	s11 =	sadd.s32 $0x3D200, s2;
	s2 =	simm.s32 $0x3D00  }
.LBB2_1:
0x15: {  	[spmem:s13], [sflag:s6] =	dma.local [hbm:s5], $0x2800  }
0x16: {  	_ =	swait.ge [sflag:s14], $0x2800  }
0x17: {  	[sflag:s14] =	ssyncset.done $0x0  }
0x18: {  	[sflag:s14] =	ssyncadd.s32 $0xFFFFD800  }
0x19: {  	[bflag:$0x0] =	sbarrier.arrive $0xFFFF  }
0x1a: {  	[tilespmem:s4], [sflag:$0x4] =	stream.linear.gather [hbm4b:s7+s4], $0x2000, $0x38;
	[tilespmem:$0x1F800] =	vst v63  }
0x1b: {  	_ =	swait.ge [sflag:s14], $0x2000  }
0x1c: {  	[sflag:s14] =	ssyncset.done $0x0  }
0x1d: {  	[sflag:s14] =	ssyncadd.s32 $0xFFFFE000  }
0x1e: {  	[tilespmem:s15], [sflag:$0x4] =	stream.linear.gather [hbm4b:s8+s4], $0x2000, $0x38;
	[tilespmem:$0x1F800] =	vst v63  }
0x1f: {  	_ =	swait.ge [sflag:s14], $0x2000  }
0x20: {  	[sflag:s14] =	ssyncset.done $0x0  }
0x21: {  	[sflag:s14] =	ssyncadd.s32 $0xFFFFE000  }
0x22: {  	[tilespmem:s17], [sflag:$0x1] =	stream.indirect.gather [hbm4b:s1+s16], $0x80, s4, s16, $0xb8;
	[tilespmem:$0x1F800] =	vst v63  }
0x23: {  	_ = 	snop  }
0x24: {  	[tilespmem:s19], [sflag:$0x2] =	stream.indirect.gather [hbm4b:s1+s16], $0x80, s18, s16, $0xb8;
	[tilespmem:$0x1F800] =	vst v63  }
0x25: {  	_ = 	snop  }
0x26: {  	[tilespmem:s21], [sflag:$0x3] =	stream.indirect.gather [hbm4b:s1+s16], $0x80, s20, s16, $0xb8;
	[tilespmem:$0x1F800] =	vst v63  }
0x27: {  	_ =	swait.ge [sflag:s22], $0x2800  }
0x28: {  	[sflag:s22] =	ssyncset.done $0x0  }
0x29: {  	s29 =	simm.s32 $0x2000;
	[sflag:s22] =	ssyncadd.s32 $0xFFFFD800  }
0x2a: {  	[spmem:s3] =	stream.indirect.scatter.add.f32 [tilespmem:s17], [sflag:$0x4], $0x80, s29, s16, $0xb8;
	[tilespmem:$0x1F800] =	vst v63  }
0x2b: {  	_ =	swait.ge [sflag:s14], $0x2800  }
0x2c: {  	[sflag:s14] =	ssyncset.done $0x0  }
0x2d: {  	s29 =	simm.s32 $0x180;
	[sflag:s14] =	ssyncadd.s32 $0xFFFFD800  }
0x2e: {  	[tilespmem:s17], [sflag:$0x1] =	stream.indirect.gather [hbm4b:s1+s16], $0x80, s29, s16, $0xb8;
	[tilespmem:$0x1F800] =	vst v63  }
0x2f: {  	_ =	swait.ge [sflag:s23], $0x2800  }
0x30: {  	[sflag:s23] =	ssyncset.done $0x0  }
0x31: {  	s29 =	simm.s32 $0x2080;
	[sflag:s23] =	ssyncadd.s32 $0xFFFFD800  }
0x32: {  	[spmem:s3] =	stream.indirect.scatter.add.f32 [tilespmem:s19], [sflag:$0x4], $0x80, s29, s16, $0xb8;
	[tilespmem:$0x1F800] =	vst v63  }
0x33: {  	_ =	swait.ge [sflag:s14], $0x2800  }
0x34: {  	[sflag:s14] =	ssyncset.done $0x0  }
0x35: {  	s29 =	simm.s32 $0x200;
	[sflag:s14] =	ssyncadd.s32 $0xFFFFD800  }
0x36: {  	[tilespmem:s19], [sflag:$0x2] =	stream.indirect.gather [hbm4b:s1+s16], $0x80, s29, s16, $0xb8;
	[tilespmem:$0x1F800] =	vst v63  }
0x37: {  	_ =	swait.ge [sflag:s24], $0x2800  }
0x38: {  	[sflag:s24] =	ssyncset.done $0x0  }
0x39: {  	s29 =	simm.s32 $0x2100;
	[sflag:s24] =	ssyncadd.s32 $0xFFFFD800  }
0x3a: {  	[spmem:s3] =	stream.indirect.scatter.add.f32 [tilespmem:s21], [sflag:$0x4], $0x80, s29, s16, $0xb8;
	[tilespmem:$0x1F800] =	vst v63  }
0x3b: {  	_ =	swait.ge [sflag:s14], $0x2800  }
0x3c: {  	[sflag:s14] =	ssyncset.done $0x0  }
0x3d: {  	s30 =	simm.s32 $0x280;
	s29 =	simm.s32 $0x600;
	[sflag:s14] =	ssyncadd.s32 $0xFFFFD800  }
.LBB2_2:
0x3e: {  	[tilespmem:s21], [sflag:$0x3] =	stream.indirect.gather [hbm4b:s1+s16], $0x80, s30, s16, $0xb8;
	[tilespmem:$0x1F800] =	vst v63  }
0x3f: {  	s30 =	smov.u32 s29  }
0x40: {  	p0 =	sne.s32 s29, $0x7200;
	s29 =	sadd.s32 $0x600, s29;
	_ =	swait.ge [sflag:s22], $0x2800  }
0x41: {  	s30 =	sshra.s32 s30, $0x2;
	[sflag:s22] =	ssyncset.done $0x0  }
0x42: {  	s31 =	sadd.s32 $0x2000, s30;
	[sflag:s22] =	ssyncadd.s32 $0xFFFFD800  }
0x43: {  	[spmem:s3] =	stream.indirect.scatter.add.f32 [tilespmem:s17], [sflag:$0x4], $0x80, s31, s16, $0xb8;
	[tilespmem:$0x1F800] =	vst v63  }
0x44: {  	_ =	swait.ge [sflag:s14], $0x2800  }
0x45: {  	[sflag:s14] =	ssyncset.done $0x0  }
0x46: {  	s31 =	sadd.s32 $0x180, s30;
	[sflag:s14] =	ssyncadd.s32 $0xFFFFD800  }
0x47: {  	[tilespmem:s17], [sflag:$0x1] =	stream.indirect.gather [hbm4b:s1+s16], $0x80, s31, s16, $0xb8;
	[tilespmem:$0x1F800] =	vst v63  }
0x48: {  	_ =	swait.ge [sflag:s23], $0x2800  }
0x49: {  	[sflag:s23] =	ssyncset.done $0x0  }
0x4a: {  	s31 =	sadd.s32 $0x2080, s30;
	[sflag:s23] =	ssyncadd.s32 $0xFFFFD800  }
0x4b: {  	[spmem:s3] =	stream.indirect.scatter.add.f32 [tilespmem:s19], [sflag:$0x4], $0x80, s31, s16, $0xb8;
	[tilespmem:$0x1F800] =	vst v63  }
0x4c: {  	_ =	swait.ge [sflag:s14], $0x2800  }
0x4d: {  	[sflag:s14] =	ssyncset.done $0x0  }
0x4e: {  	s31 =	sadd.s32 $0x200, s30;
	[sflag:s14] =	ssyncadd.s32 $0xFFFFD800  }
0x4f: {  	[tilespmem:s19], [sflag:$0x2] =	stream.indirect.gather [hbm4b:s1+s16], $0x80, s31, s16, $0xb8;
	[tilespmem:$0x1F800] =	vst v63  }
0x50: {  	_ =	swait.ge [sflag:s24], $0x2800  }
0x51: {  	[sflag:s24] =	ssyncset.done $0x0  }
.Ltmp0:
0x52: {  	s31 =	sadd.s32 $0x2100, s30;
	[sflag:s24] =	ssyncadd.s32 $0xFFFFD800;
	(pc) =	sbr.rel @p0 .LBB2_2-.Ltmp0, $4  }
0x53: {  	[spmem:s3] =	stream.indirect.scatter.add.f32 [tilespmem:s21], [sflag:$0x4], $0x80, s31, s16, $0xb8;
	[tilespmem:$0x1F800] =	vst v63  }
0x54: {  	_ =	swait.ge [sflag:s14], $0x2800  }
0x55: {  	[sflag:s14] =	ssyncset.done $0x0  }
0x56: {  	s30 =	sadd.s32 $0x280, s30;
	[sflag:s14] =	ssyncadd.s32 $0xFFFFD800  }
0x57: {  	[tilespmem:s21], [sflag:$0x3] =	stream.indirect.gather [hbm4b:s1+s16], $0x80, s30, s16, $0xb8;
	[tilespmem:$0x1F800] =	vst v63  }
0x58: {  	_ =	swait.ge [sflag:s22], $0x2800  }
0x59: {  	[sflag:s22] =	ssyncset.done $0x0  }
0x5a: {  	[sflag:s22] =	ssyncadd.s32 $0xFFFFD800  }
0x5b: {  	[spmem:s3] =	stream.indirect.scatter.add.f32 [tilespmem:s17], [sflag:$0x4], $0x80, s25, s16, $0xb8;
	[tilespmem:$0x1F800] =	vst v63  }
0x5c: {  	_ =	swait.ge [sflag:s14], $0x2800  }
0x5d: {  	[sflag:s14] =	ssyncset.done $0x0  }
0x5e: {  	s29 =	simm.s32 $0x1F80;
	[sflag:s14] =	ssyncadd.s32 $0xFFFFD800  }
0x5f: {  	[tilespmem:s17], [sflag:$0x1] =	stream.indirect.gather [hbm4b:s1+s16], $0x80, s29, s16, $0xb8;
	[tilespmem:$0x1F800] =	vst v63  }
0x60: {  	_ =	swait.ge [sflag:s23], $0x2800  }
0x61: {  	[sflag:s23] =	ssyncset.done $0x0  }
0x62: {  	s29 =	simm.s32 $0x3E80;
	[sflag:s23] =	ssyncadd.s32 $0xFFFFD800  }
0x63: {  	[spmem:s3] =	stream.indirect.scatter.add.f32 [tilespmem:s19], [sflag:$0x4], $0x80, s29, s16, $0xb8;
	[tilespmem:$0x1F800] =	vst v63  }
0x64: {  	_ =	swait.ge [sflag:s14], $0x2800  }
0x65: {  	[sflag:s14] =	ssyncset.done $0x0  }
0x66: {  	[sflag:s14] =	ssyncadd.s32 $0xFFFFD800  }
0x67: {  	_ =	swait.ge [sflag:s24], $0x2800  }
0x68: {  	[sflag:s24] =	ssyncset.done $0x0  }
0x69: {  	s29 =	simm.s32 $0x3F00;
	[sflag:s24] =	ssyncadd.s32 $0xFFFFD800  }
0x6a: {  	[spmem:s3] =	stream.indirect.scatter.add.f32 [tilespmem:s21], [sflag:$0x4], $0x80, s29, s16, $0xb8;
	[tilespmem:$0x1F800] =	vst v63  }
0x6b: {  	_ =	swait.ge [sflag:s14], $0x2800  }
0x6c: {  	[sflag:s14] =	ssyncset.done $0x0  }
0x6d: {  	[sflag:s14] =	ssyncadd.s32 $0xFFFFD800  }
0x6e: {  	_ =	swait.ge [sflag:s22], $0x2800  }
0x6f: {  	[sflag:s22] =	ssyncset.done $0x0  }
0x70: {  	s29 =	simm.s32 $0x3F80;
	[sflag:s22] =	ssyncadd.s32 $0xFFFFD800  }
0x71: {  	[spmem:s3] =	stream.indirect.scatter.add.f32 [tilespmem:s17], [sflag:$0x4], $0x80, s29, s16, $0xb8;
	[tilespmem:$0x1F800] =	vst v63  }
0x72: {  	_ =	swait.ge [sflag:s14], $0x2800  }
0x73: {  	[sflag:s14] =	ssyncset.done $0x0  }
0x74: {  	s29 =	simm.s32 $0x0;
	[sflag:s14] =	ssyncadd.s32 $0xFFFFD800  }
0x75: {  	[tilespmem:s29], [sflag:$0x4] =	stream.linear.gather [hbm4b:s9+s29], $0x1E80, $0x38;
	[tilespmem:$0x1F800] =	vst v63  }
0x76: {  	_ =	swait.ge [sflag:s14], $0x1E80  }
0x77: {  	[sflag:s14] =	ssyncset.done $0x0  }
0x78: {  	[sflag:s14] =	ssyncadd.s32 $0xFFFFE180  }
0x79: {  	[tilespmem:s15], [sflag:$0x4] =	stream.linear.gather [hbm4b:s10+s29], $0x1E80, $0x38;
	[tilespmem:$0x1F800] =	vst v63  }
0x7a: {  	_ =	swait.ge [sflag:s14], $0x1E80  }
0x7b: {  	[sflag:s14] =	ssyncset.done $0x0  }
0x7c: {  	[sflag:s14] =	ssyncadd.s32 $0xFFFFE180  }
0x7d: {  	[tilespmem:s17], [sflag:$0x1] =	stream.indirect.gather [hbm4b:s1+s16], $0x80, s29, s16, $0xb8;
	[tilespmem:$0x1F800] =	vst v63  }
0x7e: {  	_ = 	snop  }
0x7f: {  	[tilespmem:s19], [sflag:$0x2] =	stream.indirect.gather [hbm4b:s1+s16], $0x80, s18, s16, $0xb8;
	[tilespmem:$0x1F800] =	vst v63  }
0x80: {  	_ = 	snop  }
0x81: {  	[tilespmem:s21], [sflag:$0x3] =	stream.indirect.gather [hbm4b:s1+s16], $0x80, s20, s16, $0xb8;
	[tilespmem:$0x1F800] =	vst v63  }
0x82: {  	_ =	swait.ge [sflag:s22], $0x2800  }
0x83: {  	[sflag:s22] =	ssyncset.done $0x0  }
0x84: {  	s29 =	simm.s32 $0x2000;
	[sflag:s22] =	ssyncadd.s32 $0xFFFFD800  }
0x85: {  	[spmem:s3] =	stream.indirect.scatter.add.f32 [tilespmem:s17], [sflag:$0x4], $0x80, s29, s16, $0xb8;
	[tilespmem:$0x1F800] =	vst v63  }
0x86: {  	_ =	swait.ge [sflag:s14], $0x2800  }
0x87: {  	[sflag:s14] =	ssyncset.done $0x0  }
0x88: {  	s29 =	simm.s32 $0x180;
	[sflag:s14] =	ssyncadd.s32 $0xFFFFD800  }
0x89: {  	[tilespmem:s17], [sflag:$0x1] =	stream.indirect.gather [hbm4b:s1+s16], $0x80, s29, s16, $0xb8;
	[tilespmem:$0x1F800] =	vst v63  }
0x8a: {  	_ =	swait.ge [sflag:s23], $0x2800  }
0x8b: {  	[sflag:s23] =	ssyncset.done $0x0  }
0x8c: {  	s29 =	simm.s32 $0x2080;
	[sflag:s23] =	ssyncadd.s32 $0xFFFFD800  }
0x8d: {  	[spmem:s3] =	stream.indirect.scatter.add.f32 [tilespmem:s19], [sflag:$0x4], $0x80, s29, s16, $0xb8;
	[tilespmem:$0x1F800] =	vst v63  }
0x8e: {  	_ =	swait.ge [sflag:s14], $0x2800  }
0x8f: {  	[sflag:s14] =	ssyncset.done $0x0  }
0x90: {  	s29 =	simm.s32 $0x200;
	[sflag:s14] =	ssyncadd.s32 $0xFFFFD800  }
0x91: {  	[tilespmem:s19], [sflag:$0x2] =	stream.indirect.gather [hbm4b:s1+s16], $0x80, s29, s16, $0xb8;
	[tilespmem:$0x1F800] =	vst v63  }
0x92: {  	_ =	swait.ge [sflag:s24], $0x2800  }
0x93: {  	[sflag:s24] =	ssyncset.done $0x0  }
0x94: {  	s29 =	simm.s32 $0x2100;
	[sflag:s24] =	ssyncadd.s32 $0xFFFFD800  }
0x95: {  	[spmem:s3] =	stream.indirect.scatter.add.f32 [tilespmem:s21], [sflag:$0x4], $0x80, s29, s16, $0xb8;
	[tilespmem:$0x1F800] =	vst v63  }
0x96: {  	_ =	swait.ge [sflag:s14], $0x2800  }
0x97: {  	[sflag:s14] =	ssyncset.done $0x0  }
0x98: {  	s30 =	simm.s32 $0x280;
	s29 =	simm.s32 $0x600;
	[sflag:s14] =	ssyncadd.s32 $0xFFFFD800  }
.LBB2_4:
0x99: {  	[tilespmem:s21], [sflag:$0x3] =	stream.indirect.gather [hbm4b:s1+s16], $0x80, s30, s16, $0xb8;
	[tilespmem:$0x1F800] =	vst v63  }
0x9a: {  	s30 =	smov.u32 s29  }
0x9b: {  	p0 =	sne.s32 s29, $0x6C00;
	s29 =	sadd.s32 $0x600, s29;
	_ =	swait.ge [sflag:s22], $0x2800  }
0x9c: {  	s30 =	sshra.s32 s30, $0x2;
	[sflag:s22] =	ssyncset.done $0x0  }
0x9d: {  	s31 =	sadd.s32 $0x2000, s30;
	[sflag:s22] =	ssyncadd.s32 $0xFFFFD800  }
0x9e: {  	[spmem:s3] =	stream.indirect.scatter.add.f32 [tilespmem:s17], [sflag:$0x4], $0x80, s31, s16, $0xb8;
	[tilespmem:$0x1F800] =	vst v63  }
0x9f: {  	_ =	swait.ge [sflag:s14], $0x2800  }
0xa0: {  	[sflag:s14] =	ssyncset.done $0x0  }
0xa1: {  	s31 =	sadd.s32 $0x180, s30;
	[sflag:s14] =	ssyncadd.s32 $0xFFFFD800  }
0xa2: {  	[tilespmem:s17], [sflag:$0x1] =	stream.indirect.gather [hbm4b:s1+s16], $0x80, s31, s16, $0xb8;
	[tilespmem:$0x1F800] =	vst v63  }
0xa3: {  	_ =	swait.ge [sflag:s23], $0x2800  }
0xa4: {  	[sflag:s23] =	ssyncset.done $0x0  }
0xa5: {  	s31 =	sadd.s32 $0x2080, s30;
	[sflag:s23] =	ssyncadd.s32 $0xFFFFD800  }
0xa6: {  	[spmem:s3] =	stream.indirect.scatter.add.f32 [tilespmem:s19], [sflag:$0x4], $0x80, s31, s16, $0xb8;
	[tilespmem:$0x1F800] =	vst v63  }
0xa7: {  	_ =	swait.ge [sflag:s14], $0x2800  }
0xa8: {  	[sflag:s14] =	ssyncset.done $0x0  }
0xa9: {  	s31 =	sadd.s32 $0x200, s30;
	[sflag:s14] =	ssyncadd.s32 $0xFFFFD800  }
0xaa: {  	[tilespmem:s19], [sflag:$0x2] =	stream.indirect.gather [hbm4b:s1+s16], $0x80, s31, s16, $0xb8;
	[tilespmem:$0x1F800] =	vst v63  }
0xab: {  	_ =	swait.ge [sflag:s24], $0x2800  }
0xac: {  	[sflag:s24] =	ssyncset.done $0x0  }
.Ltmp1:
0xad: {  	s31 =	sadd.s32 $0x2100, s30;
	[sflag:s24] =	ssyncadd.s32 $0xFFFFD800;
	(pc) =	sbr.rel @p0 .LBB2_4-.Ltmp1, $4  }
0xae: {  	[spmem:s3] =	stream.indirect.scatter.add.f32 [tilespmem:s21], [sflag:$0x4], $0x80, s31, s16, $0xb8;
	[tilespmem:$0x1F800] =	vst v63  }
0xaf: {  	_ =	swait.ge [sflag:s14], $0x2800  }
0xb0: {  	[sflag:s14] =	ssyncset.done $0x0  }
0xb1: {  	s30 =	sadd.s32 $0x280, s30;
	[sflag:s14] =	ssyncadd.s32 $0xFFFFD800  }
0xb2: {  	[tilespmem:s21], [sflag:$0x3] =	stream.indirect.gather [hbm4b:s1+s16], $0x80, s30, s16, $0xb8;
	[tilespmem:$0x1F800] =	vst v63  }
0xb3: {  	_ =	swait.ge [sflag:s22], $0x2800  }
0xb4: {  	[sflag:s22] =	ssyncset.done $0x0  }
0xb5: {  	s29 =	simm.s32 $0x3C80;
	[sflag:s22] =	ssyncadd.s32 $0xFFFFD800  }
0xb6: {  	[spmem:s3] =	stream.indirect.scatter.add.f32 [tilespmem:s17], [sflag:$0x4], $0x80, s29, s16, $0xb8;
	[tilespmem:$0x1F800] =	vst v63  }
0xb7: {  	_ =	swait.ge [sflag:s14], $0x2800  }
0xb8: {  	[sflag:s14] =	ssyncset.done $0x0  }
0xb9: {  	[sflag:s14] =	ssyncadd.s32 $0xFFFFD800  }
0xba: {  	[tilespmem:s17], [sflag:$0x1] =	stream.indirect.gather [hbm4b:s1+s16], $0x80, s0, s16, $0xb8;
	[tilespmem:$0x1F800] =	vst v63  }
0xbb: {  	_ =	swait.ge [sflag:s23], $0x2800  }
0xbc: {  	[sflag:s23] =	ssyncset.done $0x0  }
0xbd: {  	[sflag:s23] =	ssyncadd.s32 $0xFFFFD800  }
0xbe: {  	[spmem:s3] =	stream.indirect.scatter.add.f32 [tilespmem:s19], [sflag:$0x4], $0x80, s2, s16, $0xb8;
	[tilespmem:$0x1F800] =	vst v63  }
0xbf: {  	_ =	swait.ge [sflag:s14], $0x2800  }
0xc0: {  	[sflag:s14] =	ssyncset.done $0x0  }
0xc1: {  	[sflag:s14] =	ssyncadd.s32 $0xFFFFD800  }
0xc2: {  	_ =	swait.ge [sflag:s24], $0x2800  }
0xc3: {  	[sflag:s24] =	ssyncset.done $0x0  }
0xc4: {  	[sflag:s24] =	ssyncadd.s32 $0xFFFFD800  }
0xc5: {  	[spmem:s3] =	stream.indirect.scatter.add.f32 [tilespmem:s21], [sflag:$0x4], $0x80, s26, s16, $0xb8;
	[tilespmem:$0x1F800] =	vst v63  }
0xc6: {  	_ =	swait.ge [sflag:s14], $0x2800  }
0xc7: {  	[sflag:s14] =	ssyncset.done $0x0  }
0xc8: {  	[sflag:s14] =	ssyncadd.s32 $0xFFFFD800  }
0xc9: {  	_ =	swait.ge [sflag:s22], $0x2800  }
0xca: {  	[sflag:s22] =	ssyncset.done $0x0  }
0xcb: {  	[sflag:s22] =	ssyncadd.s32 $0xFFFFD800  }
0xcc: {  	[spmem:s3] =	stream.indirect.scatter.add.f32 [tilespmem:s17], [sflag:$0x4], $0x80, s25, s16, $0xb8;
	[tilespmem:$0x1F800] =	vst v63  }
0xcd: {  	_ =	swait.ge [sflag:s14], $0x2800  }
0xce: {  	s28 =	sadd.s32 $0x1, s28;
	[sflag:s14] =	ssyncset.done $0x0  }
0xcf: {  	p0 =	sne.s32 s28, s12;
	[sflag:s14] =	ssyncadd.s32 $0xFFFFD800  }
.Ltmp2:
0xd0: {  	[bflag:$0x0] =	sbarrier.arrive $0xFFFF;
	(pc) =	sbr.rel @p0 .LBB2_1-.Ltmp2, $4  }
0xd1: {  	[hbm:s11], [sflag:s6] =	dma.local [spmem:s13], $0x2800  }
0xd2: {  	_ =	swait.ge [sflag:s14], $0x2800  }
0xd3: {  	[sflag:s14] =	ssyncset.done $0x0  }
0xd4: {  	[sflag:s14] =	ssyncadd.s32 $0xFFFFD800  }
0xd5: {  	_ =	sfence.sel $0x180000  }
0xd6: {  	[bflag:$0x0] =	sbarrier.arrive $0xFFFF  }
0xd7: {  	_ =	strace $0x9000004D  }
0xd8: {  	s0 =	stileid.u32;
	[bflag:$0x2] =	sbarrier.arrive $0xFFFF  }
0xd9: {  	p0 =	sne.s32 s0, $0x0;
	s0 =	rddreg [dreg:$0x4]  }
0xda: {  	s0 =	sadd.s32 @!p0 $0x100000, s0  }
0xdb: {  	[sflag:s0] =	ssyncadd.tile.s32 @!p0 $0x1;
	_ =	shalt  }
.Lfunc_end2:
_tile_overlayer_lowered:
.L_overlay_start_2:
0xdc: {  	(tag) =	ssettag $0x2  }
0xdd: {  	s0 =	rddreg [dreg:$0x0];
	s2 =	stileid.u32  }
0xde: {  	s1 =	rddreg [dreg:$0x1];
	p0 =	sne.s32 s2, $0x0  }
0xdf: {  	s3 =	rddreg [dreg:$0x2];
	[bflag:$0x3] =	sbarrier.arrive $0xFFFF;
	s2 =	simm.s32 @!p0 $0x1C04  }
0xe0: {  	[timem:s3], [sflag:s2] =	dma.local @!p0 [hbm:s0], s1  }
0xe1: {  	s0 =	simm.s32 @!p0 $0x4  }
0xe2: {  	_ =	swait.ge @!p0 [sflag:s0], s1  }
0xe3: {  	s1 =	ssub.s32 @!p0 $0x0, s1;
	[sflag:s0] =	ssyncset.done @!p0 $0x0  }
0xe4: {  	[sflag:s0] =	ssyncadd.s32 @!p0 s1  }
0xe5: {  	[bflag:$0x3] =	sbarrier.arrive $0xFFFF  }
0xe6: {  	_ =	shalt  }

// kernel: kernel.8.cloned.1.call-start
scs
__scs_entry_jumppad:
0x0: {  	(pc) =	sbr.rel $0x88, $3  }
0x1: {  	(tag) =	ssettag $0x0;
	lr =	simm.s32 $0x1  }
0x2: {  	[smem:$0x3F89] =	sst lr;
	_ =	strace $0xD0000000  }
0x3: {  	_ = 	snop  }
0x4: {  	_ = 	snop  }
0x5: {  	_ = 	snop  }
0x6: {  	_ = 	snop  }
0x7: {  	_ = 	snop  }
__scs_overlays_trampoline_lowered:
0x8: {  	[smem:$0x3F98] =	sst s0  }
0x9: {  	[smem:$0x3F99] =	sst s1  }
0xa: {  	[smem:$0x3F9A] =	sst s2  }
0xb: {  	[smem:$0x3F9B] =	sst s3  }
0xc: {  	[smem:$0x3F9C] =	sst s4  }
0xd: {  	[smem:$0x3F9D] =	sst s5  }
0xe: {  	[smem:$0x3F9E] =	sst s6  }
0xf: {  	[smem:$0x3F9F] =	sst s7  }
0x10: {  	[smem:$0x3FA0] =	sst s8  }
0x11: {  	[smem:$0x3FA1] =	sst s9;
	s0 =	simm.s32 @!p0 $0x0  }
0x12: {  	s1 =	sld [smem:$0x3F87];
	s0 =	simm.s32 @p0 $0x1  }
0x13: {  	[smem:$0x3FA2] =	sst s0;
	s0 =	simm.s32 @!p1 $0x0  }
0x14: {  	s2 =	sld [smem:$0x3F86];
	s0 =	simm.s32 @p1 $0x1  }
0x15: {  	[smem:$0x3FA3] =	sst s0;
	s0 =	simm.s32 @!p2 $0x0  }
0x16: {  	s3 =	sld [smem:$0x3FDB];
	s0 =	simm.s32 @p2 $0x1  }
0x17: {  	s4 =	simm.s32 $0x1BF5;
	[smem:$0x3FA5] =	sst s0  }
0x18: {  	s0 =	sld [smem:$0x3F88];
	_ =	swait.ge [sflag:s4], $0x0  }
0x19: {  	s7 =	sld [smem:$0x3F89]  }
0x1a: {  	s8 =	sadd.s32 $0xFFFFE003, lr  }
0x1b: {  	s9 =	sadd.s32 $0xFFFFFEF7, lr;
	s5 =	simm.s32 $0xFFFFFFFF;
	p2 =	slt.u32 s8, $0xFFFFF086  }
0x1c: {  	p1 =	slt.u32 s9, $0xF7A;
	s5 =	simm.s32 @!p2 $0x0  }
0x1d: {  	s5 =	simm.s32 @p1 $0x1;
	p0 =	seq.s32 s7, s2  }
0x1e: {  	s7 =	smul.u32 @!p0 $0xF7A, s2;
	p2 =	seq.s32 @!p0 s5, $0x0  }
0x1f: {  	s9 =	smul.u32 $0xF7A, s1;
	s8 =	simm.s32 @!p0 $0x1BF5;
	p2 =	por !p2, p0  }
0x20: {  	[sflag:s8] =	ssyncset.s32 @!p0 $0xFFFFF086;
	s6 =	sadd.s32 @!p0 s3, s7;
	s7 =	simm.s32 @!p0 $0x108  }
0x21: {  	s3 =	sadd.s32 s3, s9;
	s6 =	sadd.s32 @!p0 $0x88, s6;
	s7 =	simm.s32 @p2 $0x1082  }
0x22: {  	[simem:s7], [sflag:s8] =	dma.local @!p0 [hbm:s6], $0xF7A  }
0x23: {  	s9 =	sor.u32 $0xD0000000, s2;
	s6 =	simm.s32 $0x108;
	_ =	swait.ge @!p0 [sflag:s8], $0x0  }
0x24: {  	s3 =	sadd.s32 $0x88, s3;
	s6 =	simm.s32 @!p1 $0x1082;
	[sflag:s4] =	ssyncset.s32 $0xFFFFF086  }
0x25: {  	[simem:s6], [sflag:s4] =	dma.local [hbm:s3], $0xF7A  }
0x26: {  	[smem:$0x3F89] =	sst s1;
	(tag) =	ssettag s2;
	_ =	strace s9  }
0x27: {  	s1 =	sld [smem:$0x3F99]  }
0x28: {  	s2 =	sld [smem:$0x3F9A]  }
0x29: {  	s4 =	sld [smem:$0x3F9C]  }
0x2a: {  	p0 =	seq.s32 s5, $0x0;
	s5 =	sld [smem:$0x3F9D]  }
0x2b: {  	s6 =	sld [smem:$0x3F9E]  }
0x2c: {  	s7 =	sld [smem:$0x3F9F]  }
0x2d: {  	s3 =	simm.s32 $0x108;
	s8 =	sld [smem:$0x3FA0]  }
0x2e: {  	s3 =	simm.s32 @!p0 $0x1082;
	s9 =	sld [smem:$0x3FA1]  }
0x2f: {  	lr =	sadd.s32 s0, s3;
	s0 =	sld [smem:$0x3F98]  }
0x30: {  	s3 =	sld [smem:$0x3F9B]  }
0x31: {  	[smem:$0x3FA4] =	sst s10  }
0x32: {  	s10 =	sld [smem:$0x3FA2];
	_ =	sdelay $0x3  }
0x33: {  	p0 =	seq.s32 s10, $0x1;
	s10 =	sld [smem:$0x3FA4];
	_ =	sdelay $0x3  }
0x34: {  	[smem:$0x3FA4] =	sst s10  }
0x35: {  	s10 =	sld [smem:$0x3FA3];
	_ =	sdelay $0x3  }
0x36: {  	p1 =	seq.s32 s10, $0x1;
	s10 =	sld [smem:$0x3FA4];
	_ =	sdelay $0x3  }
0x37: {  	[smem:$0x3FA4] =	sst s10  }
0x38: {  	s10 =	sld [smem:$0x3FA5]  }
0x39: {  	_ = 	snop;
	(pc) =	sbr.ind lr, $3  }
0x3a: {  	_ = 	snop  }
0x3b: {  	_ = 	snop  }
0x3c: {  	p2 =	seq.s32 s10, $0x1;
	s10 =	sld [smem:$0x3FA4]  }
0x3d: {  	_ =	shalt  }
0x3e: {  	_ =	shalt  }
0x3f: {  	_ =	shalt  }
0x40: {  	_ =	shalt  }
0x41: {  	_ =	shalt  }
0x42: {  	_ =	shalt  }
0x43: {  	_ =	shalt  }
0x44: {  	_ =	shalt  }
0x45: {  	_ =	shalt  }
0x46: {  	_ =	shalt  }
0x47: {  	_ =	shalt  }
0x48: {  	_ =	shalt  }
0x49: {  	_ =	shalt  }
0x4a: {  	_ =	shalt  }
0x4b: {  	_ =	shalt  }
0x4c: {  	_ =	shalt  }
0x4d: {  	_ =	shalt  }
0x4e: {  	_ =	shalt  }
0x4f: {  	_ =	shalt  }
0x50: {  	_ =	shalt  }
0x51: {  	_ =	shalt  }
0x52: {  	_ =	shalt  }
0x53: {  	_ =	shalt  }
0x54: {  	_ =	shalt  }
0x55: {  	_ =	shalt  }
0x56: {  	_ =	shalt  }
0x57: {  	_ =	shalt  }
0x58: {  	_ =	shalt  }
0x59: {  	_ =	shalt  }
0x5a: {  	_ =	shalt  }
0x5b: {  	_ =	shalt  }
0x5c: {  	_ =	shalt  }
0x5d: {  	_ =	shalt  }
0x5e: {  	_ =	shalt  }
0x5f: {  	_ =	shalt  }
0x60: {  	_ =	shalt  }
0x61: {  	_ =	shalt  }
0x62: {  	_ =	shalt  }
0x63: {  	_ =	shalt  }
0x64: {  	_ =	shalt  }
0x65: {  	_ =	shalt  }
0x66: {  	_ =	shalt  }
0x67: {  	_ =	shalt  }
0x68: {  	_ =	shalt  }
0x69: {  	_ =	shalt  }
0x6a: {  	_ =	shalt  }
0x6b: {  	_ =	shalt  }
0x6c: {  	_ =	shalt  }
0x6d: {  	_ =	shalt  }
0x6e: {  	_ =	shalt  }
0x6f: {  	_ =	shalt  }
0x70: {  	_ =	shalt  }
0x71: {  	_ =	shalt  }
0x72: {  	_ =	shalt  }
0x73: {  	_ =	shalt  }
0x74: {  	_ =	shalt  }
0x75: {  	_ =	shalt  }
0x76: {  	_ =	shalt  }
0x77: {  	_ =	shalt  }
0x78: {  	_ =	shalt  }
0x79: {  	_ =	shalt  }
0x7a: {  	_ =	shalt  }
0x7b: {  	_ =	shalt  }
0x7c: {  	_ =	shalt  }
0x7d: {  	_ =	shalt  }
0x7e: {  	_ =	shalt  }
0x7f: {  	_ =	shalt  }
0x80: {  	_ =	shalt  }
0x81: {  	_ =	shalt  }
0x82: {  	_ =	shalt  }
0x83: {  	_ =	shalt  }
0x84: {  	_ =	shalt  }
0x85: {  	_ =	shalt  }
0x86: {  	_ =	shalt  }
0x87: {  	_ =	shalt  }
.Lfunc_end0:
.L_simem_size_0:
called_computation_lowered:
.L_overlay_start_0:
0x88: {  	s2 =	sld [smem:$0x3FD9]  }
0x89: {  	s3 =	sld [smem:$0x3FFE];
	_ =	sdelay $0x1  }
0x8a: {  	s1 =	srdreg.scid  }
0x8b: {  	s0 =	sand.u32 $0x1, s1  }
0x8c: {  	s14 =	sshll.u32 s0, $0xA;
	s2 =	sadd.s32 s3, s2  }
0x8d: {  	s2 =	sadd.s32 s2, s14  }
0x8e: {  	[smem:$0x3FB0] =	sst s2  }
0x8f: {  	_ = 	snop  }
0x90: {  	s2 =	sld [smem:$0x3FD0];
	_ =	sdelay $0x2  }
0x91: {  	s4 =	simm.s32 $0xA;
	s5 =	simm.s32 $0x10;
	s15 =	sld [smem:$0x3FC9]  }
0x92: {  	[smem:s5], [sflag:s4] =	dma.local [hbm:s2], $0x1  }
0x93: {  	_ =	swait.eq [sflag:s4], $0x1  }
0x94: {  	[sflag:s4] =	ssyncset.done $0x0  }
0x95: {  	[sflag:s4] =	ssyncadd.s32 $0xFFFFFFFF  }
0x96: {  	s16 =	sld [smem:$0x10];
	(tm) =	ssettm $0x1  }
0x97: {  	s17 =	sld [smem:$0x3FFB];
	_ =	sdelay $0x3  }
0x98: {  	_ =	strace s17  }
0x99: {  	s4 =	sld [smem:$0x3FFC];
	_ =	sdelay $0x3  }
0x9a: {  	_ =	strace s4  }
0x9b: {  	s4 =	sld [smem:$0x3FFD];
	_ =	sdelay $0x3  }
0x9c: {  	_ =	strace s4  }
0x9d: {  	_ =	strace $0x8FFFFFFF  }
0x9e: {  	s18 =	sld [smem:$0x3FDB];
	_ =	sdelay $0x1  }
0x9f: {  	s19 =	simm.s32 $_scs_section_size  }
0xa0: {  	s6 =	simm.s32 $_size__tile_overlayer_lowered;
	s7 =	simm.s32 $_tile_overlayer_lowered  }
0xa1: {  	s22 =	simm.s32 $0x1BFF;
	s21 =	sshll.u32 s7, $0x1;
	s4 =	sadd.s32 s19, s18  }
0xa2: {  	s8 =	simm.s32 $0x0;
	s20 =	sshll.u32 s6, $0x1;
	s6 =	sadd.s32 s21, s4  }
0xa3: {  	[timem:s8], [sflag:s22] =	dma.local [hbm:s6], s20  }
0xa4: {  	_ =	swait.ge [sflag:s22], s20  }
0xa5: {  	s5 =	ssub.s32 $0x0, s20;
	[sflag:s22] =	ssyncset.done $0x0  }
0xa6: {  	[sflag:s22] =	ssyncadd.s32 s5;
	_ =	sdelay $0x1  }
0xa7: {  	s23 =	simm.s32 $0x1B8B  }
0xa8: {  	_ =	swait.ge [sflag:s23], $0x1  }
0xa9: {  	[sflag:s23] =	ssyncset.done $0x0  }
0xaa: {  	s25 =	simm.s32 $0x1B8E;
	s24 =	sld [smem:$0x3FFE];
	[sflag:s23] =	ssyncadd.s32 $0xFFFFFFFF  }
0xab: {  	s26 =	simm.s32 $execute0_lowered;
	[smem:$0x3FD2] =	sst s25  }
0xac: {  	s6 =	sshll.u32 s26, $0x1;
	_ =	strace $0x80000046;
	[dreg:$0x1] =	wrdreg $0xFFFFFFFF  }
0xad: {  	s28 =	simm.s32 $_size_execute0_lowered;
	s4 =	sadd.s32 s4, s6;
	[dreg:$0x0] =	wrdreg $0x0  }
0xae: {  	s6 =	sshll.u32 s28, $0x1;
	[dreg:$0x2] =	wrdreg s4  }
0xaf: {  	[dreg:$0x3] =	wrdreg s6  }
0xb0: {  	[dreg:$0x4] =	wrdreg $0xC0  }
0xb1: {  	_ =	task [dreg:s8], $0x5FFFF  }
0xb2: {  	[dreg:$0x1] =	wrdreg $0xFFFFFFFF  }
0xb3: {  	[dreg:$0x0] =	wrdreg $0x60  }
0xb4: {  	[dreg:$0x2] =	wrdreg s15  }
0xb5: {  	[dreg:$0x3] =	wrdreg s16  }
0xb6: {  	[dreg:$0x4] =	wrdreg s24  }
0xb7: {  	[dreg:$0x5] =	wrdreg $0xB8000  }
0xb8: {  	[dreg:$0x6] =	wrdreg $0x9  }
0xb9: {  	_ =	task.clear_ibuf [dreg:s8], $0x7FFFF;
	_ =	strace $0x90000046  }
0xba: {  	s29 =	simm.s32 $0x9;
	_ =	strace $0x80000048  }
0xbb: {  	_ =	swait.ge [sflag:s29], $0x1  }
0xbc: {  	[sflag:s29] =	ssyncadd.s32 $0xFFFFFFFF  }
0xbd: {  	_ =	strace $0x90000048  }
0xbe: {  	_ =	sfence  }
0xbf: {  	s30 =	sld [smem:$0x0];
	_ =	sdelay $0x2  }
0xc0: {  	s31 =	sshll.u32 s1, $0xD;
	s1 =	sshrl.u32 s1, $0x2  }
0xc1: {  	s3 =	sand.u32 $0x4000, s31;
	s1 =	sadd.s32 s1, s30  }
0xc2: {  	s0 =	sor.u32 s3, s0;
	s1 =	sshll.u32 s1, $0x11  }
0xc3: {  	s0 =	sor.u32 s1, s0  }
0xc4: {  	s0 =	sadd.s32 $0x8F2B, s0  }
0xc5: {  	[sflag:s0] =	ssyncadd.remote.s32 $0x1  }
0xc6: {  	_ =	sfence.sel $0xFFFF  }
0xc7: {  	[dreg:$0x0] =	wrdreg $0xFFFFFFFF;
	(pc) =	sbr.abs _section_cstart, $3  }
0xc8: {  	[dreg:$0x1] =	wrdreg $0xFFFFFFFF  }
0xc9: {  	_ =	task.clear_ibuf [dreg:s8], $0x2FFFF;
	_ =	strace $0x9FFFFFFF  }
0xca: {  	(tm) =	ssettm $0x7FFFFFFF  }
0xcb: {  	_ =	shalt  }
tec
execute0_lowered:
.L_overlay_start_1:
0x0: {  	(tag) =	ssettag $0x1  }
0x1: {  	s1 =	rddreg [dreg:$0x0]  }
0x2: {  	s0 =	rddreg [dreg:$0x1]  }
0x3: {  	s2 =	rddreg [dreg:$0x2]  }
0x4: {  	s3 =	rddreg [dreg:$0x3]  }
0x5: {  	s4 =	simm.s32 $0x0;
	s14 =	stileid.u32;
	s5 =	srdreg.scid  }
0x6: {  	s15 =	simm.s32 $0x2000;
	s16 =	simm.s32 $0x50;
	s17 =	simm.s32 $0x4000  }
0x7: {  	s18 =	simm.s32 $0x80;
	s19 =	simm.s32 $0x6800;
	s20 =	simm.s32 $0x100  }
0x8: {  	s21 =	simm.s32 $0x9000;
	s22 =	simm.s32 $0x1;
	s28 =	simm.s32 $0x0  }
0x9: {  	[smem:$0x7FF] =	sst s4;
	s6 =	smul.u32 $0x2800, s14;
	s5 =	sand.u32 $0x1, s5  }
0xa: {  	s10 =	sadd.s32 $0x5200, s2;
	s9 =	smul.u32 $0x50000, s14;
	s26 =	sshll.u32 s14, $0xB  }
0xb: {  	s29 =	sshll.u32 s14, $0x6;
	s14 =	simm.s32 $0x4;
	_ =	strace $0x80000047  }
0xc: {  	s7 =	smul.u32 $0x28000, s5;
	s8 =	ssub.s32 $0x2, s5;
	s25 =	sshll.u32 s5, $0xF  }
0xd: {  	s11 =	sadd.s32 s6, s2;
	s23 =	sshrl.u32 s8, $0x1;
	s24 =	sshrl.u32 s9, $0x2  }
0xe: {  	s30 =	sor.u32 s26, s25;
	s25 =	simm.s32 $0x3E00;
	s26 =	simm.s32 $0x3D80  }
0xf: {  	s6 =	sadd.s32 s6, s7;
	s12 =	ssub.s32 s8, s23;
	s13 =	sadd.s32 s24, s3  }
0x10: {  	s5 =	sadd.s32 $0x15200, s11;
	s7 =	sadd.s32 s0, s30;
	s31 =	sor.u32 $0x400, s30  }
0x11: {  	s8 =	sadd.s32 s10, s30;
	s23 =	simm.s32 $0x2;
	s24 =	simm.s32 $0x3  }
0x12: {  	s2 =	sadd.s32 s6, s2;
	s6 =	sor.u32 $0x1C04, s29;
	s9 =	sadd.s32 s0, s31  }
0x13: {  	s10 =	sadd.s32 s10, s31;
	s12 =	smax.u32 s12, $0x1;
	s13 =	sshrl.u32 s13, $0x3  }
0x14: {  	s0 =	simm.s32 $0x1E00;
	s11 =	sadd.s32 $0x3D200, s2;
	s2 =	simm.s32 $0x3D00  }
.LBB2_1:
0x15: {  	[spmem:s13], [sflag:s6] =	dma.local [hbm:s5], $0x2800  }
0x16: {  	_ =	swait.ge [sflag:s14], $0x2800  }
0x17: {  	[sflag:s14] =	ssyncset.done $0x0  }
0x18: {  	[sflag:s14] =	ssyncadd.s32 $0xFFFFD800  }
0x19: {  	[bflag:$0x0] =	sbarrier.arrive $0xFFFF  }
0x1a: {  	[tilespmem:s4], [sflag:$0x4] =	stream.linear.gather [hbm4b:s7+s4], $0x2000, $0x38;
	[tilespmem:$0x1F800] =	vst v63  }
0x1b: {  	_ =	swait.ge [sflag:s14], $0x2000  }
0x1c: {  	[sflag:s14] =	ssyncset.done $0x0  }
0x1d: {  	[sflag:s14] =	ssyncadd.s32 $0xFFFFE000  }
0x1e: {  	[tilespmem:s15], [sflag:$0x4] =	stream.linear.gather [hbm4b:s8+s4], $0x2000, $0x38;
	[tilespmem:$0x1F800] =	vst v63  }
0x1f: {  	_ =	swait.ge [sflag:s14], $0x2000  }
0x20: {  	[sflag:s14] =	ssyncset.done $0x0  }
0x21: {  	[sflag:s14] =	ssyncadd.s32 $0xFFFFE000  }
0x22: {  	[tilespmem:s17], [sflag:$0x1] =	stream.indirect.gather [hbm4b:s1+s16], $0x80, s4, s16, $0xb8;
	[tilespmem:$0x1F800] =	vst v63  }
0x23: {  	_ = 	snop  }
0x24: {  	[tilespmem:s19], [sflag:$0x2] =	stream.indirect.gather [hbm4b:s1+s16], $0x80, s18, s16, $0xb8;
	[tilespmem:$0x1F800] =	vst v63  }
0x25: {  	_ = 	snop  }
0x26: {  	[tilespmem:s21], [sflag:$0x3] =	stream.indirect.gather [hbm4b:s1+s16], $0x80, s20, s16, $0xb8;
	[tilespmem:$0x1F800] =	vst v63  }
0x27: {  	_ =	swait.ge [sflag:s22], $0x2800  }
0x28: {  	[sflag:s22] =	ssyncset.done $0x0  }
0x29: {  	s29 =	simm.s32 $0x2000;
	[sflag:s22] =	ssyncadd.s32 $0xFFFFD800  }
0x2a: {  	[spmem:s3] =	stream.indirect.scatter.add.f32 [tilespmem:s17], [sflag:$0x4], $0x80, s29, s16, $0xb8;
	[tilespmem:$0x1F800] =	vst v63  }
0x2b: {  	_ =	swait.ge [sflag:s14], $0x2800  }
0x2c: {  	[sflag:s14] =	ssyncset.done $0x0  }
0x2d: {  	s29 =	simm.s32 $0x180;
	[sflag:s14] =	ssyncadd.s32 $0xFFFFD800  }
0x2e: {  	[tilespmem:s17], [sflag:$0x1] =	stream.indirect.gather [hbm4b:s1+s16], $0x80, s29, s16, $0xb8;
	[tilespmem:$0x1F800] =	vst v63  }
0x2f: {  	_ =	swait.ge [sflag:s23], $0x2800  }
0x30: {  	[sflag:s23] =	ssyncset.done $0x0  }
0x31: {  	s29 =	simm.s32 $0x2080;
	[sflag:s23] =	ssyncadd.s32 $0xFFFFD800  }
0x32: {  	[spmem:s3] =	stream.indirect.scatter.add.f32 [tilespmem:s19], [sflag:$0x4], $0x80, s29, s16, $0xb8;
	[tilespmem:$0x1F800] =	vst v63  }
0x33: {  	_ =	swait.ge [sflag:s14], $0x2800  }
0x34: {  	[sflag:s14] =	ssyncset.done $0x0  }
0x35: {  	s29 =	simm.s32 $0x200;
	[sflag:s14] =	ssyncadd.s32 $0xFFFFD800  }
0x36: {  	[tilespmem:s19], [sflag:$0x2] =	stream.indirect.gather [hbm4b:s1+s16], $0x80, s29, s16, $0xb8;
	[tilespmem:$0x1F800] =	vst v63  }
0x37: {  	_ =	swait.ge [sflag:s24], $0x2800  }
0x38: {  	[sflag:s24] =	ssyncset.done $0x0  }
0x39: {  	s29 =	simm.s32 $0x2100;
	[sflag:s24] =	ssyncadd.s32 $0xFFFFD800  }
0x3a: {  	[spmem:s3] =	stream.indirect.scatter.add.f32 [tilespmem:s21], [sflag:$0x4], $0x80, s29, s16, $0xb8;
	[tilespmem:$0x1F800] =	vst v63  }
0x3b: {  	_ =	swait.ge [sflag:s14], $0x2800  }
0x3c: {  	[sflag:s14] =	ssyncset.done $0x0  }
0x3d: {  	s30 =	simm.s32 $0x280;
	s29 =	simm.s32 $0x600;
	[sflag:s14] =	ssyncadd.s32 $0xFFFFD800  }
.LBB2_2:
0x3e: {  	[tilespmem:s21], [sflag:$0x3] =	stream.indirect.gather [hbm4b:s1+s16], $0x80, s30, s16, $0xb8;
	[tilespmem:$0x1F800] =	vst v63  }
0x3f: {  	s30 =	smov.u32 s29  }
0x40: {  	p0 =	sne.s32 s29, $0x7200;
	s29 =	sadd.s32 $0x600, s29;
	_ =	swait.ge [sflag:s22], $0x2800  }
0x41: {  	s30 =	sshra.s32 s30, $0x2;
	[sflag:s22] =	ssyncset.done $0x0  }
0x42: {  	s31 =	sadd.s32 $0x2000, s30;
	[sflag:s22] =	ssyncadd.s32 $0xFFFFD800  }
0x43: {  	[spmem:s3] =	stream.indirect.scatter.add.f32 [tilespmem:s17], [sflag:$0x4], $0x80, s31, s16, $0xb8;
	[tilespmem:$0x1F800] =	vst v63  }
0x44: {  	_ =	swait.ge [sflag:s14], $0x2800  }
0x45: {  	[sflag:s14] =	ssyncset.done $0x0  }
0x46: {  	s31 =	sadd.s32 $0x180, s30;
	[sflag:s14] =	ssyncadd.s32 $0xFFFFD800  }
0x47: {  	[tilespmem:s17], [sflag:$0x1] =	stream.indirect.gather [hbm4b:s1+s16], $0x80, s31, s16, $0xb8;
	[tilespmem:$0x1F800] =	vst v63  }
0x48: {  	_ =	swait.ge [sflag:s23], $0x2800  }
0x49: {  	[sflag:s23] =	ssyncset.done $0x0  }
0x4a: {  	s31 =	sadd.s32 $0x2080, s30;
	[sflag:s23] =	ssyncadd.s32 $0xFFFFD800  }
0x4b: {  	[spmem:s3] =	stream.indirect.scatter.add.f32 [tilespmem:s19], [sflag:$0x4], $0x80, s31, s16, $0xb8;
	[tilespmem:$0x1F800] =	vst v63  }
0x4c: {  	_ =	swait.ge [sflag:s14], $0x2800  }
0x4d: {  	[sflag:s14] =	ssyncset.done $0x0  }
0x4e: {  	s31 =	sadd.s32 $0x200, s30;
	[sflag:s14] =	ssyncadd.s32 $0xFFFFD800  }
0x4f: {  	[tilespmem:s19], [sflag:$0x2] =	stream.indirect.gather [hbm4b:s1+s16], $0x80, s31, s16, $0xb8;
	[tilespmem:$0x1F800] =	vst v63  }
0x50: {  	_ =	swait.ge [sflag:s24], $0x2800  }
0x51: {  	[sflag:s24] =	ssyncset.done $0x0  }
.Ltmp0:
0x52: {  	s31 =	sadd.s32 $0x2100, s30;
	[sflag:s24] =	ssyncadd.s32 $0xFFFFD800;
	(pc) =	sbr.rel @p0 .LBB2_2-.Ltmp0, $4  }
0x53: {  	[spmem:s3] =	stream.indirect.scatter.add.f32 [tilespmem:s21], [sflag:$0x4], $0x80, s31, s16, $0xb8;
	[tilespmem:$0x1F800] =	vst v63  }
0x54: {  	_ =	swait.ge [sflag:s14], $0x2800  }
0x55: {  	[sflag:s14] =	ssyncset.done $0x0  }
0x56: {  	s30 =	sadd.s32 $0x280, s30;
	[sflag:s14] =	ssyncadd.s32 $0xFFFFD800  }
0x57: {  	[tilespmem:s21], [sflag:$0x3] =	stream.indirect.gather [hbm4b:s1+s16], $0x80, s30, s16, $0xb8;
	[tilespmem:$0x1F800] =	vst v63  }
0x58: {  	_ =	swait.ge [sflag:s22], $0x2800  }
0x59: {  	[sflag:s22] =	ssyncset.done $0x0  }
0x5a: {  	[sflag:s22] =	ssyncadd.s32 $0xFFFFD800  }
0x5b: {  	[spmem:s3] =	stream.indirect.scatter.add.f32 [tilespmem:s17], [sflag:$0x4], $0x80, s25, s16, $0xb8;
	[tilespmem:$0x1F800] =	vst v63  }
0x5c: {  	_ =	swait.ge [sflag:s14], $0x2800  }
0x5d: {  	[sflag:s14] =	ssyncset.done $0x0  }
0x5e: {  	s29 =	simm.s32 $0x1F80;
	[sflag:s14] =	ssyncadd.s32 $0xFFFFD800  }
0x5f: {  	[tilespmem:s17], [sflag:$0x1] =	stream.indirect.gather [hbm4b:s1+s16], $0x80, s29, s16, $0xb8;
	[tilespmem:$0x1F800] =	vst v63  }
0x60: {  	_ =	swait.ge [sflag:s23], $0x2800  }
0x61: {  	[sflag:s23] =	ssyncset.done $0x0  }
0x62: {  	s29 =	simm.s32 $0x3E80;
	[sflag:s23] =	ssyncadd.s32 $0xFFFFD800  }
0x63: {  	[spmem:s3] =	stream.indirect.scatter.add.f32 [tilespmem:s19], [sflag:$0x4], $0x80, s29, s16, $0xb8;
	[tilespmem:$0x1F800] =	vst v63  }
0x64: {  	_ =	swait.ge [sflag:s14], $0x2800  }
0x65: {  	[sflag:s14] =	ssyncset.done $0x0  }
0x66: {  	[sflag:s14] =	ssyncadd.s32 $0xFFFFD800  }
0x67: {  	_ =	swait.ge [sflag:s24], $0x2800  }
0x68: {  	[sflag:s24] =	ssyncset.done $0x0  }
0x69: {  	s29 =	simm.s32 $0x3F00;
	[sflag:s24] =	ssyncadd.s32 $0xFFFFD800  }
0x6a: {  	[spmem:s3] =	stream.indirect.scatter.add.f32 [tilespmem:s21], [sflag:$0x4], $0x80, s29, s16, $0xb8;
	[tilespmem:$0x1F800] =	vst v63  }
0x6b: {  	_ =	swait.ge [sflag:s14], $0x2800  }
0x6c: {  	[sflag:s14] =	ssyncset.done $0x0  }
0x6d: {  	[sflag:s14] =	ssyncadd.s32 $0xFFFFD800  }
0x6e: {  	_ =	swait.ge [sflag:s22], $0x2800  }
0x6f: {  	[sflag:s22] =	ssyncset.done $0x0  }
0x70: {  	s29 =	simm.s32 $0x3F80;
	[sflag:s22] =	ssyncadd.s32 $0xFFFFD800  }
0x71: {  	[spmem:s3] =	stream.indirect.scatter.add.f32 [tilespmem:s17], [sflag:$0x4], $0x80, s29, s16, $0xb8;
	[tilespmem:$0x1F800] =	vst v63  }
0x72: {  	_ =	swait.ge [sflag:s14], $0x2800  }
0x73: {  	[sflag:s14] =	ssyncset.done $0x0  }
0x74: {  	s29 =	simm.s32 $0x0;
	[sflag:s14] =	ssyncadd.s32 $0xFFFFD800  }
0x75: {  	[tilespmem:s29], [sflag:$0x4] =	stream.linear.gather [hbm4b:s9+s29], $0x1E80, $0x38;
	[tilespmem:$0x1F800] =	vst v63  }
0x76: {  	_ =	swait.ge [sflag:s14], $0x1E80  }
0x77: {  	[sflag:s14] =	ssyncset.done $0x0  }
0x78: {  	[sflag:s14] =	ssyncadd.s32 $0xFFFFE180  }
0x79: {  	[tilespmem:s15], [sflag:$0x4] =	stream.linear.gather [hbm4b:s10+s29], $0x1E80, $0x38;
	[tilespmem:$0x1F800] =	vst v63  }
0x7a: {  	_ =	swait.ge [sflag:s14], $0x1E80  }
0x7b: {  	[sflag:s14] =	ssyncset.done $0x0  }
0x7c: {  	[sflag:s14] =	ssyncadd.s32 $0xFFFFE180  }
0x7d: {  	[tilespmem:s17], [sflag:$0x1] =	stream.indirect.gather [hbm4b:s1+s16], $0x80, s29, s16, $0xb8;
	[tilespmem:$0x1F800] =	vst v63  }
0x7e: {  	_ = 	snop  }
0x7f: {  	[tilespmem:s19], [sflag:$0x2] =	stream.indirect.gather [hbm4b:s1+s16], $0x80, s18, s16, $0xb8;
	[tilespmem:$0x1F800] =	vst v63  }
0x80: {  	_ = 	snop  }
0x81: {  	[tilespmem:s21], [sflag:$0x3] =	stream.indirect.gather [hbm4b:s1+s16], $0x80, s20, s16, $0xb8;
	[tilespmem:$0x1F800] =	vst v63  }
0x82: {  	_ =	swait.ge [sflag:s22], $0x2800  }
0x83: {  	[sflag:s22] =	ssyncset.done $0x0  }
0x84: {  	s29 =	simm.s32 $0x2000;
	[sflag:s22] =	ssyncadd.s32 $0xFFFFD800  }
0x85: {  	[spmem:s3] =	stream.indirect.scatter.add.f32 [tilespmem:s17], [sflag:$0x4], $0x80, s29, s16, $0xb8;
	[tilespmem:$0x1F800] =	vst v63  }
0x86: {  	_ =	swait.ge [sflag:s14], $0x2800  }
0x87: {  	[sflag:s14] =	ssyncset.done $0x0  }
0x88: {  	s29 =	simm.s32 $0x180;
	[sflag:s14] =	ssyncadd.s32 $0xFFFFD800  }
0x89: {  	[tilespmem:s17], [sflag:$0x1] =	stream.indirect.gather [hbm4b:s1+s16], $0x80, s29, s16, $0xb8;
	[tilespmem:$0x1F800] =	vst v63  }
0x8a: {  	_ =	swait.ge [sflag:s23], $0x2800  }
0x8b: {  	[sflag:s23] =	ssyncset.done $0x0  }
0x8c: {  	s29 =	simm.s32 $0x2080;
	[sflag:s23] =	ssyncadd.s32 $0xFFFFD800  }
0x8d: {  	[spmem:s3] =	stream.indirect.scatter.add.f32 [tilespmem:s19], [sflag:$0x4], $0x80, s29, s16, $0xb8;
	[tilespmem:$0x1F800] =	vst v63  }
0x8e: {  	_ =	swait.ge [sflag:s14], $0x2800  }
0x8f: {  	[sflag:s14] =	ssyncset.done $0x0  }
0x90: {  	s29 =	simm.s32 $0x200;
	[sflag:s14] =	ssyncadd.s32 $0xFFFFD800  }
0x91: {  	[tilespmem:s19], [sflag:$0x2] =	stream.indirect.gather [hbm4b:s1+s16], $0x80, s29, s16, $0xb8;
	[tilespmem:$0x1F800] =	vst v63  }
0x92: {  	_ =	swait.ge [sflag:s24], $0x2800  }
0x93: {  	[sflag:s24] =	ssyncset.done $0x0  }
0x94: {  	s29 =	simm.s32 $0x2100;
	[sflag:s24] =	ssyncadd.s32 $0xFFFFD800  }
0x95: {  	[spmem:s3] =	stream.indirect.scatter.add.f32 [tilespmem:s21], [sflag:$0x4], $0x80, s29, s16, $0xb8;
	[tilespmem:$0x1F800] =	vst v63  }
0x96: {  	_ =	swait.ge [sflag:s14], $0x2800  }
0x97: {  	[sflag:s14] =	ssyncset.done $0x0  }
0x98: {  	s30 =	simm.s32 $0x280;
	s29 =	simm.s32 $0x600;
	[sflag:s14] =	ssyncadd.s32 $0xFFFFD800  }
.LBB2_4:
0x99: {  	[tilespmem:s21], [sflag:$0x3] =	stream.indirect.gather [hbm4b:s1+s16], $0x80, s30, s16, $0xb8;
	[tilespmem:$0x1F800] =	vst v63  }
0x9a: {  	s30 =	smov.u32 s29  }
0x9b: {  	p0 =	sne.s32 s29, $0x6C00;
	s29 =	sadd.s32 $0x600, s29;
	_ =	swait.ge [sflag:s22], $0x2800  }
0x9c: {  	s30 =	sshra.s32 s30, $0x2;
	[sflag:s22] =	ssyncset.done $0x0  }
0x9d: {  	s31 =	sadd.s32 $0x2000, s30;
	[sflag:s22] =	ssyncadd.s32 $0xFFFFD800  }
0x9e: {  	[spmem:s3] =	stream.indirect.scatter.add.f32 [tilespmem:s17], [sflag:$0x4], $0x80, s31, s16, $0xb8;
	[tilespmem:$0x1F800] =	vst v63  }
0x9f: {  	_ =	swait.ge [sflag:s14], $0x2800  }
0xa0: {  	[sflag:s14] =	ssyncset.done $0x0  }
0xa1: {  	s31 =	sadd.s32 $0x180, s30;
	[sflag:s14] =	ssyncadd.s32 $0xFFFFD800  }
0xa2: {  	[tilespmem:s17], [sflag:$0x1] =	stream.indirect.gather [hbm4b:s1+s16], $0x80, s31, s16, $0xb8;
	[tilespmem:$0x1F800] =	vst v63  }
0xa3: {  	_ =	swait.ge [sflag:s23], $0x2800  }
0xa4: {  	[sflag:s23] =	ssyncset.done $0x0  }
0xa5: {  	s31 =	sadd.s32 $0x2080, s30;
	[sflag:s23] =	ssyncadd.s32 $0xFFFFD800  }
0xa6: {  	[spmem:s3] =	stream.indirect.scatter.add.f32 [tilespmem:s19], [sflag:$0x4], $0x80, s31, s16, $0xb8;
	[tilespmem:$0x1F800] =	vst v63  }
0xa7: {  	_ =	swait.ge [sflag:s14], $0x2800  }
0xa8: {  	[sflag:s14] =	ssyncset.done $0x0  }
0xa9: {  	s31 =	sadd.s32 $0x200, s30;
	[sflag:s14] =	ssyncadd.s32 $0xFFFFD800  }
0xaa: {  	[tilespmem:s19], [sflag:$0x2] =	stream.indirect.gather [hbm4b:s1+s16], $0x80, s31, s16, $0xb8;
	[tilespmem:$0x1F800] =	vst v63  }
0xab: {  	_ =	swait.ge [sflag:s24], $0x2800  }
0xac: {  	[sflag:s24] =	ssyncset.done $0x0  }
.Ltmp1:
0xad: {  	s31 =	sadd.s32 $0x2100, s30;
	[sflag:s24] =	ssyncadd.s32 $0xFFFFD800;
	(pc) =	sbr.rel @p0 .LBB2_4-.Ltmp1, $4  }
0xae: {  	[spmem:s3] =	stream.indirect.scatter.add.f32 [tilespmem:s21], [sflag:$0x4], $0x80, s31, s16, $0xb8;
	[tilespmem:$0x1F800] =	vst v63  }
0xaf: {  	_ =	swait.ge [sflag:s14], $0x2800  }
0xb0: {  	[sflag:s14] =	ssyncset.done $0x0  }
0xb1: {  	s30 =	sadd.s32 $0x280, s30;
	[sflag:s14] =	ssyncadd.s32 $0xFFFFD800  }
0xb2: {  	[tilespmem:s21], [sflag:$0x3] =	stream.indirect.gather [hbm4b:s1+s16], $0x80, s30, s16, $0xb8;
	[tilespmem:$0x1F800] =	vst v63  }
0xb3: {  	_ =	swait.ge [sflag:s22], $0x2800  }
0xb4: {  	[sflag:s22] =	ssyncset.done $0x0  }
0xb5: {  	s29 =	simm.s32 $0x3C80;
	[sflag:s22] =	ssyncadd.s32 $0xFFFFD800  }
0xb6: {  	[spmem:s3] =	stream.indirect.scatter.add.f32 [tilespmem:s17], [sflag:$0x4], $0x80, s29, s16, $0xb8;
	[tilespmem:$0x1F800] =	vst v63  }
0xb7: {  	_ =	swait.ge [sflag:s14], $0x2800  }
0xb8: {  	[sflag:s14] =	ssyncset.done $0x0  }
0xb9: {  	[sflag:s14] =	ssyncadd.s32 $0xFFFFD800  }
0xba: {  	[tilespmem:s17], [sflag:$0x1] =	stream.indirect.gather [hbm4b:s1+s16], $0x80, s0, s16, $0xb8;
	[tilespmem:$0x1F800] =	vst v63  }
0xbb: {  	_ =	swait.ge [sflag:s23], $0x2800  }
0xbc: {  	[sflag:s23] =	ssyncset.done $0x0  }
0xbd: {  	[sflag:s23] =	ssyncadd.s32 $0xFFFFD800  }
0xbe: {  	[spmem:s3] =	stream.indirect.scatter.add.f32 [tilespmem:s19], [sflag:$0x4], $0x80, s2, s16, $0xb8;
	[tilespmem:$0x1F800] =	vst v63  }
0xbf: {  	_ =	swait.ge [sflag:s14], $0x2800  }
0xc0: {  	[sflag:s14] =	ssyncset.done $0x0  }
0xc1: {  	[sflag:s14] =	ssyncadd.s32 $0xFFFFD800  }
0xc2: {  	_ =	swait.ge [sflag:s24], $0x2800  }
0xc3: {  	[sflag:s24] =	ssyncset.done $0x0  }
0xc4: {  	[sflag:s24] =	ssyncadd.s32 $0xFFFFD800  }
0xc5: {  	[spmem:s3] =	stream.indirect.scatter.add.f32 [tilespmem:s21], [sflag:$0x4], $0x80, s26, s16, $0xb8;
	[tilespmem:$0x1F800] =	vst v63  }
0xc6: {  	_ =	swait.ge [sflag:s14], $0x2800  }
0xc7: {  	[sflag:s14] =	ssyncset.done $0x0  }
0xc8: {  	[sflag:s14] =	ssyncadd.s32 $0xFFFFD800  }
0xc9: {  	_ =	swait.ge [sflag:s22], $0x2800  }
0xca: {  	[sflag:s22] =	ssyncset.done $0x0  }
0xcb: {  	[sflag:s22] =	ssyncadd.s32 $0xFFFFD800  }
0xcc: {  	[spmem:s3] =	stream.indirect.scatter.add.f32 [tilespmem:s17], [sflag:$0x4], $0x80, s25, s16, $0xb8;
	[tilespmem:$0x1F800] =	vst v63  }
0xcd: {  	_ =	swait.ge [sflag:s14], $0x2800  }
0xce: {  	s28 =	sadd.s32 $0x1, s28;
	[sflag:s14] =	ssyncset.done $0x0  }
0xcf: {  	p0 =	sne.s32 s28, s12;
	[sflag:s14] =	ssyncadd.s32 $0xFFFFD800  }
.Ltmp2:
0xd0: {  	[bflag:$0x0] =	sbarrier.arrive $0xFFFF;
	(pc) =	sbr.rel @p0 .LBB2_1-.Ltmp2, $4  }
0xd1: {  	[hbm:s11], [sflag:s6] =	dma.local [spmem:s13], $0x2800  }
0xd2: {  	_ =	swait.ge [sflag:s14], $0x2800  }
0xd3: {  	[sflag:s14] =	ssyncset.done $0x0  }
0xd4: {  	[sflag:s14] =	ssyncadd.s32 $0xFFFFD800  }
0xd5: {  	_ =	sfence.sel $0x180000  }
0xd6: {  	[bflag:$0x0] =	sbarrier.arrive $0xFFFF  }
0xd7: {  	_ =	strace $0x90000047  }
0xd8: {  	s0 =	stileid.u32;
	[bflag:$0x2] =	sbarrier.arrive $0xFFFF  }
0xd9: {  	p0 =	sne.s32 s0, $0x0;
	s0 =	rddreg [dreg:$0x4]  }
0xda: {  	s0 =	sadd.s32 @!p0 $0x100000, s0  }
0xdb: {  	[sflag:s0] =	ssyncadd.tile.s32 @!p0 $0x1;
	_ =	shalt  }
.Lfunc_end2:
_tile_overlayer_lowered:
.L_overlay_start_2:
0xdc: {  	(tag) =	ssettag $0x2  }
0xdd: {  	s0 =	rddreg [dreg:$0x0];
	s2 =	stileid.u32  }
0xde: {  	s1 =	rddreg [dreg:$0x1];
	p0 =	sne.s32 s2, $0x0  }
0xdf: {  	s3 =	rddreg [dreg:$0x2];
	[bflag:$0x3] =	sbarrier.arrive $0xFFFF;
	s2 =	simm.s32 @!p0 $0x1C04  }
0xe0: {  	[timem:s3], [sflag:s2] =	dma.local @!p0 [hbm:s0], s1  }
0xe1: {  	s0 =	simm.s32 @!p0 $0x4  }
0xe2: {  	_ =	swait.ge @!p0 [sflag:s0], s1  }
0xe3: {  	s1 =	ssub.s32 @!p0 $0x0, s1;
	[sflag:s0] =	ssyncset.done @!p0 $0x0  }
0xe4: {  	[sflag:s0] =	ssyncadd.s32 @!p0 s1  }
0xe5: {  	[bflag:$0x3] =	sbarrier.arrive $0xFFFF  }
0xe6: {  	_ =	shalt  }

</sc_bundles>
